<compile_context>
chip_gen: v7x
topology: tpu7x:2x2x1
jax: 0.10.2.dev20260603
libtpu: 0.0.44.dev20260713+nightly
codegen_flags: <defaults>
</compile_context>

<pallas_src>
import dataclasses

import jax
import jax.numpy as jnp
from jax import lax
from jax.experimental import pallas as pl
from jax.experimental.pallas import tpu as pltpu
from jax.experimental.pallas import tpu_sc as plsc

N = 10000
E = 320000
F = 128
NEG_SLOPE = 0.2

NC = 2
NS = 16
NW = NC * NS
CHUNK = 128
NCHUNK = 80
EPT = NCHUNK * CHUNK
E_PAD = NW * EPT
NPAD = 10240
RPT = NPAD // NS
TOTAL_CHUNKS = E_PAD // CHUNK
NCH0 = 80
NCH1 = 80


def _sc_compiler_params():
    cp = pltpu.CompilerParams()
    if "needs_layout_passes" in pltpu.CompilerParams.__dataclass_fields__:
        cp = dataclasses.replace(cp, needs_layout_passes=False)
    return cp


def _mm_body(x_ref, w_ref, a2_ref, wx_ref, s_ref):
    wx = jnp.dot(x_ref[...], w_ref[...],
                 preferred_element_type=jnp.float32,
                 precision=lax.Precision.HIGHEST)
    wx_ref[...] = wx
    s_ref[...] = jnp.dot(wx, a2_ref[...],
                         preferred_element_type=jnp.float32,
                         precision=lax.Precision.HIGHEST)


def _linear(x, W, A2):
    blk = 1000
    return pl.pallas_call(
        _mm_body,
        grid=(N // blk,),
        in_specs=[
            pl.BlockSpec((blk, F), lambda i: (i, 0)),
            pl.BlockSpec((F, F), lambda i: (0, 0)),
            pl.BlockSpec((F, 2), lambda i: (0, 0)),
        ],
        out_specs=[
            pl.BlockSpec((blk, F), lambda i: (i, 0)),
            pl.BlockSpec((blk, 2), lambda i: (i, 0)),
        ],
        out_shape=[
            jax.ShapeDtypeStruct((N, F), jnp.float32),
            jax.ShapeDtypeStruct((N, 2), jnp.float32),
        ],
    )(x, W, A2)


def _sca_body(s1_hbm, s2_hbm, idx_hbm,
              w_out, den_out,
              s1_v, s2_v, idx_v, w_v, den_v):
    c = lax.axis_index("core")
    s = lax.axis_index("subcore")
    wid = c * NS + s

    zeros16 = jnp.zeros((16,), jnp.float32)

    @pl.loop(0, NPAD // 16)
    def _(i):
        den_v[pl.ds(i * 16, 16)] = zeros16

    pltpu.sync_copy(s1_hbm, s1_v)
    pltpu.sync_copy(s2_hbm, s2_v)
    pltpu.sync_copy(idx_hbm.at[wid], idx_v)

    @pl.loop(0, NCHUNK)
    def _(j):
        for k in range(CHUNK // 16):
            srcv = idx_v[j, 0, pl.ds(k * 16, 16)]
            dstv = idx_v[j, 1, pl.ds(k * 16, 16)]
            e = (plsc.load_gather(s1_v, [dstv])
                 + plsc.load_gather(s2_v, [srcv]))
            e = jnp.maximum(e, NEG_SLOPE * e)
            w = jnp.exp(e)
            w_v[j, pl.ds(k * 16, 16)] = w
            plsc.addupdate_scatter(den_v, [dstv], w)

    pltpu.sync_copy(w_v, w_out.at[wid])
    pltpu.sync_copy(den_v, den_out.at[wid])


def _sc_scores(s1p, s2p, idx_pack):
    mesh = plsc.VectorSubcoreMesh(core_axis_name="core",
                                  subcore_axis_name="subcore")
    f = pl.kernel(
        _sca_body,
        out_type=(
            jax.ShapeDtypeStruct((NW, NCHUNK, CHUNK), jnp.float32),
            jax.ShapeDtypeStruct((NW, NPAD), jnp.float32),
        ),
        mesh=mesh,
        compiler_params=_sc_compiler_params(),
        scratch_types=[
            pltpu.VMEM((NPAD,), jnp.float32),
            pltpu.VMEM((NPAD,), jnp.float32),
            pltpu.VMEM((NCHUNK, 2, CHUNK), jnp.int32),
            pltpu.VMEM((NCHUNK, CHUNK), jnp.float32),
            pltpu.VMEM((NPAD,), jnp.float32),
        ],
    )
    return f(s1p, s2p, idx_pack)


def _scb_body(wx_hbm, idx_hbm, w_hbm,
              acc_out,
              i0, i1, w0, w1, r0, r1,
              si0, si1,
              acc_sh,
              is0, is1, ws0, ws1, gs0, gs1, ss0, ss1):
    idx_cb = (i0, i1)
    w_cb = (w0, w1)
    rows = (r0, r1)
    sidx = (si0, si1)
    isems = (is0, is1)
    wsems = (ws0, ws1)
    gsems = (gs0, gs1)
    ssems = (ss0, ss1)
    c = lax.axis_index("core")
    s = lax.axis_index("subcore")
    wid = c * NS + s
    my_idx = idx_hbm.at[wid]
    my_w = w_hbm.at[wid]

    zeros16 = jnp.zeros((16,), jnp.float32)

    @pl.loop(0, CHUNK)
    def _(i):
        for r in range(F // 16):
            r0[i, pl.ds(r * 16, 16)] = zeros16

    for q in range(RPT // CHUNK):
        pltpu.sync_copy(r0, acc_sh.at[pl.ds(s * RPT + q * CHUNK, CHUNK)])
    plsc.subcore_barrier()

    def issue_idx(j, b):
        pltpu.async_copy(my_idx.at[j], idx_cb[b], isems[b])
        pltpu.async_copy(my_w.at[j], w_cb[b], wsems[b])

    def wait_i(j, b):
        pltpu.make_async_copy(my_idx.at[j], idx_cb[b], isems[b]).wait()

    def wait_w(j, b):
        pltpu.make_async_copy(my_w.at[j], w_cb[b], wsems[b]).wait()

    def issue_rows(j, b):
        pltpu.async_copy(wx_hbm.at[idx_cb[b].at[0]], rows[b], gsems[b])

    def wait_rows(j, b):
        pltpu.make_async_copy(wx_hbm.at[idx_cb[b].at[0]], rows[b],
                              gsems[b]).wait()

    def issue_scatter(b):
        pltpu.async_copy(rows[b], acc_sh.at[sidx[b].at[0]], ssems[b],
                         add=True)

    def wait_scatter(b):
        pltpu.make_async_copy(rows[b], acc_sh.at[sidx[b].at[0]],
                              ssems[b]).wait()

    def phase4():
        issue_idx(0, 0)
        issue_idx(1, 1)
        wait_i(0, 0)
        issue_rows(0, 0)

        @pl.loop(0, NCHUNK, step=2)
        def _(g):
            for b in range(2):
                j = g + b
                bn = 1 - b

                @pl.when(j + 1 < NCHUNK)
                def _():
                    @pl.when(j >= 1)
                    def _():
                        wait_scatter(bn)

                    wait_i(j + 1, bn)
                    issue_rows(j + 1, bn)

                wait_rows(j, b)
                wait_w(j, b)

                @pl.loop(0, CHUNK // 16)
                def _(k):
                    sl16 = pl.ds(k * 16, 16)
                    w16 = w_cb[b][sl16]
                    sidx[b][0, sl16] = idx_cb[b][1, sl16]
                    for lane in range(16):
                        wsc = w16[lane]
                        ei = k * 16 + lane
                        for r in range(F // 16):
                            sl = pl.ds(r * 16, 16)
                            rows[b][ei, sl] = rows[b][ei, sl] * wsc

                issue_scatter(b)

                @pl.when(j + 2 < NCHUNK)
                def _():
                    issue_idx(j + 2, b)


    phase4()
    wait_scatter(0)
    wait_scatter(1)

    plsc.subcore_barrier()
    pltpu.sync_copy(acc_sh.at[pl.ds(s * RPT, RPT)],
                    acc_out.at[c].at[pl.ds(s * RPT, RPT)])


def _sc_aggregate(wx, idx_pack, w3):
    mesh = plsc.VectorSubcoreMesh(core_axis_name="core",
                                  subcore_axis_name="subcore")
    f = pl.kernel(
        _scb_body,
        out_type=jax.ShapeDtypeStruct((NC, NPAD, F), jnp.float32),
        mesh=mesh,
        compiler_params=_sc_compiler_params(),
        scratch_types=[
            pltpu.VMEM((2, CHUNK), jnp.int32),
            pltpu.VMEM((2, CHUNK), jnp.int32),
            pltpu.VMEM((CHUNK,), jnp.float32),
            pltpu.VMEM((CHUNK,), jnp.float32),
            pltpu.VMEM((CHUNK, F), jnp.float32),
            pltpu.VMEM((CHUNK, F), jnp.float32),
            pltpu.VMEM((1, CHUNK), jnp.int32),
            pltpu.VMEM((1, CHUNK), jnp.int32),
            pltpu.VMEM_SHARED((NPAD, F), jnp.float32),
            pltpu.SemaphoreType.DMA,
            pltpu.SemaphoreType.DMA,
            pltpu.SemaphoreType.DMA,
            pltpu.SemaphoreType.DMA,
            pltpu.SemaphoreType.DMA,
            pltpu.SemaphoreType.DMA,
            pltpu.SemaphoreType.DMA,
            pltpu.SemaphoreType.DMA,
        ],
    )
    return f(wx, idx_pack, w3)


def _combine_body(acc_ref, den_ref, out_ref):
    h = acc_ref[0] + acc_ref[1]
    den = jnp.sum(den_ref[...], axis=1, keepdims=True)
    den = jnp.where(den == 0.0, 1.0, den)
    hn = h / den
    out_ref[...] = jnp.where(hn > 0.0, hn,
                             jnp.exp(jnp.minimum(hn, 0.0)) - 1.0)


def _combine(acc, den_t):
    blk = 1000
    return pl.pallas_call(
        _combine_body,
        grid=(N // blk,),
        in_specs=[
            pl.BlockSpec((NC, blk, F), lambda i: (0, i, 0)),
            pl.BlockSpec((blk, NW), lambda i: (i, 0)),
        ],
        out_specs=pl.BlockSpec((blk, F), lambda i: (i, 0)),
        out_shape=jax.ShapeDtypeStruct((N, F), jnp.float32),
    )(acc, den_t)


def kernel(x, edge_index, W, a):
    A2 = jnp.stack([a[:F], a[F:]], axis=1)
    wx, sarr = _linear(x, W, A2)
    s1p = jnp.pad(sarr[:, 0], (0, NPAD - N))
    s2p = jnp.pad(sarr[:, 1], (0, NPAD - N))
    src_p = jnp.pad(edge_index[0], (0, E_PAD - E))
    dst_p = jnp.pad(edge_index[1], (0, E_PAD - E),
                    constant_values=NPAD - 1)
    idx_pack = jnp.stack([src_p.reshape(NW, NCHUNK, CHUNK),
                          dst_p.reshape(NW, NCHUNK, CHUNK)], axis=2)
    w3, den = _sc_scores(s1p, s2p, idx_pack)
    acc = _sc_aggregate(wx, idx_pack, w3)
    den_t = den[:, :N].T
    return _combine(acc, den_t)

# --- scband reference (transcript-rebuilt; emitter-appended) ---
"""Pipeline reference for scband-gatlayer-primitive-41807211659464 (READ-ONLY COPY).

The authoritative reference and input builder live on the scoring server;
editing this copy changes nothing except your own understanding.
"""

import jax, jax.numpy as jnp
import numpy as np

N = 10000
E = 320000
F_IN = 128
F_OUT = 128
NEG_SLOPE = 0.2


def setup_inputs(seed: int = 0) -> dict:
    key = jax.random.key(seed)
    k1, k2, k3, k4 = jax.random.split(key, 4)
    x = jax.random.normal(k1, (N, F_IN), dtype=jnp.float32)
    edge_index = jax.random.randint(k2, (2, E), 0, N, dtype=jnp.int32)
    W = jax.random.normal(k3, (F_IN, F_OUT), dtype=jnp.float32) * 0.08
    a = jax.random.normal(k4, (2 * F_OUT,), dtype=jnp.float32) * 0.08
    return {"x": x, "edge_index": edge_index, "W": W, "a": a}


def reference(x, edge_index, W, a):
    src = edge_index[0]
    dst = edge_index[1]
    # P1: linear transform before gather
    Wx = x @ W
    # P2: gather source and destination node features per edge
    Wx_j = jnp.take(Wx, src, axis=0)
    Wx_i = jnp.take(Wx, dst, axis=0)
    # P6: edge attention logits e = LeakyReLU(a . [Wx_i || Wx_j])
    e = Wx_i @ a[:F_OUT] + Wx_j @ a[F_OUT:]
    e = jax.nn.leaky_relu(e, negative_slope=NEG_SLOPE)
    # P7: segment softmax over edges grouped by destination node
    seg_max = jax.ops.segment_max(e, dst, num_segments=N)
    alpha = jnp.exp(e - seg_max[dst])
    denom = jax.ops.segment_sum(alpha, dst, num_segments=N)
    alpha = alpha / denom[dst]
    # P4: weight messages
    msg = alpha[:, None] * Wx_j
    # P3: scatter-add aggregation
    h = jax.ops.segment_sum(msg, dst, num_segments=N)
    # P5: ELU activation
    return jax.nn.elu(h)

if __name__ == "__main__":
    import jax
    _d = setup_inputs()
    print(jax.jit(kernel)(*tuple(_d.values())))

</pallas_src>

<mosaic_0001>
#map = affine_map<(d0, d1) -> (0)>
#map1 = affine_map<(d0, d1) -> (0, 0, 0, 0)>
#map2 = affine_map<(d0, d1) -> (0, 0, 0)>
#map3 = affine_map<(d0, d1) -> (0, 0)>
module attributes {stable_mosaic.version = 14 : i64} {
  func.func @_sca_body(%arg0: i32, %arg1: i32, %arg2: memref<10240xf32, #tpu.memory_space<hbm>>, %arg3: memref<10240xf32, #tpu.memory_space<hbm>>, %arg4: memref<32x80x2x128xi32, #tpu.memory_space<hbm>>, %arg5: memref<32x80x128xf32, #tpu.memory_space<hbm>>, %arg6: memref<32x10240xf32, #tpu.memory_space<hbm>>, %arg7: memref<10240xf32, #tpu.memory_space<vmem>>, %arg8: memref<10240xf32, #tpu.memory_space<vmem>>, %arg9: memref<80x2x128xi32, #tpu.memory_space<vmem>>, %arg10: memref<80x128xf32, #tpu.memory_space<vmem>>, %arg11: memref<10240xf32, #tpu.memory_space<vmem>>) attributes {dimension_semantics = [#tpu.dimension_semantics<core_parallel>, #tpu.dimension_semantics<subcore_parallel>], iteration_bounds = array<i64: 2, 16>, scalar_prefetch = 0 : i64, scratch_operands = 5 : i64, tpu.core_type = #tpu.core_type<sc_vector_subcore>, window_params = [{transform_indices = #map}, {transform_indices = #map}, {transform_indices = #map1}, {transform_indices = #map2}, {transform_indices = #map3}]} {
    %mul3A = arith.constant 16 : i32
    %mul3A_0 = arith.muli %arg0, %mul3A : i32
    %add3A = arith.addi %mul3A_0, %arg1 : i32
    %broadcast_in_dim3A = arith.constant 0.000000e+00 : f32
    %broadcast_in_dim3A_1 = vector.broadcast %broadcast_in_dim3A : f32 to vector<16xf32>
    %scan3A = arith.constant 0 : i32
    %scan3A_2 = arith.constant 640 : i32
    %scan3A_3 = arith.addi %scan3A, %scan3A_2 : i32
    %scan3A_4 = arith.constant 1 : i32
    scf.for %scan3A_11 = %scan3A to %scan3A_3 step %scan3A_4  : i32 {
      %mul3A_12 = arith.constant 1 : i32
      %mul3A_13 = arith.muli %scan3A_11, %mul3A_12 : i32
      %add3A_14 = arith.constant 0 : i32
      %add3A_15 = arith.addi %add3A_14, %mul3A_13 : i32
      %mul3A_16 = arith.constant 16 : i32
      %mul3A_17 = arith.muli %add3A_15, %mul3A_16 : i32
      %swap3A = arith.index_cast %mul3A_17 : i32 to index
      %swap3A_18 = tpu.vector_load %arg11[%swap3A] {strides = array<i32>} : memref<10240xf32, #tpu.memory_space<vmem>>, vector<16xf32>,
      tpu.vector_store %arg11[%swap3A], %broadcast_in_dim3A_1 {strides = array<i32>} : memref<10240xf32, #tpu.memory_space<vmem>>, vector<16xf32>,
    }
    %scan3A_5 = arith.constant 640 : i32
    "tpu.region"() ({
      %run_scoped3A = tpu.sem_alloc : memref<!tpu.dma_semaphore, #tpu.memory_space<semaphore_mem>>
      tpu.enqueue_dma source(%arg2 : memref<10240xf32, #tpu.memory_space<hbm>>) target(%arg7 : memref<10240xf32, #tpu.memory_space<vmem>>) target_semaphore(%run_scoped3A : memref<!tpu.dma_semaphore, #tpu.memory_space<semaphore_mem>>)
      tpu.wait_dma2 semaphore(%run_scoped3A : memref<!tpu.dma_semaphore, #tpu.memory_space<semaphore_mem>>) src(%arg2 : memref<10240xf32, #tpu.memory_space<hbm>>) dst(%arg7 : memref<10240xf32, #tpu.memory_space<vmem>>)
      tpu.yield
    }) : () -> ()
    "tpu.region"() ({
      %run_scoped3A = tpu.sem_alloc : memref<!tpu.dma_semaphore, #tpu.memory_space<semaphore_mem>>
      tpu.enqueue_dma source(%arg3 : memref<10240xf32, #tpu.memory_space<hbm>>) target(%arg8 : memref<10240xf32, #tpu.memory_space<vmem>>) target_semaphore(%run_scoped3A : memref<!tpu.dma_semaphore, #tpu.memory_space<semaphore_mem>>)
      tpu.wait_dma2 semaphore(%run_scoped3A : memref<!tpu.dma_semaphore, #tpu.memory_space<semaphore_mem>>) src(%arg3 : memref<10240xf32, #tpu.memory_space<hbm>>) dst(%arg8 : memref<10240xf32, #tpu.memory_space<vmem>>)
      tpu.yield
    }) : () -> ()
    "tpu.region"() ({
      %run_scoped3A = tpu.sem_alloc : memref<!tpu.dma_semaphore, #tpu.memory_space<semaphore_mem>>
      %dma_start3A = arith.constant 0 : i32
      %dma_start3A_11 = arith.constant 0 : i32
      %dma_start3A_12 = arith.constant 0 : i32
      %dma_start3A_13 = tpu.memref_slice %arg4[%add3A, %dma_start3A, %dma_start3A_11, %dma_start3A_12] : memref<32x80x2x128xi32, #tpu.memory_space<hbm>> -> memref<1x80x2x128xi32, #tpu.memory_space<hbm>>
      %dma_start3A_14 = tpu.memref_squeeze %dma_start3A_13 : memref<1x80x2x128xi32, #tpu.memory_space<hbm>> -> memref<80x2x128xi32, #tpu.memory_space<hbm>>
      %dma_start3A_15 = arith.constant 0 : i32
      %dma_start3A_16 = arith.constant 0 : i32
      %dma_start3A_17 = arith.constant 0 : i32
      %dma_start3A_18 = tpu.memref_slice %arg4[%add3A, %dma_start3A_15, %dma_start3A_16, %dma_start3A_17] : memref<32x80x2x128xi32, #tpu.memory_space<hbm>> -> memref<1x80x2x128xi32, #tpu.memory_space<hbm>>
      %dma_start3A_19 = tpu.memref_squeeze %dma_start3A_18 : memref<1x80x2x128xi32, #tpu.memory_space<hbm>> -> memref<80x2x128xi32, #tpu.memory_space<hbm>>
      tpu.enqueue_dma source(%dma_start3A_19 : memref<80x2x128xi32, #tpu.memory_space<hbm>>) target(%arg9 : memref<80x2x128xi32, #tpu.memory_space<vmem>>) target_semaphore(%run_scoped3A : memref<!tpu.dma_semaphore, #tpu.memory_space<semaphore_mem>>)
      %dma_wait3A = arith.constant 0 : i32
      %dma_wait3A_20 = arith.constant 0 : i32
      %dma_wait3A_21 = arith.constant 0 : i32
      %dma_wait3A_22 = tpu.memref_slice %arg4[%add3A, %dma_wait3A, %dma_wait3A_20, %dma_wait3A_21] : memref<32x80x2x128xi32, #tpu.memory_space<hbm>> -> memref<1x80x2x128xi32, #tpu.memory_space<hbm>>
      %dma_wait3A_23 = tpu.memref_squeeze %dma_wait3A_22 : memref<1x80x2x128xi32, #tpu.memory_space<hbm>> -> memref<80x2x128xi32, #tpu.memory_space<hbm>>
      %dma_wait3A_24 = arith.constant 0 : i32
      %dma_wait3A_25 = arith.constant 0 : i32
      %dma_wait3A_26 = arith.constant 0 : i32
      %dma_wait3A_27 = tpu.memref_slice %arg4[%add3A, %dma_wait3A_24, %dma_wait3A_25, %dma_wait3A_26] : memref<32x80x2x128xi32, #tpu.memory_space<hbm>> -> memref<1x80x2x128xi32, #tpu.memory_space<hbm>>
      %dma_wait3A_28 = tpu.memref_squeeze %dma_wait3A_27 : memref<1x80x2x128xi32, #tpu.memory_space<hbm>> -> memref<80x2x128xi32, #tpu.memory_space<hbm>>
      tpu.wait_dma2 semaphore(%run_scoped3A : memref<!tpu.dma_semaphore, #tpu.memory_space<semaphore_mem>>) src(%dma_wait3A_28 : memref<80x2x128xi32, #tpu.memory_space<hbm>>) dst(%arg9 : memref<80x2x128xi32, #tpu.memory_space<vmem>>)
      tpu.yield
    }) : () -> ()
    %scan3A_6 = arith.constant 0 : i32
    %scan3A_7 = arith.constant 80 : i32
    %scan3A_8 = arith.addi %scan3A_6, %scan3A_7 : i32
    %scan3A_9 = arith.constant 1 : i32
    scf.for %scan3A_11 = %scan3A_6 to %scan3A_8 step %scan3A_9  : i32 {
      %mul3A_12 = arith.constant 1 : i32
      %mul3A_13 = arith.muli %scan3A_11, %mul3A_12 : i32
      %add3A_14 = arith.constant 0 : i32
      %add3A_15 = arith.addi %add3A_14, %mul3A_13 : i32
      %get3A = arith.constant 0 : i32
      %get3A_16 = arith.index_cast %add3A_15 : i32 to index
      %get3A_17 = arith.index_cast %get3A : i32 to index
      %get3A_18 = arith.constant 0 : index
      %get3A_19 = tpu.vector_load %arg9[%get3A_16, %get3A_17, %get3A_18] {strides = array<i32>} : memref<80x2x128xi32, #tpu.memory_space<vmem>>, vector<16xi32>,
      %get3A_20 = arith.constant 1 : i32
      %get3A_21 = arith.index_cast %add3A_15 : i32 to index
      %get3A_22 = arith.index_cast %get3A_20 : i32 to index
      %get3A_23 = arith.constant 0 : index
      %get3A_24 = tpu.vector_load %arg9[%get3A_21, %get3A_22, %get3A_23] {strides = array<i32>} : memref<80x2x128xi32, #tpu.memory_space<vmem>>, vector<16xi32>,
      %gather3A = tpu.vector_load_idx %arg7[%get3A_24] : memref<10240xf32, #tpu.memory_space<vmem>>[vector<16xi32>], vector<16xf32>,
      %gather3A_25 = tpu.vector_load_idx %arg8[%get3A_19] : memref<10240xf32, #tpu.memory_space<vmem>>[vector<16xi32>], vector<16xf32>,
      %add3A_26 = arith.addf %gather3A, %gather3A_25 : vector<16xf32>
      %mul3A_27 = arith.constant 2.000000e-01 : f32
      %mul3A_28 = vector.broadcast %mul3A_27 : f32 to vector<16xf32>
      %mul3A_29 = arith.mulf %mul3A_28, %add3A_26 : vector<16xf32>
      %max3A = arith.maximumf %add3A_26, %mul3A_29 : vector<16xf32>
      %exp3A = math.exp %max3A : vector<16xf32>
      %swap3A = arith.index_cast %add3A_15 : i32 to index
      %swap3A_30 = arith.constant 0 : index
      %swap3A_31 = tpu.vector_load %arg10[%swap3A, %swap3A_30] {strides = array<i32>} : memref<80x128xf32, #tpu.memory_space<vmem>>, vector<16xf32>,
      tpu.vector_store %arg10[%swap3A, %swap3A_30], %exp3A {strides = array<i32>} : memref<80x128xf32, #tpu.memory_space<vmem>>, vector<16xf32>,
      tpu.vector_store_idx %arg11[%get3A_24], %exp3A {add = true} : memref<10240xf32, #tpu.memory_space<vmem>>[vector<16xi32>], vector<16xf32>,
      %get3A_32 = arith.constant 0 : i32
      %get3A_33 = arith.index_cast %add3A_15 : i32 to index
      %get3A_34 = arith.index_cast %get3A_32 : i32 to index
      %get3A_35 = arith.constant 16 : index
      %get3A_36 = tpu.vector_load %arg9[%get3A_33, %get3A_34, %get3A_35] {strides = array<i32>} : memref<80x2x128xi32, #tpu.memory_space<vmem>>, vector<16xi32>,
      %get3A_37 = arith.constant 1 : i32
      %get3A_38 = arith.index_cast %add3A_15 : i32 to index
      %get3A_39 = arith.index_cast %get3A_37 : i32 to index
      %get3A_40 = arith.constant 16 : index
      %get3A_41 = tpu.vector_load %arg9[%get3A_38, %get3A_39, %get3A_40] {strides = array<i32>} : memref<80x2x128xi32, #tpu.memory_space<vmem>>, vector<16xi32>,
      %gather3A_42 = tpu.vector_load_idx %arg7[%get3A_41] : memref<10240xf32, #tpu.memory_space<vmem>>[vector<16xi32>], vector<16xf32>,
      %gather3A_43 = tpu.vector_load_idx %arg8[%get3A_36] : memref<10240xf32, #tpu.memory_space<vmem>>[vector<16xi32>], vector<16xf32>,
      %add3A_44 = arith.addf %gather3A_42, %gather3A_43 : vector<16xf32>
      %mul3A_45 = arith.constant 2.000000e-01 : f32
      %mul3A_46 = vector.broadcast %mul3A_45 : f32 to vector<16xf32>
      %mul3A_47 = arith.mulf %mul3A_46, %add3A_44 : vector<16xf32>
      %max3A_48 = arith.maximumf %add3A_44, %mul3A_47 : vector<16xf32>
      %exp3A_49 = math.exp %max3A_48 : vector<16xf32>
      %swap3A_50 = arith.index_cast %add3A_15 : i32 to index
      %swap3A_51 = arith.constant 16 : index
      %swap3A_52 = tpu.vector_load %arg10[%swap3A_50, %swap3A_51] {strides = array<i32>} : memref<80x128xf32, #tpu.memory_space<vmem>>, vector<16xf32>,
      tpu.vector_store %arg10[%swap3A_50, %swap3A_51], %exp3A_49 {strides = array<i32>} : memref<80x128xf32, #tpu.memory_space<vmem>>, vector<16xf32>,
      tpu.vector_store_idx %arg11[%get3A_41], %exp3A_49 {add = true} : memref<10240xf32, #tpu.memory_space<vmem>>[vector<16xi32>], vector<16xf32>,
      %get3A_53 = arith.constant 0 : i32
      %get3A_54 = arith.index_cast %add3A_15 : i32 to index
      %get3A_55 = arith.index_cast %get3A_53 : i32 to index
      %get3A_56 = arith.constant 32 : index
      %get3A_57 = tpu.vector_load %arg9[%get3A_54, %get3A_55, %get3A_56] {strides = array<i32>} : memref<80x2x128xi32, #tpu.memory_space<vmem>>, vector<16xi32>,
      %get3A_58 = arith.constant 1 : i32
      %get3A_59 = arith.index_cast %add3A_15 : i32 to index
      %get3A_60 = arith.index_cast %get3A_58 : i32 to index
      %get3A_61 = arith.constant 32 : index
      %get3A_62 = tpu.vector_load %arg9[%get3A_59, %get3A_60, %get3A_61] {strides = array<i32>} : memref<80x2x128xi32, #tpu.memory_space<vmem>>, vector<16xi32>,
      %gather3A_63 = tpu.vector_load_idx %arg7[%get3A_62] : memref<10240xf32, #tpu.memory_space<vmem>>[vector<16xi32>], vector<16xf32>,
      %gather3A_64 = tpu.vector_load_idx %arg8[%get3A_57] : memref<10240xf32, #tpu.memory_space<vmem>>[vector<16xi32>], vector<16xf32>,
      %add3A_65 = arith.addf %gather3A_63, %gather3A_64 : vector<16xf32>
      %mul3A_66 = arith.constant 2.000000e-01 : f32
      %mul3A_67 = vector.broadcast %mul3A_66 : f32 to vector<16xf32>
      %mul3A_68 = arith.mulf %mul3A_67, %add3A_65 : vector<16xf32>
      %max3A_69 = arith.maximumf %add3A_65, %mul3A_68 : vector<16xf32>
      %exp3A_70 = math.exp %max3A_69 : vector<16xf32>
      %swap3A_71 = arith.index_cast %add3A_15 : i32 to index
      %swap3A_72 = arith.constant 32 : index
      %swap3A_73 = tpu.vector_load %arg10[%swap3A_71, %swap3A_72] {strides = array<i32>} : memref<80x128xf32, #tpu.memory_space<vmem>>, vector<16xf32>,
      tpu.vector_store %arg10[%swap3A_71, %swap3A_72], %exp3A_70 {strides = array<i32>} : memref<80x128xf32, #tpu.memory_space<vmem>>, vector<16xf32>,
      tpu.vector_store_idx %arg11[%get3A_62], %exp3A_70 {add = true} : memref<10240xf32, #tpu.memory_space<vmem>>[vector<16xi32>], vector<16xf32>,
      %get3A_74 = arith.constant 0 : i32
      %get3A_75 = arith.index_cast %add3A_15 : i32 to index
      %get3A_76 = arith.index_cast %get3A_74 : i32 to index
      %get3A_77 = arith.constant 48 : index
      %get3A_78 = tpu.vector_load %arg9[%get3A_75, %get3A_76, %get3A_77] {strides = array<i32>} : memref<80x2x128xi32, #tpu.memory_space<vmem>>, vector<16xi32>,
      %get3A_79 = arith.constant 1 : i32
      %get3A_80 = arith.index_cast %add3A_15 : i32 to index
      %get3A_81 = arith.index_cast %get3A_79 : i32 to index
      %get3A_82 = arith.constant 48 : index
      %get3A_83 = tpu.vector_load %arg9[%get3A_80, %get3A_81, %get3A_82] {strides = array<i32>} : memref<80x2x128xi32, #tpu.memory_space<vmem>>, vector<16xi32>,
      %gather3A_84 = tpu.vector_load_idx %arg7[%get3A_83] : memref<10240xf32, #tpu.memory_space<vmem>>[vector<16xi32>], vector<16xf32>,
      %gather3A_85 = tpu.vector_load_idx %arg8[%get3A_78] : memref<10240xf32, #tpu.memory_space<vmem>>[vector<16xi32>], vector<16xf32>,
      %add3A_86 = arith.addf %gather3A_84, %gather3A_85 : vector<16xf32>
      %mul3A_87 = arith.constant 2.000000e-01 : f32
      %mul3A_88 = vector.broadcast %mul3A_87 : f32 to vector<16xf32>
      %mul3A_89 = arith.mulf %mul3A_88, %add3A_86 : vector<16xf32>
      %max3A_90 = arith.maximumf %add3A_86, %mul3A_89 : vector<16xf32>
      %exp3A_91 = math.exp %max3A_90 : vector<16xf32>
      %swap3A_92 = arith.index_cast %add3A_15 : i32 to index
      %swap3A_93 = arith.constant 48 : index
      %swap3A_94 = tpu.vector_load %arg10[%swap3A_92, %swap3A_93] {strides = array<i32>} : memref<80x128xf32, #tpu.memory_space<vmem>>, vector<16xf32>,
      tpu.vector_store %arg10[%swap3A_92, %swap3A_93], %exp3A_91 {strides = array<i32>} : memref<80x128xf32, #tpu.memory_space<vmem>>, vector<16xf32>,
      tpu.vector_store_idx %arg11[%get3A_83], %exp3A_91 {add = true} : memref<10240xf32, #tpu.memory_space<vmem>>[vector<16xi32>], vector<16xf32>,
      %get3A_95 = arith.constant 0 : i32
      %get3A_96 = arith.index_cast %add3A_15 : i32 to index
      %get3A_97 = arith.index_cast %get3A_95 : i32 to index
      %get3A_98 = arith.constant 64 : index
      %get3A_99 = tpu.vector_load %arg9[%get3A_96, %get3A_97, %get3A_98] {strides = array<i32>} : memref<80x2x128xi32, #tpu.memory_space<vmem>>, vector<16xi32>,
      %get3A_100 = arith.constant 1 : i32
      %get3A_101 = arith.index_cast %add3A_15 : i32 to index
      %get3A_102 = arith.index_cast %get3A_100 : i32 to index
      %get3A_103 = arith.constant 64 : index
      %get3A_104 = tpu.vector_load %arg9[%get3A_101, %get3A_102, %get3A_103] {strides = array<i32>} : memref<80x2x128xi32, #tpu.memory_space<vmem>>, vector<16xi32>,
      %gather3A_105 = tpu.vector_load_idx %arg7[%get3A_104] : memref<10240xf32, #tpu.memory_space<vmem>>[vector<16xi32>], vector<16xf32>,
      %gather3A_106 = tpu.vector_load_idx %arg8[%get3A_99] : memref<10240xf32, #tpu.memory_space<vmem>>[vector<16xi32>], vector<16xf32>,
      %add3A_107 = arith.addf %gather3A_105, %gather3A_106 : vector<16xf32>
      %mul3A_108 = arith.constant 2.000000e-01 : f32
      %mul3A_109 = vector.broadcast %mul3A_108 : f32 to vector<16xf32>
      %mul3A_110 = arith.mulf %mul3A_109, %add3A_107 : vector<16xf32>
      %max3A_111 = arith.maximumf %add3A_107, %mul3A_110 : vector<16xf32>
      %exp3A_112 = math.exp %max3A_111 : vector<16xf32>
      %swap3A_113 = arith.index_cast %add3A_15 : i32 to index
      %swap3A_114 = arith.constant 64 : index
      %swap3A_115 = tpu.vector_load %arg10[%swap3A_113, %swap3A_114] {strides = array<i32>} : memref<80x128xf32, #tpu.memory_space<vmem>>, vector<16xf32>,
      tpu.vector_store %arg10[%swap3A_113, %swap3A_114], %exp3A_112 {strides = array<i32>} : memref<80x128xf32, #tpu.memory_space<vmem>>, vector<16xf32>,
      tpu.vector_store_idx %arg11[%get3A_104], %exp3A_112 {add = true} : memref<10240xf32, #tpu.memory_space<vmem>>[vector<16xi32>], vector<16xf32>,
      %get3A_116 = arith.constant 0 : i32
      %get3A_117 = arith.index_cast %add3A_15 : i32 to index
      %get3A_118 = arith.index_cast %get3A_116 : i32 to index
      %get3A_119 = arith.constant 80 : index
      %get3A_120 = tpu.vector_load %arg9[%get3A_117, %get3A_118, %get3A_119] {strides = array<i32>} : memref<80x2x128xi32, #tpu.memory_space<vmem>>, vector<16xi32>,
      %get3A_121 = arith.constant 1 : i32
      %get3A_122 = arith.index_cast %add3A_15 : i32 to index
      %get3A_123 = arith.index_cast %get3A_121 : i32 to index
      %get3A_124 = arith.constant 80 : index
      %get3A_125 = tpu.vector_load %arg9[%get3A_122, %get3A_123, %get3A_124] {strides = array<i32>} : memref<80x2x128xi32, #tpu.memory_space<vmem>>, vector<16xi32>,
      %gather3A_126 = tpu.vector_load_idx %arg7[%get3A_125] : memref<10240xf32, #tpu.memory_space<vmem>>[vector<16xi32>], vector<16xf32>,
      %gather3A_127 = tpu.vector_load_idx %arg8[%get3A_120] : memref<10240xf32, #tpu.memory_space<vmem>>[vector<16xi32>], vector<16xf32>,
      %add3A_128 = arith.addf %gather3A_126, %gather3A_127 : vector<16xf32>
      %mul3A_129 = arith.constant 2.000000e-01 : f32
      %mul3A_130 = vector.broadcast %mul3A_129 : f32 to vector<16xf32>
      %mul3A_131 = arith.mulf %mul3A_130, %add3A_128 : vector<16xf32>
      %max3A_132 = arith.maximumf %add3A_128, %mul3A_131 : vector<16xf32>
      %exp3A_133 = math.exp %max3A_132 : vector<16xf32>
      %swap3A_134 = arith.index_cast %add3A_15 : i32 to index
      %swap3A_135 = arith.constant 80 : index
      %swap3A_136 = tpu.vector_load %arg10[%swap3A_134, %swap3A_135] {strides = array<i32>} : memref<80x128xf32, #tpu.memory_space<vmem>>, vector<16xf32>,
      tpu.vector_store %arg10[%swap3A_134, %swap3A_135], %exp3A_133 {strides = array<i32>} : memref<80x128xf32, #tpu.memory_space<vmem>>, vector<16xf32>,
      tpu.vector_store_idx %arg11[%get3A_125], %exp3A_133 {add = true} : memref<10240xf32, #tpu.memory_space<vmem>>[vector<16xi32>], vector<16xf32>,
      %get3A_137 = arith.constant 0 : i32
      %get3A_138 = arith.index_cast %add3A_15 : i32 to index
      %get3A_139 = arith.index_cast %get3A_137 : i32 to index
      %get3A_140 = arith.constant 96 : index
      %get3A_141 = tpu.vector_load %arg9[%get3A_138, %get3A_139, %get3A_140] {strides = array<i32>} : memref<80x2x128xi32, #tpu.memory_space<vmem>>, vector<16xi32>,
      %get3A_142 = arith.constant 1 : i32
      %get3A_143 = arith.index_cast %add3A_15 : i32 to index
      %get3A_144 = arith.index_cast %get3A_142 : i32 to index
      %get3A_145 = arith.constant 96 : index
      %get3A_146 = tpu.vector_load %arg9[%get3A_143, %get3A_144, %get3A_145] {strides = array<i32>} : memref<80x2x128xi32, #tpu.memory_space<vmem>>, vector<16xi32>,
      %gather3A_147 = tpu.vector_load_idx %arg7[%get3A_146] : memref<10240xf32, #tpu.memory_space<vmem>>[vector<16xi32>], vector<16xf32>,
      %gather3A_148 = tpu.vector_load_idx %arg8[%get3A_141] : memref<10240xf32, #tpu.memory_space<vmem>>[vector<16xi32>], vector<16xf32>,
      %add3A_149 = arith.addf %gather3A_147, %gather3A_148 : vector<16xf32>
      %mul3A_150 = arith.constant 2.000000e-01 : f32
      %mul3A_151 = vector.broadcast %mul3A_150 : f32 to vector<16xf32>
      %mul3A_152 = arith.mulf %mul3A_151, %add3A_149 : vector<16xf32>
      %max3A_153 = arith.maximumf %add3A_149, %mul3A_152 : vector<16xf32>
      %exp3A_154 = math.exp %max3A_153 : vector<16xf32>
      %swap3A_155 = arith.index_cast %add3A_15 : i32 to index
      %swap3A_156 = arith.constant 96 : index
      %swap3A_157 = tpu.vector_load %arg10[%swap3A_155, %swap3A_156] {strides = array<i32>} : memref<80x128xf32, #tpu.memory_space<vmem>>, vector<16xf32>,
      tpu.vector_store %arg10[%swap3A_155, %swap3A_156], %exp3A_154 {strides = array<i32>} : memref<80x128xf32, #tpu.memory_space<vmem>>, vector<16xf32>,
      tpu.vector_store_idx %arg11[%get3A_146], %exp3A_154 {add = true} : memref<10240xf32, #tpu.memory_space<vmem>>[vector<16xi32>], vector<16xf32>,
      %get3A_158 = arith.constant 0 : i32
      %get3A_159 = arith.index_cast %add3A_15 : i32 to index
      %get3A_160 = arith.index_cast %get3A_158 : i32 to index
      %get3A_161 = arith.constant 112 : index
      %get3A_162 = tpu.vector_load %arg9[%get3A_159, %get3A_160, %get3A_161] {strides = array<i32>} : memref<80x2x128xi32, #tpu.memory_space<vmem>>, vector<16xi32>,
      %get3A_163 = arith.constant 1 : i32
      %get3A_164 = arith.index_cast %add3A_15 : i32 to index
      %get3A_165 = arith.index_cast %get3A_163 : i32 to index
      %get3A_166 = arith.constant 112 : index
      %get3A_167 = tpu.vector_load %arg9[%get3A_164, %get3A_165, %get3A_166] {strides = array<i32>} : memref<80x2x128xi32, #tpu.memory_space<vmem>>, vector<16xi32>,
      %gather3A_168 = tpu.vector_load_idx %arg7[%get3A_167] : memref<10240xf32, #tpu.memory_space<vmem>>[vector<16xi32>], vector<16xf32>,
      %gather3A_169 = tpu.vector_load_idx %arg8[%get3A_162] : memref<10240xf32, #tpu.memory_space<vmem>>[vector<16xi32>], vector<16xf32>,
      %add3A_170 = arith.addf %gather3A_168, %gather3A_169 : vector<16xf32>
      %mul3A_171 = arith.constant 2.000000e-01 : f32
      %mul3A_172 = vector.broadcast %mul3A_171 : f32 to vector<16xf32>
      %mul3A_173 = arith.mulf %mul3A_172, %add3A_170 : vector<16xf32>
      %max3A_174 = arith.maximumf %add3A_170, %mul3A_173 : vector<16xf32>
      %exp3A_175 = math.exp %max3A_174 : vector<16xf32>
      %swap3A_176 = arith.index_cast %add3A_15 : i32 to index
      %swap3A_177 = arith.constant 112 : index
      %swap3A_178 = tpu.vector_load %arg10[%swap3A_176, %swap3A_177] {strides = array<i32>} : memref<80x128xf32, #tpu.memory_space<vmem>>, vector<16xf32>,
      tpu.vector_store %arg10[%swap3A_176, %swap3A_177], %exp3A_175 {strides = array<i32>} : memref<80x128xf32, #tpu.memory_space<vmem>>, vector<16xf32>,
      tpu.vector_store_idx %arg11[%get3A_167], %exp3A_175 {add = true} : memref<10240xf32, #tpu.memory_space<vmem>>[vector<16xi32>], vector<16xf32>,
    }
    %scan3A_10 = arith.constant 80 : i32
    "tpu.region"() ({
      %run_scoped3A = tpu.sem_alloc : memref<!tpu.dma_semaphore, #tpu.memory_space<semaphore_mem>>
      %dma_start3A = arith.constant 0 : i32
      %dma_start3A_11 = arith.constant 0 : i32
      %dma_start3A_12 = tpu.memref_slice %arg5[%add3A, %dma_start3A, %dma_start3A_11] : memref<32x80x128xf32, #tpu.memory_space<hbm>> -> memref<1x80x128xf32, #tpu.memory_space<hbm>>
      %dma_start3A_13 = tpu.memref_squeeze %dma_start3A_12 : memref<1x80x128xf32, #tpu.memory_space<hbm>> -> memref<80x128xf32, #tpu.memory_space<hbm>>
      %dma_start3A_14 = arith.constant 0 : i32
      %dma_start3A_15 = arith.constant 0 : i32
      %dma_start3A_16 = tpu.memref_slice %arg5[%add3A, %dma_start3A_14, %dma_start3A_15] : memref<32x80x128xf32, #tpu.memory_space<hbm>> -> memref<1x80x128xf32, #tpu.memory_space<hbm>>
      %dma_start3A_17 = tpu.memref_squeeze %dma_start3A_16 : memref<1x80x128xf32, #tpu.memory_space<hbm>> -> memref<80x128xf32, #tpu.memory_space<hbm>>
      tpu.enqueue_dma source(%arg10 : memref<80x128xf32, #tpu.memory_space<vmem>>) target(%dma_start3A_17 : memref<80x128xf32, #tpu.memory_space<hbm>>) target_semaphore(%run_scoped3A : memref<!tpu.dma_semaphore, #tpu.memory_space<semaphore_mem>>)
      %dma_wait3A = arith.constant 0 : i32
      %dma_wait3A_18 = arith.constant 0 : i32
      %dma_wait3A_19 = tpu.memref_slice %arg5[%add3A, %dma_wait3A, %dma_wait3A_18] : memref<32x80x128xf32, #tpu.memory_space<hbm>> -> memref<1x80x128xf32, #tpu.memory_space<hbm>>
      %dma_wait3A_20 = tpu.memref_squeeze %dma_wait3A_19 : memref<1x80x128xf32, #tpu.memory_space<hbm>> -> memref<80x128xf32, #tpu.memory_space<hbm>>
      %dma_wait3A_21 = arith.constant 0 : i32
      %dma_wait3A_22 = arith.constant 0 : i32
      %dma_wait3A_23 = tpu.memref_slice %arg5[%add3A, %dma_wait3A_21, %dma_wait3A_22] : memref<32x80x128xf32, #tpu.memory_space<hbm>> -> memref<1x80x128xf32, #tpu.memory_space<hbm>>
      %dma_wait3A_24 = tpu.memref_squeeze %dma_wait3A_23 : memref<1x80x128xf32, #tpu.memory_space<hbm>> -> memref<80x128xf32, #tpu.memory_space<hbm>>
      tpu.wait_dma2 semaphore(%run_scoped3A : memref<!tpu.dma_semaphore, #tpu.memory_space<semaphore_mem>>) src(%arg10 : memref<80x128xf32, #tpu.memory_space<vmem>>) dst(%dma_wait3A_24 : memref<80x128xf32, #tpu.memory_space<hbm>>)
      tpu.yield
    }) : () -> ()
    "tpu.region"() ({
      %run_scoped3A = tpu.sem_alloc : memref<!tpu.dma_semaphore, #tpu.memory_space<semaphore_mem>>
      %dma_start3A = arith.constant 0 : i32
      %dma_start3A_11 = tpu.memref_slice %arg6[%add3A, %dma_start3A] : memref<32x10240xf32, #tpu.memory_space<hbm>> -> memref<1x10240xf32, #tpu.memory_space<hbm>>
      %dma_start3A_12 = tpu.memref_squeeze %dma_start3A_11 : memref<1x10240xf32, #tpu.memory_space<hbm>> -> memref<10240xf32, #tpu.memory_space<hbm>>
      %dma_start3A_13 = arith.constant 0 : i32
      %dma_start3A_14 = tpu.memref_slice %arg6[%add3A, %dma_start3A_13] : memref<32x10240xf32, #tpu.memory_space<hbm>> -> memref<1x10240xf32, #tpu.memory_space<hbm>>
      %dma_start3A_15 = tpu.memref_squeeze %dma_start3A_14 : memref<1x10240xf32, #tpu.memory_space<hbm>> -> memref<10240xf32, #tpu.memory_space<hbm>>
      tpu.enqueue_dma source(%arg11 : memref<10240xf32, #tpu.memory_space<vmem>>) target(%dma_start3A_15 : memref<10240xf32, #tpu.memory_space<hbm>>) target_semaphore(%run_scoped3A : memref<!tpu.dma_semaphore, #tpu.memory_space<semaphore_mem>>)
      %dma_wait3A = arith.constant 0 : i32
      %dma_wait3A_16 = tpu.memref_slice %arg6[%add3A, %dma_wait3A] : memref<32x10240xf32, #tpu.memory_space<hbm>> -> memref<1x10240xf32, #tpu.memory_space<hbm>>
      %dma_wait3A_17 = tpu.memref_squeeze %dma_wait3A_16 : memref<1x10240xf32, #tpu.memory_space<hbm>> -> memref<10240xf32, #tpu.memory_space<hbm>>
      %dma_wait3A_18 = arith.constant 0 : i32
      %dma_wait3A_19 = tpu.memref_slice %arg6[%add3A, %dma_wait3A_18] : memref<32x10240xf32, #tpu.memory_space<hbm>> -> memref<1x10240xf32, #tpu.memory_space<hbm>>
      %dma_wait3A_20 = tpu.memref_squeeze %dma_wait3A_19 : memref<1x10240xf32, #tpu.memory_space<hbm>> -> memref<10240xf32, #tpu.memory_space<hbm>>
      tpu.wait_dma2 semaphore(%run_scoped3A : memref<!tpu.dma_semaphore, #tpu.memory_space<semaphore_mem>>) src(%arg11 : memref<10240xf32, #tpu.memory_space<vmem>>) dst(%dma_wait3A_20 : memref<10240xf32, #tpu.memory_space<hbm>>)
      tpu.yield
    }) : () -> ()
    return
  }
}

#map = affine_map<(d0, d1) -> (0, 0)>
#map1 = affine_map<(d0, d1) -> (0, 0, 0, 0)>
#map2 = affine_map<(d0, d1) -> (0, 0, 0)>
module attributes {stable_mosaic.version = 14 : i64} {
  func.func @_scb_body(%arg0: i32, %arg1: i32, %arg2: memref<10000x128xf32, #tpu.memory_space<hbm>>, %arg3: memref<32x80x2x128xi32, #tpu.memory_space<hbm>>, %arg4: memref<32x80x128xf32, #tpu.memory_space<hbm>>, %arg5: memref<2x10240x128xf32, #tpu.memory_space<hbm>>, %arg6: memref<2x128xi32, #tpu.memory_space<vmem>>, %arg7: memref<2x128xi32, #tpu.memory_space<vmem>>, %arg8: memref<128xf32, #tpu.memory_space<vmem>>, %arg9: memref<128xf32, #tpu.memory_space<vmem>>, %arg10: memref<128x128xf32, #tpu.memory_space<vmem>>, %arg11: memref<128x128xf32, #tpu.memory_space<vmem>>, %arg12: memref<1x128xi32, #tpu.memory_space<vmem>>, %arg13: memref<1x128xi32, #tpu.memory_space<vmem>>, %arg14: memref<10240x128xf32, #tpu.memory_space<vmem_shared>>, %arg15: memref<!tpu.dma_semaphore, #tpu.memory_space<semaphore_mem>>, %arg16: memref<!tpu.dma_semaphore, #tpu.memory_space<semaphore_mem>>, %arg17: memref<!tpu.dma_semaphore, #tpu.memory_space<semaphore_mem>>, %arg18: memref<!tpu.dma_semaphore, #tpu.memory_space<semaphore_mem>>, %arg19: memref<!tpu.dma_semaphore, #tpu.memory_space<semaphore_mem>>, %arg20: memref<!tpu.dma_semaphore, #tpu.memory_space<semaphore_mem>>, %arg21: memref<!tpu.dma_semaphore, #tpu.memory_space<semaphore_mem>>, %arg22: memref<!tpu.dma_semaphore, #tpu.memory_space<semaphore_mem>>) attributes {dimension_semantics = [#tpu.dimension_semantics<core_parallel>, #tpu.dimension_semantics<subcore_parallel>], iteration_bounds = array<i64: 2, 16>, scalar_prefetch = 0 : i64, scratch_operands = 17 : i64, tpu.core_type = #tpu.core_type<sc_vector_subcore>, window_params = [{transform_indices = #map}, {transform_indices = #map1}, {transform_indices = #map2}, {transform_indices = #map2}]} {
    %mul3A = arith.constant 16 : i32
    %mul3A_0 = arith.muli %arg0, %mul3A : i32
    %add3A = arith.addi %mul3A_0, %arg1 : i32
    %broadcast_in_dim3A = arith.constant 0.000000e+00 : f32
    %broadcast_in_dim3A_1 = vector.broadcast %broadcast_in_dim3A : f32 to vector<16xf32>
    %scan3A = arith.constant 0 : i32
    %scan3A_2 = arith.constant 128 : i32
    %scan3A_3 = arith.addi %scan3A, %scan3A_2 : i32
    %scan3A_4 = arith.constant 1 : i32
    scf.for %scan3A_142 = %scan3A to %scan3A_3 step %scan3A_4  : i32 {
      %mul3A_143 = arith.constant 1 : i32
      %mul3A_144 = arith.muli %scan3A_142, %mul3A_143 : i32
      %add3A_145 = arith.constant 0 : i32
      %add3A_146 = arith.addi %add3A_145, %mul3A_144 : i32
      %swap3A = arith.index_cast %add3A_146 : i32 to index
      %swap3A_147 = arith.constant 0 : index
      %swap3A_148 = tpu.vector_load %arg10[%swap3A, %swap3A_147] {strides = array<i32>} : memref<128x128xf32, #tpu.memory_space<vmem>>, vector<16xf32>,
      tpu.vector_store %arg10[%swap3A, %swap3A_147], %broadcast_in_dim3A_1 {strides = array<i32>} : memref<128x128xf32, #tpu.memory_space<vmem>>, vector<16xf32>,
      %swap3A_149 = arith.index_cast %add3A_146 : i32 to index
      %swap3A_150 = arith.constant 16 : index
      %swap3A_151 = tpu.vector_load %arg10[%swap3A_149, %swap3A_150] {strides = array<i32>} : memref<128x128xf32, #tpu.memory_space<vmem>>, vector<16xf32>,
      tpu.vector_store %arg10[%swap3A_149, %swap3A_150], %broadcast_in_dim3A_1 {strides = array<i32>} : memref<128x128xf32, #tpu.memory_space<vmem>>, vector<16xf32>,
      %swap3A_152 = arith.index_cast %add3A_146 : i32 to index
      %swap3A_153 = arith.constant 32 : index
      %swap3A_154 = tpu.vector_load %arg10[%swap3A_152, %swap3A_153] {strides = array<i32>} : memref<128x128xf32, #tpu.memory_space<vmem>>, vector<16xf32>,
      tpu.vector_store %arg10[%swap3A_152, %swap3A_153], %broadcast_in_dim3A_1 {strides = array<i32>} : memref<128x128xf32, #tpu.memory_space<vmem>>, vector<16xf32>,
      %swap3A_155 = arith.index_cast %add3A_146 : i32 to index
      %swap3A_156 = arith.constant 48 : index
      %swap3A_157 = tpu.vector_load %arg10[%swap3A_155, %swap3A_156] {strides = array<i32>} : memref<128x128xf32, #tpu.memory_space<vmem>>, vector<16xf32>,
      tpu.vector_store %arg10[%swap3A_155, %swap3A_156], %broadcast_in_dim3A_1 {strides = array<i32>} : memref<128x128xf32, #tpu.memory_space<vmem>>, vector<16xf32>,
      %swap3A_158 = arith.index_cast %add3A_146 : i32 to index
      %swap3A_159 = arith.constant 64 : index
      %swap3A_160 = tpu.vector_load %arg10[%swap3A_158, %swap3A_159] {strides = array<i32>} : memref<128x128xf32, #tpu.memory_space<vmem>>, vector<16xf32>,
      tpu.vector_store %arg10[%swap3A_158, %swap3A_159], %broadcast_in_dim3A_1 {strides = array<i32>} : memref<128x128xf32, #tpu.memory_space<vmem>>, vector<16xf32>,
      %swap3A_161 = arith.index_cast %add3A_146 : i32 to index
      %swap3A_162 = arith.constant 80 : index
      %swap3A_163 = tpu.vector_load %arg10[%swap3A_161, %swap3A_162] {strides = array<i32>} : memref<128x128xf32, #tpu.memory_space<vmem>>, vector<16xf32>,
      tpu.vector_store %arg10[%swap3A_161, %swap3A_162], %broadcast_in_dim3A_1 {strides = array<i32>} : memref<128x128xf32, #tpu.memory_space<vmem>>, vector<16xf32>,
      %swap3A_164 = arith.index_cast %add3A_146 : i32 to index
      %swap3A_165 = arith.constant 96 : index
      %swap3A_166 = tpu.vector_load %arg10[%swap3A_164, %swap3A_165] {strides = array<i32>} : memref<128x128xf32, #tpu.memory_space<vmem>>, vector<16xf32>,
      tpu.vector_store %arg10[%swap3A_164, %swap3A_165], %broadcast_in_dim3A_1 {strides = array<i32>} : memref<128x128xf32, #tpu.memory_space<vmem>>, vector<16xf32>,
      %swap3A_167 = arith.index_cast %add3A_146 : i32 to index
      %swap3A_168 = arith.constant 112 : index
      %swap3A_169 = tpu.vector_load %arg10[%swap3A_167, %swap3A_168] {strides = array<i32>} : memref<128x128xf32, #tpu.memory_space<vmem>>, vector<16xf32>,
      tpu.vector_store %arg10[%swap3A_167, %swap3A_168], %broadcast_in_dim3A_1 {strides = array<i32>} : memref<128x128xf32, #tpu.memory_space<vmem>>, vector<16xf32>,
    }
    %scan3A_5 = arith.constant 128 : i32
    %mul3A_6 = arith.constant 640 : i32
    %mul3A_7 = arith.muli %arg1, %mul3A_6 : i32
    %add3A_8 = arith.constant 0 : i32
    %add3A_9 = arith.addi %mul3A_7, %add3A_8 : i32
    "tpu.region"() ({
      %run_scoped3A = tpu.sem_alloc : memref<!tpu.dma_semaphore, #tpu.memory_space<semaphore_mem>>
      %dma_start3A_142 = arith.constant 0 : i32
      %dma_start3A_143 = tpu.memref_slice %arg14[%add3A_9, %dma_start3A_142] : memref<10240x128xf32, #tpu.memory_space<vmem_shared>> -> memref<128x128xf32, #tpu.memory_space<vmem_shared>>
      %dma_start3A_144 = arith.constant 0 : i32
      %dma_start3A_145 = tpu.memref_slice %arg14[%add3A_9, %dma_start3A_144] : memref<10240x128xf32, #tpu.memory_space<vmem_shared>> -> memref<128x128xf32, #tpu.memory_space<vmem_shared>>
      tpu.enqueue_dma source(%arg10 : memref<128x128xf32, #tpu.memory_space<vmem>>) target(%dma_start3A_145 : memref<128x128xf32, #tpu.memory_space<vmem_shared>>) target_semaphore(%run_scoped3A : memref<!tpu.dma_semaphore, #tpu.memory_space<semaphore_mem>>)
      %dma_wait3A_146 = arith.constant 0 : i32
      %dma_wait3A_147 = tpu.memref_slice %arg14[%add3A_9, %dma_wait3A_146] : memref<10240x128xf32, #tpu.memory_space<vmem_shared>> -> memref<128x128xf32, #tpu.memory_space<vmem_shared>>
      %dma_wait3A_148 = arith.constant 0 : i32
      %dma_wait3A_149 = tpu.memref_slice %arg14[%add3A_9, %dma_wait3A_148] : memref<10240x128xf32, #tpu.memory_space<vmem_shared>> -> memref<128x128xf32, #tpu.memory_space<vmem_shared>>
      tpu.wait_dma2 semaphore(%run_scoped3A : memref<!tpu.dma_semaphore, #tpu.memory_space<semaphore_mem>>) src(%arg10 : memref<128x128xf32, #tpu.memory_space<vmem>>) dst(%dma_wait3A_149 : memref<128x128xf32, #tpu.memory_space<vmem_shared>>)
      tpu.yield
    }) : () -> ()
    %mul3A_10 = arith.constant 640 : i32
    %mul3A_11 = arith.muli %arg1, %mul3A_10 : i32
    %add3A_12 = arith.constant 128 : i32
    %add3A_13 = arith.addi %mul3A_11, %add3A_12 : i32
    "tpu.region"() ({
      %run_scoped3A = tpu.sem_alloc : memref<!tpu.dma_semaphore, #tpu.memory_space<semaphore_mem>>
      %dma_start3A_142 = arith.constant 0 : i32
      %dma_start3A_143 = tpu.memref_slice %arg14[%add3A_13, %dma_start3A_142] : memref<10240x128xf32, #tpu.memory_space<vmem_shared>> -> memref<128x128xf32, #tpu.memory_space<vmem_shared>>
      %dma_start3A_144 = arith.constant 0 : i32
      %dma_start3A_145 = tpu.memref_slice %arg14[%add3A_13, %dma_start3A_144] : memref<10240x128xf32, #tpu.memory_space<vmem_shared>> -> memref<128x128xf32, #tpu.memory_space<vmem_shared>>
      tpu.enqueue_dma source(%arg10 : memref<128x128xf32, #tpu.memory_space<vmem>>) target(%dma_start3A_145 : memref<128x128xf32, #tpu.memory_space<vmem_shared>>) target_semaphore(%run_scoped3A : memref<!tpu.dma_semaphore, #tpu.memory_space<semaphore_mem>>)
      %dma_wait3A_146 = arith.constant 0 : i32
      %dma_wait3A_147 = tpu.memref_slice %arg14[%add3A_13, %dma_wait3A_146] : memref<10240x128xf32, #tpu.memory_space<vmem_shared>> -> memref<128x128xf32, #tpu.memory_space<vmem_shared>>
      %dma_wait3A_148 = arith.constant 0 : i32
      %dma_wait3A_149 = tpu.memref_slice %arg14[%add3A_13, %dma_wait3A_148] : memref<10240x128xf32, #tpu.memory_space<vmem_shared>> -> memref<128x128xf32, #tpu.memory_space<vmem_shared>>
      tpu.wait_dma2 semaphore(%run_scoped3A : memref<!tpu.dma_semaphore, #tpu.memory_space<semaphore_mem>>) src(%arg10 : memref<128x128xf32, #tpu.memory_space<vmem>>) dst(%dma_wait3A_149 : memref<128x128xf32, #tpu.memory_space<vmem_shared>>)
      tpu.yield
    }) : () -> ()
    %mul3A_14 = arith.constant 640 : i32
    %mul3A_15 = arith.muli %arg1, %mul3A_14 : i32
    %add3A_16 = arith.constant 256 : i32
    %add3A_17 = arith.addi %mul3A_15, %add3A_16 : i32
    "tpu.region"() ({
      %run_scoped3A = tpu.sem_alloc : memref<!tpu.dma_semaphore, #tpu.memory_space<semaphore_mem>>
      %dma_start3A_142 = arith.constant 0 : i32
      %dma_start3A_143 = tpu.memref_slice %arg14[%add3A_17, %dma_start3A_142] : memref<10240x128xf32, #tpu.memory_space<vmem_shared>> -> memref<128x128xf32, #tpu.memory_space<vmem_shared>>
      %dma_start3A_144 = arith.constant 0 : i32
      %dma_start3A_145 = tpu.memref_slice %arg14[%add3A_17, %dma_start3A_144] : memref<10240x128xf32, #tpu.memory_space<vmem_shared>> -> memref<128x128xf32, #tpu.memory_space<vmem_shared>>
      tpu.enqueue_dma source(%arg10 : memref<128x128xf32, #tpu.memory_space<vmem>>) target(%dma_start3A_145 : memref<128x128xf32, #tpu.memory_space<vmem_shared>>) target_semaphore(%run_scoped3A : memref<!tpu.dma_semaphore, #tpu.memory_space<semaphore_mem>>)
      %dma_wait3A_146 = arith.constant 0 : i32
      %dma_wait3A_147 = tpu.memref_slice %arg14[%add3A_17, %dma_wait3A_146] : memref<10240x128xf32, #tpu.memory_space<vmem_shared>> -> memref<128x128xf32, #tpu.memory_space<vmem_shared>>
      %dma_wait3A_148 = arith.constant 0 : i32
      %dma_wait3A_149 = tpu.memref_slice %arg14[%add3A_17, %dma_wait3A_148] : memref<10240x128xf32, #tpu.memory_space<vmem_shared>> -> memref<128x128xf32, #tpu.memory_space<vmem_shared>>
      tpu.wait_dma2 semaphore(%run_scoped3A : memref<!tpu.dma_semaphore, #tpu.memory_space<semaphore_mem>>) src(%arg10 : memref<128x128xf32, #tpu.memory_space<vmem>>) dst(%dma_wait3A_149 : memref<128x128xf32, #tpu.memory_space<vmem_shared>>)
      tpu.yield
    }) : () -> ()
    %mul3A_18 = arith.constant 640 : i32
    %mul3A_19 = arith.muli %arg1, %mul3A_18 : i32
    %add3A_20 = arith.constant 384 : i32
    %add3A_21 = arith.addi %mul3A_19, %add3A_20 : i32
    "tpu.region"() ({
      %run_scoped3A = tpu.sem_alloc : memref<!tpu.dma_semaphore, #tpu.memory_space<semaphore_mem>>
      %dma_start3A_142 = arith.constant 0 : i32
      %dma_start3A_143 = tpu.memref_slice %arg14[%add3A_21, %dma_start3A_142] : memref<10240x128xf32, #tpu.memory_space<vmem_shared>> -> memref<128x128xf32, #tpu.memory_space<vmem_shared>>
      %dma_start3A_144 = arith.constant 0 : i32
      %dma_start3A_145 = tpu.memref_slice %arg14[%add3A_21, %dma_start3A_144] : memref<10240x128xf32, #tpu.memory_space<vmem_shared>> -> memref<128x128xf32, #tpu.memory_space<vmem_shared>>
      tpu.enqueue_dma source(%arg10 : memref<128x128xf32, #tpu.memory_space<vmem>>) target(%dma_start3A_145 : memref<128x128xf32, #tpu.memory_space<vmem_shared>>) target_semaphore(%run_scoped3A : memref<!tpu.dma_semaphore, #tpu.memory_space<semaphore_mem>>)
      %dma_wait3A_146 = arith.constant 0 : i32
      %dma_wait3A_147 = tpu.memref_slice %arg14[%add3A_21, %dma_wait3A_146] : memref<10240x128xf32, #tpu.memory_space<vmem_shared>> -> memref<128x128xf32, #tpu.memory_space<vmem_shared>>
      %dma_wait3A_148 = arith.constant 0 : i32
      %dma_wait3A_149 = tpu.memref_slice %arg14[%add3A_21, %dma_wait3A_148] : memref<10240x128xf32, #tpu.memory_space<vmem_shared>> -> memref<128x128xf32, #tpu.memory_space<vmem_shared>>
      tpu.wait_dma2 semaphore(%run_scoped3A : memref<!tpu.dma_semaphore, #tpu.memory_space<semaphore_mem>>) src(%arg10 : memref<128x128xf32, #tpu.memory_space<vmem>>) dst(%dma_wait3A_149 : memref<128x128xf32, #tpu.memory_space<vmem_shared>>)
      tpu.yield
    }) : () -> ()
    %mul3A_22 = arith.constant 640 : i32
    %mul3A_23 = arith.muli %arg1, %mul3A_22 : i32
    %add3A_24 = arith.constant 512 : i32
    %add3A_25 = arith.addi %mul3A_23, %add3A_24 : i32
    "tpu.region"() ({
      %run_scoped3A = tpu.sem_alloc : memref<!tpu.dma_semaphore, #tpu.memory_space<semaphore_mem>>
      %dma_start3A_142 = arith.constant 0 : i32
      %dma_start3A_143 = tpu.memref_slice %arg14[%add3A_25, %dma_start3A_142] : memref<10240x128xf32, #tpu.memory_space<vmem_shared>> -> memref<128x128xf32, #tpu.memory_space<vmem_shared>>
      %dma_start3A_144 = arith.constant 0 : i32
      %dma_start3A_145 = tpu.memref_slice %arg14[%add3A_25, %dma_start3A_144] : memref<10240x128xf32, #tpu.memory_space<vmem_shared>> -> memref<128x128xf32, #tpu.memory_space<vmem_shared>>
      tpu.enqueue_dma source(%arg10 : memref<128x128xf32, #tpu.memory_space<vmem>>) target(%dma_start3A_145 : memref<128x128xf32, #tpu.memory_space<vmem_shared>>) target_semaphore(%run_scoped3A : memref<!tpu.dma_semaphore, #tpu.memory_space<semaphore_mem>>)
      %dma_wait3A_146 = arith.constant 0 : i32
      %dma_wait3A_147 = tpu.memref_slice %arg14[%add3A_25, %dma_wait3A_146] : memref<10240x128xf32, #tpu.memory_space<vmem_shared>> -> memref<128x128xf32, #tpu.memory_space<vmem_shared>>
      %dma_wait3A_148 = arith.constant 0 : i32
      %dma_wait3A_149 = tpu.memref_slice %arg14[%add3A_25, %dma_wait3A_148] : memref<10240x128xf32, #tpu.memory_space<vmem_shared>> -> memref<128x128xf32, #tpu.memory_space<vmem_shared>>
      tpu.wait_dma2 semaphore(%run_scoped3A : memref<!tpu.dma_semaphore, #tpu.memory_space<semaphore_mem>>) src(%arg10 : memref<128x128xf32, #tpu.memory_space<vmem>>) dst(%dma_wait3A_149 : memref<128x128xf32, #tpu.memory_space<vmem_shared>>)
      tpu.yield
    }) : () -> ()
    %barrier3A = arith.constant 0 : index
    tpu.barrier barrier_id(%barrier3A)
    %dma_start3A = arith.constant 0 : i32
    %dma_start3A_26 = arith.constant 0 : i32
    %dma_start3A_27 = arith.constant 0 : i32
    %dma_start3A_28 = arith.constant 0 : i32
    %dma_start3A_29 = tpu.memref_slice %arg3[%add3A, %dma_start3A_26, %dma_start3A_27, %dma_start3A_28] : memref<32x80x2x128xi32, #tpu.memory_space<hbm>> -> memref<1x80x2x128xi32, #tpu.memory_space<hbm>>
    %dma_start3A_30 = tpu.memref_squeeze %dma_start3A_29 : memref<1x80x2x128xi32, #tpu.memory_space<hbm>> -> memref<80x2x128xi32, #tpu.memory_space<hbm>>
    %dma_start3A_31 = arith.constant 0 : i32
    %dma_start3A_32 = arith.constant 0 : i32
    %dma_start3A_33 = tpu.memref_slice %dma_start3A_30[%dma_start3A, %dma_start3A_31, %dma_start3A_32] : memref<80x2x128xi32, #tpu.memory_space<hbm>> -> memref<1x2x128xi32, #tpu.memory_space<hbm>>
    %dma_start3A_34 = tpu.memref_squeeze %dma_start3A_33 : memref<1x2x128xi32, #tpu.memory_space<hbm>> -> memref<2x128xi32, #tpu.memory_space<hbm>>
    %dma_start3A_35 = arith.constant 0 : i32
    %dma_start3A_36 = arith.constant 0 : i32
    %dma_start3A_37 = arith.constant 0 : i32
    %dma_start3A_38 = tpu.memref_slice %arg3[%add3A, %dma_start3A_35, %dma_start3A_36, %dma_start3A_37] : memref<32x80x2x128xi32, #tpu.memory_space<hbm>> -> memref<1x80x2x128xi32, #tpu.memory_space<hbm>>
    %dma_start3A_39 = tpu.memref_squeeze %dma_start3A_38 : memref<1x80x2x128xi32, #tpu.memory_space<hbm>> -> memref<80x2x128xi32, #tpu.memory_space<hbm>>
    %dma_start3A_40 = arith.constant 0 : i32
    %dma_start3A_41 = arith.constant 0 : i32
    %dma_start3A_42 = tpu.memref_slice %dma_start3A_39[%dma_start3A, %dma_start3A_40, %dma_start3A_41] : memref<80x2x128xi32, #tpu.memory_space<hbm>> -> memref<1x2x128xi32, #tpu.memory_space<hbm>>
    %dma_start3A_43 = tpu.memref_squeeze %dma_start3A_42 : memref<1x2x128xi32, #tpu.memory_space<hbm>> -> memref<2x128xi32, #tpu.memory_space<hbm>>
    tpu.enqueue_dma source(%dma_start3A_43 : memref<2x128xi32, #tpu.memory_space<hbm>>) target(%arg6 : memref<2x128xi32, #tpu.memory_space<vmem>>) target_semaphore(%arg15 : memref<!tpu.dma_semaphore, #tpu.memory_space<semaphore_mem>>)
    %dma_start3A_44 = arith.constant 0 : i32
    %dma_start3A_45 = arith.constant 0 : i32
    %dma_start3A_46 = arith.constant 0 : i32
    %dma_start3A_47 = tpu.memref_slice %arg4[%add3A, %dma_start3A_45, %dma_start3A_46] : memref<32x80x128xf32, #tpu.memory_space<hbm>> -> memref<1x80x128xf32, #tpu.memory_space<hbm>>
    %dma_start3A_48 = tpu.memref_squeeze %dma_start3A_47 : memref<1x80x128xf32, #tpu.memory_space<hbm>> -> memref<80x128xf32, #tpu.memory_space<hbm>>
    %dma_start3A_49 = arith.constant 0 : i32
    %dma_start3A_50 = tpu.memref_slice %dma_start3A_48[%dma_start3A_44, %dma_start3A_49] : memref<80x128xf32, #tpu.memory_space<hbm>> -> memref<1x128xf32, #tpu.memory_space<hbm>>
    %dma_start3A_51 = tpu.memref_squeeze %dma_start3A_50 : memref<1x128xf32, #tpu.memory_space<hbm>> -> memref<128xf32, #tpu.memory_space<hbm>>
    %dma_start3A_52 = arith.constant 0 : i32
    %dma_start3A_53 = arith.constant 0 : i32
    %dma_start3A_54 = tpu.memref_slice %arg4[%add3A, %dma_start3A_52, %dma_start3A_53] : memref<32x80x128xf32, #tpu.memory_space<hbm>> -> memref<1x80x128xf32, #tpu.memory_space<hbm>>
    %dma_start3A_55 = tpu.memref_squeeze %dma_start3A_54 : memref<1x80x128xf32, #tpu.memory_space<hbm>> -> memref<80x128xf32, #tpu.memory_space<hbm>>
    %dma_start3A_56 = arith.constant 0 : i32
    %dma_start3A_57 = tpu.memref_slice %dma_start3A_55[%dma_start3A_44, %dma_start3A_56] : memref<80x128xf32, #tpu.memory_space<hbm>> -> memref<1x128xf32, #tpu.memory_space<hbm>>
    %dma_start3A_58 = tpu.memref_squeeze %dma_start3A_57 : memref<1x128xf32, #tpu.memory_space<hbm>> -> memref<128xf32, #tpu.memory_space<hbm>>
    tpu.enqueue_dma source(%dma_start3A_58 : memref<128xf32, #tpu.memory_space<hbm>>) target(%arg8 : memref<128xf32, #tpu.memory_space<vmem>>) target_semaphore(%arg17 : memref<!tpu.dma_semaphore, #tpu.memory_space<semaphore_mem>>)
    %dma_start3A_59 = arith.constant 1 : i32
    %dma_start3A_60 = arith.constant 0 : i32
    %dma_start3A_61 = arith.constant 0 : i32
    %dma_start3A_62 = arith.constant 0 : i32
    %dma_start3A_63 = tpu.memref_slice %arg3[%add3A, %dma_start3A_60, %dma_start3A_61, %dma_start3A_62] : memref<32x80x2x128xi32, #tpu.memory_space<hbm>> -> memref<1x80x2x128xi32, #tpu.memory_space<hbm>>
    %dma_start3A_64 = tpu.memref_squeeze %dma_start3A_63 : memref<1x80x2x128xi32, #tpu.memory_space<hbm>> -> memref<80x2x128xi32, #tpu.memory_space<hbm>>
    %dma_start3A_65 = arith.constant 0 : i32
    %dma_start3A_66 = arith.constant 0 : i32
    %dma_start3A_67 = tpu.memref_slice %dma_start3A_64[%dma_start3A_59, %dma_start3A_65, %dma_start3A_66] : memref<80x2x128xi32, #tpu.memory_space<hbm>> -> memref<1x2x128xi32, #tpu.memory_space<hbm>>
    %dma_start3A_68 = tpu.memref_squeeze %dma_start3A_67 : memref<1x2x128xi32, #tpu.memory_space<hbm>> -> memref<2x128xi32, #tpu.memory_space<hbm>>
    %dma_start3A_69 = arith.constant 0 : i32
    %dma_start3A_70 = arith.constant 0 : i32
    %dma_start3A_71 = arith.constant 0 : i32
    %dma_start3A_72 = tpu.memref_slice %arg3[%add3A, %dma_start3A_69, %dma_start3A_70, %dma_start3A_71] : memref<32x80x2x128xi32, #tpu.memory_space<hbm>> -> memref<1x80x2x128xi32, #tpu.memory_space<hbm>>
    %dma_start3A_73 = tpu.memref_squeeze %dma_start3A_72 : memref<1x80x2x128xi32, #tpu.memory_space<hbm>> -> memref<80x2x128xi32, #tpu.memory_space<hbm>>
    %dma_start3A_74 = arith.constant 0 : i32
    %dma_start3A_75 = arith.constant 0 : i32
    %dma_start3A_76 = tpu.memref_slice %dma_start3A_73[%dma_start3A_59, %dma_start3A_74, %dma_start3A_75] : memref<80x2x128xi32, #tpu.memory_space<hbm>> -> memref<1x2x128xi32, #tpu.memory_space<hbm>>
    %dma_start3A_77 = tpu.memref_squeeze %dma_start3A_76 : memref<1x2x128xi32, #tpu.memory_space<hbm>> -> memref<2x128xi32, #tpu.memory_space<hbm>>
    tpu.enqueue_dma source(%dma_start3A_77 : memref<2x128xi32, #tpu.memory_space<hbm>>) target(%arg7 : memref<2x128xi32, #tpu.memory_space<vmem>>) target_semaphore(%arg16 : memref<!tpu.dma_semaphore, #tpu.memory_space<semaphore_mem>>)
    %dma_start3A_78 = arith.constant 1 : i32
    %dma_start3A_79 = arith.constant 0 : i32
    %dma_start3A_80 = arith.constant 0 : i32
    %dma_start3A_81 = tpu.memref_slice %arg4[%add3A, %dma_start3A_79, %dma_start3A_80] : memref<32x80x128xf32, #tpu.memory_space<hbm>> -> memref<1x80x128xf32, #tpu.memory_space<hbm>>
    %dma_start3A_82 = tpu.memref_squeeze %dma_start3A_81 : memref<1x80x128xf32, #tpu.memory_space<hbm>> -> memref<80x128xf32, #tpu.memory_space<hbm>>
    %dma_start3A_83 = arith.constant 0 : i32
    %dma_start3A_84 = tpu.memref_slice %dma_start3A_82[%dma_start3A_78, %dma_start3A_83] : memref<80x128xf32, #tpu.memory_space<hbm>> -> memref<1x128xf32, #tpu.memory_space<hbm>>
    %dma_start3A_85 = tpu.memref_squeeze %dma_start3A_84 : memref<1x128xf32, #tpu.memory_space<hbm>> -> memref<128xf32, #tpu.memory_space<hbm>>
    %dma_start3A_86 = arith.constant 0 : i32
    %dma_start3A_87 = arith.constant 0 : i32
    %dma_start3A_88 = tpu.memref_slice %arg4[%add3A, %dma_start3A_86, %dma_start3A_87] : memref<32x80x128xf32, #tpu.memory_space<hbm>> -> memref<1x80x128xf32, #tpu.memory_space<hbm>>
    %dma_start3A_89 = tpu.memref_squeeze %dma_start3A_88 : memref<1x80x128xf32, #tpu.memory_space<hbm>> -> memref<80x128xf32, #tpu.memory_space<hbm>>
    %dma_start3A_90 = arith.constant 0 : i32
    %dma_start3A_91 = tpu.memref_slice %dma_start3A_89[%dma_start3A_78, %dma_start3A_90] : memref<80x128xf32, #tpu.memory_space<hbm>> -> memref<1x128xf32, #tpu.memory_space<hbm>>
    %dma_start3A_92 = tpu.memref_squeeze %dma_start3A_91 : memref<1x128xf32, #tpu.memory_space<hbm>> -> memref<128xf32, #tpu.memory_space<hbm>>
    tpu.enqueue_dma source(%dma_start3A_92 : memref<128xf32, #tpu.memory_space<hbm>>) target(%arg9 : memref<128xf32, #tpu.memory_space<vmem>>) target_semaphore(%arg18 : memref<!tpu.dma_semaphore, #tpu.memory_space<semaphore_mem>>)
    %dma_wait3A = arith.constant 0 : i32
    %dma_wait3A_93 = arith.constant 0 : i32
    %dma_wait3A_94 = arith.constant 0 : i32
    %dma_wait3A_95 = arith.constant 0 : i32
    %dma_wait3A_96 = tpu.memref_slice %arg3[%add3A, %dma_wait3A_93, %dma_wait3A_94, %dma_wait3A_95] : memref<32x80x2x128xi32, #tpu.memory_space<hbm>> -> memref<1x80x2x128xi32, #tpu.memory_space<hbm>>
    %dma_wait3A_97 = tpu.memref_squeeze %dma_wait3A_96 : memref<1x80x2x128xi32, #tpu.memory_space<hbm>> -> memref<80x2x128xi32, #tpu.memory_space<hbm>>
    %dma_wait3A_98 = arith.constant 0 : i32
    %dma_wait3A_99 = arith.constant 0 : i32
    %dma_wait3A_100 = tpu.memref_slice %dma_wait3A_97[%dma_wait3A, %dma_wait3A_98, %dma_wait3A_99] : memref<80x2x128xi32, #tpu.memory_space<hbm>> -> memref<1x2x128xi32, #tpu.memory_space<hbm>>
    %dma_wait3A_101 = tpu.memref_squeeze %dma_wait3A_100 : memref<1x2x128xi32, #tpu.memory_space<hbm>> -> memref<2x128xi32, #tpu.memory_space<hbm>>
    %dma_wait3A_102 = arith.constant 0 : i32
    %dma_wait3A_103 = arith.constant 0 : i32
    %dma_wait3A_104 = arith.constant 0 : i32
    %dma_wait3A_105 = tpu.memref_slice %arg3[%add3A, %dma_wait3A_102, %dma_wait3A_103, %dma_wait3A_104] : memref<32x80x2x128xi32, #tpu.memory_space<hbm>> -> memref<1x80x2x128xi32, #tpu.memory_space<hbm>>
    %dma_wait3A_106 = tpu.memref_squeeze %dma_wait3A_105 : memref<1x80x2x128xi32, #tpu.memory_space<hbm>> -> memref<80x2x128xi32, #tpu.memory_space<hbm>>
    %dma_wait3A_107 = arith.constant 0 : i32
    %dma_wait3A_108 = arith.constant 0 : i32
    %dma_wait3A_109 = tpu.memref_slice %dma_wait3A_106[%dma_wait3A, %dma_wait3A_107, %dma_wait3A_108] : memref<80x2x128xi32, #tpu.memory_space<hbm>> -> memref<1x2x128xi32, #tpu.memory_space<hbm>>
    %dma_wait3A_110 = tpu.memref_squeeze %dma_wait3A_109 : memref<1x2x128xi32, #tpu.memory_space<hbm>> -> memref<2x128xi32, #tpu.memory_space<hbm>>
    tpu.wait_dma2 semaphore(%arg15 : memref<!tpu.dma_semaphore, #tpu.memory_space<semaphore_mem>>) src(%dma_wait3A_110 : memref<2x128xi32, #tpu.memory_space<hbm>>) dst(%arg6 : memref<2x128xi32, #tpu.memory_space<vmem>>)
    %dma_start3A_111 = arith.constant 0 : i32
    %dma_start3A_112 = arith.constant 0 : i32
    %dma_start3A_113 = tpu.memref_slice %arg6[%dma_start3A_111, %dma_start3A_112] : memref<2x128xi32, #tpu.memory_space<vmem>> -> memref<1x128xi32, #tpu.memory_space<vmem>>
    %dma_start3A_114 = tpu.memref_squeeze %dma_start3A_113 : memref<1x128xi32, #tpu.memory_space<vmem>> -> memref<128xi32, #tpu.memory_space<vmem>>
    %dma_start3A_115 = arith.constant 0 : i32
    %dma_start3A_116 = arith.constant 0 : i32
    %dma_start3A_117 = tpu.memref_slice %arg2[%dma_start3A_115, %dma_start3A_116] : memref<10000x128xf32, #tpu.memory_space<hbm>> -> memref<10000x128xf32, #tpu.memory_space<hbm>>
    tpu.enqueue_indirect_dma source(%dma_start3A_117 : memref<10000x128xf32, #tpu.memory_space<hbm>>) target(%arg10 : memref<128x128xf32, #tpu.memory_space<vmem>>) offsets(%dma_start3A_114 : memref<128xi32, #tpu.memory_space<vmem>>) semaphore(%arg19 : memref<!tpu.dma_semaphore, #tpu.memory_space<semaphore_mem>>)
    %scan3A_118 = arith.constant 0 : i32
    %scan3A_119 = arith.constant 40 : i32
    %scan3A_120 = arith.addi %scan3A_118, %scan3A_119 : i32
    %scan3A_121 = arith.constant 1 : i32
    scf.for %scan3A_142 = %scan3A_118 to %scan3A_120 step %scan3A_121  : i32 {
      %mul3A_143 = arith.constant 2 : i32
      %mul3A_144 = arith.muli %scan3A_142, %mul3A_143 : i32
      %add3A_145 = arith.constant 0 : i32
      %add3A_146 = arith.addi %add3A_145, %mul3A_144 : i32
      %add3A_147 = arith.constant 0 : i32
      %add3A_148 = arith.addi %add3A_146, %add3A_147 : i32
      %add3A_149 = arith.constant 1 : i32
      %add3A_150 = arith.addi %add3A_148, %add3A_149 : i32
      %lt3A = arith.constant 80 : i32
      %lt3A_151 = arith.cmpi slt, %add3A_150, %lt3A : i32
      %convert_element_type3A = arith.extui %lt3A_151 : i1 to i32
      %cond3A = arith.constant 0 : i32
      %cond3A_152 = arith.cmpi ne, %convert_element_type3A, %cond3A : i32
      scf.if %cond3A_152 {
        %ge3A = arith.constant 1 : i32
        %ge3A_242 = arith.cmpi sge, %add3A_148, %ge3A : i32
        %convert_element_type3A_243 = arith.extui %ge3A_242 : i1 to i32
        %cond3A_244 = arith.constant 0 : i32
        %cond3A_245 = arith.cmpi ne, %convert_element_type3A_243, %cond3A_244 : i32
        scf.if %cond3A_245 {
          %dma_wait3A_275 = arith.constant 0 : i32
          %dma_wait3A_276 = arith.constant 0 : i32
          %dma_wait3A_277 = tpu.memref_slice %arg13[%dma_wait3A_275, %dma_wait3A_276] : memref<1x128xi32, #tpu.memory_space<vmem>> -> memref<1x128xi32, #tpu.memory_space<vmem>>
          %dma_wait3A_278 = tpu.memref_squeeze %dma_wait3A_277 : memref<1x128xi32, #tpu.memory_space<vmem>> -> memref<128xi32, #tpu.memory_space<vmem>>
          %dma_wait3A_279 = arith.constant 0 : i32
          %dma_wait3A_280 = arith.constant 0 : i32
          %dma_wait3A_281 = tpu.memref_slice %arg14[%dma_wait3A_279, %dma_wait3A_280] : memref<10240x128xf32, #tpu.memory_space<vmem_shared>> -> memref<10240x128xf32, #tpu.memory_space<vmem_shared>>
          tpu.wait_indirect_dma semaphore(%arg22 : memref<!tpu.dma_semaphore, #tpu.memory_space<semaphore_mem>>) src(%arg11 : memref<128x128xf32, #tpu.memory_space<vmem>>) dst(%dma_wait3A_281 : memref<10240x128xf32, #tpu.memory_space<vmem_shared>>)
        } else {
        }
        %add3A_246 = arith.constant 1 : i32
        %add3A_247 = arith.addi %add3A_148, %add3A_246 : i32
        %dma_wait3A_248 = arith.constant 0 : i32
        %dma_wait3A_249 = arith.constant 0 : i32
        %dma_wait3A_250 = arith.constant 0 : i32
        %dma_wait3A_251 = tpu.memref_slice %arg3[%add3A, %dma_wait3A_248, %dma_wait3A_249, %dma_wait3A_250] : memref<32x80x2x128xi32, #tpu.memory_space<hbm>> -> memref<1x80x2x128xi32, #tpu.memory_space<hbm>>
        %dma_wait3A_252 = tpu.memref_squeeze %dma_wait3A_251 : memref<1x80x2x128xi32, #tpu.memory_space<hbm>> -> memref<80x2x128xi32, #tpu.memory_space<hbm>>
        %dma_wait3A_253 = arith.constant 0 : i32
        %dma_wait3A_254 = arith.constant 0 : i32
        %dma_wait3A_255 = tpu.memref_slice %dma_wait3A_252[%add3A_247, %dma_wait3A_253, %dma_wait3A_254] : memref<80x2x128xi32, #tpu.memory_space<hbm>> -> memref<1x2x128xi32, #tpu.memory_space<hbm>>
        %dma_wait3A_256 = tpu.memref_squeeze %dma_wait3A_255 : memref<1x2x128xi32, #tpu.memory_space<hbm>> -> memref<2x128xi32, #tpu.memory_space<hbm>>
        %dma_wait3A_257 = arith.constant 0 : i32
        %dma_wait3A_258 = arith.constant 0 : i32
        %dma_wait3A_259 = arith.constant 0 : i32
        %dma_wait3A_260 = tpu.memref_slice %arg3[%add3A, %dma_wait3A_257, %dma_wait3A_258, %dma_wait3A_259] : memref<32x80x2x128xi32, #tpu.memory_space<hbm>> -> memref<1x80x2x128xi32, #tpu.memory_space<hbm>>
        %dma_wait3A_261 = tpu.memref_squeeze %dma_wait3A_260 : memref<1x80x2x128xi32, #tpu.memory_space<hbm>> -> memref<80x2x128xi32, #tpu.memory_space<hbm>>
        %dma_wait3A_262 = arith.constant 0 : i32
        %dma_wait3A_263 = arith.constant 0 : i32
        %dma_wait3A_264 = tpu.memref_slice %dma_wait3A_261[%add3A_247, %dma_wait3A_262, %dma_wait3A_263] : memref<80x2x128xi32, #tpu.memory_space<hbm>> -> memref<1x2x128xi32, #tpu.memory_space<hbm>>
        %dma_wait3A_265 = tpu.memref_squeeze %dma_wait3A_264 : memref<1x2x128xi32, #tpu.memory_space<hbm>> -> memref<2x128xi32, #tpu.memory_space<hbm>>
        tpu.wait_dma2 semaphore(%arg16 : memref<!tpu.dma_semaphore, #tpu.memory_space<semaphore_mem>>) src(%dma_wait3A_265 : memref<2x128xi32, #tpu.memory_space<hbm>>) dst(%arg7 : memref<2x128xi32, #tpu.memory_space<vmem>>)
        %add3A_266 = arith.constant 1 : i32
        %add3A_267 = arith.addi %add3A_148, %add3A_266 : i32
        %dma_start3A_268 = arith.constant 0 : i32
        %dma_start3A_269 = arith.constant 0 : i32
        %dma_start3A_270 = tpu.memref_slice %arg7[%dma_start3A_268, %dma_start3A_269] : memref<2x128xi32, #tpu.memory_space<vmem>> -> memref<1x128xi32, #tpu.memory_space<vmem>>
        %dma_start3A_271 = tpu.memref_squeeze %dma_start3A_270 : memref<1x128xi32, #tpu.memory_space<vmem>> -> memref<128xi32, #tpu.memory_space<vmem>>
        %dma_start3A_272 = arith.constant 0 : i32
        %dma_start3A_273 = arith.constant 0 : i32
        %dma_start3A_274 = tpu.memref_slice %arg2[%dma_start3A_272, %dma_start3A_273] : memref<10000x128xf32, #tpu.memory_space<hbm>> -> memref<10000x128xf32, #tpu.memory_space<hbm>>
        tpu.enqueue_indirect_dma source(%dma_start3A_274 : memref<10000x128xf32, #tpu.memory_space<hbm>>) target(%arg11 : memref<128x128xf32, #tpu.memory_space<vmem>>) offsets(%dma_start3A_271 : memref<128xi32, #tpu.memory_space<vmem>>) semaphore(%arg20 : memref<!tpu.dma_semaphore, #tpu.memory_space<semaphore_mem>>)
      } else {
      }
      %dma_wait3A_153 = arith.constant 0 : i32
      %dma_wait3A_154 = arith.constant 0 : i32
      %dma_wait3A_155 = tpu.memref_slice %arg6[%dma_wait3A_153, %dma_wait3A_154] : memref<2x128xi32, #tpu.memory_space<vmem>> -> memref<1x128xi32, #tpu.memory_space<vmem>>
      %dma_wait3A_156 = tpu.memref_squeeze %dma_wait3A_155 : memref<1x128xi32, #tpu.memory_space<vmem>> -> memref<128xi32, #tpu.memory_space<vmem>>
      %dma_wait3A_157 = arith.constant 0 : i32
      %dma_wait3A_158 = arith.constant 0 : i32
      %dma_wait3A_159 = tpu.memref_slice %arg2[%dma_wait3A_157, %dma_wait3A_158] : memref<10000x128xf32, #tpu.memory_space<hbm>> -> memref<10000x128xf32, #tpu.memory_space<hbm>>
      tpu.wait_indirect_dma semaphore(%arg19 : memref<!tpu.dma_semaphore, #tpu.memory_space<semaphore_mem>>) src(%dma_wait3A_159 : memref<10000x128xf32, #tpu.memory_space<hbm>>) dst(%arg10 : memref<128x128xf32, #tpu.memory_space<vmem>>)
      %dma_wait3A_160 = arith.constant 0 : i32
      %dma_wait3A_161 = arith.constant 0 : i32
      %dma_wait3A_162 = tpu.memref_slice %arg4[%add3A, %dma_wait3A_160, %dma_wait3A_161] : memref<32x80x128xf32, #tpu.memory_space<hbm>> -> memref<1x80x128xf32, #tpu.memory_space<hbm>>
      %dma_wait3A_163 = tpu.memref_squeeze %dma_wait3A_162 : memref<1x80x128xf32, #tpu.memory_space<hbm>> -> memref<80x128xf32, #tpu.memory_space<hbm>>
      %dma_wait3A_164 = arith.constant 0 : i32
      %dma_wait3A_165 = tpu.memref_slice %dma_wait3A_163[%add3A_148, %dma_wait3A_164] : memref<80x128xf32, #tpu.memory_space<hbm>> -> memref<1x128xf32, #tpu.memory_space<hbm>>
      %dma_wait3A_166 = tpu.memref_squeeze %dma_wait3A_165 : memref<1x128xf32, #tpu.memory_space<hbm>> -> memref<128xf32, #tpu.memory_space<hbm>>
      %dma_wait3A_167 = arith.constant 0 : i32
      %dma_wait3A_168 = arith.constant 0 : i32
      %dma_wait3A_169 = tpu.memref_slice %arg4[%add3A, %dma_wait3A_167, %dma_wait3A_168] : memref<32x80x128xf32, #tpu.memory_space<hbm>> -> memref<1x80x128xf32, #tpu.memory_space<hbm>>
      %dma_wait3A_170 = tpu.memref_squeeze %dma_wait3A_169 : memref<1x80x128xf32, #tpu.memory_space<hbm>> -> memref<80x128xf32, #tpu.memory_space<hbm>>
      %dma_wait3A_171 = arith.constant 0 : i32
      %dma_wait3A_172 = tpu.memref_slice %dma_wait3A_170[%add3A_148, %dma_wait3A_171] : memref<80x128xf32, #tpu.memory_space<hbm>> -> memref<1x128xf32, #tpu.memory_space<hbm>>
      %dma_wait3A_173 = tpu.memref_squeeze %dma_wait3A_172 : memref<1x128xf32, #tpu.memory_space<hbm>> -> memref<128xf32, #tpu.memory_space<hbm>>
      tpu.wait_dma2 semaphore(%arg17 : memref<!tpu.dma_semaphore, #tpu.memory_space<semaphore_mem>>) src(%dma_wait3A_173 : memref<128xf32, #tpu.memory_space<hbm>>) dst(%arg8 : memref<128xf32, #tpu.memory_space<vmem>>)
      %scan3A_174 = arith.constant 0 : i32
      %scan3A_175 = arith.constant 8 : i32
      %scan3A_176 = arith.addi %scan3A_174, %scan3A_175 : i32
      %scan3A_177 = arith.constant 1 : i32
      scf.for %scan3A_242 = %scan3A_174 to %scan3A_176 step %scan3A_177  : i32 {
        %mul3A_243 = arith.constant 1 : i32
        %mul3A_244 = arith.muli %scan3A_242, %mul3A_243 : i32
        %add3A_245 = arith.constant 0 : i32
        %add3A_246 = arith.addi %add3A_245, %mul3A_244 : i32
        %mul3A_247 = arith.constant 16 : i32
        %mul3A_248 = arith.muli %add3A_246, %mul3A_247 : i32
        %get3A = arith.index_cast %mul3A_248 : i32 to index
        %get3A_249 = tpu.vector_load %arg8[%get3A] {strides = array<i32>} : memref<128xf32, #tpu.memory_space<vmem>>, vector<16xf32>,
        %get3A_250 = arith.constant 1 : i32
        %get3A_251 = arith.index_cast %get3A_250 : i32 to index
        %get3A_252 = arith.index_cast %mul3A_248 : i32 to index
        %get3A_253 = tpu.vector_load %arg6[%get3A_251, %get3A_252] {strides = array<i32>} : memref<2x128xi32, #tpu.memory_space<vmem>>, vector<16xi32>,
        %swap3A = arith.constant 0 : i32
        %swap3A_254 = arith.index_cast %swap3A : i32 to index
        %swap3A_255 = arith.index_cast %mul3A_248 : i32 to index
        %swap3A_256 = tpu.vector_load %arg12[%swap3A_254, %swap3A_255] {strides = array<i32>} : memref<1x128xi32, #tpu.memory_space<vmem>>, vector<16xi32>,
        tpu.vector_store %arg12[%swap3A_254, %swap3A_255], %get3A_253 {strides = array<i32>} : memref<1x128xi32, #tpu.memory_space<vmem>>, vector<16xi32>,
        %slice3A = vector.extract_strided_slice %get3A_249 {offsets = [0], sizes = [1], strides = [1]} : vector<16xf32> to vector<1xf32>
        %squeeze3A = vector.extract %slice3A[0] : f32 from vector<1xf32>
        %mul3A_257 = arith.constant 16 : i32
        %mul3A_258 = arith.muli %add3A_246, %mul3A_257 : i32
        %add3A_259 = arith.constant 0 : i32
        %add3A_260 = arith.addi %mul3A_258, %add3A_259 : i32
        %get3A_261 = arith.index_cast %add3A_260 : i32 to index
        %get3A_262 = arith.constant 0 : index
        %get3A_263 = tpu.vector_load %arg10[%get3A_261, %get3A_262] {strides = array<i32>} : memref<128x128xf32, #tpu.memory_space<vmem>>, vector<16xf32>,
        %mul3A_264 = vector.broadcast %squeeze3A : f32 to vector<16xf32>
        %mul3A_265 = arith.mulf %get3A_263, %mul3A_264 : vector<16xf32>
        %swap3A_266 = arith.index_cast %add3A_260 : i32 to index
        %swap3A_267 = arith.constant 0 : index
        %swap3A_268 = tpu.vector_load %arg10[%swap3A_266, %swap3A_267] {strides = array<i32>} : memref<128x128xf32, #tpu.memory_space<vmem>>, vector<16xf32>,
        tpu.vector_store %arg10[%swap3A_266, %swap3A_267], %mul3A_265 {strides = array<i32>} : memref<128x128xf32, #tpu.memory_space<vmem>>, vector<16xf32>,
        %get3A_269 = arith.index_cast %add3A_260 : i32 to index
        %get3A_270 = arith.constant 16 : index
        %get3A_271 = tpu.vector_load %arg10[%get3A_269, %get3A_270] {strides = array<i32>} : memref<128x128xf32, #tpu.memory_space<vmem>>, vector<16xf32>,
        %mul3A_272 = vector.broadcast %squeeze3A : f32 to vector<16xf32>
        %mul3A_273 = arith.mulf %get3A_271, %mul3A_272 : vector<16xf32>
        %swap3A_274 = arith.index_cast %add3A_260 : i32 to index
        %swap3A_275 = arith.constant 16 : index
        %swap3A_276 = tpu.vector_load %arg10[%swap3A_274, %swap3A_275] {strides = array<i32>} : memref<128x128xf32, #tpu.memory_space<vmem>>, vector<16xf32>,
        tpu.vector_store %arg10[%swap3A_274, %swap3A_275], %mul3A_273 {strides = array<i32>} : memref<128x128xf32, #tpu.memory_space<vmem>>, vector<16xf32>,
        %get3A_277 = arith.index_cast %add3A_260 : i32 to index
        %get3A_278 = arith.constant 32 : index
        %get3A_279 = tpu.vector_load %arg10[%get3A_277, %get3A_278] {strides = array<i32>} : memref<128x128xf32, #tpu.memory_space<vmem>>, vector<16xf32>,
        %mul3A_280 = vector.broadcast %squeeze3A : f32 to vector<16xf32>
        %mul3A_281 = arith.mulf %get3A_279, %mul3A_280 : vector<16xf32>
        %swap3A_282 = arith.index_cast %add3A_260 : i32 to index
        %swap3A_283 = arith.constant 32 : index
        %swap3A_284 = tpu.vector_load %arg10[%swap3A_282, %swap3A_283] {strides = array<i32>} : memref<128x128xf32, #tpu.memory_space<vmem>>, vector<16xf32>,
        tpu.vector_store %arg10[%swap3A_282, %swap3A_283], %mul3A_281 {strides = array<i32>} : memref<128x128xf32, #tpu.memory_space<vmem>>, vector<16xf32>,
        %get3A_285 = arith.index_cast %add3A_260 : i32 to index
        %get3A_286 = arith.constant 48 : index
        %get3A_287 = tpu.vector_load %arg10[%get3A_285, %get3A_286] {strides = array<i32>} : memref<128x128xf32, #tpu.memory_space<vmem>>, vector<16xf32>,
        %mul3A_288 = vector.broadcast %squeeze3A : f32 to vector<16xf32>
        %mul3A_289 = arith.mulf %get3A_287, %mul3A_288 : vector<16xf32>
        %swap3A_290 = arith.index_cast %add3A_260 : i32 to index
        %swap3A_291 = arith.constant 48 : index
        %swap3A_292 = tpu.vector_load %arg10[%swap3A_290, %swap3A_291] {strides = array<i32>} : memref<128x128xf32, #tpu.memory_space<vmem>>, vector<16xf32>,
        tpu.vector_store %arg10[%swap3A_290, %swap3A_291], %mul3A_289 {strides = array<i32>} : memref<128x128xf32, #tpu.memory_space<vmem>>, vector<16xf32>,
        %get3A_293 = arith.index_cast %add3A_260 : i32 to index
        %get3A_294 = arith.constant 64 : index
        %get3A_295 = tpu.vector_load %arg10[%get3A_293, %get3A_294] {strides = array<i32>} : memref<128x128xf32, #tpu.memory_space<vmem>>, vector<16xf32>,
        %mul3A_296 = vector.broadcast %squeeze3A : f32 to vector<16xf32>
        %mul3A_297 = arith.mulf %get3A_295, %mul3A_296 : vector<16xf32>
        %swap3A_298 = arith.index_cast %add3A_260 : i32 to index
        %swap3A_299 = arith.constant 64 : index
        %swap3A_300 = tpu.vector_load %arg10[%swap3A_298, %swap3A_299] {strides = array<i32>} : memref<128x128xf32, #tpu.memory_space<vmem>>, vector<16xf32>,
        tpu.vector_store %arg10[%swap3A_298, %swap3A_299], %mul3A_297 {strides = array<i32>} : memref<128x128xf32, #tpu.memory_space<vmem>>, vector<16xf32>,
        %get3A_301 = arith.index_cast %add3A_260 : i32 to index
        %get3A_302 = arith.constant 80 : index
        %get3A_303 = tpu.vector_load %arg10[%get3A_301, %get3A_302] {strides = array<i32>} : memref<128x128xf32, #tpu.memory_space<vmem>>, vector<16xf32>,
        %mul3A_304 = vector.broadcast %squeeze3A : f32 to vector<16xf32>
        %mul3A_305 = arith.mulf %get3A_303, %mul3A_304 : vector<16xf32>
        %swap3A_306 = arith.index_cast %add3A_260 : i32 to index
        %swap3A_307 = arith.constant 80 : index
        %swap3A_308 = tpu.vector_load %arg10[%swap3A_306, %swap3A_307] {strides = array<i32>} : memref<128x128xf32, #tpu.memory_space<vmem>>, vector<16xf32>,
        tpu.vector_store %arg10[%swap3A_306, %swap3A_307], %mul3A_305 {strides = array<i32>} : memref<128x128xf32, #tpu.memory_space<vmem>>, vector<16xf32>,
        %get3A_309 = arith.index_cast %add3A_260 : i32 to index
        %get3A_310 = arith.constant 96 : index
        %get3A_311 = tpu.vector_load %arg10[%get3A_309, %get3A_310] {strides = array<i32>} : memref<128x128xf32, #tpu.memory_space<vmem>>, vector<16xf32>,
        %mul3A_312 = vector.broadcast %squeeze3A : f32 to vector<16xf32>
        %mul3A_313 = arith.mulf %get3A_311, %mul3A_312 : vector<16xf32>
        %swap3A_314 = arith.index_cast %add3A_260 : i32 to index
        %swap3A_315 = arith.constant 96 : index
        %swap3A_316 = tpu.vector_load %arg10[%swap3A_314, %swap3A_315] {strides = array<i32>} : memref<128x128xf32, #tpu.memory_space<vmem>>, vector<16xf32>,
        tpu.vector_store %arg10[%swap3A_314, %swap3A_315], %mul3A_313 {strides = array<i32>} : memref<128x128xf32, #tpu.memory_space<vmem>>, vector<16xf32>,
        %get3A_317 = arith.index_cast %add3A_260 : i32 to index
        %get3A_318 = arith.constant 112 : index
        %get3A_319 = tpu.vector_load %arg10[%get3A_317, %get3A_318] {strides = array<i32>} : memref<128x128xf32, #tpu.memory_space<vmem>>, vector<16xf32>,
        %mul3A_320 = vector.broadcast %squeeze3A : f32 to vector<16xf32>
        %mul3A_321 = arith.mulf %get3A_319, %mul3A_320 : vector<16xf32>
        %swap3A_322 = arith.index_cast %add3A_260 : i32 to index
        %swap3A_323 = arith.constant 112 : index
        %swap3A_324 = tpu.vector_load %arg10[%swap3A_322, %swap3A_323] {strides = array<i32>} : memref<128x128xf32, #tpu.memory_space<vmem>>, vector<16xf32>,
        tpu.vector_store %arg10[%swap3A_322, %swap3A_323], %mul3A_321 {strides = array<i32>} : memref<128x128xf32, #tpu.memory_space<vmem>>, vector<16xf32>,
        %slice3A_325 = vector.extract_strided_slice %get3A_249 {offsets = [1], sizes = [1], strides = [1]} : vector<16xf32> to vector<1xf32>
        %squeeze3A_326 = vector.extract %slice3A_325[0] : f32 from vector<1xf32>
        %mul3A_327 = arith.constant 16 : i32
        %mul3A_328 = arith.muli %add3A_246, %mul3A_327 : i32
        %add3A_329 = arith.constant 1 : i32
        %add3A_330 = arith.addi %mul3A_328, %add3A_329 : i32
        %get3A_331 = arith.index_cast %add3A_330 : i32 to index
        %get3A_332 = arith.constant 0 : index
        %get3A_333 = tpu.vector_load %arg10[%get3A_331, %get3A_332] {strides = array<i32>} : memref<128x128xf32, #tpu.memory_space<vmem>>, vector<16xf32>,
        %mul3A_334 = vector.broadcast %squeeze3A_326 : f32 to vector<16xf32>
        %mul3A_335 = arith.mulf %get3A_333, %mul3A_334 : vector<16xf32>
        %swap3A_336 = arith.index_cast %add3A_330 : i32 to index
        %swap3A_337 = arith.constant 0 : index
        %swap3A_338 = tpu.vector_load %arg10[%swap3A_336, %swap3A_337] {strides = array<i32>} : memref<128x128xf32, #tpu.memory_space<vmem>>, vector<16xf32>,
        tpu.vector_store %arg10[%swap3A_336, %swap3A_337], %mul3A_335 {strides = array<i32>} : memref<128x128xf32, #tpu.memory_space<vmem>>, vector<16xf32>,
        %get3A_339 = arith.index_cast %add3A_330 : i32 to index
        %get3A_340 = arith.constant 16 : index
        %get3A_341 = tpu.vector_load %arg10[%get3A_339, %get3A_340] {strides = array<i32>} : memref<128x128xf32, #tpu.memory_space<vmem>>, vector<16xf32>,
        %mul3A_342 = vector.broadcast %squeeze3A_326 : f32 to vector<16xf32>
        %mul3A_343 = arith.mulf %get3A_341, %mul3A_342 : vector<16xf32>
        %swap3A_344 = arith.index_cast %add3A_330 : i32 to index
        %swap3A_345 = arith.constant 16 : index
        %swap3A_346 = tpu.vector_load %arg10[%swap3A_344, %swap3A_345] {strides = array<i32>} : memref<128x128xf32, #tpu.memory_space<vmem>>, vector<16xf32>,
        tpu.vector_store %arg10[%swap3A_344, %swap3A_345], %mul3A_343 {strides = array<i32>} : memref<128x128xf32, #tpu.memory_space<vmem>>, vector<16xf32>,
        %get3A_347 = arith.index_cast %add3A_330 : i32 to index
        %get3A_348 = arith.constant 32 : index
        %get3A_349 = tpu.vector_load %arg10[%get3A_347, %get3A_348] {strides = array<i32>} : memref<128x128xf32, #tpu.memory_space<vmem>>, vector<16xf32>,
        %mul3A_350 = vector.broadcast %squeeze3A_326 : f32 to vector<16xf32>
        %mul3A_351 = arith.mulf %get3A_349, %mul3A_350 : vector<16xf32>
        %swap3A_352 = arith.index_cast %add3A_330 : i32 to index
        %swap3A_353 = arith.constant 32 : index
        %swap3A_354 = tpu.vector_load %arg10[%swap3A_352, %swap3A_353] {strides = array<i32>} : memref<128x128xf32, #tpu.memory_space<vmem>>, vector<16xf32>,
        tpu.vector_store %arg10[%swap3A_352, %swap3A_353], %mul3A_351 {strides = array<i32>} : memref<128x128xf32, #tpu.memory_space<vmem>>, vector<16xf32>,
        %get3A_355 = arith.index_cast %add3A_330 : i32 to index
        %get3A_356 = arith.constant 48 : index
        %get3A_357 = tpu.vector_load %arg10[%get3A_355, %get3A_356] {strides = array<i32>} : memref<128x128xf32, #tpu.memory_space<vmem>>, vector<16xf32>,
        %mul3A_358 = vector.broadcast %squeeze3A_326 : f32 to vector<16xf32>
        %mul3A_359 = arith.mulf %get3A_357, %mul3A_358 : vector<16xf32>
        %swap3A_360 = arith.index_cast %add3A_330 : i32 to index
        %swap3A_361 = arith.constant 48 : index
        %swap3A_362 = tpu.vector_load %arg10[%swap3A_360, %swap3A_361] {strides = array<i32>} : memref<128x128xf32, #tpu.memory_space<vmem>>, vector<16xf32>,
        tpu.vector_store %arg10[%swap3A_360, %swap3A_361], %mul3A_359 {strides = array<i32>} : memref<128x128xf32, #tpu.memory_space<vmem>>, vector<16xf32>,
        %get3A_363 = arith.index_cast %add3A_330 : i32 to index
        %get3A_364 = arith.constant 64 : index
        %get3A_365 = tpu.vector_load %arg10[%get3A_363, %get3A_364] {strides = array<i32>} : memref<128x128xf32, #tpu.memory_space<vmem>>, vector<16xf32>,
        %mul3A_366 = vector.broadcast %squeeze3A_326 : f32 to vector<16xf32>
        %mul3A_367 = arith.mulf %get3A_365, %mul3A_366 : vector<16xf32>
        %swap3A_368 = arith.index_cast %add3A_330 : i32 to index
        %swap3A_369 = arith.constant 64 : index
        %swap3A_370 = tpu.vector_load %arg10[%swap3A_368, %swap3A_369] {strides = array<i32>} : memref<128x128xf32, #tpu.memory_space<vmem>>, vector<16xf32>,
        tpu.vector_store %arg10[%swap3A_368, %swap3A_369], %mul3A_367 {strides = array<i32>} : memref<128x128xf32, #tpu.memory_space<vmem>>, vector<16xf32>,
        %get3A_371 = arith.index_cast %add3A_330 : i32 to index
        %get3A_372 = arith.constant 80 : index
        %get3A_373 = tpu.vector_load %arg10[%get3A_371, %get3A_372] {strides = array<i32>} : memref<128x128xf32, #tpu.memory_space<vmem>>, vector<16xf32>,
        %mul3A_374 = vector.broadcast %squeeze3A_326 : f32 to vector<16xf32>
        %mul3A_375 = arith.mulf %get3A_373, %mul3A_374 : vector<16xf32>
        %swap3A_376 = arith.index_cast %add3A_330 : i32 to index
        %swap3A_377 = arith.constant 80 : index
        %swap3A_378 = tpu.vector_load %arg10[%swap3A_376, %swap3A_377] {strides = array<i32>} : memref<128x128xf32, #tpu.memory_space<vmem>>, vector<16xf32>,
        tpu.vector_store %arg10[%swap3A_376, %swap3A_377], %mul3A_375 {strides = array<i32>} : memref<128x128xf32, #tpu.memory_space<vmem>>, vector<16xf32>,
        %get3A_379 = arith.index_cast %add3A_330 : i32 to index
        %get3A_380 = arith.constant 96 : index
        %get3A_381 = tpu.vector_load %arg10[%get3A_379, %get3A_380] {strides = array<i32>} : memref<128x128xf32, #tpu.memory_space<vmem>>, vector<16xf32>,
        %mul3A_382 = vector.broadcast %squeeze3A_326 : f32 to vector<16xf32>
        %mul3A_383 = arith.mulf %get3A_381, %mul3A_382 : vector<16xf32>
        %swap3A_384 = arith.index_cast %add3A_330 : i32 to index
        %swap3A_385 = arith.constant 96 : index
        %swap3A_386 = tpu.vector_load %arg10[%swap3A_384, %swap3A_385] {strides = array<i32>} : memref<128x128xf32, #tpu.memory_space<vmem>>, vector<16xf32>,
        tpu.vector_store %arg10[%swap3A_384, %swap3A_385], %mul3A_383 {strides = array<i32>} : memref<128x128xf32, #tpu.memory_space<vmem>>, vector<16xf32>,
        %get3A_387 = arith.index_cast %add3A_330 : i32 to index
        %get3A_388 = arith.constant 112 : index
        %get3A_389 = tpu.vector_load %arg10[%get3A_387, %get3A_388] {strides = array<i32>} : memref<128x128xf32, #tpu.memory_space<vmem>>, vector<16xf32>,
        %mul3A_390 = vector.broadcast %squeeze3A_326 : f32 to vector<16xf32>
        %mul3A_391 = arith.mulf %get3A_389, %mul3A_390 : vector<16xf32>
        %swap3A_392 = arith.index_cast %add3A_330 : i32 to index
        %swap3A_393 = arith.constant 112 : index
        %swap3A_394 = tpu.vector_load %arg10[%swap3A_392, %swap3A_393] {strides = array<i32>} : memref<128x128xf32, #tpu.memory_space<vmem>>, vector<16xf32>,
        tpu.vector_store %arg10[%swap3A_392, %swap3A_393], %mul3A_391 {strides = array<i32>} : memref<128x128xf32, #tpu.memory_space<vmem>>, vector<16xf32>,
        %slice3A_395 = vector.extract_strided_slice %get3A_249 {offsets = [2], sizes = [1], strides = [1]} : vector<16xf32> to vector<1xf32>
        %squeeze3A_396 = vector.extract %slice3A_395[0] : f32 from vector<1xf32>
        %mul3A_397 = arith.constant 16 : i32
        %mul3A_398 = arith.muli %add3A_246, %mul3A_397 : i32
        %add3A_399 = arith.constant 2 : i32
        %add3A_400 = arith.addi %mul3A_398, %add3A_399 : i32
        %get3A_401 = arith.index_cast %add3A_400 : i32 to index
        %get3A_402 = arith.constant 0 : index
        %get3A_403 = tpu.vector_load %arg10[%get3A_401, %get3A_402] {strides = array<i32>} : memref<128x128xf32, #tpu.memory_space<vmem>>, vector<16xf32>,
        %mul3A_404 = vector.broadcast %squeeze3A_396 : f32 to vector<16xf32>
        %mul3A_405 = arith.mulf %get3A_403, %mul3A_404 : vector<16xf32>
        %swap3A_406 = arith.index_cast %add3A_400 : i32 to index
        %swap3A_407 = arith.constant 0 : index
        %swap3A_408 = tpu.vector_load %arg10[%swap3A_406, %swap3A_407] {strides = array<i32>} : memref<128x128xf32, #tpu.memory_space<vmem>>, vector<16xf32>,
        tpu.vector_store %arg10[%swap3A_406, %swap3A_407], %mul3A_405 {strides = array<i32>} : memref<128x128xf32, #tpu.memory_space<vmem>>, vector<16xf32>,
        %get3A_409 = arith.index_cast %add3A_400 : i32 to index
        %get3A_410 = arith.constant 16 : index
        %get3A_411 = tpu.vector_load %arg10[%get3A_409, %get3A_410] {strides = array<i32>} : memref<128x128xf32, #tpu.memory_space<vmem>>, vector<16xf32>,
        %mul3A_412 = vector.broadcast %squeeze3A_396 : f32 to vector<16xf32>
        %mul3A_413 = arith.mulf %get3A_411, %mul3A_412 : vector<16xf32>
        %swap3A_414 = arith.index_cast %add3A_400 : i32 to index
        %swap3A_415 = arith.constant 16 : index
        %swap3A_416 = tpu.vector_load %arg10[%swap3A_414, %swap3A_415] {strides = array<i32>} : memref<128x128xf32, #tpu.memory_space<vmem>>, vector<16xf32>,
        tpu.vector_store %arg10[%swap3A_414, %swap3A_415], %mul3A_413 {strides = array<i32>} : memref<128x128xf32, #tpu.memory_space<vmem>>, vector<16xf32>,
        %get3A_417 = arith.index_cast %add3A_400 : i32 to index
        %get3A_418 = arith.constant 32 : index
        %get3A_419 = tpu.vector_load %arg10[%get3A_417, %get3A_418] {strides = array<i32>} : memref<128x128xf32, #tpu.memory_space<vmem>>, vector<16xf32>,
        %mul3A_420 = vector.broadcast %squeeze3A_396 : f32 to vector<16xf32>
        %mul3A_421 = arith.mulf %get3A_419, %mul3A_420 : vector<16xf32>
        %swap3A_422 = arith.index_cast %add3A_400 : i32 to index
        %swap3A_423 = arith.constant 32 : index
        %swap3A_424 = tpu.vector_load %arg10[%swap3A_422, %swap3A_423] {strides = array<i32>} : memref<128x128xf32, #tpu.memory_space<vmem>>, vector<16xf32>,
        tpu.vector_store %arg10[%swap3A_422, %swap3A_423], %mul3A_421 {strides = array<i32>} : memref<128x128xf32, #tpu.memory_space<vmem>>, vector<16xf32>,
        %get3A_425 = arith.index_cast %add3A_400 : i32 to index
        %get3A_426 = arith.constant 48 : index
        %get3A_427 = tpu.vector_load %arg10[%get3A_425, %get3A_426] {strides = array<i32>} : memref<128x128xf32, #tpu.memory_space<vmem>>, vector<16xf32>,
        %mul3A_428 = vector.broadcast %squeeze3A_396 : f32 to vector<16xf32>
        %mul3A_429 = arith.mulf %get3A_427, %mul3A_428 : vector<16xf32>
        %swap3A_430 = arith.index_cast %add3A_400 : i32 to index
        %swap3A_431 = arith.constant 48 : index
        %swap3A_432 = tpu.vector_load %arg10[%swap3A_430, %swap3A_431] {strides = array<i32>} : memref<128x128xf32, #tpu.memory_space<vmem>>, vector<16xf32>,
        tpu.vector_store %arg10[%swap3A_430, %swap3A_431], %mul3A_429 {strides = array<i32>} : memref<128x128xf32, #tpu.memory_space<vmem>>, vector<16xf32>,
        %get3A_433 = arith.index_cast %add3A_400 : i32 to index
        %get3A_434 = arith.constant 64 : index
        %get3A_435 = tpu.vector_load %arg10[%get3A_433, %get3A_434] {strides = array<i32>} : memref<128x128xf32, #tpu.memory_space<vmem>>, vector<16xf32>,
        %mul3A_436 = vector.broadcast %squeeze3A_396 : f32 to vector<16xf32>
        %mul3A_437 = arith.mulf %get3A_435, %mul3A_436 : vector<16xf32>
        %swap3A_438 = arith.index_cast %add3A_400 : i32 to index
        %swap3A_439 = arith.constant 64 : index
        %swap3A_440 = tpu.vector_load %arg10[%swap3A_438, %swap3A_439] {strides = array<i32>} : memref<128x128xf32, #tpu.memory_space<vmem>>, vector<16xf32>,
        tpu.vector_store %arg10[%swap3A_438, %swap3A_439], %mul3A_437 {strides = array<i32>} : memref<128x128xf32, #tpu.memory_space<vmem>>, vector<16xf32>,
        %get3A_441 = arith.index_cast %add3A_400 : i32 to index
        %get3A_442 = arith.constant 80 : index
        %get3A_443 = tpu.vector_load %arg10[%get3A_441, %get3A_442] {strides = array<i32>} : memref<128x128xf32, #tpu.memory_space<vmem>>, vector<16xf32>,
        %mul3A_444 = vector.broadcast %squeeze3A_396 : f32 to vector<16xf32>
        %mul3A_445 = arith.mulf %get3A_443, %mul3A_444 : vector<16xf32>
        %swap3A_446 = arith.index_cast %add3A_400 : i32 to index
        %swap3A_447 = arith.constant 80 : index
        %swap3A_448 = tpu.vector_load %arg10[%swap3A_446, %swap3A_447] {strides = array<i32>} : memref<128x128xf32, #tpu.memory_space<vmem>>, vector<16xf32>,
        tpu.vector_store %arg10[%swap3A_446, %swap3A_447], %mul3A_445 {strides = array<i32>} : memref<128x128xf32, #tpu.memory_space<vmem>>, vector<16xf32>,
        %get3A_449 = arith.index_cast %add3A_400 : i32 to index
        %get3A_450 = arith.constant 96 : index
        %get3A_451 = tpu.vector_load %arg10[%get3A_449, %get3A_450] {strides = array<i32>} : memref<128x128xf32, #tpu.memory_space<vmem>>, vector<16xf32>,
        %mul3A_452 = vector.broadcast %squeeze3A_396 : f32 to vector<16xf32>
        %mul3A_453 = arith.mulf %get3A_451, %mul3A_452 : vector<16xf32>
        %swap3A_454 = arith.index_cast %add3A_400 : i32 to index
        %swap3A_455 = arith.constant 96 : index
        %swap3A_456 = tpu.vector_load %arg10[%swap3A_454, %swap3A_455] {strides = array<i32>} : memref<128x128xf32, #tpu.memory_space<vmem>>, vector<16xf32>,
        tpu.vector_store %arg10[%swap3A_454, %swap3A_455], %mul3A_453 {strides = array<i32>} : memref<128x128xf32, #tpu.memory_space<vmem>>, vector<16xf32>,
        %get3A_457 = arith.index_cast %add3A_400 : i32 to index
        %get3A_458 = arith.constant 112 : index
        %get3A_459 = tpu.vector_load %arg10[%get3A_457, %get3A_458] {strides = array<i32>} : memref<128x128xf32, #tpu.memory_space<vmem>>, vector<16xf32>,
        %mul3A_460 = vector.broadcast %squeeze3A_396 : f32 to vector<16xf32>
        %mul3A_461 = arith.mulf %get3A_459, %mul3A_460 : vector<16xf32>
        %swap3A_462 = arith.index_cast %add3A_400 : i32 to index
        %swap3A_463 = arith.constant 112 : index
        %swap3A_464 = tpu.vector_load %arg10[%swap3A_462, %swap3A_463] {strides = array<i32>} : memref<128x128xf32, #tpu.memory_space<vmem>>, vector<16xf32>,
        tpu.vector_store %arg10[%swap3A_462, %swap3A_463], %mul3A_461 {strides = array<i32>} : memref<128x128xf32, #tpu.memory_space<vmem>>, vector<16xf32>,
        %slice3A_465 = vector.extract_strided_slice %get3A_249 {offsets = [3], sizes = [1], strides = [1]} : vector<16xf32> to vector<1xf32>
        %squeeze3A_466 = vector.extract %slice3A_465[0] : f32 from vector<1xf32>
        %mul3A_467 = arith.constant 16 : i32
        %mul3A_468 = arith.muli %add3A_246, %mul3A_467 : i32
        %add3A_469 = arith.constant 3 : i32
        %add3A_470 = arith.addi %mul3A_468, %add3A_469 : i32
        %get3A_471 = arith.index_cast %add3A_470 : i32 to index
        %get3A_472 = arith.constant 0 : index
        %get3A_473 = tpu.vector_load %arg10[%get3A_471, %get3A_472] {strides = array<i32>} : memref<128x128xf32, #tpu.memory_space<vmem>>, vector<16xf32>,
        %mul3A_474 = vector.broadcast %squeeze3A_466 : f32 to vector<16xf32>
        %mul3A_475 = arith.mulf %get3A_473, %mul3A_474 : vector<16xf32>
        %swap3A_476 = arith.index_cast %add3A_470 : i32 to index
        %swap3A_477 = arith.constant 0 : index
        %swap3A_478 = tpu.vector_load %arg10[%swap3A_476, %swap3A_477] {strides = array<i32>} : memref<128x128xf32, #tpu.memory_space<vmem>>, vector<16xf32>,
        tpu.vector_store %arg10[%swap3A_476, %swap3A_477], %mul3A_475 {strides = array<i32>} : memref<128x128xf32, #tpu.memory_space<vmem>>, vector<16xf32>,
        %get3A_479 = arith.index_cast %add3A_470 : i32 to index
        %get3A_480 = arith.constant 16 : index
        %get3A_481 = tpu.vector_load %arg10[%get3A_479, %get3A_480] {strides = array<i32>} : memref<128x128xf32, #tpu.memory_space<vmem>>, vector<16xf32>,
        %mul3A_482 = vector.broadcast %squeeze3A_466 : f32 to vector<16xf32>
        %mul3A_483 = arith.mulf %get3A_481, %mul3A_482 : vector<16xf32>
        %swap3A_484 = arith.index_cast %add3A_470 : i32 to index
        %swap3A_485 = arith.constant 16 : index
        %swap3A_486 = tpu.vector_load %arg10[%swap3A_484, %swap3A_485] {strides = array<i32>} : memref<128x128xf32, #tpu.memory_space<vmem>>, vector<16xf32>,
        tpu.vector_store %arg10[%swap3A_484, %swap3A_485], %mul3A_483 {strides = array<i32>} : memref<128x128xf32, #tpu.memory_space<vmem>>, vector<16xf32>,
        %get3A_487 = arith.index_cast %add3A_470 : i32 to index
        %get3A_488 = arith.constant 32 : index
        %get3A_489 = tpu.vector_load %arg10[%get3A_487, %get3A_488] {strides = array<i32>} : memref<128x128xf32, #tpu.memory_space<vmem>>, vector<16xf32>,
        %mul3A_490 = vector.broadcast %squeeze3A_466 : f32 to vector<16xf32>
        %mul3A_491 = arith.mulf %get3A_489, %mul3A_490 : vector<16xf32>
        %swap3A_492 = arith.index_cast %add3A_470 : i32 to index
        %swap3A_493 = arith.constant 32 : index
        %swap3A_494 = tpu.vector_load %arg10[%swap3A_492, %swap3A_493] {strides = array<i32>} : memref<128x128xf32, #tpu.memory_space<vmem>>, vector<16xf32>,
        tpu.vector_store %arg10[%swap3A_492, %swap3A_493], %mul3A_491 {strides = array<i32>} : memref<128x128xf32, #tpu.memory_space<vmem>>, vector<16xf32>,
        %get3A_495 = arith.index_cast %add3A_470 : i32 to index
        %get3A_496 = arith.constant 48 : index
        %get3A_497 = tpu.vector_load %arg10[%get3A_495, %get3A_496] {strides = array<i32>} : memref<128x128xf32, #tpu.memory_space<vmem>>, vector<16xf32>,
        %mul3A_498 = vector.broadcast %squeeze3A_466 : f32 to vector<16xf32>
        %mul3A_499 = arith.mulf %get3A_497, %mul3A_498 : vector<16xf32>
        %swap3A_500 = arith.index_cast %add3A_470 : i32 to index
        %swap3A_501 = arith.constant 48 : index
        %swap3A_502 = tpu.vector_load %arg10[%swap3A_500, %swap3A_501] {strides = array<i32>} : memref<128x128xf32, #tpu.memory_space<vmem>>, vector<16xf32>,
        tpu.vector_store %arg10[%swap3A_500, %swap3A_501], %mul3A_499 {strides = array<i32>} : memref<128x128xf32, #tpu.memory_space<vmem>>, vector<16xf32>,
        %get3A_503 = arith.index_cast %add3A_470 : i32 to index
        %get3A_504 = arith.constant 64 : index
        %get3A_505 = tpu.vector_load %arg10[%get3A_503, %get3A_504] {strides = array<i32>} : memref<128x128xf32, #tpu.memory_space<vmem>>, vector<16xf32>,
        %mul3A_506 = vector.broadcast %squeeze3A_466 : f32 to vector<16xf32>
        %mul3A_507 = arith.mulf %get3A_505, %mul3A_506 : vector<16xf32>
        %swap3A_508 = arith.index_cast %add3A_470 : i32 to index
        %swap3A_509 = arith.constant 64 : index
        %swap3A_510 = tpu.vector_load %arg10[%swap3A_508, %swap3A_509] {strides = array<i32>} : memref<128x128xf32, #tpu.memory_space<vmem>>, vector<16xf32>,
        tpu.vector_store %arg10[%swap3A_508, %swap3A_509], %mul3A_507 {strides = array<i32>} : memref<128x128xf32, #tpu.memory_space<vmem>>, vector<16xf32>,
        %get3A_511 = arith.index_cast %add3A_470 : i32 to index
        %get3A_512 = arith.constant 80 : index
        %get3A_513 = tpu.vector_load %arg10[%get3A_511, %get3A_512] {strides = array<i32>} : memref<128x128xf32, #tpu.memory_space<vmem>>, vector<16xf32>,
        %mul3A_514 = vector.broadcast %squeeze3A_466 : f32 to vector<16xf32>
        %mul3A_515 = arith.mulf %get3A_513, %mul3A_514 : vector<16xf32>
        %swap3A_516 = arith.index_cast %add3A_470 : i32 to index
        %swap3A_517 = arith.constant 80 : index
        %swap3A_518 = tpu.vector_load %arg10[%swap3A_516, %swap3A_517] {strides = array<i32>} : memref<128x128xf32, #tpu.memory_space<vmem>>, vector<16xf32>,
        tpu.vector_store %arg10[%swap3A_516, %swap3A_517], %mul3A_515 {strides = array<i32>} : memref<128x128xf32, #tpu.memory_space<vmem>>, vector<16xf32>,
        %get3A_519 = arith.index_cast %add3A_470 : i32 to index
        %get3A_520 = arith.constant 96 : index
        %get3A_521 = tpu.vector_load %arg10[%get3A_519, %get3A_520] {strides = array<i32>} : memref<128x128xf32, #tpu.memory_space<vmem>>, vector<16xf32>,
        %mul3A_522 = vector.broadcast %squeeze3A_466 : f32 to vector<16xf32>
        %mul3A_523 = arith.mulf %get3A_521, %mul3A_522 : vector<16xf32>
        %swap3A_524 = arith.index_cast %add3A_470 : i32 to index
        %swap3A_525 = arith.constant 96 : index
        %swap3A_526 = tpu.vector_load %arg10[%swap3A_524, %swap3A_525] {strides = array<i32>} : memref<128x128xf32, #tpu.memory_space<vmem>>, vector<16xf32>,
        tpu.vector_store %arg10[%swap3A_524, %swap3A_525], %mul3A_523 {strides = array<i32>} : memref<128x128xf32, #tpu.memory_space<vmem>>, vector<16xf32>,
        %get3A_527 = arith.index_cast %add3A_470 : i32 to index
        %get3A_528 = arith.constant 112 : index
        %get3A_529 = tpu.vector_load %arg10[%get3A_527, %get3A_528] {strides = array<i32>} : memref<128x128xf32, #tpu.memory_space<vmem>>, vector<16xf32>,
        %mul3A_530 = vector.broadcast %squeeze3A_466 : f32 to vector<16xf32>
        %mul3A_531 = arith.mulf %get3A_529, %mul3A_530 : vector<16xf32>
        %swap3A_532 = arith.index_cast %add3A_470 : i32 to index
        %swap3A_533 = arith.constant 112 : index
        %swap3A_534 = tpu.vector_load %arg10[%swap3A_532, %swap3A_533] {strides = array<i32>} : memref<128x128xf32, #tpu.memory_space<vmem>>, vector<16xf32>,
        tpu.vector_store %arg10[%swap3A_532, %swap3A_533], %mul3A_531 {strides = array<i32>} : memref<128x128xf32, #tpu.memory_space<vmem>>, vector<16xf32>,
        %slice3A_535 = vector.extract_strided_slice %get3A_249 {offsets = [4], sizes = [1], strides = [1]} : vector<16xf32> to vector<1xf32>
        %squeeze3A_536 = vector.extract %slice3A_535[0] : f32 from vector<1xf32>
        %mul3A_537 = arith.constant 16 : i32
        %mul3A_538 = arith.muli %add3A_246, %mul3A_537 : i32
        %add3A_539 = arith.constant 4 : i32
        %add3A_540 = arith.addi %mul3A_538, %add3A_539 : i32
        %get3A_541 = arith.index_cast %add3A_540 : i32 to index
        %get3A_542 = arith.constant 0 : index
        %get3A_543 = tpu.vector_load %arg10[%get3A_541, %get3A_542] {strides = array<i32>} : memref<128x128xf32, #tpu.memory_space<vmem>>, vector<16xf32>,
        %mul3A_544 = vector.broadcast %squeeze3A_536 : f32 to vector<16xf32>
        %mul3A_545 = arith.mulf %get3A_543, %mul3A_544 : vector<16xf32>
        %swap3A_546 = arith.index_cast %add3A_540 : i32 to index
        %swap3A_547 = arith.constant 0 : index
        %swap3A_548 = tpu.vector_load %arg10[%swap3A_546, %swap3A_547] {strides = array<i32>} : memref<128x128xf32, #tpu.memory_space<vmem>>, vector<16xf32>,
        tpu.vector_store %arg10[%swap3A_546, %swap3A_547], %mul3A_545 {strides = array<i32>} : memref<128x128xf32, #tpu.memory_space<vmem>>, vector<16xf32>,
        %get3A_549 = arith.index_cast %add3A_540 : i32 to index
        %get3A_550 = arith.constant 16 : index
        %get3A_551 = tpu.vector_load %arg10[%get3A_549, %get3A_550] {strides = array<i32>} : memref<128x128xf32, #tpu.memory_space<vmem>>, vector<16xf32>,
        %mul3A_552 = vector.broadcast %squeeze3A_536 : f32 to vector<16xf32>
        %mul3A_553 = arith.mulf %get3A_551, %mul3A_552 : vector<16xf32>
        %swap3A_554 = arith.index_cast %add3A_540 : i32 to index
        %swap3A_555 = arith.constant 16 : index
        %swap3A_556 = tpu.vector_load %arg10[%swap3A_554, %swap3A_555] {strides = array<i32>} : memref<128x128xf32, #tpu.memory_space<vmem>>, vector<16xf32>,
        tpu.vector_store %arg10[%swap3A_554, %swap3A_555], %mul3A_553 {strides = array<i32>} : memref<128x128xf32, #tpu.memory_space<vmem>>, vector<16xf32>,
        %get3A_557 = arith.index_cast %add3A_540 : i32 to index
        %get3A_558 = arith.constant 32 : index
        %get3A_559 = tpu.vector_load %arg10[%get3A_557, %get3A_558] {strides = array<i32>} : memref<128x128xf32, #tpu.memory_space<vmem>>, vector<16xf32>,
        %mul3A_560 = vector.broadcast %squeeze3A_536 : f32 to vector<16xf32>
        %mul3A_561 = arith.mulf %get3A_559, %mul3A_560 : vector<16xf32>
        %swap3A_562 = arith.index_cast %add3A_540 : i32 to index
        %swap3A_563 = arith.constant 32 : index
        %swap3A_564 = tpu.vector_load %arg10[%swap3A_562, %swap3A_563] {strides = array<i32>} : memref<128x128xf32, #tpu.memory_space<vmem>>, vector<16xf32>,
        tpu.vector_store %arg10[%swap3A_562, %swap3A_563], %mul3A_561 {strides = array<i32>} : memref<128x128xf32, #tpu.memory_space<vmem>>, vector<16xf32>,
        %get3A_565 = arith.index_cast %add3A_540 : i32 to index
        %get3A_566 = arith.constant 48 : index
        %get3A_567 = tpu.vector_load %arg10[%get3A_565, %get3A_566] {strides = array<i32>} : memref<128x128xf32, #tpu.memory_space<vmem>>, vector<16xf32>,
        %mul3A_568 = vector.broadcast %squeeze3A_536 : f32 to vector<16xf32>
        %mul3A_569 = arith.mulf %get3A_567, %mul3A_568 : vector<16xf32>
        %swap3A_570 = arith.index_cast %add3A_540 : i32 to index
        %swap3A_571 = arith.constant 48 : index
        %swap3A_572 = tpu.vector_load %arg10[%swap3A_570, %swap3A_571] {strides = array<i32>} : memref<128x128xf32, #tpu.memory_space<vmem>>, vector<16xf32>,
        tpu.vector_store %arg10[%swap3A_570, %swap3A_571], %mul3A_569 {strides = array<i32>} : memref<128x128xf32, #tpu.memory_space<vmem>>, vector<16xf32>,
        %get3A_573 = arith.index_cast %add3A_540 : i32 to index
        %get3A_574 = arith.constant 64 : index
        %get3A_575 = tpu.vector_load %arg10[%get3A_573, %get3A_574] {strides = array<i32>} : memref<128x128xf32, #tpu.memory_space<vmem>>, vector<16xf32>,
        %mul3A_576 = vector.broadcast %squeeze3A_536 : f32 to vector<16xf32>
        %mul3A_577 = arith.mulf %get3A_575, %mul3A_576 : vector<16xf32>
        %swap3A_578 = arith.index_cast %add3A_540 : i32 to index
        %swap3A_579 = arith.constant 64 : index
        %swap3A_580 = tpu.vector_load %arg10[%swap3A_578, %swap3A_579] {strides = array<i32>} : memref<128x128xf32, #tpu.memory_space<vmem>>, vector<16xf32>,
        tpu.vector_store %arg10[%swap3A_578, %swap3A_579], %mul3A_577 {strides = array<i32>} : memref<128x128xf32, #tpu.memory_space<vmem>>, vector<16xf32>,
        %get3A_581 = arith.index_cast %add3A_540 : i32 to index
        %get3A_582 = arith.constant 80 : index
        %get3A_583 = tpu.vector_load %arg10[%get3A_581, %get3A_582] {strides = array<i32>} : memref<128x128xf32, #tpu.memory_space<vmem>>, vector<16xf32>,
        %mul3A_584 = vector.broadcast %squeeze3A_536 : f32 to vector<16xf32>
        %mul3A_585 = arith.mulf %get3A_583, %mul3A_584 : vector<16xf32>
        %swap3A_586 = arith.index_cast %add3A_540 : i32 to index
        %swap3A_587 = arith.constant 80 : index
        %swap3A_588 = tpu.vector_load %arg10[%swap3A_586, %swap3A_587] {strides = array<i32>} : memref<128x128xf32, #tpu.memory_space<vmem>>, vector<16xf32>,
        tpu.vector_store %arg10[%swap3A_586, %swap3A_587], %mul3A_585 {strides = array<i32>} : memref<128x128xf32, #tpu.memory_space<vmem>>, vector<16xf32>,
        %get3A_589 = arith.index_cast %add3A_540 : i32 to index
        %get3A_590 = arith.constant 96 : index
        %get3A_591 = tpu.vector_load %arg10[%get3A_589, %get3A_590] {strides = array<i32>} : memref<128x128xf32, #tpu.memory_space<vmem>>, vector<16xf32>,
        %mul3A_592 = vector.broadcast %squeeze3A_536 : f32 to vector<16xf32>
        %mul3A_593 = arith.mulf %get3A_591, %mul3A_592 : vector<16xf32>
        %swap3A_594 = arith.index_cast %add3A_540 : i32 to index
        %swap3A_595 = arith.constant 96 : index
        %swap3A_596 = tpu.vector_load %arg10[%swap3A_594, %swap3A_595] {strides = array<i32>} : memref<128x128xf32, #tpu.memory_space<vmem>>, vector<16xf32>,
        tpu.vector_store %arg10[%swap3A_594, %swap3A_595], %mul3A_593 {strides = array<i32>} : memref<128x128xf32, #tpu.memory_space<vmem>>, vector<16xf32>,
        %get3A_597 = arith.index_cast %add3A_540 : i32 to index
        %get3A_598 = arith.constant 112 : index
        %get3A_599 = tpu.vector_load %arg10[%get3A_597, %get3A_598] {strides = array<i32>} : memref<128x128xf32, #tpu.memory_space<vmem>>, vector<16xf32>,
        %mul3A_600 = vector.broadcast %squeeze3A_536 : f32 to vector<16xf32>
        %mul3A_601 = arith.mulf %get3A_599, %mul3A_600 : vector<16xf32>
        %swap3A_602 = arith.index_cast %add3A_540 : i32 to index
        %swap3A_603 = arith.constant 112 : index
        %swap3A_604 = tpu.vector_load %arg10[%swap3A_602, %swap3A_603] {strides = array<i32>} : memref<128x128xf32, #tpu.memory_space<vmem>>, vector<16xf32>,
        tpu.vector_store %arg10[%swap3A_602, %swap3A_603], %mul3A_601 {strides = array<i32>} : memref<128x128xf32, #tpu.memory_space<vmem>>, vector<16xf32>,
        %slice3A_605 = vector.extract_strided_slice %get3A_249 {offsets = [5], sizes = [1], strides = [1]} : vector<16xf32> to vector<1xf32>
        %squeeze3A_606 = vector.extract %slice3A_605[0] : f32 from vector<1xf32>
        %mul3A_607 = arith.constant 16 : i32
        %mul3A_608 = arith.muli %add3A_246, %mul3A_607 : i32
        %add3A_609 = arith.constant 5 : i32
        %add3A_610 = arith.addi %mul3A_608, %add3A_609 : i32
        %get3A_611 = arith.index_cast %add3A_610 : i32 to index
        %get3A_612 = arith.constant 0 : index
        %get3A_613 = tpu.vector_load %arg10[%get3A_611, %get3A_612] {strides = array<i32>} : memref<128x128xf32, #tpu.memory_space<vmem>>, vector<16xf32>,
        %mul3A_614 = vector.broadcast %squeeze3A_606 : f32 to vector<16xf32>
        %mul3A_615 = arith.mulf %get3A_613, %mul3A_614 : vector<16xf32>
        %swap3A_616 = arith.index_cast %add3A_610 : i32 to index
        %swap3A_617 = arith.constant 0 : index
        %swap3A_618 = tpu.vector_load %arg10[%swap3A_616, %swap3A_617] {strides = array<i32>} : memref<128x128xf32, #tpu.memory_space<vmem>>, vector<16xf32>,
        tpu.vector_store %arg10[%swap3A_616, %swap3A_617], %mul3A_615 {strides = array<i32>} : memref<128x128xf32, #tpu.memory_space<vmem>>, vector<16xf32>,
        %get3A_619 = arith.index_cast %add3A_610 : i32 to index
        %get3A_620 = arith.constant 16 : index
        %get3A_621 = tpu.vector_load %arg10[%get3A_619, %get3A_620] {strides = array<i32>} : memref<128x128xf32, #tpu.memory_space<vmem>>, vector<16xf32>,
        %mul3A_622 = vector.broadcast %squeeze3A_606 : f32 to vector<16xf32>
        %mul3A_623 = arith.mulf %get3A_621, %mul3A_622 : vector<16xf32>
        %swap3A_624 = arith.index_cast %add3A_610 : i32 to index
        %swap3A_625 = arith.constant 16 : index
        %swap3A_626 = tpu.vector_load %arg10[%swap3A_624, %swap3A_625] {strides = array<i32>} : memref<128x128xf32, #tpu.memory_space<vmem>>, vector<16xf32>,
        tpu.vector_store %arg10[%swap3A_624, %swap3A_625], %mul3A_623 {strides = array<i32>} : memref<128x128xf32, #tpu.memory_space<vmem>>, vector<16xf32>,
        %get3A_627 = arith.index_cast %add3A_610 : i32 to index
        %get3A_628 = arith.constant 32 : index
        %get3A_629 = tpu.vector_load %arg10[%get3A_627, %get3A_628] {strides = array<i32>} : memref<128x128xf32, #tpu.memory_space<vmem>>, vector<16xf32>,
        %mul3A_630 = vector.broadcast %squeeze3A_606 : f32 to vector<16xf32>
        %mul3A_631 = arith.mulf %get3A_629, %mul3A_630 : vector<16xf32>
        %swap3A_632 = arith.index_cast %add3A_610 : i32 to index
        %swap3A_633 = arith.constant 32 : index
        %swap3A_634 = tpu.vector_load %arg10[%swap3A_632, %swap3A_633] {strides = array<i32>} : memref<128x128xf32, #tpu.memory_space<vmem>>, vector<16xf32>,
        tpu.vector_store %arg10[%swap3A_632, %swap3A_633], %mul3A_631 {strides = array<i32>} : memref<128x128xf32, #tpu.memory_space<vmem>>, vector<16xf32>,
        %get3A_635 = arith.index_cast %add3A_610 : i32 to index
        %get3A_636 = arith.constant 48 : index
        %get3A_637 = tpu.vector_load %arg10[%get3A_635, %get3A_636] {strides = array<i32>} : memref<128x128xf32, #tpu.memory_space<vmem>>, vector<16xf32>,
        %mul3A_638 = vector.broadcast %squeeze3A_606 : f32 to vector<16xf32>
        %mul3A_639 = arith.mulf %get3A_637, %mul3A_638 : vector<16xf32>
        %swap3A_640 = arith.index_cast %add3A_610 : i32 to index
        %swap3A_641 = arith.constant 48 : index
        %swap3A_642 = tpu.vector_load %arg10[%swap3A_640, %swap3A_641] {strides = array<i32>} : memref<128x128xf32, #tpu.memory_space<vmem>>, vector<16xf32>,
        tpu.vector_store %arg10[%swap3A_640, %swap3A_641], %mul3A_639 {strides = array<i32>} : memref<128x128xf32, #tpu.memory_space<vmem>>, vector<16xf32>,
        %get3A_643 = arith.index_cast %add3A_610 : i32 to index
        %get3A_644 = arith.constant 64 : index
        %get3A_645 = tpu.vector_load %arg10[%get3A_643, %get3A_644] {strides = array<i32>} : memref<128x128xf32, #tpu.memory_space<vmem>>, vector<16xf32>,
        %mul3A_646 = vector.broadcast %squeeze3A_606 : f32 to vector<16xf32>
        %mul3A_647 = arith.mulf %get3A_645, %mul3A_646 : vector<16xf32>
        %swap3A_648 = arith.index_cast %add3A_610 : i32 to index
        %swap3A_649 = arith.constant 64 : index
        %swap3A_650 = tpu.vector_load %arg10[%swap3A_648, %swap3A_649] {strides = array<i32>} : memref<128x128xf32, #tpu.memory_space<vmem>>, vector<16xf32>,
        tpu.vector_store %arg10[%swap3A_648, %swap3A_649], %mul3A_647 {strides = array<i32>} : memref<128x128xf32, #tpu.memory_space<vmem>>, vector<16xf32>,
        %get3A_651 = arith.index_cast %add3A_610 : i32 to index
        %get3A_652 = arith.constant 80 : index
        %get3A_653 = tpu.vector_load %arg10[%get3A_651, %get3A_652] {strides = array<i32>} : memref<128x128xf32, #tpu.memory_space<vmem>>, vector<16xf32>,
        %mul3A_654 = vector.broadcast %squeeze3A_606 : f32 to vector<16xf32>
        %mul3A_655 = arith.mulf %get3A_653, %mul3A_654 : vector<16xf32>
        %swap3A_656 = arith.index_cast %add3A_610 : i32 to index
        %swap3A_657 = arith.constant 80 : index
        %swap3A_658 = tpu.vector_load %arg10[%swap3A_656, %swap3A_657] {strides = array<i32>} : memref<128x128xf32, #tpu.memory_space<vmem>>, vector<16xf32>,
        tpu.vector_store %arg10[%swap3A_656, %swap3A_657], %mul3A_655 {strides = array<i32>} : memref<128x128xf32, #tpu.memory_space<vmem>>, vector<16xf32>,
        %get3A_659 = arith.index_cast %add3A_610 : i32 to index
        %get3A_660 = arith.constant 96 : index
        %get3A_661 = tpu.vector_load %arg10[%get3A_659, %get3A_660] {strides = array<i32>} : memref<128x128xf32, #tpu.memory_space<vmem>>, vector<16xf32>,
        %mul3A_662 = vector.broadcast %squeeze3A_606 : f32 to vector<16xf32>
        %mul3A_663 = arith.mulf %get3A_661, %mul3A_662 : vector<16xf32>
        %swap3A_664 = arith.index_cast %add3A_610 : i32 to index
        %swap3A_665 = arith.constant 96 : index
        %swap3A_666 = tpu.vector_load %arg10[%swap3A_664, %swap3A_665] {strides = array<i32>} : memref<128x128xf32, #tpu.memory_space<vmem>>, vector<16xf32>,
        tpu.vector_store %arg10[%swap3A_664, %swap3A_665], %mul3A_663 {strides = array<i32>} : memref<128x128xf32, #tpu.memory_space<vmem>>, vector<16xf32>,
        %get3A_667 = arith.index_cast %add3A_610 : i32 to index
        %get3A_668 = arith.constant 112 : index
        %get3A_669 = tpu.vector_load %arg10[%get3A_667, %get3A_668] {strides = array<i32>} : memref<128x128xf32, #tpu.memory_space<vmem>>, vector<16xf32>,
        %mul3A_670 = vector.broadcast %squeeze3A_606 : f32 to vector<16xf32>
        %mul3A_671 = arith.mulf %get3A_669, %mul3A_670 : vector<16xf32>
        %swap3A_672 = arith.index_cast %add3A_610 : i32 to index
        %swap3A_673 = arith.constant 112 : index
        %swap3A_674 = tpu.vector_load %arg10[%swap3A_672, %swap3A_673] {strides = array<i32>} : memref<128x128xf32, #tpu.memory_space<vmem>>, vector<16xf32>,
        tpu.vector_store %arg10[%swap3A_672, %swap3A_673], %mul3A_671 {strides = array<i32>} : memref<128x128xf32, #tpu.memory_space<vmem>>, vector<16xf32>,
        %slice3A_675 = vector.extract_strided_slice %get3A_249 {offsets = [6], sizes = [1], strides = [1]} : vector<16xf32> to vector<1xf32>
        %squeeze3A_676 = vector.extract %slice3A_675[0] : f32 from vector<1xf32>
        %mul3A_677 = arith.constant 16 : i32
        %mul3A_678 = arith.muli %add3A_246, %mul3A_677 : i32
        %add3A_679 = arith.constant 6 : i32
        %add3A_680 = arith.addi %mul3A_678, %add3A_679 : i32
        %get3A_681 = arith.index_cast %add3A_680 : i32 to index
        %get3A_682 = arith.constant 0 : index
        %get3A_683 = tpu.vector_load %arg10[%get3A_681, %get3A_682] {strides = array<i32>} : memref<128x128xf32, #tpu.memory_space<vmem>>, vector<16xf32>,
        %mul3A_684 = vector.broadcast %squeeze3A_676 : f32 to vector<16xf32>
        %mul3A_685 = arith.mulf %get3A_683, %mul3A_684 : vector<16xf32>
        %swap3A_686 = arith.index_cast %add3A_680 : i32 to index
        %swap3A_687 = arith.constant 0 : index
        %swap3A_688 = tpu.vector_load %arg10[%swap3A_686, %swap3A_687] {strides = array<i32>} : memref<128x128xf32, #tpu.memory_space<vmem>>, vector<16xf32>,
        tpu.vector_store %arg10[%swap3A_686, %swap3A_687], %mul3A_685 {strides = array<i32>} : memref<128x128xf32, #tpu.memory_space<vmem>>, vector<16xf32>,
        %get3A_689 = arith.index_cast %add3A_680 : i32 to index
        %get3A_690 = arith.constant 16 : index
        %get3A_691 = tpu.vector_load %arg10[%get3A_689, %get3A_690] {strides = array<i32>} : memref<128x128xf32, #tpu.memory_space<vmem>>, vector<16xf32>,
        %mul3A_692 = vector.broadcast %squeeze3A_676 : f32 to vector<16xf32>
        %mul3A_693 = arith.mulf %get3A_691, %mul3A_692 : vector<16xf32>
        %swap3A_694 = arith.index_cast %add3A_680 : i32 to index
        %swap3A_695 = arith.constant 16 : index
        %swap3A_696 = tpu.vector_load %arg10[%swap3A_694, %swap3A_695] {strides = array<i32>} : memref<128x128xf32, #tpu.memory_space<vmem>>, vector<16xf32>,
        tpu.vector_store %arg10[%swap3A_694, %swap3A_695], %mul3A_693 {strides = array<i32>} : memref<128x128xf32, #tpu.memory_space<vmem>>, vector<16xf32>,
        %get3A_697 = arith.index_cast %add3A_680 : i32 to index
        %get3A_698 = arith.constant 32 : index
        %get3A_699 = tpu.vector_load %arg10[%get3A_697, %get3A_698] {strides = array<i32>} : memref<128x128xf32, #tpu.memory_space<vmem>>, vector<16xf32>,
        %mul3A_700 = vector.broadcast %squeeze3A_676 : f32 to vector<16xf32>
        %mul3A_701 = arith.mulf %get3A_699, %mul3A_700 : vector<16xf32>
        %swap3A_702 = arith.index_cast %add3A_680 : i32 to index
        %swap3A_703 = arith.constant 32 : index
        %swap3A_704 = tpu.vector_load %arg10[%swap3A_702, %swap3A_703] {strides = array<i32>} : memref<128x128xf32, #tpu.memory_space<vmem>>, vector<16xf32>,
        tpu.vector_store %arg10[%swap3A_702, %swap3A_703], %mul3A_701 {strides = array<i32>} : memref<128x128xf32, #tpu.memory_space<vmem>>, vector<16xf32>,
        %get3A_705 = arith.index_cast %add3A_680 : i32 to index
        %get3A_706 = arith.constant 48 : index
        %get3A_707 = tpu.vector_load %arg10[%get3A_705, %get3A_706] {strides = array<i32>} : memref<128x128xf32, #tpu.memory_space<vmem>>, vector<16xf32>,
        %mul3A_708 = vector.broadcast %squeeze3A_676 : f32 to vector<16xf32>
        %mul3A_709 = arith.mulf %get3A_707, %mul3A_708 : vector<16xf32>
        %swap3A_710 = arith.index_cast %add3A_680 : i32 to index
        %swap3A_711 = arith.constant 48 : index
        %swap3A_712 = tpu.vector_load %arg10[%swap3A_710, %swap3A_711] {strides = array<i32>} : memref<128x128xf32, #tpu.memory_space<vmem>>, vector<16xf32>,
        tpu.vector_store %arg10[%swap3A_710, %swap3A_711], %mul3A_709 {strides = array<i32>} : memref<128x128xf32, #tpu.memory_space<vmem>>, vector<16xf32>,
        %get3A_713 = arith.index_cast %add3A_680 : i32 to index
        %get3A_714 = arith.constant 64 : index
        %get3A_715 = tpu.vector_load %arg10[%get3A_713, %get3A_714] {strides = array<i32>} : memref<128x128xf32, #tpu.memory_space<vmem>>, vector<16xf32>,
        %mul3A_716 = vector.broadcast %squeeze3A_676 : f32 to vector<16xf32>
        %mul3A_717 = arith.mulf %get3A_715, %mul3A_716 : vector<16xf32>
        %swap3A_718 = arith.index_cast %add3A_680 : i32 to index
        %swap3A_719 = arith.constant 64 : index
        %swap3A_720 = tpu.vector_load %arg10[%swap3A_718, %swap3A_719] {strides = array<i32>} : memref<128x128xf32, #tpu.memory_space<vmem>>, vector<16xf32>,
        tpu.vector_store %arg10[%swap3A_718, %swap3A_719], %mul3A_717 {strides = array<i32>} : memref<128x128xf32, #tpu.memory_space<vmem>>, vector<16xf32>,
        %get3A_721 = arith.index_cast %add3A_680 : i32 to index
        %get3A_722 = arith.constant 80 : index
        %get3A_723 = tpu.vector_load %arg10[%get3A_721, %get3A_722] {strides = array<i32>} : memref<128x128xf32, #tpu.memory_space<vmem>>, vector<16xf32>,
        %mul3A_724 = vector.broadcast %squeeze3A_676 : f32 to vector<16xf32>
        %mul3A_725 = arith.mulf %get3A_723, %mul3A_724 : vector<16xf32>
        %swap3A_726 = arith.index_cast %add3A_680 : i32 to index
        %swap3A_727 = arith.constant 80 : index
        %swap3A_728 = tpu.vector_load %arg10[%swap3A_726, %swap3A_727] {strides = array<i32>} : memref<128x128xf32, #tpu.memory_space<vmem>>, vector<16xf32>,
        tpu.vector_store %arg10[%swap3A_726, %swap3A_727], %mul3A_725 {strides = array<i32>} : memref<128x128xf32, #tpu.memory_space<vmem>>, vector<16xf32>,
        %get3A_729 = arith.index_cast %add3A_680 : i32 to index
        %get3A_730 = arith.constant 96 : index
        %get3A_731 = tpu.vector_load %arg10[%get3A_729, %get3A_730] {strides = array<i32>} : memref<128x128xf32, #tpu.memory_space<vmem>>, vector<16xf32>,
        %mul3A_732 = vector.broadcast %squeeze3A_676 : f32 to vector<16xf32>
        %mul3A_733 = arith.mulf %get3A_731, %mul3A_732 : vector<16xf32>
        %swap3A_734 = arith.index_cast %add3A_680 : i32 to index
        %swap3A_735 = arith.constant 96 : index
        %swap3A_736 = tpu.vector_load %arg10[%swap3A_734, %swap3A_735] {strides = array<i32>} : memref<128x128xf32, #tpu.memory_space<vmem>>, vector<16xf32>,
        tpu.vector_store %arg10[%swap3A_734, %swap3A_735], %mul3A_733 {strides = array<i32>} : memref<128x128xf32, #tpu.memory_space<vmem>>, vector<16xf32>,
        %get3A_737 = arith.index_cast %add3A_680 : i32 to index
        %get3A_738 = arith.constant 112 : index
        %get3A_739 = tpu.vector_load %arg10[%get3A_737, %get3A_738] {strides = array<i32>} : memref<128x128xf32, #tpu.memory_space<vmem>>, vector<16xf32>,
        %mul3A_740 = vector.broadcast %squeeze3A_676 : f32 to vector<16xf32>
        %mul3A_741 = arith.mulf %get3A_739, %mul3A_740 : vector<16xf32>
        %swap3A_742 = arith.index_cast %add3A_680 : i32 to index
        %swap3A_743 = arith.constant 112 : index
        %swap3A_744 = tpu.vector_load %arg10[%swap3A_742, %swap3A_743] {strides = array<i32>} : memref<128x128xf32, #tpu.memory_space<vmem>>, vector<16xf32>,
        tpu.vector_store %arg10[%swap3A_742, %swap3A_743], %mul3A_741 {strides = array<i32>} : memref<128x128xf32, #tpu.memory_space<vmem>>, vector<16xf32>,
        %slice3A_745 = vector.extract_strided_slice %get3A_249 {offsets = [7], sizes = [1], strides = [1]} : vector<16xf32> to vector<1xf32>
        %squeeze3A_746 = vector.extract %slice3A_745[0] : f32 from vector<1xf32>
        %mul3A_747 = arith.constant 16 : i32
        %mul3A_748 = arith.muli %add3A_246, %mul3A_747 : i32
        %add3A_749 = arith.constant 7 : i32
        %add3A_750 = arith.addi %mul3A_748, %add3A_749 : i32
        %get3A_751 = arith.index_cast %add3A_750 : i32 to index
        %get3A_752 = arith.constant 0 : index
        %get3A_753 = tpu.vector_load %arg10[%get3A_751, %get3A_752] {strides = array<i32>} : memref<128x128xf32, #tpu.memory_space<vmem>>, vector<16xf32>,
        %mul3A_754 = vector.broadcast %squeeze3A_746 : f32 to vector<16xf32>
        %mul3A_755 = arith.mulf %get3A_753, %mul3A_754 : vector<16xf32>
        %swap3A_756 = arith.index_cast %add3A_750 : i32 to index
        %swap3A_757 = arith.constant 0 : index
        %swap3A_758 = tpu.vector_load %arg10[%swap3A_756, %swap3A_757] {strides = array<i32>} : memref<128x128xf32, #tpu.memory_space<vmem>>, vector<16xf32>,
        tpu.vector_store %arg10[%swap3A_756, %swap3A_757], %mul3A_755 {strides = array<i32>} : memref<128x128xf32, #tpu.memory_space<vmem>>, vector<16xf32>,
        %get3A_759 = arith.index_cast %add3A_750 : i32 to index
        %get3A_760 = arith.constant 16 : index
        %get3A_761 = tpu.vector_load %arg10[%get3A_759, %get3A_760] {strides = array<i32>} : memref<128x128xf32, #tpu.memory_space<vmem>>, vector<16xf32>,
        %mul3A_762 = vector.broadcast %squeeze3A_746 : f32 to vector<16xf32>
        %mul3A_763 = arith.mulf %get3A_761, %mul3A_762 : vector<16xf32>
        %swap3A_764 = arith.index_cast %add3A_750 : i32 to index
        %swap3A_765 = arith.constant 16 : index
        %swap3A_766 = tpu.vector_load %arg10[%swap3A_764, %swap3A_765] {strides = array<i32>} : memref<128x128xf32, #tpu.memory_space<vmem>>, vector<16xf32>,
        tpu.vector_store %arg10[%swap3A_764, %swap3A_765], %mul3A_763 {strides = array<i32>} : memref<128x128xf32, #tpu.memory_space<vmem>>, vector<16xf32>,
        %get3A_767 = arith.index_cast %add3A_750 : i32 to index
        %get3A_768 = arith.constant 32 : index
        %get3A_769 = tpu.vector_load %arg10[%get3A_767, %get3A_768] {strides = array<i32>} : memref<128x128xf32, #tpu.memory_space<vmem>>, vector<16xf32>,
        %mul3A_770 = vector.broadcast %squeeze3A_746 : f32 to vector<16xf32>
        %mul3A_771 = arith.mulf %get3A_769, %mul3A_770 : vector<16xf32>
        %swap3A_772 = arith.index_cast %add3A_750 : i32 to index
        %swap3A_773 = arith.constant 32 : index
        %swap3A_774 = tpu.vector_load %arg10[%swap3A_772, %swap3A_773] {strides = array<i32>} : memref<128x128xf32, #tpu.memory_space<vmem>>, vector<16xf32>,
        tpu.vector_store %arg10[%swap3A_772, %swap3A_773], %mul3A_771 {strides = array<i32>} : memref<128x128xf32, #tpu.memory_space<vmem>>, vector<16xf32>,
        %get3A_775 = arith.index_cast %add3A_750 : i32 to index
        %get3A_776 = arith.constant 48 : index
        %get3A_777 = tpu.vector_load %arg10[%get3A_775, %get3A_776] {strides = array<i32>} : memref<128x128xf32, #tpu.memory_space<vmem>>, vector<16xf32>,
        %mul3A_778 = vector.broadcast %squeeze3A_746 : f32 to vector<16xf32>
        %mul3A_779 = arith.mulf %get3A_777, %mul3A_778 : vector<16xf32>
        %swap3A_780 = arith.index_cast %add3A_750 : i32 to index
        %swap3A_781 = arith.constant 48 : index
        %swap3A_782 = tpu.vector_load %arg10[%swap3A_780, %swap3A_781] {strides = array<i32>} : memref<128x128xf32, #tpu.memory_space<vmem>>, vector<16xf32>,
        tpu.vector_store %arg10[%swap3A_780, %swap3A_781], %mul3A_779 {strides = array<i32>} : memref<128x128xf32, #tpu.memory_space<vmem>>, vector<16xf32>,
        %get3A_783 = arith.index_cast %add3A_750 : i32 to index
        %get3A_784 = arith.constant 64 : index
        %get3A_785 = tpu.vector_load %arg10[%get3A_783, %get3A_784] {strides = array<i32>} : memref<128x128xf32, #tpu.memory_space<vmem>>, vector<16xf32>,
        %mul3A_786 = vector.broadcast %squeeze3A_746 : f32 to vector<16xf32>
        %mul3A_787 = arith.mulf %get3A_785, %mul3A_786 : vector<16xf32>
        %swap3A_788 = arith.index_cast %add3A_750 : i32 to index
        %swap3A_789 = arith.constant 64 : index
        %swap3A_790 = tpu.vector_load %arg10[%swap3A_788, %swap3A_789] {strides = array<i32>} : memref<128x128xf32, #tpu.memory_space<vmem>>, vector<16xf32>,
        tpu.vector_store %arg10[%swap3A_788, %swap3A_789], %mul3A_787 {strides = array<i32>} : memref<128x128xf32, #tpu.memory_space<vmem>>, vector<16xf32>,
        %get3A_791 = arith.index_cast %add3A_750 : i32 to index
        %get3A_792 = arith.constant 80 : index
        %get3A_793 = tpu.vector_load %arg10[%get3A_791, %get3A_792] {strides = array<i32>} : memref<128x128xf32, #tpu.memory_space<vmem>>, vector<16xf32>,
        %mul3A_794 = vector.broadcast %squeeze3A_746 : f32 to vector<16xf32>
        %mul3A_795 = arith.mulf %get3A_793, %mul3A_794 : vector<16xf32>
        %swap3A_796 = arith.index_cast %add3A_750 : i32 to index
        %swap3A_797 = arith.constant 80 : index
        %swap3A_798 = tpu.vector_load %arg10[%swap3A_796, %swap3A_797] {strides = array<i32>} : memref<128x128xf32, #tpu.memory_space<vmem>>, vector<16xf32>,
        tpu.vector_store %arg10[%swap3A_796, %swap3A_797], %mul3A_795 {strides = array<i32>} : memref<128x128xf32, #tpu.memory_space<vmem>>, vector<16xf32>,
        %get3A_799 = arith.index_cast %add3A_750 : i32 to index
        %get3A_800 = arith.constant 96 : index
        %get3A_801 = tpu.vector_load %arg10[%get3A_799, %get3A_800] {strides = array<i32>} : memref<128x128xf32, #tpu.memory_space<vmem>>, vector<16xf32>,
        %mul3A_802 = vector.broadcast %squeeze3A_746 : f32 to vector<16xf32>
        %mul3A_803 = arith.mulf %get3A_801, %mul3A_802 : vector<16xf32>
        %swap3A_804 = arith.index_cast %add3A_750 : i32 to index
        %swap3A_805 = arith.constant 96 : index
        %swap3A_806 = tpu.vector_load %arg10[%swap3A_804, %swap3A_805] {strides = array<i32>} : memref<128x128xf32, #tpu.memory_space<vmem>>, vector<16xf32>,
        tpu.vector_store %arg10[%swap3A_804, %swap3A_805], %mul3A_803 {strides = array<i32>} : memref<128x128xf32, #tpu.memory_space<vmem>>, vector<16xf32>,
        %get3A_807 = arith.index_cast %add3A_750 : i32 to index
        %get3A_808 = arith.constant 112 : index
        %get3A_809 = tpu.vector_load %arg10[%get3A_807, %get3A_808] {strides = array<i32>} : memref<128x128xf32, #tpu.memory_space<vmem>>, vector<16xf32>,
        %mul3A_810 = vector.broadcast %squeeze3A_746 : f32 to vector<16xf32>
        %mul3A_811 = arith.mulf %get3A_809, %mul3A_810 : vector<16xf32>
        %swap3A_812 = arith.index_cast %add3A_750 : i32 to index
        %swap3A_813 = arith.constant 112 : index
        %swap3A_814 = tpu.vector_load %arg10[%swap3A_812, %swap3A_813] {strides = array<i32>} : memref<128x128xf32, #tpu.memory_space<vmem>>, vector<16xf32>,
        tpu.vector_store %arg10[%swap3A_812, %swap3A_813], %mul3A_811 {strides = array<i32>} : memref<128x128xf32, #tpu.memory_space<vmem>>, vector<16xf32>,
        %slice3A_815 = vector.extract_strided_slice %get3A_249 {offsets = [8], sizes = [1], strides = [1]} : vector<16xf32> to vector<1xf32>
        %squeeze3A_816 = vector.extract %slice3A_815[0] : f32 from vector<1xf32>
        %mul3A_817 = arith.constant 16 : i32
        %mul3A_818 = arith.muli %add3A_246, %mul3A_817 : i32
        %add3A_819 = arith.constant 8 : i32
        %add3A_820 = arith.addi %mul3A_818, %add3A_819 : i32
        %get3A_821 = arith.index_cast %add3A_820 : i32 to index
        %get3A_822 = arith.constant 0 : index
        %get3A_823 = tpu.vector_load %arg10[%get3A_821, %get3A_822] {strides = array<i32>} : memref<128x128xf32, #tpu.memory_space<vmem>>, vector<16xf32>,
        %mul3A_824 = vector.broadcast %squeeze3A_816 : f32 to vector<16xf32>
        %mul3A_825 = arith.mulf %get3A_823, %mul3A_824 : vector<16xf32>
        %swap3A_826 = arith.index_cast %add3A_820 : i32 to index
        %swap3A_827 = arith.constant 0 : index
        %swap3A_828 = tpu.vector_load %arg10[%swap3A_826, %swap3A_827] {strides = array<i32>} : memref<128x128xf32, #tpu.memory_space<vmem>>, vector<16xf32>,
        tpu.vector_store %arg10[%swap3A_826, %swap3A_827], %mul3A_825 {strides = array<i32>} : memref<128x128xf32, #tpu.memory_space<vmem>>, vector<16xf32>,
        %get3A_829 = arith.index_cast %add3A_820 : i32 to index
        %get3A_830 = arith.constant 16 : index
        %get3A_831 = tpu.vector_load %arg10[%get3A_829, %get3A_830] {strides = array<i32>} : memref<128x128xf32, #tpu.memory_space<vmem>>, vector<16xf32>,
        %mul3A_832 = vector.broadcast %squeeze3A_816 : f32 to vector<16xf32>
        %mul3A_833 = arith.mulf %get3A_831, %mul3A_832 : vector<16xf32>
        %swap3A_834 = arith.index_cast %add3A_820 : i32 to index
        %swap3A_835 = arith.constant 16 : index
        %swap3A_836 = tpu.vector_load %arg10[%swap3A_834, %swap3A_835] {strides = array<i32>} : memref<128x128xf32, #tpu.memory_space<vmem>>, vector<16xf32>,
        tpu.vector_store %arg10[%swap3A_834, %swap3A_835], %mul3A_833 {strides = array<i32>} : memref<128x128xf32, #tpu.memory_space<vmem>>, vector<16xf32>,
        %get3A_837 = arith.index_cast %add3A_820 : i32 to index
        %get3A_838 = arith.constant 32 : index
        %get3A_839 = tpu.vector_load %arg10[%get3A_837, %get3A_838] {strides = array<i32>} : memref<128x128xf32, #tpu.memory_space<vmem>>, vector<16xf32>,
        %mul3A_840 = vector.broadcast %squeeze3A_816 : f32 to vector<16xf32>
        %mul3A_841 = arith.mulf %get3A_839, %mul3A_840 : vector<16xf32>
        %swap3A_842 = arith.index_cast %add3A_820 : i32 to index
        %swap3A_843 = arith.constant 32 : index
        %swap3A_844 = tpu.vector_load %arg10[%swap3A_842, %swap3A_843] {strides = array<i32>} : memref<128x128xf32, #tpu.memory_space<vmem>>, vector<16xf32>,
        tpu.vector_store %arg10[%swap3A_842, %swap3A_843], %mul3A_841 {strides = array<i32>} : memref<128x128xf32, #tpu.memory_space<vmem>>, vector<16xf32>,
        %get3A_845 = arith.index_cast %add3A_820 : i32 to index
        %get3A_846 = arith.constant 48 : index
        %get3A_847 = tpu.vector_load %arg10[%get3A_845, %get3A_846] {strides = array<i32>} : memref<128x128xf32, #tpu.memory_space<vmem>>, vector<16xf32>,
        %mul3A_848 = vector.broadcast %squeeze3A_816 : f32 to vector<16xf32>
        %mul3A_849 = arith.mulf %get3A_847, %mul3A_848 : vector<16xf32>
        %swap3A_850 = arith.index_cast %add3A_820 : i32 to index
        %swap3A_851 = arith.constant 48 : index
        %swap3A_852 = tpu.vector_load %arg10[%swap3A_850, %swap3A_851] {strides = array<i32>} : memref<128x128xf32, #tpu.memory_space<vmem>>, vector<16xf32>,
        tpu.vector_store %arg10[%swap3A_850, %swap3A_851], %mul3A_849 {strides = array<i32>} : memref<128x128xf32, #tpu.memory_space<vmem>>, vector<16xf32>,
        %get3A_853 = arith.index_cast %add3A_820 : i32 to index
        %get3A_854 = arith.constant 64 : index
        %get3A_855 = tpu.vector_load %arg10[%get3A_853, %get3A_854] {strides = array<i32>} : memref<128x128xf32, #tpu.memory_space<vmem>>, vector<16xf32>,
        %mul3A_856 = vector.broadcast %squeeze3A_816 : f32 to vector<16xf32>
        %mul3A_857 = arith.mulf %get3A_855, %mul3A_856 : vector<16xf32>
        %swap3A_858 = arith.index_cast %add3A_820 : i32 to index
        %swap3A_859 = arith.constant 64 : index
        %swap3A_860 = tpu.vector_load %arg10[%swap3A_858, %swap3A_859] {strides = array<i32>} : memref<128x128xf32, #tpu.memory_space<vmem>>, vector<16xf32>,
        tpu.vector_store %arg10[%swap3A_858, %swap3A_859], %mul3A_857 {strides = array<i32>} : memref<128x128xf32, #tpu.memory_space<vmem>>, vector<16xf32>,
        %get3A_861 = arith.index_cast %add3A_820 : i32 to index
        %get3A_862 = arith.constant 80 : index
        %get3A_863 = tpu.vector_load %arg10[%get3A_861, %get3A_862] {strides = array<i32>} : memref<128x128xf32, #tpu.memory_space<vmem>>, vector<16xf32>,
        %mul3A_864 = vector.broadcast %squeeze3A_816 : f32 to vector<16xf32>
        %mul3A_865 = arith.mulf %get3A_863, %mul3A_864 : vector<16xf32>
        %swap3A_866 = arith.index_cast %add3A_820 : i32 to index
        %swap3A_867 = arith.constant 80 : index
        %swap3A_868 = tpu.vector_load %arg10[%swap3A_866, %swap3A_867] {strides = array<i32>} : memref<128x128xf32, #tpu.memory_space<vmem>>, vector<16xf32>,
        tpu.vector_store %arg10[%swap3A_866, %swap3A_867], %mul3A_865 {strides = array<i32>} : memref<128x128xf32, #tpu.memory_space<vmem>>, vector<16xf32>,
        %get3A_869 = arith.index_cast %add3A_820 : i32 to index
        %get3A_870 = arith.constant 96 : index
        %get3A_871 = tpu.vector_load %arg10[%get3A_869, %get3A_870] {strides = array<i32>} : memref<128x128xf32, #tpu.memory_space<vmem>>, vector<16xf32>,
        %mul3A_872 = vector.broadcast %squeeze3A_816 : f32 to vector<16xf32>
        %mul3A_873 = arith.mulf %get3A_871, %mul3A_872 : vector<16xf32>
        %swap3A_874 = arith.index_cast %add3A_820 : i32 to index
        %swap3A_875 = arith.constant 96 : index
        %swap3A_876 = tpu.vector_load %arg10[%swap3A_874, %swap3A_875] {strides = array<i32>} : memref<128x128xf32, #tpu.memory_space<vmem>>, vector<16xf32>,
        tpu.vector_store %arg10[%swap3A_874, %swap3A_875], %mul3A_873 {strides = array<i32>} : memref<128x128xf32, #tpu.memory_space<vmem>>, vector<16xf32>,
        %get3A_877 = arith.index_cast %add3A_820 : i32 to index
        %get3A_878 = arith.constant 112 : index
        %get3A_879 = tpu.vector_load %arg10[%get3A_877, %get3A_878] {strides = array<i32>} : memref<128x128xf32, #tpu.memory_space<vmem>>, vector<16xf32>,
        %mul3A_880 = vector.broadcast %squeeze3A_816 : f32 to vector<16xf32>
        %mul3A_881 = arith.mulf %get3A_879, %mul3A_880 : vector<16xf32>
        %swap3A_882 = arith.index_cast %add3A_820 : i32 to index
        %swap3A_883 = arith.constant 112 : index
        %swap3A_884 = tpu.vector_load %arg10[%swap3A_882, %swap3A_883] {strides = array<i32>} : memref<128x128xf32, #tpu.memory_space<vmem>>, vector<16xf32>,
        tpu.vector_store %arg10[%swap3A_882, %swap3A_883], %mul3A_881 {strides = array<i32>} : memref<128x128xf32, #tpu.memory_space<vmem>>, vector<16xf32>,
        %slice3A_885 = vector.extract_strided_slice %get3A_249 {offsets = [9], sizes = [1], strides = [1]} : vector<16xf32> to vector<1xf32>
        %squeeze3A_886 = vector.extract %slice3A_885[0] : f32 from vector<1xf32>
        %mul3A_887 = arith.constant 16 : i32
        %mul3A_888 = arith.muli %add3A_246, %mul3A_887 : i32
        %add3A_889 = arith.constant 9 : i32
        %add3A_890 = arith.addi %mul3A_888, %add3A_889 : i32
        %get3A_891 = arith.index_cast %add3A_890 : i32 to index
        %get3A_892 = arith.constant 0 : index
        %get3A_893 = tpu.vector_load %arg10[%get3A_891, %get3A_892] {strides = array<i32>} : memref<128x128xf32, #tpu.memory_space<vmem>>, vector<16xf32>,
        %mul3A_894 = vector.broadcast %squeeze3A_886 : f32 to vector<16xf32>
        %mul3A_895 = arith.mulf %get3A_893, %mul3A_894 : vector<16xf32>
        %swap3A_896 = arith.index_cast %add3A_890 : i32 to index
        %swap3A_897 = arith.constant 0 : index
        %swap3A_898 = tpu.vector_load %arg10[%swap3A_896, %swap3A_897] {strides = array<i32>} : memref<128x128xf32, #tpu.memory_space<vmem>>, vector<16xf32>,
        tpu.vector_store %arg10[%swap3A_896, %swap3A_897], %mul3A_895 {strides = array<i32>} : memref<128x128xf32, #tpu.memory_space<vmem>>, vector<16xf32>,
        %get3A_899 = arith.index_cast %add3A_890 : i32 to index
        %get3A_900 = arith.constant 16 : index
        %get3A_901 = tpu.vector_load %arg10[%get3A_899, %get3A_900] {strides = array<i32>} : memref<128x128xf32, #tpu.memory_space<vmem>>, vector<16xf32>,
        %mul3A_902 = vector.broadcast %squeeze3A_886 : f32 to vector<16xf32>
        %mul3A_903 = arith.mulf %get3A_901, %mul3A_902 : vector<16xf32>
        %swap3A_904 = arith.index_cast %add3A_890 : i32 to index
        %swap3A_905 = arith.constant 16 : index
        %swap3A_906 = tpu.vector_load %arg10[%swap3A_904, %swap3A_905] {strides = array<i32>} : memref<128x128xf32, #tpu.memory_space<vmem>>, vector<16xf32>,
        tpu.vector_store %arg10[%swap3A_904, %swap3A_905], %mul3A_903 {strides = array<i32>} : memref<128x128xf32, #tpu.memory_space<vmem>>, vector<16xf32>,
        %get3A_907 = arith.index_cast %add3A_890 : i32 to index
        %get3A_908 = arith.constant 32 : index
        %get3A_909 = tpu.vector_load %arg10[%get3A_907, %get3A_908] {strides = array<i32>} : memref<128x128xf32, #tpu.memory_space<vmem>>, vector<16xf32>,
        %mul3A_910 = vector.broadcast %squeeze3A_886 : f32 to vector<16xf32>
        %mul3A_911 = arith.mulf %get3A_909, %mul3A_910 : vector<16xf32>
        %swap3A_912 = arith.index_cast %add3A_890 : i32 to index
        %swap3A_913 = arith.constant 32 : index
        %swap3A_914 = tpu.vector_load %arg10[%swap3A_912, %swap3A_913] {strides = array<i32>} : memref<128x128xf32, #tpu.memory_space<vmem>>, vector<16xf32>,
        tpu.vector_store %arg10[%swap3A_912, %swap3A_913], %mul3A_911 {strides = array<i32>} : memref<128x128xf32, #tpu.memory_space<vmem>>, vector<16xf32>,
        %get3A_915 = arith.index_cast %add3A_890 : i32 to index
        %get3A_916 = arith.constant 48 : index
        %get3A_917 = tpu.vector_load %arg10[%get3A_915, %get3A_916] {strides = array<i32>} : memref<128x128xf32, #tpu.memory_space<vmem>>, vector<16xf32>,
        %mul3A_918 = vector.broadcast %squeeze3A_886 : f32 to vector<16xf32>
        %mul3A_919 = arith.mulf %get3A_917, %mul3A_918 : vector<16xf32>
        %swap3A_920 = arith.index_cast %add3A_890 : i32 to index
        %swap3A_921 = arith.constant 48 : index
        %swap3A_922 = tpu.vector_load %arg10[%swap3A_920, %swap3A_921] {strides = array<i32>} : memref<128x128xf32, #tpu.memory_space<vmem>>, vector<16xf32>,
        tpu.vector_store %arg10[%swap3A_920, %swap3A_921], %mul3A_919 {strides = array<i32>} : memref<128x128xf32, #tpu.memory_space<vmem>>, vector<16xf32>,
        %get3A_923 = arith.index_cast %add3A_890 : i32 to index
        %get3A_924 = arith.constant 64 : index
        %get3A_925 = tpu.vector_load %arg10[%get3A_923, %get3A_924] {strides = array<i32>} : memref<128x128xf32, #tpu.memory_space<vmem>>, vector<16xf32>,
        %mul3A_926 = vector.broadcast %squeeze3A_886 : f32 to vector<16xf32>
        %mul3A_927 = arith.mulf %get3A_925, %mul3A_926 : vector<16xf32>
        %swap3A_928 = arith.index_cast %add3A_890 : i32 to index
        %swap3A_929 = arith.constant 64 : index
        %swap3A_930 = tpu.vector_load %arg10[%swap3A_928, %swap3A_929] {strides = array<i32>} : memref<128x128xf32, #tpu.memory_space<vmem>>, vector<16xf32>,
        tpu.vector_store %arg10[%swap3A_928, %swap3A_929], %mul3A_927 {strides = array<i32>} : memref<128x128xf32, #tpu.memory_space<vmem>>, vector<16xf32>,
        %get3A_931 = arith.index_cast %add3A_890 : i32 to index
        %get3A_932 = arith.constant 80 : index
        %get3A_933 = tpu.vector_load %arg10[%get3A_931, %get3A_932] {strides = array<i32>} : memref<128x128xf32, #tpu.memory_space<vmem>>, vector<16xf32>,
        %mul3A_934 = vector.broadcast %squeeze3A_886 : f32 to vector<16xf32>
        %mul3A_935 = arith.mulf %get3A_933, %mul3A_934 : vector<16xf32>
        %swap3A_936 = arith.index_cast %add3A_890 : i32 to index
        %swap3A_937 = arith.constant 80 : index
        %swap3A_938 = tpu.vector_load %arg10[%swap3A_936, %swap3A_937] {strides = array<i32>} : memref<128x128xf32, #tpu.memory_space<vmem>>, vector<16xf32>,
        tpu.vector_store %arg10[%swap3A_936, %swap3A_937], %mul3A_935 {strides = array<i32>} : memref<128x128xf32, #tpu.memory_space<vmem>>, vector<16xf32>,
        %get3A_939 = arith.index_cast %add3A_890 : i32 to index
        %get3A_940 = arith.constant 96 : index
        %get3A_941 = tpu.vector_load %arg10[%get3A_939, %get3A_940] {strides = array<i32>} : memref<128x128xf32, #tpu.memory_space<vmem>>, vector<16xf32>,
        %mul3A_942 = vector.broadcast %squeeze3A_886 : f32 to vector<16xf32>
        %mul3A_943 = arith.mulf %get3A_941, %mul3A_942 : vector<16xf32>
        %swap3A_944 = arith.index_cast %add3A_890 : i32 to index
        %swap3A_945 = arith.constant 96 : index
        %swap3A_946 = tpu.vector_load %arg10[%swap3A_944, %swap3A_945] {strides = array<i32>} : memref<128x128xf32, #tpu.memory_space<vmem>>, vector<16xf32>,
        tpu.vector_store %arg10[%swap3A_944, %swap3A_945], %mul3A_943 {strides = array<i32>} : memref<128x128xf32, #tpu.memory_space<vmem>>, vector<16xf32>,
        %get3A_947 = arith.index_cast %add3A_890 : i32 to index
        %get3A_948 = arith.constant 112 : index
        %get3A_949 = tpu.vector_load %arg10[%get3A_947, %get3A_948] {strides = array<i32>} : memref<128x128xf32, #tpu.memory_space<vmem>>, vector<16xf32>,
        %mul3A_950 = vector.broadcast %squeeze3A_886 : f32 to vector<16xf32>
        %mul3A_951 = arith.mulf %get3A_949, %mul3A_950 : vector<16xf32>
        %swap3A_952 = arith.index_cast %add3A_890 : i32 to index
        %swap3A_953 = arith.constant 112 : index
        %swap3A_954 = tpu.vector_load %arg10[%swap3A_952, %swap3A_953] {strides = array<i32>} : memref<128x128xf32, #tpu.memory_space<vmem>>, vector<16xf32>,
        tpu.vector_store %arg10[%swap3A_952, %swap3A_953], %mul3A_951 {strides = array<i32>} : memref<128x128xf32, #tpu.memory_space<vmem>>, vector<16xf32>,
        %slice3A_955 = vector.extract_strided_slice %get3A_249 {offsets = [10], sizes = [1], strides = [1]} : vector<16xf32> to vector<1xf32>
        %squeeze3A_956 = vector.extract %slice3A_955[0] : f32 from vector<1xf32>
        %mul3A_957 = arith.constant 16 : i32
        %mul3A_958 = arith.muli %add3A_246, %mul3A_957 : i32
        %add3A_959 = arith.constant 10 : i32
        %add3A_960 = arith.addi %mul3A_958, %add3A_959 : i32
        %get3A_961 = arith.index_cast %add3A_960 : i32 to index
        %get3A_962 = arith.constant 0 : index
        %get3A_963 = tpu.vector_load %arg10[%get3A_961, %get3A_962] {strides = array<i32>} : memref<128x128xf32, #tpu.memory_space<vmem>>, vector<16xf32>,
        %mul3A_964 = vector.broadcast %squeeze3A_956 : f32 to vector<16xf32>
        %mul3A_965 = arith.mulf %get3A_963, %mul3A_964 : vector<16xf32>
        %swap3A_966 = arith.index_cast %add3A_960 : i32 to index
        %swap3A_967 = arith.constant 0 : index
        %swap3A_968 = tpu.vector_load %arg10[%swap3A_966, %swap3A_967] {strides = array<i32>} : memref<128x128xf32, #tpu.memory_space<vmem>>, vector<16xf32>,
        tpu.vector_store %arg10[%swap3A_966, %swap3A_967], %mul3A_965 {strides = array<i32>} : memref<128x128xf32, #tpu.memory_space<vmem>>, vector<16xf32>,
        %get3A_969 = arith.index_cast %add3A_960 : i32 to index
        %get3A_970 = arith.constant 16 : index
        %get3A_971 = tpu.vector_load %arg10[%get3A_969, %get3A_970] {strides = array<i32>} : memref<128x128xf32, #tpu.memory_space<vmem>>, vector<16xf32>,
        %mul3A_972 = vector.broadcast %squeeze3A_956 : f32 to vector<16xf32>
        %mul3A_973 = arith.mulf %get3A_971, %mul3A_972 : vector<16xf32>
        %swap3A_974 = arith.index_cast %add3A_960 : i32 to index
        %swap3A_975 = arith.constant 16 : index
        %swap3A_976 = tpu.vector_load %arg10[%swap3A_974, %swap3A_975] {strides = array<i32>} : memref<128x128xf32, #tpu.memory_space<vmem>>, vector<16xf32>,
        tpu.vector_store %arg10[%swap3A_974, %swap3A_975], %mul3A_973 {strides = array<i32>} : memref<128x128xf32, #tpu.memory_space<vmem>>, vector<16xf32>,
        %get3A_977 = arith.index_cast %add3A_960 : i32 to index
        %get3A_978 = arith.constant 32 : index
        %get3A_979 = tpu.vector_load %arg10[%get3A_977, %get3A_978] {strides = array<i32>} : memref<128x128xf32, #tpu.memory_space<vmem>>, vector<16xf32>,
        %mul3A_980 = vector.broadcast %squeeze3A_956 : f32 to vector<16xf32>
        %mul3A_981 = arith.mulf %get3A_979, %mul3A_980 : vector<16xf32>
        %swap3A_982 = arith.index_cast %add3A_960 : i32 to index
        %swap3A_983 = arith.constant 32 : index
        %swap3A_984 = tpu.vector_load %arg10[%swap3A_982, %swap3A_983] {strides = array<i32>} : memref<128x128xf32, #tpu.memory_space<vmem>>, vector<16xf32>,
        tpu.vector_store %arg10[%swap3A_982, %swap3A_983], %mul3A_981 {strides = array<i32>} : memref<128x128xf32, #tpu.memory_space<vmem>>, vector<16xf32>,
        %get3A_985 = arith.index_cast %add3A_960 : i32 to index
        %get3A_986 = arith.constant 48 : index
        %get3A_987 = tpu.vector_load %arg10[%get3A_985, %get3A_986] {strides = array<i32>} : memref<128x128xf32, #tpu.memory_space<vmem>>, vector<16xf32>,
        %mul3A_988 = vector.broadcast %squeeze3A_956 : f32 to vector<16xf32>
        %mul3A_989 = arith.mulf %get3A_987, %mul3A_988 : vector<16xf32>
        %swap3A_990 = arith.index_cast %add3A_960 : i32 to index
        %swap3A_991 = arith.constant 48 : index
        %swap3A_992 = tpu.vector_load %arg10[%swap3A_990, %swap3A_991] {strides = array<i32>} : memref<128x128xf32, #tpu.memory_space<vmem>>, vector<16xf32>,
        tpu.vector_store %arg10[%swap3A_990, %swap3A_991], %mul3A_989 {strides = array<i32>} : memref<128x128xf32, #tpu.memory_space<vmem>>, vector<16xf32>,
        %get3A_993 = arith.index_cast %add3A_960 : i32 to index
        %get3A_994 = arith.constant 64 : index
        %get3A_995 = tpu.vector_load %arg10[%get3A_993, %get3A_994] {strides = array<i32>} : memref<128x128xf32, #tpu.memory_space<vmem>>, vector<16xf32>,
        %mul3A_996 = vector.broadcast %squeeze3A_956 : f32 to vector<16xf32>
        %mul3A_997 = arith.mulf %get3A_995, %mul3A_996 : vector<16xf32>
        %swap3A_998 = arith.index_cast %add3A_960 : i32 to index
        %swap3A_999 = arith.constant 64 : index
        %swap3A_1000 = tpu.vector_load %arg10[%swap3A_998, %swap3A_999] {strides = array<i32>} : memref<128x128xf32, #tpu.memory_space<vmem>>, vector<16xf32>,
        tpu.vector_store %arg10[%swap3A_998, %swap3A_999], %mul3A_997 {strides = array<i32>} : memref<128x128xf32, #tpu.memory_space<vmem>>, vector<16xf32>,
        %get3A_1001 = arith.index_cast %add3A_960 : i32 to index
        %get3A_1002 = arith.constant 80 : index
        %get3A_1003 = tpu.vector_load %arg10[%get3A_1001, %get3A_1002] {strides = array<i32>} : memref<128x128xf32, #tpu.memory_space<vmem>>, vector<16xf32>,
        %mul3A_1004 = vector.broadcast %squeeze3A_956 : f32 to vector<16xf32>
        %mul3A_1005 = arith.mulf %get3A_1003, %mul3A_1004 : vector<16xf32>
        %swap3A_1006 = arith.index_cast %add3A_960 : i32 to index
        %swap3A_1007 = arith.constant 80 : index
        %swap3A_1008 = tpu.vector_load %arg10[%swap3A_1006, %swap3A_1007] {strides = array<i32>} : memref<128x128xf32, #tpu.memory_space<vmem>>, vector<16xf32>,
        tpu.vector_store %arg10[%swap3A_1006, %swap3A_1007], %mul3A_1005 {strides = array<i32>} : memref<128x128xf32, #tpu.memory_space<vmem>>, vector<16xf32>,
        %get3A_1009 = arith.index_cast %add3A_960 : i32 to index
        %get3A_1010 = arith.constant 96 : index
        %get3A_1011 = tpu.vector_load %arg10[%get3A_1009, %get3A_1010] {strides = array<i32>} : memref<128x128xf32, #tpu.memory_space<vmem>>, vector<16xf32>,
        %mul3A_1012 = vector.broadcast %squeeze3A_956 : f32 to vector<16xf32>
        %mul3A_1013 = arith.mulf %get3A_1011, %mul3A_1012 : vector<16xf32>
        %swap3A_1014 = arith.index_cast %add3A_960 : i32 to index
        %swap3A_1015 = arith.constant 96 : index
        %swap3A_1016 = tpu.vector_load %arg10[%swap3A_1014, %swap3A_1015] {strides = array<i32>} : memref<128x128xf32, #tpu.memory_space<vmem>>, vector<16xf32>,
        tpu.vector_store %arg10[%swap3A_1014, %swap3A_1015], %mul3A_1013 {strides = array<i32>} : memref<128x128xf32, #tpu.memory_space<vmem>>, vector<16xf32>,
        %get3A_1017 = arith.index_cast %add3A_960 : i32 to index
        %get3A_1018 = arith.constant 112 : index
        %get3A_1019 = tpu.vector_load %arg10[%get3A_1017, %get3A_1018] {strides = array<i32>} : memref<128x128xf32, #tpu.memory_space<vmem>>, vector<16xf32>,
        %mul3A_1020 = vector.broadcast %squeeze3A_956 : f32 to vector<16xf32>
        %mul3A_1021 = arith.mulf %get3A_1019, %mul3A_1020 : vector<16xf32>
        %swap3A_1022 = arith.index_cast %add3A_960 : i32 to index
        %swap3A_1023 = arith.constant 112 : index
        %swap3A_1024 = tpu.vector_load %arg10[%swap3A_1022, %swap3A_1023] {strides = array<i32>} : memref<128x128xf32, #tpu.memory_space<vmem>>, vector<16xf32>,
        tpu.vector_store %arg10[%swap3A_1022, %swap3A_1023], %mul3A_1021 {strides = array<i32>} : memref<128x128xf32, #tpu.memory_space<vmem>>, vector<16xf32>,
        %slice3A_1025 = vector.extract_strided_slice %get3A_249 {offsets = [11], sizes = [1], strides = [1]} : vector<16xf32> to vector<1xf32>
        %squeeze3A_1026 = vector.extract %slice3A_1025[0] : f32 from vector<1xf32>
        %mul3A_1027 = arith.constant 16 : i32
        %mul3A_1028 = arith.muli %add3A_246, %mul3A_1027 : i32
        %add3A_1029 = arith.constant 11 : i32
        %add3A_1030 = arith.addi %mul3A_1028, %add3A_1029 : i32
        %get3A_1031 = arith.index_cast %add3A_1030 : i32 to index
        %get3A_1032 = arith.constant 0 : index
        %get3A_1033 = tpu.vector_load %arg10[%get3A_1031, %get3A_1032] {strides = array<i32>} : memref<128x128xf32, #tpu.memory_space<vmem>>, vector<16xf32>,
        %mul3A_1034 = vector.broadcast %squeeze3A_1026 : f32 to vector<16xf32>
        %mul3A_1035 = arith.mulf %get3A_1033, %mul3A_1034 : vector<16xf32>
        %swap3A_1036 = arith.index_cast %add3A_1030 : i32 to index
        %swap3A_1037 = arith.constant 0 : index
        %swap3A_1038 = tpu.vector_load %arg10[%swap3A_1036, %swap3A_1037] {strides = array<i32>} : memref<128x128xf32, #tpu.memory_space<vmem>>, vector<16xf32>,
        tpu.vector_store %arg10[%swap3A_1036, %swap3A_1037], %mul3A_1035 {strides = array<i32>} : memref<128x128xf32, #tpu.memory_space<vmem>>, vector<16xf32>,
        %get3A_1039 = arith.index_cast %add3A_1030 : i32 to index
        %get3A_1040 = arith.constant 16 : index
        %get3A_1041 = tpu.vector_load %arg10[%get3A_1039, %get3A_1040] {strides = array<i32>} : memref<128x128xf32, #tpu.memory_space<vmem>>, vector<16xf32>,
        %mul3A_1042 = vector.broadcast %squeeze3A_1026 : f32 to vector<16xf32>
        %mul3A_1043 = arith.mulf %get3A_1041, %mul3A_1042 : vector<16xf32>
        %swap3A_1044 = arith.index_cast %add3A_1030 : i32 to index
        %swap3A_1045 = arith.constant 16 : index
        %swap3A_1046 = tpu.vector_load %arg10[%swap3A_1044, %swap3A_1045] {strides = array<i32>} : memref<128x128xf32, #tpu.memory_space<vmem>>, vector<16xf32>,
        tpu.vector_store %arg10[%swap3A_1044, %swap3A_1045], %mul3A_1043 {strides = array<i32>} : memref<128x128xf32, #tpu.memory_space<vmem>>, vector<16xf32>,
        %get3A_1047 = arith.index_cast %add3A_1030 : i32 to index
        %get3A_1048 = arith.constant 32 : index
        %get3A_1049 = tpu.vector_load %arg10[%get3A_1047, %get3A_1048] {strides = array<i32>} : memref<128x128xf32, #tpu.memory_space<vmem>>, vector<16xf32>,
        %mul3A_1050 = vector.broadcast %squeeze3A_1026 : f32 to vector<16xf32>
        %mul3A_1051 = arith.mulf %get3A_1049, %mul3A_1050 : vector<16xf32>
        %swap3A_1052 = arith.index_cast %add3A_1030 : i32 to index
        %swap3A_1053 = arith.constant 32 : index
        %swap3A_1054 = tpu.vector_load %arg10[%swap3A_1052, %swap3A_1053] {strides = array<i32>} : memref<128x128xf32, #tpu.memory_space<vmem>>, vector<16xf32>,
        tpu.vector_store %arg10[%swap3A_1052, %swap3A_1053], %mul3A_1051 {strides = array<i32>} : memref<128x128xf32, #tpu.memory_space<vmem>>, vector<16xf32>,
        %get3A_1055 = arith.index_cast %add3A_1030 : i32 to index
        %get3A_1056 = arith.constant 48 : index
        %get3A_1057 = tpu.vector_load %arg10[%get3A_1055, %get3A_1056] {strides = array<i32>} : memref<128x128xf32, #tpu.memory_space<vmem>>, vector<16xf32>,
        %mul3A_1058 = vector.broadcast %squeeze3A_1026 : f32 to vector<16xf32>
        %mul3A_1059 = arith.mulf %get3A_1057, %mul3A_1058 : vector<16xf32>
        %swap3A_1060 = arith.index_cast %add3A_1030 : i32 to index
        %swap3A_1061 = arith.constant 48 : index
        %swap3A_1062 = tpu.vector_load %arg10[%swap3A_1060, %swap3A_1061] {strides = array<i32>} : memref<128x128xf32, #tpu.memory_space<vmem>>, vector<16xf32>,
        tpu.vector_store %arg10[%swap3A_1060, %swap3A_1061], %mul3A_1059 {strides = array<i32>} : memref<128x128xf32, #tpu.memory_space<vmem>>, vector<16xf32>,
        %get3A_1063 = arith.index_cast %add3A_1030 : i32 to index
        %get3A_1064 = arith.constant 64 : index
        %get3A_1065 = tpu.vector_load %arg10[%get3A_1063, %get3A_1064] {strides = array<i32>} : memref<128x128xf32, #tpu.memory_space<vmem>>, vector<16xf32>,
        %mul3A_1066 = vector.broadcast %squeeze3A_1026 : f32 to vector<16xf32>
        %mul3A_1067 = arith.mulf %get3A_1065, %mul3A_1066 : vector<16xf32>
        %swap3A_1068 = arith.index_cast %add3A_1030 : i32 to index
        %swap3A_1069 = arith.constant 64 : index
        %swap3A_1070 = tpu.vector_load %arg10[%swap3A_1068, %swap3A_1069] {strides = array<i32>} : memref<128x128xf32, #tpu.memory_space<vmem>>, vector<16xf32>,
        tpu.vector_store %arg10[%swap3A_1068, %swap3A_1069], %mul3A_1067 {strides = array<i32>} : memref<128x128xf32, #tpu.memory_space<vmem>>, vector<16xf32>,
        %get3A_1071 = arith.index_cast %add3A_1030 : i32 to index
        %get3A_1072 = arith.constant 80 : index
        %get3A_1073 = tpu.vector_load %arg10[%get3A_1071, %get3A_1072] {strides = array<i32>} : memref<128x128xf32, #tpu.memory_space<vmem>>, vector<16xf32>,
        %mul3A_1074 = vector.broadcast %squeeze3A_1026 : f32 to vector<16xf32>
        %mul3A_1075 = arith.mulf %get3A_1073, %mul3A_1074 : vector<16xf32>
        %swap3A_1076 = arith.index_cast %add3A_1030 : i32 to index
        %swap3A_1077 = arith.constant 80 : index
        %swap3A_1078 = tpu.vector_load %arg10[%swap3A_1076, %swap3A_1077] {strides = array<i32>} : memref<128x128xf32, #tpu.memory_space<vmem>>, vector<16xf32>,
        tpu.vector_store %arg10[%swap3A_1076, %swap3A_1077], %mul3A_1075 {strides = array<i32>} : memref<128x128xf32, #tpu.memory_space<vmem>>, vector<16xf32>,
        %get3A_1079 = arith.index_cast %add3A_1030 : i32 to index
        %get3A_1080 = arith.constant 96 : index
        %get3A_1081 = tpu.vector_load %arg10[%get3A_1079, %get3A_1080] {strides = array<i32>} : memref<128x128xf32, #tpu.memory_space<vmem>>, vector<16xf32>,
        %mul3A_1082 = vector.broadcast %squeeze3A_1026 : f32 to vector<16xf32>
        %mul3A_1083 = arith.mulf %get3A_1081, %mul3A_1082 : vector<16xf32>
        %swap3A_1084 = arith.index_cast %add3A_1030 : i32 to index
        %swap3A_1085 = arith.constant 96 : index
        %swap3A_1086 = tpu.vector_load %arg10[%swap3A_1084, %swap3A_1085] {strides = array<i32>} : memref<128x128xf32, #tpu.memory_space<vmem>>, vector<16xf32>,
        tpu.vector_store %arg10[%swap3A_1084, %swap3A_1085], %mul3A_1083 {strides = array<i32>} : memref<128x128xf32, #tpu.memory_space<vmem>>, vector<16xf32>,
        %get3A_1087 = arith.index_cast %add3A_1030 : i32 to index
        %get3A_1088 = arith.constant 112 : index
        %get3A_1089 = tpu.vector_load %arg10[%get3A_1087, %get3A_1088] {strides = array<i32>} : memref<128x128xf32, #tpu.memory_space<vmem>>, vector<16xf32>,
        %mul3A_1090 = vector.broadcast %squeeze3A_1026 : f32 to vector<16xf32>
        %mul3A_1091 = arith.mulf %get3A_1089, %mul3A_1090 : vector<16xf32>
        %swap3A_1092 = arith.index_cast %add3A_1030 : i32 to index
        %swap3A_1093 = arith.constant 112 : index
        %swap3A_1094 = tpu.vector_load %arg10[%swap3A_1092, %swap3A_1093] {strides = array<i32>} : memref<128x128xf32, #tpu.memory_space<vmem>>, vector<16xf32>,
        tpu.vector_store %arg10[%swap3A_1092, %swap3A_1093], %mul3A_1091 {strides = array<i32>} : memref<128x128xf32, #tpu.memory_space<vmem>>, vector<16xf32>,
        %slice3A_1095 = vector.extract_strided_slice %get3A_249 {offsets = [12], sizes = [1], strides = [1]} : vector<16xf32> to vector<1xf32>
        %squeeze3A_1096 = vector.extract %slice3A_1095[0] : f32 from vector<1xf32>
        %mul3A_1097 = arith.constant 16 : i32
        %mul3A_1098 = arith.muli %add3A_246, %mul3A_1097 : i32
        %add3A_1099 = arith.constant 12 : i32
        %add3A_1100 = arith.addi %mul3A_1098, %add3A_1099 : i32
        %get3A_1101 = arith.index_cast %add3A_1100 : i32 to index
        %get3A_1102 = arith.constant 0 : index
        %get3A_1103 = tpu.vector_load %arg10[%get3A_1101, %get3A_1102] {strides = array<i32>} : memref<128x128xf32, #tpu.memory_space<vmem>>, vector<16xf32>,
        %mul3A_1104 = vector.broadcast %squeeze3A_1096 : f32 to vector<16xf32>
        %mul3A_1105 = arith.mulf %get3A_1103, %mul3A_1104 : vector<16xf32>
        %swap3A_1106 = arith.index_cast %add3A_1100 : i32 to index
        %swap3A_1107 = arith.constant 0 : index
        %swap3A_1108 = tpu.vector_load %arg10[%swap3A_1106, %swap3A_1107] {strides = array<i32>} : memref<128x128xf32, #tpu.memory_space<vmem>>, vector<16xf32>,
        tpu.vector_store %arg10[%swap3A_1106, %swap3A_1107], %mul3A_1105 {strides = array<i32>} : memref<128x128xf32, #tpu.memory_space<vmem>>, vector<16xf32>,
        %get3A_1109 = arith.index_cast %add3A_1100 : i32 to index
        %get3A_1110 = arith.constant 16 : index
        %get3A_1111 = tpu.vector_load %arg10[%get3A_1109, %get3A_1110] {strides = array<i32>} : memref<128x128xf32, #tpu.memory_space<vmem>>, vector<16xf32>,
        %mul3A_1112 = vector.broadcast %squeeze3A_1096 : f32 to vector<16xf32>
        %mul3A_1113 = arith.mulf %get3A_1111, %mul3A_1112 : vector<16xf32>
        %swap3A_1114 = arith.index_cast %add3A_1100 : i32 to index
        %swap3A_1115 = arith.constant 16 : index
        %swap3A_1116 = tpu.vector_load %arg10[%swap3A_1114, %swap3A_1115] {strides = array<i32>} : memref<128x128xf32, #tpu.memory_space<vmem>>, vector<16xf32>,
        tpu.vector_store %arg10[%swap3A_1114, %swap3A_1115], %mul3A_1113 {strides = array<i32>} : memref<128x128xf32, #tpu.memory_space<vmem>>, vector<16xf32>,
        %get3A_1117 = arith.index_cast %add3A_1100 : i32 to index
        %get3A_1118 = arith.constant 32 : index
        %get3A_1119 = tpu.vector_load %arg10[%get3A_1117, %get3A_1118] {strides = array<i32>} : memref<128x128xf32, #tpu.memory_space<vmem>>, vector<16xf32>,
        %mul3A_1120 = vector.broadcast %squeeze3A_1096 : f32 to vector<16xf32>
        %mul3A_1121 = arith.mulf %get3A_1119, %mul3A_1120 : vector<16xf32>
        %swap3A_1122 = arith.index_cast %add3A_1100 : i32 to index
        %swap3A_1123 = arith.constant 32 : index
        %swap3A_1124 = tpu.vector_load %arg10[%swap3A_1122, %swap3A_1123] {strides = array<i32>} : memref<128x128xf32, #tpu.memory_space<vmem>>, vector<16xf32>,
        tpu.vector_store %arg10[%swap3A_1122, %swap3A_1123], %mul3A_1121 {strides = array<i32>} : memref<128x128xf32, #tpu.memory_space<vmem>>, vector<16xf32>,
        %get3A_1125 = arith.index_cast %add3A_1100 : i32 to index
        %get3A_1126 = arith.constant 48 : index
        %get3A_1127 = tpu.vector_load %arg10[%get3A_1125, %get3A_1126] {strides = array<i32>} : memref<128x128xf32, #tpu.memory_space<vmem>>, vector<16xf32>,
        %mul3A_1128 = vector.broadcast %squeeze3A_1096 : f32 to vector<16xf32>
        %mul3A_1129 = arith.mulf %get3A_1127, %mul3A_1128 : vector<16xf32>
        %swap3A_1130 = arith.index_cast %add3A_1100 : i32 to index
        %swap3A_1131 = arith.constant 48 : index
        %swap3A_1132 = tpu.vector_load %arg10[%swap3A_1130, %swap3A_1131] {strides = array<i32>} : memref<128x128xf32, #tpu.memory_space<vmem>>, vector<16xf32>,
        tpu.vector_store %arg10[%swap3A_1130, %swap3A_1131], %mul3A_1129 {strides = array<i32>} : memref<128x128xf32, #tpu.memory_space<vmem>>, vector<16xf32>,
        %get3A_1133 = arith.index_cast %add3A_1100 : i32 to index
        %get3A_1134 = arith.constant 64 : index
        %get3A_1135 = tpu.vector_load %arg10[%get3A_1133, %get3A_1134] {strides = array<i32>} : memref<128x128xf32, #tpu.memory_space<vmem>>, vector<16xf32>,
        %mul3A_1136 = vector.broadcast %squeeze3A_1096 : f32 to vector<16xf32>
        %mul3A_1137 = arith.mulf %get3A_1135, %mul3A_1136 : vector<16xf32>
        %swap3A_1138 = arith.index_cast %add3A_1100 : i32 to index
        %swap3A_1139 = arith.constant 64 : index
        %swap3A_1140 = tpu.vector_load %arg10[%swap3A_1138, %swap3A_1139] {strides = array<i32>} : memref<128x128xf32, #tpu.memory_space<vmem>>, vector<16xf32>,
        tpu.vector_store %arg10[%swap3A_1138, %swap3A_1139], %mul3A_1137 {strides = array<i32>} : memref<128x128xf32, #tpu.memory_space<vmem>>, vector<16xf32>,
        %get3A_1141 = arith.index_cast %add3A_1100 : i32 to index
        %get3A_1142 = arith.constant 80 : index
        %get3A_1143 = tpu.vector_load %arg10[%get3A_1141, %get3A_1142] {strides = array<i32>} : memref<128x128xf32, #tpu.memory_space<vmem>>, vector<16xf32>,
        %mul3A_1144 = vector.broadcast %squeeze3A_1096 : f32 to vector<16xf32>
        %mul3A_1145 = arith.mulf %get3A_1143, %mul3A_1144 : vector<16xf32>
        %swap3A_1146 = arith.index_cast %add3A_1100 : i32 to index
        %swap3A_1147 = arith.constant 80 : index
        %swap3A_1148 = tpu.vector_load %arg10[%swap3A_1146, %swap3A_1147] {strides = array<i32>} : memref<128x128xf32, #tpu.memory_space<vmem>>, vector<16xf32>,
        tpu.vector_store %arg10[%swap3A_1146, %swap3A_1147], %mul3A_1145 {strides = array<i32>} : memref<128x128xf32, #tpu.memory_space<vmem>>, vector<16xf32>,
        %get3A_1149 = arith.index_cast %add3A_1100 : i32 to index
        %get3A_1150 = arith.constant 96 : index
        %get3A_1151 = tpu.vector_load %arg10[%get3A_1149, %get3A_1150] {strides = array<i32>} : memref<128x128xf32, #tpu.memory_space<vmem>>, vector<16xf32>,
        %mul3A_1152 = vector.broadcast %squeeze3A_1096 : f32 to vector<16xf32>
        %mul3A_1153 = arith.mulf %get3A_1151, %mul3A_1152 : vector<16xf32>
        %swap3A_1154 = arith.index_cast %add3A_1100 : i32 to index
        %swap3A_1155 = arith.constant 96 : index
        %swap3A_1156 = tpu.vector_load %arg10[%swap3A_1154, %swap3A_1155] {strides = array<i32>} : memref<128x128xf32, #tpu.memory_space<vmem>>, vector<16xf32>,
        tpu.vector_store %arg10[%swap3A_1154, %swap3A_1155], %mul3A_1153 {strides = array<i32>} : memref<128x128xf32, #tpu.memory_space<vmem>>, vector<16xf32>,
        %get3A_1157 = arith.index_cast %add3A_1100 : i32 to index
        %get3A_1158 = arith.constant 112 : index
        %get3A_1159 = tpu.vector_load %arg10[%get3A_1157, %get3A_1158] {strides = array<i32>} : memref<128x128xf32, #tpu.memory_space<vmem>>, vector<16xf32>,
        %mul3A_1160 = vector.broadcast %squeeze3A_1096 : f32 to vector<16xf32>
        %mul3A_1161 = arith.mulf %get3A_1159, %mul3A_1160 : vector<16xf32>
        %swap3A_1162 = arith.index_cast %add3A_1100 : i32 to index
        %swap3A_1163 = arith.constant 112 : index
        %swap3A_1164 = tpu.vector_load %arg10[%swap3A_1162, %swap3A_1163] {strides = array<i32>} : memref<128x128xf32, #tpu.memory_space<vmem>>, vector<16xf32>,
        tpu.vector_store %arg10[%swap3A_1162, %swap3A_1163], %mul3A_1161 {strides = array<i32>} : memref<128x128xf32, #tpu.memory_space<vmem>>, vector<16xf32>,
        %slice3A_1165 = vector.extract_strided_slice %get3A_249 {offsets = [13], sizes = [1], strides = [1]} : vector<16xf32> to vector<1xf32>
        %squeeze3A_1166 = vector.extract %slice3A_1165[0] : f32 from vector<1xf32>
        %mul3A_1167 = arith.constant 16 : i32
        %mul3A_1168 = arith.muli %add3A_246, %mul3A_1167 : i32
        %add3A_1169 = arith.constant 13 : i32
        %add3A_1170 = arith.addi %mul3A_1168, %add3A_1169 : i32
        %get3A_1171 = arith.index_cast %add3A_1170 : i32 to index
        %get3A_1172 = arith.constant 0 : index
        %get3A_1173 = tpu.vector_load %arg10[%get3A_1171, %get3A_1172] {strides = array<i32>} : memref<128x128xf32, #tpu.memory_space<vmem>>, vector<16xf32>,
        %mul3A_1174 = vector.broadcast %squeeze3A_1166 : f32 to vector<16xf32>
        %mul3A_1175 = arith.mulf %get3A_1173, %mul3A_1174 : vector<16xf32>
        %swap3A_1176 = arith.index_cast %add3A_1170 : i32 to index
        %swap3A_1177 = arith.constant 0 : index
        %swap3A_1178 = tpu.vector_load %arg10[%swap3A_1176, %swap3A_1177] {strides = array<i32>} : memref<128x128xf32, #tpu.memory_space<vmem>>, vector<16xf32>,
        tpu.vector_store %arg10[%swap3A_1176, %swap3A_1177], %mul3A_1175 {strides = array<i32>} : memref<128x128xf32, #tpu.memory_space<vmem>>, vector<16xf32>,
        %get3A_1179 = arith.index_cast %add3A_1170 : i32 to index
        %get3A_1180 = arith.constant 16 : index
        %get3A_1181 = tpu.vector_load %arg10[%get3A_1179, %get3A_1180] {strides = array<i32>} : memref<128x128xf32, #tpu.memory_space<vmem>>, vector<16xf32>,
        %mul3A_1182 = vector.broadcast %squeeze3A_1166 : f32 to vector<16xf32>
        %mul3A_1183 = arith.mulf %get3A_1181, %mul3A_1182 : vector<16xf32>
        %swap3A_1184 = arith.index_cast %add3A_1170 : i32 to index
        %swap3A_1185 = arith.constant 16 : index
        %swap3A_1186 = tpu.vector_load %arg10[%swap3A_1184, %swap3A_1185] {strides = array<i32>} : memref<128x128xf32, #tpu.memory_space<vmem>>, vector<16xf32>,
        tpu.vector_store %arg10[%swap3A_1184, %swap3A_1185], %mul3A_1183 {strides = array<i32>} : memref<128x128xf32, #tpu.memory_space<vmem>>, vector<16xf32>,
        %get3A_1187 = arith.index_cast %add3A_1170 : i32 to index
        %get3A_1188 = arith.constant 32 : index
        %get3A_1189 = tpu.vector_load %arg10[%get3A_1187, %get3A_1188] {strides = array<i32>} : memref<128x128xf32, #tpu.memory_space<vmem>>, vector<16xf32>,
        %mul3A_1190 = vector.broadcast %squeeze3A_1166 : f32 to vector<16xf32>
        %mul3A_1191 = arith.mulf %get3A_1189, %mul3A_1190 : vector<16xf32>
        %swap3A_1192 = arith.index_cast %add3A_1170 : i32 to index
        %swap3A_1193 = arith.constant 32 : index
        %swap3A_1194 = tpu.vector_load %arg10[%swap3A_1192, %swap3A_1193] {strides = array<i32>} : memref<128x128xf32, #tpu.memory_space<vmem>>, vector<16xf32>,
        tpu.vector_store %arg10[%swap3A_1192, %swap3A_1193], %mul3A_1191 {strides = array<i32>} : memref<128x128xf32, #tpu.memory_space<vmem>>, vector<16xf32>,
        %get3A_1195 = arith.index_cast %add3A_1170 : i32 to index
        %get3A_1196 = arith.constant 48 : index
        %get3A_1197 = tpu.vector_load %arg10[%get3A_1195, %get3A_1196] {strides = array<i32>} : memref<128x128xf32, #tpu.memory_space<vmem>>, vector<16xf32>,
        %mul3A_1198 = vector.broadcast %squeeze3A_1166 : f32 to vector<16xf32>
        %mul3A_1199 = arith.mulf %get3A_1197, %mul3A_1198 : vector<16xf32>
        %swap3A_1200 = arith.index_cast %add3A_1170 : i32 to index
        %swap3A_1201 = arith.constant 48 : index
        %swap3A_1202 = tpu.vector_load %arg10[%swap3A_1200, %swap3A_1201] {strides = array<i32>} : memref<128x128xf32, #tpu.memory_space<vmem>>, vector<16xf32>,
        tpu.vector_store %arg10[%swap3A_1200, %swap3A_1201], %mul3A_1199 {strides = array<i32>} : memref<128x128xf32, #tpu.memory_space<vmem>>, vector<16xf32>,
        %get3A_1203 = arith.index_cast %add3A_1170 : i32 to index
        %get3A_1204 = arith.constant 64 : index
        %get3A_1205 = tpu.vector_load %arg10[%get3A_1203, %get3A_1204] {strides = array<i32>} : memref<128x128xf32, #tpu.memory_space<vmem>>, vector<16xf32>,
        %mul3A_1206 = vector.broadcast %squeeze3A_1166 : f32 to vector<16xf32>
        %mul3A_1207 = arith.mulf %get3A_1205, %mul3A_1206 : vector<16xf32>
        %swap3A_1208 = arith.index_cast %add3A_1170 : i32 to index
        %swap3A_1209 = arith.constant 64 : index
        %swap3A_1210 = tpu.vector_load %arg10[%swap3A_1208, %swap3A_1209] {strides = array<i32>} : memref<128x128xf32, #tpu.memory_space<vmem>>, vector<16xf32>,
        tpu.vector_store %arg10[%swap3A_1208, %swap3A_1209], %mul3A_1207 {strides = array<i32>} : memref<128x128xf32, #tpu.memory_space<vmem>>, vector<16xf32>,
        %get3A_1211 = arith.index_cast %add3A_1170 : i32 to index
        %get3A_1212 = arith.constant 80 : index
        %get3A_1213 = tpu.vector_load %arg10[%get3A_1211, %get3A_1212] {strides = array<i32>} : memref<128x128xf32, #tpu.memory_space<vmem>>, vector<16xf32>,
        %mul3A_1214 = vector.broadcast %squeeze3A_1166 : f32 to vector<16xf32>
        %mul3A_1215 = arith.mulf %get3A_1213, %mul3A_1214 : vector<16xf32>
        %swap3A_1216 = arith.index_cast %add3A_1170 : i32 to index
        %swap3A_1217 = arith.constant 80 : index
        %swap3A_1218 = tpu.vector_load %arg10[%swap3A_1216, %swap3A_1217] {strides = array<i32>} : memref<128x128xf32, #tpu.memory_space<vmem>>, vector<16xf32>,
        tpu.vector_store %arg10[%swap3A_1216, %swap3A_1217], %mul3A_1215 {strides = array<i32>} : memref<128x128xf32, #tpu.memory_space<vmem>>, vector<16xf32>,
        %get3A_1219 = arith.index_cast %add3A_1170 : i32 to index
        %get3A_1220 = arith.constant 96 : index
        %get3A_1221 = tpu.vector_load %arg10[%get3A_1219, %get3A_1220] {strides = array<i32>} : memref<128x128xf32, #tpu.memory_space<vmem>>, vector<16xf32>,
        %mul3A_1222 = vector.broadcast %squeeze3A_1166 : f32 to vector<16xf32>
        %mul3A_1223 = arith.mulf %get3A_1221, %mul3A_1222 : vector<16xf32>
        %swap3A_1224 = arith.index_cast %add3A_1170 : i32 to index
        %swap3A_1225 = arith.constant 96 : index
        %swap3A_1226 = tpu.vector_load %arg10[%swap3A_1224, %swap3A_1225] {strides = array<i32>} : memref<128x128xf32, #tpu.memory_space<vmem>>, vector<16xf32>,
        tpu.vector_store %arg10[%swap3A_1224, %swap3A_1225], %mul3A_1223 {strides = array<i32>} : memref<128x128xf32, #tpu.memory_space<vmem>>, vector<16xf32>,
        %get3A_1227 = arith.index_cast %add3A_1170 : i32 to index
        %get3A_1228 = arith.constant 112 : index
        %get3A_1229 = tpu.vector_load %arg10[%get3A_1227, %get3A_1228] {strides = array<i32>} : memref<128x128xf32, #tpu.memory_space<vmem>>, vector<16xf32>,
        %mul3A_1230 = vector.broadcast %squeeze3A_1166 : f32 to vector<16xf32>
        %mul3A_1231 = arith.mulf %get3A_1229, %mul3A_1230 : vector<16xf32>
        %swap3A_1232 = arith.index_cast %add3A_1170 : i32 to index
        %swap3A_1233 = arith.constant 112 : index
        %swap3A_1234 = tpu.vector_load %arg10[%swap3A_1232, %swap3A_1233] {strides = array<i32>} : memref<128x128xf32, #tpu.memory_space<vmem>>, vector<16xf32>,
        tpu.vector_store %arg10[%swap3A_1232, %swap3A_1233], %mul3A_1231 {strides = array<i32>} : memref<128x128xf32, #tpu.memory_space<vmem>>, vector<16xf32>,
        %slice3A_1235 = vector.extract_strided_slice %get3A_249 {offsets = [14], sizes = [1], strides = [1]} : vector<16xf32> to vector<1xf32>
        %squeeze3A_1236 = vector.extract %slice3A_1235[0] : f32 from vector<1xf32>
        %mul3A_1237 = arith.constant 16 : i32
        %mul3A_1238 = arith.muli %add3A_246, %mul3A_1237 : i32
        %add3A_1239 = arith.constant 14 : i32
        %add3A_1240 = arith.addi %mul3A_1238, %add3A_1239 : i32
        %get3A_1241 = arith.index_cast %add3A_1240 : i32 to index
        %get3A_1242 = arith.constant 0 : index
        %get3A_1243 = tpu.vector_load %arg10[%get3A_1241, %get3A_1242] {strides = array<i32>} : memref<128x128xf32, #tpu.memory_space<vmem>>, vector<16xf32>,
        %mul3A_1244 = vector.broadcast %squeeze3A_1236 : f32 to vector<16xf32>
        %mul3A_1245 = arith.mulf %get3A_1243, %mul3A_1244 : vector<16xf32>
        %swap3A_1246 = arith.index_cast %add3A_1240 : i32 to index
        %swap3A_1247 = arith.constant 0 : index
        %swap3A_1248 = tpu.vector_load %arg10[%swap3A_1246, %swap3A_1247] {strides = array<i32>} : memref<128x128xf32, #tpu.memory_space<vmem>>, vector<16xf32>,
        tpu.vector_store %arg10[%swap3A_1246, %swap3A_1247], %mul3A_1245 {strides = array<i32>} : memref<128x128xf32, #tpu.memory_space<vmem>>, vector<16xf32>,
        %get3A_1249 = arith.index_cast %add3A_1240 : i32 to index
        %get3A_1250 = arith.constant 16 : index
        %get3A_1251 = tpu.vector_load %arg10[%get3A_1249, %get3A_1250] {strides = array<i32>} : memref<128x128xf32, #tpu.memory_space<vmem>>, vector<16xf32>,
        %mul3A_1252 = vector.broadcast %squeeze3A_1236 : f32 to vector<16xf32>
        %mul3A_1253 = arith.mulf %get3A_1251, %mul3A_1252 : vector<16xf32>
        %swap3A_1254 = arith.index_cast %add3A_1240 : i32 to index
        %swap3A_1255 = arith.constant 16 : index
        %swap3A_1256 = tpu.vector_load %arg10[%swap3A_1254, %swap3A_1255] {strides = array<i32>} : memref<128x128xf32, #tpu.memory_space<vmem>>, vector<16xf32>,
        tpu.vector_store %arg10[%swap3A_1254, %swap3A_1255], %mul3A_1253 {strides = array<i32>} : memref<128x128xf32, #tpu.memory_space<vmem>>, vector<16xf32>,
        %get3A_1257 = arith.index_cast %add3A_1240 : i32 to index
        %get3A_1258 = arith.constant 32 : index
        %get3A_1259 = tpu.vector_load %arg10[%get3A_1257, %get3A_1258] {strides = array<i32>} : memref<128x128xf32, #tpu.memory_space<vmem>>, vector<16xf32>,
        %mul3A_1260 = vector.broadcast %squeeze3A_1236 : f32 to vector<16xf32>
        %mul3A_1261 = arith.mulf %get3A_1259, %mul3A_1260 : vector<16xf32>
        %swap3A_1262 = arith.index_cast %add3A_1240 : i32 to index
        %swap3A_1263 = arith.constant 32 : index
        %swap3A_1264 = tpu.vector_load %arg10[%swap3A_1262, %swap3A_1263] {strides = array<i32>} : memref<128x128xf32, #tpu.memory_space<vmem>>, vector<16xf32>,
        tpu.vector_store %arg10[%swap3A_1262, %swap3A_1263], %mul3A_1261 {strides = array<i32>} : memref<128x128xf32, #tpu.memory_space<vmem>>, vector<16xf32>,
        %get3A_1265 = arith.index_cast %add3A_1240 : i32 to index
        %get3A_1266 = arith.constant 48 : index
        %get3A_1267 = tpu.vector_load %arg10[%get3A_1265, %get3A_1266] {strides = array<i32>} : memref<128x128xf32, #tpu.memory_space<vmem>>, vector<16xf32>,
        %mul3A_1268 = vector.broadcast %squeeze3A_1236 : f32 to vector<16xf32>
        %mul3A_1269 = arith.mulf %get3A_1267, %mul3A_1268 : vector<16xf32>
        %swap3A_1270 = arith.index_cast %add3A_1240 : i32 to index
        %swap3A_1271 = arith.constant 48 : index
        %swap3A_1272 = tpu.vector_load %arg10[%swap3A_1270, %swap3A_1271] {strides = array<i32>} : memref<128x128xf32, #tpu.memory_space<vmem>>, vector<16xf32>,
        tpu.vector_store %arg10[%swap3A_1270, %swap3A_1271], %mul3A_1269 {strides = array<i32>} : memref<128x128xf32, #tpu.memory_space<vmem>>, vector<16xf32>,
        %get3A_1273 = arith.index_cast %add3A_1240 : i32 to index
        %get3A_1274 = arith.constant 64 : index
        %get3A_1275 = tpu.vector_load %arg10[%get3A_1273, %get3A_1274] {strides = array<i32>} : memref<128x128xf32, #tpu.memory_space<vmem>>, vector<16xf32>,
        %mul3A_1276 = vector.broadcast %squeeze3A_1236 : f32 to vector<16xf32>
        %mul3A_1277 = arith.mulf %get3A_1275, %mul3A_1276 : vector<16xf32>
        %swap3A_1278 = arith.index_cast %add3A_1240 : i32 to index
        %swap3A_1279 = arith.constant 64 : index
        %swap3A_1280 = tpu.vector_load %arg10[%swap3A_1278, %swap3A_1279] {strides = array<i32>} : memref<128x128xf32, #tpu.memory_space<vmem>>, vector<16xf32>,
        tpu.vector_store %arg10[%swap3A_1278, %swap3A_1279], %mul3A_1277 {strides = array<i32>} : memref<128x128xf32, #tpu.memory_space<vmem>>, vector<16xf32>,
        %get3A_1281 = arith.index_cast %add3A_1240 : i32 to index
        %get3A_1282 = arith.constant 80 : index
        %get3A_1283 = tpu.vector_load %arg10[%get3A_1281, %get3A_1282] {strides = array<i32>} : memref<128x128xf32, #tpu.memory_space<vmem>>, vector<16xf32>,
        %mul3A_1284 = vector.broadcast %squeeze3A_1236 : f32 to vector<16xf32>
        %mul3A_1285 = arith.mulf %get3A_1283, %mul3A_1284 : vector<16xf32>
        %swap3A_1286 = arith.index_cast %add3A_1240 : i32 to index
        %swap3A_1287 = arith.constant 80 : index
        %swap3A_1288 = tpu.vector_load %arg10[%swap3A_1286, %swap3A_1287] {strides = array<i32>} : memref<128x128xf32, #tpu.memory_space<vmem>>, vector<16xf32>,
        tpu.vector_store %arg10[%swap3A_1286, %swap3A_1287], %mul3A_1285 {strides = array<i32>} : memref<128x128xf32, #tpu.memory_space<vmem>>, vector<16xf32>,
        %get3A_1289 = arith.index_cast %add3A_1240 : i32 to index
        %get3A_1290 = arith.constant 96 : index
        %get3A_1291 = tpu.vector_load %arg10[%get3A_1289, %get3A_1290] {strides = array<i32>} : memref<128x128xf32, #tpu.memory_space<vmem>>, vector<16xf32>,
        %mul3A_1292 = vector.broadcast %squeeze3A_1236 : f32 to vector<16xf32>
        %mul3A_1293 = arith.mulf %get3A_1291, %mul3A_1292 : vector<16xf32>
        %swap3A_1294 = arith.index_cast %add3A_1240 : i32 to index
        %swap3A_1295 = arith.constant 96 : index
        %swap3A_1296 = tpu.vector_load %arg10[%swap3A_1294, %swap3A_1295] {strides = array<i32>} : memref<128x128xf32, #tpu.memory_space<vmem>>, vector<16xf32>,
        tpu.vector_store %arg10[%swap3A_1294, %swap3A_1295], %mul3A_1293 {strides = array<i32>} : memref<128x128xf32, #tpu.memory_space<vmem>>, vector<16xf32>,
        %get3A_1297 = arith.index_cast %add3A_1240 : i32 to index
        %get3A_1298 = arith.constant 112 : index
        %get3A_1299 = tpu.vector_load %arg10[%get3A_1297, %get3A_1298] {strides = array<i32>} : memref<128x128xf32, #tpu.memory_space<vmem>>, vector<16xf32>,
        %mul3A_1300 = vector.broadcast %squeeze3A_1236 : f32 to vector<16xf32>
        %mul3A_1301 = arith.mulf %get3A_1299, %mul3A_1300 : vector<16xf32>
        %swap3A_1302 = arith.index_cast %add3A_1240 : i32 to index
        %swap3A_1303 = arith.constant 112 : index
        %swap3A_1304 = tpu.vector_load %arg10[%swap3A_1302, %swap3A_1303] {strides = array<i32>} : memref<128x128xf32, #tpu.memory_space<vmem>>, vector<16xf32>,
        tpu.vector_store %arg10[%swap3A_1302, %swap3A_1303], %mul3A_1301 {strides = array<i32>} : memref<128x128xf32, #tpu.memory_space<vmem>>, vector<16xf32>,
        %slice3A_1305 = vector.extract_strided_slice %get3A_249 {offsets = [15], sizes = [1], strides = [1]} : vector<16xf32> to vector<1xf32>
        %squeeze3A_1306 = vector.extract %slice3A_1305[0] : f32 from vector<1xf32>
        %mul3A_1307 = arith.constant 16 : i32
        %mul3A_1308 = arith.muli %add3A_246, %mul3A_1307 : i32
        %add3A_1309 = arith.constant 15 : i32
        %add3A_1310 = arith.addi %mul3A_1308, %add3A_1309 : i32
        %get3A_1311 = arith.index_cast %add3A_1310 : i32 to index
        %get3A_1312 = arith.constant 0 : index
        %get3A_1313 = tpu.vector_load %arg10[%get3A_1311, %get3A_1312] {strides = array<i32>} : memref<128x128xf32, #tpu.memory_space<vmem>>, vector<16xf32>,
        %mul3A_1314 = vector.broadcast %squeeze3A_1306 : f32 to vector<16xf32>
        %mul3A_1315 = arith.mulf %get3A_1313, %mul3A_1314 : vector<16xf32>
        %swap3A_1316 = arith.index_cast %add3A_1310 : i32 to index
        %swap3A_1317 = arith.constant 0 : index
        %swap3A_1318 = tpu.vector_load %arg10[%swap3A_1316, %swap3A_1317] {strides = array<i32>} : memref<128x128xf32, #tpu.memory_space<vmem>>, vector<16xf32>,
        tpu.vector_store %arg10[%swap3A_1316, %swap3A_1317], %mul3A_1315 {strides = array<i32>} : memref<128x128xf32, #tpu.memory_space<vmem>>, vector<16xf32>,
        %get3A_1319 = arith.index_cast %add3A_1310 : i32 to index
        %get3A_1320 = arith.constant 16 : index
        %get3A_1321 = tpu.vector_load %arg10[%get3A_1319, %get3A_1320] {strides = array<i32>} : memref<128x128xf32, #tpu.memory_space<vmem>>, vector<16xf32>,
        %mul3A_1322 = vector.broadcast %squeeze3A_1306 : f32 to vector<16xf32>
        %mul3A_1323 = arith.mulf %get3A_1321, %mul3A_1322 : vector<16xf32>
        %swap3A_1324 = arith.index_cast %add3A_1310 : i32 to index
        %swap3A_1325 = arith.constant 16 : index
        %swap3A_1326 = tpu.vector_load %arg10[%swap3A_1324, %swap3A_1325] {strides = array<i32>} : memref<128x128xf32, #tpu.memory_space<vmem>>, vector<16xf32>,
        tpu.vector_store %arg10[%swap3A_1324, %swap3A_1325], %mul3A_1323 {strides = array<i32>} : memref<128x128xf32, #tpu.memory_space<vmem>>, vector<16xf32>,
        %get3A_1327 = arith.index_cast %add3A_1310 : i32 to index
        %get3A_1328 = arith.constant 32 : index
        %get3A_1329 = tpu.vector_load %arg10[%get3A_1327, %get3A_1328] {strides = array<i32>} : memref<128x128xf32, #tpu.memory_space<vmem>>, vector<16xf32>,
        %mul3A_1330 = vector.broadcast %squeeze3A_1306 : f32 to vector<16xf32>
        %mul3A_1331 = arith.mulf %get3A_1329, %mul3A_1330 : vector<16xf32>
        %swap3A_1332 = arith.index_cast %add3A_1310 : i32 to index
        %swap3A_1333 = arith.constant 32 : index
        %swap3A_1334 = tpu.vector_load %arg10[%swap3A_1332, %swap3A_1333] {strides = array<i32>} : memref<128x128xf32, #tpu.memory_space<vmem>>, vector<16xf32>,
        tpu.vector_store %arg10[%swap3A_1332, %swap3A_1333], %mul3A_1331 {strides = array<i32>} : memref<128x128xf32, #tpu.memory_space<vmem>>, vector<16xf32>,
        %get3A_1335 = arith.index_cast %add3A_1310 : i32 to index
        %get3A_1336 = arith.constant 48 : index
        %get3A_1337 = tpu.vector_load %arg10[%get3A_1335, %get3A_1336] {strides = array<i32>} : memref<128x128xf32, #tpu.memory_space<vmem>>, vector<16xf32>,
        %mul3A_1338 = vector.broadcast %squeeze3A_1306 : f32 to vector<16xf32>
        %mul3A_1339 = arith.mulf %get3A_1337, %mul3A_1338 : vector<16xf32>
        %swap3A_1340 = arith.index_cast %add3A_1310 : i32 to index
        %swap3A_1341 = arith.constant 48 : index
        %swap3A_1342 = tpu.vector_load %arg10[%swap3A_1340, %swap3A_1341] {strides = array<i32>} : memref<128x128xf32, #tpu.memory_space<vmem>>, vector<16xf32>,
        tpu.vector_store %arg10[%swap3A_1340, %swap3A_1341], %mul3A_1339 {strides = array<i32>} : memref<128x128xf32, #tpu.memory_space<vmem>>, vector<16xf32>,
        %get3A_1343 = arith.index_cast %add3A_1310 : i32 to index
        %get3A_1344 = arith.constant 64 : index
        %get3A_1345 = tpu.vector_load %arg10[%get3A_1343, %get3A_1344] {strides = array<i32>} : memref<128x128xf32, #tpu.memory_space<vmem>>, vector<16xf32>,
        %mul3A_1346 = vector.broadcast %squeeze3A_1306 : f32 to vector<16xf32>
        %mul3A_1347 = arith.mulf %get3A_1345, %mul3A_1346 : vector<16xf32>
        %swap3A_1348 = arith.index_cast %add3A_1310 : i32 to index
        %swap3A_1349 = arith.constant 64 : index
        %swap3A_1350 = tpu.vector_load %arg10[%swap3A_1348, %swap3A_1349] {strides = array<i32>} : memref<128x128xf32, #tpu.memory_space<vmem>>, vector<16xf32>,
        tpu.vector_store %arg10[%swap3A_1348, %swap3A_1349], %mul3A_1347 {strides = array<i32>} : memref<128x128xf32, #tpu.memory_space<vmem>>, vector<16xf32>,
        %get3A_1351 = arith.index_cast %add3A_1310 : i32 to index
        %get3A_1352 = arith.constant 80 : index
        %get3A_1353 = tpu.vector_load %arg10[%get3A_1351, %get3A_1352] {strides = array<i32>} : memref<128x128xf32, #tpu.memory_space<vmem>>, vector<16xf32>,
        %mul3A_1354 = vector.broadcast %squeeze3A_1306 : f32 to vector<16xf32>
        %mul3A_1355 = arith.mulf %get3A_1353, %mul3A_1354 : vector<16xf32>
        %swap3A_1356 = arith.index_cast %add3A_1310 : i32 to index
        %swap3A_1357 = arith.constant 80 : index
        %swap3A_1358 = tpu.vector_load %arg10[%swap3A_1356, %swap3A_1357] {strides = array<i32>} : memref<128x128xf32, #tpu.memory_space<vmem>>, vector<16xf32>,
        tpu.vector_store %arg10[%swap3A_1356, %swap3A_1357], %mul3A_1355 {strides = array<i32>} : memref<128x128xf32, #tpu.memory_space<vmem>>, vector<16xf32>,
        %get3A_1359 = arith.index_cast %add3A_1310 : i32 to index
        %get3A_1360 = arith.constant 96 : index
        %get3A_1361 = tpu.vector_load %arg10[%get3A_1359, %get3A_1360] {strides = array<i32>} : memref<128x128xf32, #tpu.memory_space<vmem>>, vector<16xf32>,
        %mul3A_1362 = vector.broadcast %squeeze3A_1306 : f32 to vector<16xf32>
        %mul3A_1363 = arith.mulf %get3A_1361, %mul3A_1362 : vector<16xf32>
        %swap3A_1364 = arith.index_cast %add3A_1310 : i32 to index
        %swap3A_1365 = arith.constant 96 : index
        %swap3A_1366 = tpu.vector_load %arg10[%swap3A_1364, %swap3A_1365] {strides = array<i32>} : memref<128x128xf32, #tpu.memory_space<vmem>>, vector<16xf32>,
        tpu.vector_store %arg10[%swap3A_1364, %swap3A_1365], %mul3A_1363 {strides = array<i32>} : memref<128x128xf32, #tpu.memory_space<vmem>>, vector<16xf32>,
        %get3A_1367 = arith.index_cast %add3A_1310 : i32 to index
        %get3A_1368 = arith.constant 112 : index
        %get3A_1369 = tpu.vector_load %arg10[%get3A_1367, %get3A_1368] {strides = array<i32>} : memref<128x128xf32, #tpu.memory_space<vmem>>, vector<16xf32>,
        %mul3A_1370 = vector.broadcast %squeeze3A_1306 : f32 to vector<16xf32>
        %mul3A_1371 = arith.mulf %get3A_1369, %mul3A_1370 : vector<16xf32>
        %swap3A_1372 = arith.index_cast %add3A_1310 : i32 to index
        %swap3A_1373 = arith.constant 112 : index
        %swap3A_1374 = tpu.vector_load %arg10[%swap3A_1372, %swap3A_1373] {strides = array<i32>} : memref<128x128xf32, #tpu.memory_space<vmem>>, vector<16xf32>,
        tpu.vector_store %arg10[%swap3A_1372, %swap3A_1373], %mul3A_1371 {strides = array<i32>} : memref<128x128xf32, #tpu.memory_space<vmem>>, vector<16xf32>,
      }
      %scan3A_178 = arith.constant 8 : i32
      %dma_start3A_179 = arith.constant 0 : i32
      %dma_start3A_180 = arith.constant 0 : i32
      %dma_start3A_181 = tpu.memref_slice %arg12[%dma_start3A_179, %dma_start3A_180] : memref<1x128xi32, #tpu.memory_space<vmem>> -> memref<1x128xi32, #tpu.memory_space<vmem>>
      %dma_start3A_182 = tpu.memref_squeeze %dma_start3A_181 : memref<1x128xi32, #tpu.memory_space<vmem>> -> memref<128xi32, #tpu.memory_space<vmem>>
      %dma_start3A_183 = arith.constant 0 : i32
      %dma_start3A_184 = arith.constant 0 : i32
      %dma_start3A_185 = tpu.memref_slice %arg14[%dma_start3A_183, %dma_start3A_184] : memref<10240x128xf32, #tpu.memory_space<vmem_shared>> -> memref<10240x128xf32, #tpu.memory_space<vmem_shared>>
      tpu.enqueue_indirect_dma source(%arg10 : memref<128x128xf32, #tpu.memory_space<vmem>>) target(%dma_start3A_185 : memref<10240x128xf32, #tpu.memory_space<vmem_shared>>) offsets(%dma_start3A_182 : memref<128xi32, #tpu.memory_space<vmem>>) semaphore(%arg21 : memref<!tpu.dma_semaphore, #tpu.memory_space<semaphore_mem>>) {add = true}
      %add3A_186 = arith.constant 2 : i32
      %add3A_187 = arith.addi %add3A_148, %add3A_186 : i32
      %lt3A_188 = arith.constant 80 : i32
      %lt3A_189 = arith.cmpi slt, %add3A_187, %lt3A_188 : i32
      %convert_element_type3A_190 = arith.extui %lt3A_189 : i1 to i32
      %cond3A_191 = arith.constant 0 : i32
      %cond3A_192 = arith.cmpi ne, %convert_element_type3A_190, %cond3A_191 : i32
      scf.if %cond3A_192 {
        %add3A_242 = arith.constant 2 : i32
        %add3A_243 = arith.addi %add3A_148, %add3A_242 : i32
        %dma_start3A_244 = arith.constant 0 : i32
        %dma_start3A_245 = arith.constant 0 : i32
        %dma_start3A_246 = arith.constant 0 : i32
        %dma_start3A_247 = tpu.memref_slice %arg3[%add3A, %dma_start3A_244, %dma_start3A_245, %dma_start3A_246] : memref<32x80x2x128xi32, #tpu.memory_space<hbm>> -> memref<1x80x2x128xi32, #tpu.memory_space<hbm>>
        %dma_start3A_248 = tpu.memref_squeeze %dma_start3A_247 : memref<1x80x2x128xi32, #tpu.memory_space<hbm>> -> memref<80x2x128xi32, #tpu.memory_space<hbm>>
        %dma_start3A_249 = arith.constant 0 : i32
        %dma_start3A_250 = arith.constant 0 : i32
        %dma_start3A_251 = tpu.memref_slice %dma_start3A_248[%add3A_243, %dma_start3A_249, %dma_start3A_250] : memref<80x2x128xi32, #tpu.memory_space<hbm>> -> memref<1x2x128xi32, #tpu.memory_space<hbm>>
        %dma_start3A_252 = tpu.memref_squeeze %dma_start3A_251 : memref<1x2x128xi32, #tpu.memory_space<hbm>> -> memref<2x128xi32, #tpu.memory_space<hbm>>
        %dma_start3A_253 = arith.constant 0 : i32
        %dma_start3A_254 = arith.constant 0 : i32
        %dma_start3A_255 = arith.constant 0 : i32
        %dma_start3A_256 = tpu.memref_slice %arg3[%add3A, %dma_start3A_253, %dma_start3A_254, %dma_start3A_255] : memref<32x80x2x128xi32, #tpu.memory_space<hbm>> -> memref<1x80x2x128xi32, #tpu.memory_space<hbm>>
        %dma_start3A_257 = tpu.memref_squeeze %dma_start3A_256 : memref<1x80x2x128xi32, #tpu.memory_space<hbm>> -> memref<80x2x128xi32, #tpu.memory_space<hbm>>
        %dma_start3A_258 = arith.constant 0 : i32
        %dma_start3A_259 = arith.constant 0 : i32
        %dma_start3A_260 = tpu.memref_slice %dma_start3A_257[%add3A_243, %dma_start3A_258, %dma_start3A_259] : memref<80x2x128xi32, #tpu.memory_space<hbm>> -> memref<1x2x128xi32, #tpu.memory_space<hbm>>
        %dma_start3A_261 = tpu.memref_squeeze %dma_start3A_260 : memref<1x2x128xi32, #tpu.memory_space<hbm>> -> memref<2x128xi32, #tpu.memory_space<hbm>>
        tpu.enqueue_dma source(%dma_start3A_261 : memref<2x128xi32, #tpu.memory_space<hbm>>) target(%arg6 : memref<2x128xi32, #tpu.memory_space<vmem>>) target_semaphore(%arg15 : memref<!tpu.dma_semaphore, #tpu.memory_space<semaphore_mem>>)
        %dma_start3A_262 = arith.constant 0 : i32
        %dma_start3A_263 = arith.constant 0 : i32
        %dma_start3A_264 = tpu.memref_slice %arg4[%add3A, %dma_start3A_262, %dma_start3A_263] : memref<32x80x128xf32, #tpu.memory_space<hbm>> -> memref<1x80x128xf32, #tpu.memory_space<hbm>>
        %dma_start3A_265 = tpu.memref_squeeze %dma_start3A_264 : memref<1x80x128xf32, #tpu.memory_space<hbm>> -> memref<80x128xf32, #tpu.memory_space<hbm>>
        %dma_start3A_266 = arith.constant 0 : i32
        %dma_start3A_267 = tpu.memref_slice %dma_start3A_265[%add3A_243, %dma_start3A_266] : memref<80x128xf32, #tpu.memory_space<hbm>> -> memref<1x128xf32, #tpu.memory_space<hbm>>
        %dma_start3A_268 = tpu.memref_squeeze %dma_start3A_267 : memref<1x128xf32, #tpu.memory_space<hbm>> -> memref<128xf32, #tpu.memory_space<hbm>>
        %dma_start3A_269 = arith.constant 0 : i32
        %dma_start3A_270 = arith.constant 0 : i32
        %dma_start3A_271 = tpu.memref_slice %arg4[%add3A, %dma_start3A_269, %dma_start3A_270] : memref<32x80x128xf32, #tpu.memory_space<hbm>> -> memref<1x80x128xf32, #tpu.memory_space<hbm>>
        %dma_start3A_272 = tpu.memref_squeeze %dma_start3A_271 : memref<1x80x128xf32, #tpu.memory_space<hbm>> -> memref<80x128xf32, #tpu.memory_space<hbm>>
        %dma_start3A_273 = arith.constant 0 : i32
        %dma_start3A_274 = tpu.memref_slice %dma_start3A_272[%add3A_243, %dma_start3A_273] : memref<80x128xf32, #tpu.memory_space<hbm>> -> memref<1x128xf32, #tpu.memory_space<hbm>>
        %dma_start3A_275 = tpu.memref_squeeze %dma_start3A_274 : memref<1x128xf32, #tpu.memory_space<hbm>> -> memref<128xf32, #tpu.memory_space<hbm>>
        tpu.enqueue_dma source(%dma_start3A_275 : memref<128xf32, #tpu.memory_space<hbm>>) target(%arg8 : memref<128xf32, #tpu.memory_space<vmem>>) target_semaphore(%arg17 : memref<!tpu.dma_semaphore, #tpu.memory_space<semaphore_mem>>)
      } else {
      }
      %add3A_193 = arith.constant 1 : i32
      %add3A_194 = arith.addi %add3A_146, %add3A_193 : i32
      %add3A_195 = arith.constant 1 : i32
      %add3A_196 = arith.addi %add3A_194, %add3A_195 : i32
      %lt3A_197 = arith.constant 80 : i32
      %lt3A_198 = arith.cmpi slt, %add3A_196, %lt3A_197 : i32
      %convert_element_type3A_199 = arith.extui %lt3A_198 : i1 to i32
      %cond3A_200 = arith.constant 0 : i32
      %cond3A_201 = arith.cmpi ne, %convert_element_type3A_199, %cond3A_200 : i32
      scf.if %cond3A_201 {
        %ge3A = arith.constant 1 : i32
        %ge3A_242 = arith.cmpi sge, %add3A_194, %ge3A : i32
        %convert_element_type3A_243 = arith.extui %ge3A_242 : i1 to i32
        %cond3A_244 = arith.constant 0 : i32
        %cond3A_245 = arith.cmpi ne, %convert_element_type3A_243, %cond3A_244 : i32
        scf.if %cond3A_245 {
          %dma_wait3A_275 = arith.constant 0 : i32
          %dma_wait3A_276 = arith.constant 0 : i32
          %dma_wait3A_277 = tpu.memref_slice %arg12[%dma_wait3A_275, %dma_wait3A_276] : memref<1x128xi32, #tpu.memory_space<vmem>> -> memref<1x128xi32, #tpu.memory_space<vmem>>
          %dma_wait3A_278 = tpu.memref_squeeze %dma_wait3A_277 : memref<1x128xi32, #tpu.memory_space<vmem>> -> memref<128xi32, #tpu.memory_space<vmem>>
          %dma_wait3A_279 = arith.constant 0 : i32
          %dma_wait3A_280 = arith.constant 0 : i32
          %dma_wait3A_281 = tpu.memref_slice %arg14[%dma_wait3A_279, %dma_wait3A_280] : memref<10240x128xf32, #tpu.memory_space<vmem_shared>> -> memref<10240x128xf32, #tpu.memory_space<vmem_shared>>
          tpu.wait_indirect_dma semaphore(%arg21 : memref<!tpu.dma_semaphore, #tpu.memory_space<semaphore_mem>>) src(%arg10 : memref<128x128xf32, #tpu.memory_space<vmem>>) dst(%dma_wait3A_281 : memref<10240x128xf32, #tpu.memory_space<vmem_shared>>)
        } else {
        }
        %add3A_246 = arith.constant 1 : i32
        %add3A_247 = arith.addi %add3A_194, %add3A_246 : i32
        %dma_wait3A_248 = arith.constant 0 : i32
        %dma_wait3A_249 = arith.constant 0 : i32
        %dma_wait3A_250 = arith.constant 0 : i32
        %dma_wait3A_251 = tpu.memref_slice %arg3[%add3A, %dma_wait3A_248, %dma_wait3A_249, %dma_wait3A_250] : memref<32x80x2x128xi32, #tpu.memory_space<hbm>> -> memref<1x80x2x128xi32, #tpu.memory_space<hbm>>
        %dma_wait3A_252 = tpu.memref_squeeze %dma_wait3A_251 : memref<1x80x2x128xi32, #tpu.memory_space<hbm>> -> memref<80x2x128xi32, #tpu.memory_space<hbm>>
        %dma_wait3A_253 = arith.constant 0 : i32
        %dma_wait3A_254 = arith.constant 0 : i32
        %dma_wait3A_255 = tpu.memref_slice %dma_wait3A_252[%add3A_247, %dma_wait3A_253, %dma_wait3A_254] : memref<80x2x128xi32, #tpu.memory_space<hbm>> -> memref<1x2x128xi32, #tpu.memory_space<hbm>>
        %dma_wait3A_256 = tpu.memref_squeeze %dma_wait3A_255 : memref<1x2x128xi32, #tpu.memory_space<hbm>> -> memref<2x128xi32, #tpu.memory_space<hbm>>
        %dma_wait3A_257 = arith.constant 0 : i32
        %dma_wait3A_258 = arith.constant 0 : i32
        %dma_wait3A_259 = arith.constant 0 : i32
        %dma_wait3A_260 = tpu.memref_slice %arg3[%add3A, %dma_wait3A_257, %dma_wait3A_258, %dma_wait3A_259] : memref<32x80x2x128xi32, #tpu.memory_space<hbm>> -> memref<1x80x2x128xi32, #tpu.memory_space<hbm>>
        %dma_wait3A_261 = tpu.memref_squeeze %dma_wait3A_260 : memref<1x80x2x128xi32, #tpu.memory_space<hbm>> -> memref<80x2x128xi32, #tpu.memory_space<hbm>>
        %dma_wait3A_262 = arith.constant 0 : i32
        %dma_wait3A_263 = arith.constant 0 : i32
        %dma_wait3A_264 = tpu.memref_slice %dma_wait3A_261[%add3A_247, %dma_wait3A_262, %dma_wait3A_263] : memref<80x2x128xi32, #tpu.memory_space<hbm>> -> memref<1x2x128xi32, #tpu.memory_space<hbm>>
        %dma_wait3A_265 = tpu.memref_squeeze %dma_wait3A_264 : memref<1x2x128xi32, #tpu.memory_space<hbm>> -> memref<2x128xi32, #tpu.memory_space<hbm>>
        tpu.wait_dma2 semaphore(%arg15 : memref<!tpu.dma_semaphore, #tpu.memory_space<semaphore_mem>>) src(%dma_wait3A_265 : memref<2x128xi32, #tpu.memory_space<hbm>>) dst(%arg6 : memref<2x128xi32, #tpu.memory_space<vmem>>)
        %add3A_266 = arith.constant 1 : i32
        %add3A_267 = arith.addi %add3A_194, %add3A_266 : i32
        %dma_start3A_268 = arith.constant 0 : i32
        %dma_start3A_269 = arith.constant 0 : i32
        %dma_start3A_270 = tpu.memref_slice %arg6[%dma_start3A_268, %dma_start3A_269] : memref<2x128xi32, #tpu.memory_space<vmem>> -> memref<1x128xi32, #tpu.memory_space<vmem>>
        %dma_start3A_271 = tpu.memref_squeeze %dma_start3A_270 : memref<1x128xi32, #tpu.memory_space<vmem>> -> memref<128xi32, #tpu.memory_space<vmem>>
        %dma_start3A_272 = arith.constant 0 : i32
        %dma_start3A_273 = arith.constant 0 : i32
        %dma_start3A_274 = tpu.memref_slice %arg2[%dma_start3A_272, %dma_start3A_273] : memref<10000x128xf32, #tpu.memory_space<hbm>> -> memref<10000x128xf32, #tpu.memory_space<hbm>>
        tpu.enqueue_indirect_dma source(%dma_start3A_274 : memref<10000x128xf32, #tpu.memory_space<hbm>>) target(%arg10 : memref<128x128xf32, #tpu.memory_space<vmem>>) offsets(%dma_start3A_271 : memref<128xi32, #tpu.memory_space<vmem>>) semaphore(%arg19 : memref<!tpu.dma_semaphore, #tpu.memory_space<semaphore_mem>>)
      } else {
      }
      %dma_wait3A_202 = arith.constant 0 : i32
      %dma_wait3A_203 = arith.constant 0 : i32
      %dma_wait3A_204 = tpu.memref_slice %arg7[%dma_wait3A_202, %dma_wait3A_203] : memref<2x128xi32, #tpu.memory_space<vmem>> -> memref<1x128xi32, #tpu.memory_space<vmem>>
      %dma_wait3A_205 = tpu.memref_squeeze %dma_wait3A_204 : memref<1x128xi32, #tpu.memory_space<vmem>> -> memref<128xi32, #tpu.memory_space<vmem>>
      %dma_wait3A_206 = arith.constant 0 : i32
      %dma_wait3A_207 = arith.constant 0 : i32
      %dma_wait3A_208 = tpu.memref_slice %arg2[%dma_wait3A_206, %dma_wait3A_207] : memref<10000x128xf32, #tpu.memory_space<hbm>> -> memref<10000x128xf32, #tpu.memory_space<hbm>>
      tpu.wait_indirect_dma semaphore(%arg20 : memref<!tpu.dma_semaphore, #tpu.memory_space<semaphore_mem>>) src(%dma_wait3A_208 : memref<10000x128xf32, #tpu.memory_space<hbm>>) dst(%arg11 : memref<128x128xf32, #tpu.memory_space<vmem>>)
      %dma_wait3A_209 = arith.constant 0 : i32
      %dma_wait3A_210 = arith.constant 0 : i32
      %dma_wait3A_211 = tpu.memref_slice %arg4[%add3A, %dma_wait3A_209, %dma_wait3A_210] : memref<32x80x128xf32, #tpu.memory_space<hbm>> -> memref<1x80x128xf32, #tpu.memory_space<hbm>>
      %dma_wait3A_212 = tpu.memref_squeeze %dma_wait3A_211 : memref<1x80x128xf32, #tpu.memory_space<hbm>> -> memref<80x128xf32, #tpu.memory_space<hbm>>
      %dma_wait3A_213 = arith.constant 0 : i32
      %dma_wait3A_214 = tpu.memref_slice %dma_wait3A_212[%add3A_194, %dma_wait3A_213] : memref<80x128xf32, #tpu.memory_space<hbm>> -> memref<1x128xf32, #tpu.memory_space<hbm>>
      %dma_wait3A_215 = tpu.memref_squeeze %dma_wait3A_214 : memref<1x128xf32, #tpu.memory_space<hbm>> -> memref<128xf32, #tpu.memory_space<hbm>>
      %dma_wait3A_216 = arith.constant 0 : i32
      %dma_wait3A_217 = arith.constant 0 : i32
      %dma_wait3A_218 = tpu.memref_slice %arg4[%add3A, %dma_wait3A_216, %dma_wait3A_217] : memref<32x80x128xf32, #tpu.memory_space<hbm>> -> memref<1x80x128xf32, #tpu.memory_space<hbm>>
      %dma_wait3A_219 = tpu.memref_squeeze %dma_wait3A_218 : memref<1x80x128xf32, #tpu.memory_space<hbm>> -> memref<80x128xf32, #tpu.memory_space<hbm>>
      %dma_wait3A_220 = arith.constant 0 : i32
      %dma_wait3A_221 = tpu.memref_slice %dma_wait3A_219[%add3A_194, %dma_wait3A_220] : memref<80x128xf32, #tpu.memory_space<hbm>> -> memref<1x128xf32, #tpu.memory_space<hbm>>
      %dma_wait3A_222 = tpu.memref_squeeze %dma_wait3A_221 : memref<1x128xf32, #tpu.memory_space<hbm>> -> memref<128xf32, #tpu.memory_space<hbm>>
      tpu.wait_dma2 semaphore(%arg18 : memref<!tpu.dma_semaphore, #tpu.memory_space<semaphore_mem>>) src(%dma_wait3A_222 : memref<128xf32, #tpu.memory_space<hbm>>) dst(%arg9 : memref<128xf32, #tpu.memory_space<vmem>>)
      %scan3A_223 = arith.constant 0 : i32
      %scan3A_224 = arith.constant 8 : i32
      %scan3A_225 = arith.addi %scan3A_223, %scan3A_224 : i32
      %scan3A_226 = arith.constant 1 : i32
      scf.for %scan3A_242 = %scan3A_223 to %scan3A_225 step %scan3A_226  : i32 {
        %mul3A_243 = arith.constant 1 : i32
        %mul3A_244 = arith.muli %scan3A_242, %mul3A_243 : i32
        %add3A_245 = arith.constant 0 : i32
        %add3A_246 = arith.addi %add3A_245, %mul3A_244 : i32
        %mul3A_247 = arith.constant 16 : i32
        %mul3A_248 = arith.muli %add3A_246, %mul3A_247 : i32
        %get3A = arith.index_cast %mul3A_248 : i32 to index
        %get3A_249 = tpu.vector_load %arg9[%get3A] {strides = array<i32>} : memref<128xf32, #tpu.memory_space<vmem>>, vector<16xf32>,
        %get3A_250 = arith.constant 1 : i32
        %get3A_251 = arith.index_cast %get3A_250 : i32 to index
        %get3A_252 = arith.index_cast %mul3A_248 : i32 to index
        %get3A_253 = tpu.vector_load %arg7[%get3A_251, %get3A_252] {strides = array<i32>} : memref<2x128xi32, #tpu.memory_space<vmem>>, vector<16xi32>,
        %swap3A = arith.constant 0 : i32
        %swap3A_254 = arith.index_cast %swap3A : i32 to index
        %swap3A_255 = arith.index_cast %mul3A_248 : i32 to index
        %swap3A_256 = tpu.vector_load %arg13[%swap3A_254, %swap3A_255] {strides = array<i32>} : memref<1x128xi32, #tpu.memory_space<vmem>>, vector<16xi32>,
        tpu.vector_store %arg13[%swap3A_254, %swap3A_255], %get3A_253 {strides = array<i32>} : memref<1x128xi32, #tpu.memory_space<vmem>>, vector<16xi32>,
        %slice3A = vector.extract_strided_slice %get3A_249 {offsets = [0], sizes = [1], strides = [1]} : vector<16xf32> to vector<1xf32>
        %squeeze3A = vector.extract %slice3A[0] : f32 from vector<1xf32>
        %mul3A_257 = arith.constant 16 : i32
        %mul3A_258 = arith.muli %add3A_246, %mul3A_257 : i32
        %add3A_259 = arith.constant 0 : i32
        %add3A_260 = arith.addi %mul3A_258, %add3A_259 : i32
        %get3A_261 = arith.index_cast %add3A_260 : i32 to index
        %get3A_262 = arith.constant 0 : index
        %get3A_263 = tpu.vector_load %arg11[%get3A_261, %get3A_262] {strides = array<i32>} : memref<128x128xf32, #tpu.memory_space<vmem>>, vector<16xf32>,
        %mul3A_264 = vector.broadcast %squeeze3A : f32 to vector<16xf32>
        %mul3A_265 = arith.mulf %get3A_263, %mul3A_264 : vector<16xf32>
        %swap3A_266 = arith.index_cast %add3A_260 : i32 to index
        %swap3A_267 = arith.constant 0 : index
        %swap3A_268 = tpu.vector_load %arg11[%swap3A_266, %swap3A_267] {strides = array<i32>} : memref<128x128xf32, #tpu.memory_space<vmem>>, vector<16xf32>,
        tpu.vector_store %arg11[%swap3A_266, %swap3A_267], %mul3A_265 {strides = array<i32>} : memref<128x128xf32, #tpu.memory_space<vmem>>, vector<16xf32>,
        %get3A_269 = arith.index_cast %add3A_260 : i32 to index
        %get3A_270 = arith.constant 16 : index
        %get3A_271 = tpu.vector_load %arg11[%get3A_269, %get3A_270] {strides = array<i32>} : memref<128x128xf32, #tpu.memory_space<vmem>>, vector<16xf32>,
        %mul3A_272 = vector.broadcast %squeeze3A : f32 to vector<16xf32>
        %mul3A_273 = arith.mulf %get3A_271, %mul3A_272 : vector<16xf32>
        %swap3A_274 = arith.index_cast %add3A_260 : i32 to index
        %swap3A_275 = arith.constant 16 : index
        %swap3A_276 = tpu.vector_load %arg11[%swap3A_274, %swap3A_275] {strides = array<i32>} : memref<128x128xf32, #tpu.memory_space<vmem>>, vector<16xf32>,
        tpu.vector_store %arg11[%swap3A_274, %swap3A_275], %mul3A_273 {strides = array<i32>} : memref<128x128xf32, #tpu.memory_space<vmem>>, vector<16xf32>,
        %get3A_277 = arith.index_cast %add3A_260 : i32 to index
        %get3A_278 = arith.constant 32 : index
        %get3A_279 = tpu.vector_load %arg11[%get3A_277, %get3A_278] {strides = array<i32>} : memref<128x128xf32, #tpu.memory_space<vmem>>, vector<16xf32>,
        %mul3A_280 = vector.broadcast %squeeze3A : f32 to vector<16xf32>
        %mul3A_281 = arith.mulf %get3A_279, %mul3A_280 : vector<16xf32>
        %swap3A_282 = arith.index_cast %add3A_260 : i32 to index
        %swap3A_283 = arith.constant 32 : index
        %swap3A_284 = tpu.vector_load %arg11[%swap3A_282, %swap3A_283] {strides = array<i32>} : memref<128x128xf32, #tpu.memory_space<vmem>>, vector<16xf32>,
        tpu.vector_store %arg11[%swap3A_282, %swap3A_283], %mul3A_281 {strides = array<i32>} : memref<128x128xf32, #tpu.memory_space<vmem>>, vector<16xf32>,
        %get3A_285 = arith.index_cast %add3A_260 : i32 to index
        %get3A_286 = arith.constant 48 : index
        %get3A_287 = tpu.vector_load %arg11[%get3A_285, %get3A_286] {strides = array<i32>} : memref<128x128xf32, #tpu.memory_space<vmem>>, vector<16xf32>,
        %mul3A_288 = vector.broadcast %squeeze3A : f32 to vector<16xf32>
        %mul3A_289 = arith.mulf %get3A_287, %mul3A_288 : vector<16xf32>
        %swap3A_290 = arith.index_cast %add3A_260 : i32 to index
        %swap3A_291 = arith.constant 48 : index
        %swap3A_292 = tpu.vector_load %arg11[%swap3A_290, %swap3A_291] {strides = array<i32>} : memref<128x128xf32, #tpu.memory_space<vmem>>, vector<16xf32>,
        tpu.vector_store %arg11[%swap3A_290, %swap3A_291], %mul3A_289 {strides = array<i32>} : memref<128x128xf32, #tpu.memory_space<vmem>>, vector<16xf32>,
        %get3A_293 = arith.index_cast %add3A_260 : i32 to index
        %get3A_294 = arith.constant 64 : index
        %get3A_295 = tpu.vector_load %arg11[%get3A_293, %get3A_294] {strides = array<i32>} : memref<128x128xf32, #tpu.memory_space<vmem>>, vector<16xf32>,
        %mul3A_296 = vector.broadcast %squeeze3A : f32 to vector<16xf32>
        %mul3A_297 = arith.mulf %get3A_295, %mul3A_296 : vector<16xf32>
        %swap3A_298 = arith.index_cast %add3A_260 : i32 to index
        %swap3A_299 = arith.constant 64 : index
        %swap3A_300 = tpu.vector_load %arg11[%swap3A_298, %swap3A_299] {strides = array<i32>} : memref<128x128xf32, #tpu.memory_space<vmem>>, vector<16xf32>,
        tpu.vector_store %arg11[%swap3A_298, %swap3A_299], %mul3A_297 {strides = array<i32>} : memref<128x128xf32, #tpu.memory_space<vmem>>, vector<16xf32>,
        %get3A_301 = arith.index_cast %add3A_260 : i32 to index
        %get3A_302 = arith.constant 80 : index
        %get3A_303 = tpu.vector_load %arg11[%get3A_301, %get3A_302] {strides = array<i32>} : memref<128x128xf32, #tpu.memory_space<vmem>>, vector<16xf32>,
        %mul3A_304 = vector.broadcast %squeeze3A : f32 to vector<16xf32>
        %mul3A_305 = arith.mulf %get3A_303, %mul3A_304 : vector<16xf32>
        %swap3A_306 = arith.index_cast %add3A_260 : i32 to index
        %swap3A_307 = arith.constant 80 : index
        %swap3A_308 = tpu.vector_load %arg11[%swap3A_306, %swap3A_307] {strides = array<i32>} : memref<128x128xf32, #tpu.memory_space<vmem>>, vector<16xf32>,
        tpu.vector_store %arg11[%swap3A_306, %swap3A_307], %mul3A_305 {strides = array<i32>} : memref<128x128xf32, #tpu.memory_space<vmem>>, vector<16xf32>,
        %get3A_309 = arith.index_cast %add3A_260 : i32 to index
        %get3A_310 = arith.constant 96 : index
        %get3A_311 = tpu.vector_load %arg11[%get3A_309, %get3A_310] {strides = array<i32>} : memref<128x128xf32, #tpu.memory_space<vmem>>, vector<16xf32>,
        %mul3A_312 = vector.broadcast %squeeze3A : f32 to vector<16xf32>
        %mul3A_313 = arith.mulf %get3A_311, %mul3A_312 : vector<16xf32>
        %swap3A_314 = arith.index_cast %add3A_260 : i32 to index
        %swap3A_315 = arith.constant 96 : index
        %swap3A_316 = tpu.vector_load %arg11[%swap3A_314, %swap3A_315] {strides = array<i32>} : memref<128x128xf32, #tpu.memory_space<vmem>>, vector<16xf32>,
        tpu.vector_store %arg11[%swap3A_314, %swap3A_315], %mul3A_313 {strides = array<i32>} : memref<128x128xf32, #tpu.memory_space<vmem>>, vector<16xf32>,
        %get3A_317 = arith.index_cast %add3A_260 : i32 to index
        %get3A_318 = arith.constant 112 : index
        %get3A_319 = tpu.vector_load %arg11[%get3A_317, %get3A_318] {strides = array<i32>} : memref<128x128xf32, #tpu.memory_space<vmem>>, vector<16xf32>,
        %mul3A_320 = vector.broadcast %squeeze3A : f32 to vector<16xf32>
        %mul3A_321 = arith.mulf %get3A_319, %mul3A_320 : vector<16xf32>
        %swap3A_322 = arith.index_cast %add3A_260 : i32 to index
        %swap3A_323 = arith.constant 112 : index
        %swap3A_324 = tpu.vector_load %arg11[%swap3A_322, %swap3A_323] {strides = array<i32>} : memref<128x128xf32, #tpu.memory_space<vmem>>, vector<16xf32>,
        tpu.vector_store %arg11[%swap3A_322, %swap3A_323], %mul3A_321 {strides = array<i32>} : memref<128x128xf32, #tpu.memory_space<vmem>>, vector<16xf32>,
        %slice3A_325 = vector.extract_strided_slice %get3A_249 {offsets = [1], sizes = [1], strides = [1]} : vector<16xf32> to vector<1xf32>
        %squeeze3A_326 = vector.extract %slice3A_325[0] : f32 from vector<1xf32>
        %mul3A_327 = arith.constant 16 : i32
        %mul3A_328 = arith.muli %add3A_246, %mul3A_327 : i32
        %add3A_329 = arith.constant 1 : i32
        %add3A_330 = arith.addi %mul3A_328, %add3A_329 : i32
        %get3A_331 = arith.index_cast %add3A_330 : i32 to index
        %get3A_332 = arith.constant 0 : index
        %get3A_333 = tpu.vector_load %arg11[%get3A_331, %get3A_332] {strides = array<i32>} : memref<128x128xf32, #tpu.memory_space<vmem>>, vector<16xf32>,
        %mul3A_334 = vector.broadcast %squeeze3A_326 : f32 to vector<16xf32>
        %mul3A_335 = arith.mulf %get3A_333, %mul3A_334 : vector<16xf32>
        %swap3A_336 = arith.index_cast %add3A_330 : i32 to index
        %swap3A_337 = arith.constant 0 : index
        %swap3A_338 = tpu.vector_load %arg11[%swap3A_336, %swap3A_337] {strides = array<i32>} : memref<128x128xf32, #tpu.memory_space<vmem>>, vector<16xf32>,
        tpu.vector_store %arg11[%swap3A_336, %swap3A_337], %mul3A_335 {strides = array<i32>} : memref<128x128xf32, #tpu.memory_space<vmem>>, vector<16xf32>,
        %get3A_339 = arith.index_cast %add3A_330 : i32 to index
        %get3A_340 = arith.constant 16 : index
        %get3A_341 = tpu.vector_load %arg11[%get3A_339, %get3A_340] {strides = array<i32>} : memref<128x128xf32, #tpu.memory_space<vmem>>, vector<16xf32>,
        %mul3A_342 = vector.broadcast %squeeze3A_326 : f32 to vector<16xf32>
        %mul3A_343 = arith.mulf %get3A_341, %mul3A_342 : vector<16xf32>
        %swap3A_344 = arith.index_cast %add3A_330 : i32 to index
        %swap3A_345 = arith.constant 16 : index
        %swap3A_346 = tpu.vector_load %arg11[%swap3A_344, %swap3A_345] {strides = array<i32>} : memref<128x128xf32, #tpu.memory_space<vmem>>, vector<16xf32>,
        tpu.vector_store %arg11[%swap3A_344, %swap3A_345], %mul3A_343 {strides = array<i32>} : memref<128x128xf32, #tpu.memory_space<vmem>>, vector<16xf32>,
        %get3A_347 = arith.index_cast %add3A_330 : i32 to index
        %get3A_348 = arith.constant 32 : index
        %get3A_349 = tpu.vector_load %arg11[%get3A_347, %get3A_348] {strides = array<i32>} : memref<128x128xf32, #tpu.memory_space<vmem>>, vector<16xf32>,
        %mul3A_350 = vector.broadcast %squeeze3A_326 : f32 to vector<16xf32>
        %mul3A_351 = arith.mulf %get3A_349, %mul3A_350 : vector<16xf32>
        %swap3A_352 = arith.index_cast %add3A_330 : i32 to index
        %swap3A_353 = arith.constant 32 : index
        %swap3A_354 = tpu.vector_load %arg11[%swap3A_352, %swap3A_353] {strides = array<i32>} : memref<128x128xf32, #tpu.memory_space<vmem>>, vector<16xf32>,
        tpu.vector_store %arg11[%swap3A_352, %swap3A_353], %mul3A_351 {strides = array<i32>} : memref<128x128xf32, #tpu.memory_space<vmem>>, vector<16xf32>,
        %get3A_355 = arith.index_cast %add3A_330 : i32 to index
        %get3A_356 = arith.constant 48 : index
        %get3A_357 = tpu.vector_load %arg11[%get3A_355, %get3A_356] {strides = array<i32>} : memref<128x128xf32, #tpu.memory_space<vmem>>, vector<16xf32>,
        %mul3A_358 = vector.broadcast %squeeze3A_326 : f32 to vector<16xf32>
        %mul3A_359 = arith.mulf %get3A_357, %mul3A_358 : vector<16xf32>
        %swap3A_360 = arith.index_cast %add3A_330 : i32 to index
        %swap3A_361 = arith.constant 48 : index
        %swap3A_362 = tpu.vector_load %arg11[%swap3A_360, %swap3A_361] {strides = array<i32>} : memref<128x128xf32, #tpu.memory_space<vmem>>, vector<16xf32>,
        tpu.vector_store %arg11[%swap3A_360, %swap3A_361], %mul3A_359 {strides = array<i32>} : memref<128x128xf32, #tpu.memory_space<vmem>>, vector<16xf32>,
        %get3A_363 = arith.index_cast %add3A_330 : i32 to index
        %get3A_364 = arith.constant 64 : index
        %get3A_365 = tpu.vector_load %arg11[%get3A_363, %get3A_364] {strides = array<i32>} : memref<128x128xf32, #tpu.memory_space<vmem>>, vector<16xf32>,
        %mul3A_366 = vector.broadcast %squeeze3A_326 : f32 to vector<16xf32>
        %mul3A_367 = arith.mulf %get3A_365, %mul3A_366 : vector<16xf32>
        %swap3A_368 = arith.index_cast %add3A_330 : i32 to index
        %swap3A_369 = arith.constant 64 : index
        %swap3A_370 = tpu.vector_load %arg11[%swap3A_368, %swap3A_369] {strides = array<i32>} : memref<128x128xf32, #tpu.memory_space<vmem>>, vector<16xf32>,
        tpu.vector_store %arg11[%swap3A_368, %swap3A_369], %mul3A_367 {strides = array<i32>} : memref<128x128xf32, #tpu.memory_space<vmem>>, vector<16xf32>,
        %get3A_371 = arith.index_cast %add3A_330 : i32 to index
        %get3A_372 = arith.constant 80 : index
        %get3A_373 = tpu.vector_load %arg11[%get3A_371, %get3A_372] {strides = array<i32>} : memref<128x128xf32, #tpu.memory_space<vmem>>, vector<16xf32>,
        %mul3A_374 = vector.broadcast %squeeze3A_326 : f32 to vector<16xf32>
        %mul3A_375 = arith.mulf %get3A_373, %mul3A_374 : vector<16xf32>
        %swap3A_376 = arith.index_cast %add3A_330 : i32 to index
        %swap3A_377 = arith.constant 80 : index
        %swap3A_378 = tpu.vector_load %arg11[%swap3A_376, %swap3A_377] {strides = array<i32>} : memref<128x128xf32, #tpu.memory_space<vmem>>, vector<16xf32>,
        tpu.vector_store %arg11[%swap3A_376, %swap3A_377], %mul3A_375 {strides = array<i32>} : memref<128x128xf32, #tpu.memory_space<vmem>>, vector<16xf32>,
        %get3A_379 = arith.index_cast %add3A_330 : i32 to index
        %get3A_380 = arith.constant 96 : index
        %get3A_381 = tpu.vector_load %arg11[%get3A_379, %get3A_380] {strides = array<i32>} : memref<128x128xf32, #tpu.memory_space<vmem>>, vector<16xf32>,
        %mul3A_382 = vector.broadcast %squeeze3A_326 : f32 to vector<16xf32>
        %mul3A_383 = arith.mulf %get3A_381, %mul3A_382 : vector<16xf32>
        %swap3A_384 = arith.index_cast %add3A_330 : i32 to index
        %swap3A_385 = arith.constant 96 : index
        %swap3A_386 = tpu.vector_load %arg11[%swap3A_384, %swap3A_385] {strides = array<i32>} : memref<128x128xf32, #tpu.memory_space<vmem>>, vector<16xf32>,
        tpu.vector_store %arg11[%swap3A_384, %swap3A_385], %mul3A_383 {strides = array<i32>} : memref<128x128xf32, #tpu.memory_space<vmem>>, vector<16xf32>,
        %get3A_387 = arith.index_cast %add3A_330 : i32 to index
        %get3A_388 = arith.constant 112 : index
        %get3A_389 = tpu.vector_load %arg11[%get3A_387, %get3A_388] {strides = array<i32>} : memref<128x128xf32, #tpu.memory_space<vmem>>, vector<16xf32>,
        %mul3A_390 = vector.broadcast %squeeze3A_326 : f32 to vector<16xf32>
        %mul3A_391 = arith.mulf %get3A_389, %mul3A_390 : vector<16xf32>
        %swap3A_392 = arith.index_cast %add3A_330 : i32 to index
        %swap3A_393 = arith.constant 112 : index
        %swap3A_394 = tpu.vector_load %arg11[%swap3A_392, %swap3A_393] {strides = array<i32>} : memref<128x128xf32, #tpu.memory_space<vmem>>, vector<16xf32>,
        tpu.vector_store %arg11[%swap3A_392, %swap3A_393], %mul3A_391 {strides = array<i32>} : memref<128x128xf32, #tpu.memory_space<vmem>>, vector<16xf32>,
        %slice3A_395 = vector.extract_strided_slice %get3A_249 {offsets = [2], sizes = [1], strides = [1]} : vector<16xf32> to vector<1xf32>
        %squeeze3A_396 = vector.extract %slice3A_395[0] : f32 from vector<1xf32>
        %mul3A_397 = arith.constant 16 : i32
        %mul3A_398 = arith.muli %add3A_246, %mul3A_397 : i32
        %add3A_399 = arith.constant 2 : i32
        %add3A_400 = arith.addi %mul3A_398, %add3A_399 : i32
        %get3A_401 = arith.index_cast %add3A_400 : i32 to index
        %get3A_402 = arith.constant 0 : index
        %get3A_403 = tpu.vector_load %arg11[%get3A_401, %get3A_402] {strides = array<i32>} : memref<128x128xf32, #tpu.memory_space<vmem>>, vector<16xf32>,
        %mul3A_404 = vector.broadcast %squeeze3A_396 : f32 to vector<16xf32>
        %mul3A_405 = arith.mulf %get3A_403, %mul3A_404 : vector<16xf32>
        %swap3A_406 = arith.index_cast %add3A_400 : i32 to index
        %swap3A_407 = arith.constant 0 : index
        %swap3A_408 = tpu.vector_load %arg11[%swap3A_406, %swap3A_407] {strides = array<i32>} : memref<128x128xf32, #tpu.memory_space<vmem>>, vector<16xf32>,
        tpu.vector_store %arg11[%swap3A_406, %swap3A_407], %mul3A_405 {strides = array<i32>} : memref<128x128xf32, #tpu.memory_space<vmem>>, vector<16xf32>,
        %get3A_409 = arith.index_cast %add3A_400 : i32 to index
        %get3A_410 = arith.constant 16 : index
        %get3A_411 = tpu.vector_load %arg11[%get3A_409, %get3A_410] {strides = array<i32>} : memref<128x128xf32, #tpu.memory_space<vmem>>, vector<16xf32>,
        %mul3A_412 = vector.broadcast %squeeze3A_396 : f32 to vector<16xf32>
        %mul3A_413 = arith.mulf %get3A_411, %mul3A_412 : vector<16xf32>
        %swap3A_414 = arith.index_cast %add3A_400 : i32 to index
        %swap3A_415 = arith.constant 16 : index
        %swap3A_416 = tpu.vector_load %arg11[%swap3A_414, %swap3A_415] {strides = array<i32>} : memref<128x128xf32, #tpu.memory_space<vmem>>, vector<16xf32>,
        tpu.vector_store %arg11[%swap3A_414, %swap3A_415], %mul3A_413 {strides = array<i32>} : memref<128x128xf32, #tpu.memory_space<vmem>>, vector<16xf32>,
        %get3A_417 = arith.index_cast %add3A_400 : i32 to index
        %get3A_418 = arith.constant 32 : index
        %get3A_419 = tpu.vector_load %arg11[%get3A_417, %get3A_418] {strides = array<i32>} : memref<128x128xf32, #tpu.memory_space<vmem>>, vector<16xf32>,
        %mul3A_420 = vector.broadcast %squeeze3A_396 : f32 to vector<16xf32>
        %mul3A_421 = arith.mulf %get3A_419, %mul3A_420 : vector<16xf32>
        %swap3A_422 = arith.index_cast %add3A_400 : i32 to index
        %swap3A_423 = arith.constant 32 : index
        %swap3A_424 = tpu.vector_load %arg11[%swap3A_422, %swap3A_423] {strides = array<i32>} : memref<128x128xf32, #tpu.memory_space<vmem>>, vector<16xf32>,
        tpu.vector_store %arg11[%swap3A_422, %swap3A_423], %mul3A_421 {strides = array<i32>} : memref<128x128xf32, #tpu.memory_space<vmem>>, vector<16xf32>,
        %get3A_425 = arith.index_cast %add3A_400 : i32 to index
        %get3A_426 = arith.constant 48 : index
        %get3A_427 = tpu.vector_load %arg11[%get3A_425, %get3A_426] {strides = array<i32>} : memref<128x128xf32, #tpu.memory_space<vmem>>, vector<16xf32>,
        %mul3A_428 = vector.broadcast %squeeze3A_396 : f32 to vector<16xf32>
        %mul3A_429 = arith.mulf %get3A_427, %mul3A_428 : vector<16xf32>
        %swap3A_430 = arith.index_cast %add3A_400 : i32 to index
        %swap3A_431 = arith.constant 48 : index
        %swap3A_432 = tpu.vector_load %arg11[%swap3A_430, %swap3A_431] {strides = array<i32>} : memref<128x128xf32, #tpu.memory_space<vmem>>, vector<16xf32>,
        tpu.vector_store %arg11[%swap3A_430, %swap3A_431], %mul3A_429 {strides = array<i32>} : memref<128x128xf32, #tpu.memory_space<vmem>>, vector<16xf32>,
        %get3A_433 = arith.index_cast %add3A_400 : i32 to index
        %get3A_434 = arith.constant 64 : index
        %get3A_435 = tpu.vector_load %arg11[%get3A_433, %get3A_434] {strides = array<i32>} : memref<128x128xf32, #tpu.memory_space<vmem>>, vector<16xf32>,
        %mul3A_436 = vector.broadcast %squeeze3A_396 : f32 to vector<16xf32>
        %mul3A_437 = arith.mulf %get3A_435, %mul3A_436 : vector<16xf32>
        %swap3A_438 = arith.index_cast %add3A_400 : i32 to index
        %swap3A_439 = arith.constant 64 : index
        %swap3A_440 = tpu.vector_load %arg11[%swap3A_438, %swap3A_439] {strides = array<i32>} : memref<128x128xf32, #tpu.memory_space<vmem>>, vector<16xf32>,
        tpu.vector_store %arg11[%swap3A_438, %swap3A_439], %mul3A_437 {strides = array<i32>} : memref<128x128xf32, #tpu.memory_space<vmem>>, vector<16xf32>,
        %get3A_441 = arith.index_cast %add3A_400 : i32 to index
        %get3A_442 = arith.constant 80 : index
        %get3A_443 = tpu.vector_load %arg11[%get3A_441, %get3A_442] {strides = array<i32>} : memref<128x128xf32, #tpu.memory_space<vmem>>, vector<16xf32>,
        %mul3A_444 = vector.broadcast %squeeze3A_396 : f32 to vector<16xf32>
        %mul3A_445 = arith.mulf %get3A_443, %mul3A_444 : vector<16xf32>
        %swap3A_446 = arith.index_cast %add3A_400 : i32 to index
        %swap3A_447 = arith.constant 80 : index
        %swap3A_448 = tpu.vector_load %arg11[%swap3A_446, %swap3A_447] {strides = array<i32>} : memref<128x128xf32, #tpu.memory_space<vmem>>, vector<16xf32>,
        tpu.vector_store %arg11[%swap3A_446, %swap3A_447], %mul3A_445 {strides = array<i32>} : memref<128x128xf32, #tpu.memory_space<vmem>>, vector<16xf32>,
        %get3A_449 = arith.index_cast %add3A_400 : i32 to index
        %get3A_450 = arith.constant 96 : index
        %get3A_451 = tpu.vector_load %arg11[%get3A_449, %get3A_450] {strides = array<i32>} : memref<128x128xf32, #tpu.memory_space<vmem>>, vector<16xf32>,
        %mul3A_452 = vector.broadcast %squeeze3A_396 : f32 to vector<16xf32>
        %mul3A_453 = arith.mulf %get3A_451, %mul3A_452 : vector<16xf32>
        %swap3A_454 = arith.index_cast %add3A_400 : i32 to index
        %swap3A_455 = arith.constant 96 : index
        %swap3A_456 = tpu.vector_load %arg11[%swap3A_454, %swap3A_455] {strides = array<i32>} : memref<128x128xf32, #tpu.memory_space<vmem>>, vector<16xf32>,
        tpu.vector_store %arg11[%swap3A_454, %swap3A_455], %mul3A_453 {strides = array<i32>} : memref<128x128xf32, #tpu.memory_space<vmem>>, vector<16xf32>,
        %get3A_457 = arith.index_cast %add3A_400 : i32 to index
        %get3A_458 = arith.constant 112 : index
        %get3A_459 = tpu.vector_load %arg11[%get3A_457, %get3A_458] {strides = array<i32>} : memref<128x128xf32, #tpu.memory_space<vmem>>, vector<16xf32>,
        %mul3A_460 = vector.broadcast %squeeze3A_396 : f32 to vector<16xf32>
        %mul3A_461 = arith.mulf %get3A_459, %mul3A_460 : vector<16xf32>
        %swap3A_462 = arith.index_cast %add3A_400 : i32 to index
        %swap3A_463 = arith.constant 112 : index
        %swap3A_464 = tpu.vector_load %arg11[%swap3A_462, %swap3A_463] {strides = array<i32>} : memref<128x128xf32, #tpu.memory_space<vmem>>, vector<16xf32>,
        tpu.vector_store %arg11[%swap3A_462, %swap3A_463], %mul3A_461 {strides = array<i32>} : memref<128x128xf32, #tpu.memory_space<vmem>>, vector<16xf32>,
        %slice3A_465 = vector.extract_strided_slice %get3A_249 {offsets = [3], sizes = [1], strides = [1]} : vector<16xf32> to vector<1xf32>
        %squeeze3A_466 = vector.extract %slice3A_465[0] : f32 from vector<1xf32>
        %mul3A_467 = arith.constant 16 : i32
        %mul3A_468 = arith.muli %add3A_246, %mul3A_467 : i32
        %add3A_469 = arith.constant 3 : i32
        %add3A_470 = arith.addi %mul3A_468, %add3A_469 : i32
        %get3A_471 = arith.index_cast %add3A_470 : i32 to index
        %get3A_472 = arith.constant 0 : index
        %get3A_473 = tpu.vector_load %arg11[%get3A_471, %get3A_472] {strides = array<i32>} : memref<128x128xf32, #tpu.memory_space<vmem>>, vector<16xf32>,
        %mul3A_474 = vector.broadcast %squeeze3A_466 : f32 to vector<16xf32>
        %mul3A_475 = arith.mulf %get3A_473, %mul3A_474 : vector<16xf32>
        %swap3A_476 = arith.index_cast %add3A_470 : i32 to index
        %swap3A_477 = arith.constant 0 : index
        %swap3A_478 = tpu.vector_load %arg11[%swap3A_476, %swap3A_477] {strides = array<i32>} : memref<128x128xf32, #tpu.memory_space<vmem>>, vector<16xf32>,
        tpu.vector_store %arg11[%swap3A_476, %swap3A_477], %mul3A_475 {strides = array<i32>} : memref<128x128xf32, #tpu.memory_space<vmem>>, vector<16xf32>,
        %get3A_479 = arith.index_cast %add3A_470 : i32 to index
        %get3A_480 = arith.constant 16 : index
        %get3A_481 = tpu.vector_load %arg11[%get3A_479, %get3A_480] {strides = array<i32>} : memref<128x128xf32, #tpu.memory_space<vmem>>, vector<16xf32>,
        %mul3A_482 = vector.broadcast %squeeze3A_466 : f32 to vector<16xf32>
        %mul3A_483 = arith.mulf %get3A_481, %mul3A_482 : vector<16xf32>
        %swap3A_484 = arith.index_cast %add3A_470 : i32 to index
        %swap3A_485 = arith.constant 16 : index
        %swap3A_486 = tpu.vector_load %arg11[%swap3A_484, %swap3A_485] {strides = array<i32>} : memref<128x128xf32, #tpu.memory_space<vmem>>, vector<16xf32>,
        tpu.vector_store %arg11[%swap3A_484, %swap3A_485], %mul3A_483 {strides = array<i32>} : memref<128x128xf32, #tpu.memory_space<vmem>>, vector<16xf32>,
        %get3A_487 = arith.index_cast %add3A_470 : i32 to index
        %get3A_488 = arith.constant 32 : index
        %get3A_489 = tpu.vector_load %arg11[%get3A_487, %get3A_488] {strides = array<i32>} : memref<128x128xf32, #tpu.memory_space<vmem>>, vector<16xf32>,
        %mul3A_490 = vector.broadcast %squeeze3A_466 : f32 to vector<16xf32>
        %mul3A_491 = arith.mulf %get3A_489, %mul3A_490 : vector<16xf32>
        %swap3A_492 = arith.index_cast %add3A_470 : i32 to index
        %swap3A_493 = arith.constant 32 : index
        %swap3A_494 = tpu.vector_load %arg11[%swap3A_492, %swap3A_493] {strides = array<i32>} : memref<128x128xf32, #tpu.memory_space<vmem>>, vector<16xf32>,
        tpu.vector_store %arg11[%swap3A_492, %swap3A_493], %mul3A_491 {strides = array<i32>} : memref<128x128xf32, #tpu.memory_space<vmem>>, vector<16xf32>,
        %get3A_495 = arith.index_cast %add3A_470 : i32 to index
        %get3A_496 = arith.constant 48 : index
        %get3A_497 = tpu.vector_load %arg11[%get3A_495, %get3A_496] {strides = array<i32>} : memref<128x128xf32, #tpu.memory_space<vmem>>, vector<16xf32>,
        %mul3A_498 = vector.broadcast %squeeze3A_466 : f32 to vector<16xf32>
        %mul3A_499 = arith.mulf %get3A_497, %mul3A_498 : vector<16xf32>
        %swap3A_500 = arith.index_cast %add3A_470 : i32 to index
        %swap3A_501 = arith.constant 48 : index
        %swap3A_502 = tpu.vector_load %arg11[%swap3A_500, %swap3A_501] {strides = array<i32>} : memref<128x128xf32, #tpu.memory_space<vmem>>, vector<16xf32>,
        tpu.vector_store %arg11[%swap3A_500, %swap3A_501], %mul3A_499 {strides = array<i32>} : memref<128x128xf32, #tpu.memory_space<vmem>>, vector<16xf32>,
        %get3A_503 = arith.index_cast %add3A_470 : i32 to index
        %get3A_504 = arith.constant 64 : index
        %get3A_505 = tpu.vector_load %arg11[%get3A_503, %get3A_504] {strides = array<i32>} : memref<128x128xf32, #tpu.memory_space<vmem>>, vector<16xf32>,
        %mul3A_506 = vector.broadcast %squeeze3A_466 : f32 to vector<16xf32>
        %mul3A_507 = arith.mulf %get3A_505, %mul3A_506 : vector<16xf32>
        %swap3A_508 = arith.index_cast %add3A_470 : i32 to index
        %swap3A_509 = arith.constant 64 : index
        %swap3A_510 = tpu.vector_load %arg11[%swap3A_508, %swap3A_509] {strides = array<i32>} : memref<128x128xf32, #tpu.memory_space<vmem>>, vector<16xf32>,
        tpu.vector_store %arg11[%swap3A_508, %swap3A_509], %mul3A_507 {strides = array<i32>} : memref<128x128xf32, #tpu.memory_space<vmem>>, vector<16xf32>,
        %get3A_511 = arith.index_cast %add3A_470 : i32 to index
        %get3A_512 = arith.constant 80 : index
        %get3A_513 = tpu.vector_load %arg11[%get3A_511, %get3A_512] {strides = array<i32>} : memref<128x128xf32, #tpu.memory_space<vmem>>, vector<16xf32>,
        %mul3A_514 = vector.broadcast %squeeze3A_466 : f32 to vector<16xf32>
        %mul3A_515 = arith.mulf %get3A_513, %mul3A_514 : vector<16xf32>
        %swap3A_516 = arith.index_cast %add3A_470 : i32 to index
        %swap3A_517 = arith.constant 80 : index
        %swap3A_518 = tpu.vector_load %arg11[%swap3A_516, %swap3A_517] {strides = array<i32>} : memref<128x128xf32, #tpu.memory_space<vmem>>, vector<16xf32>,
        tpu.vector_store %arg11[%swap3A_516, %swap3A_517], %mul3A_515 {strides = array<i32>} : memref<128x128xf32, #tpu.memory_space<vmem>>, vector<16xf32>,
        %get3A_519 = arith.index_cast %add3A_470 : i32 to index
        %get3A_520 = arith.constant 96 : index
        %get3A_521 = tpu.vector_load %arg11[%get3A_519, %get3A_520] {strides = array<i32>} : memref<128x128xf32, #tpu.memory_space<vmem>>, vector<16xf32>,
        %mul3A_522 = vector.broadcast %squeeze3A_466 : f32 to vector<16xf32>
        %mul3A_523 = arith.mulf %get3A_521, %mul3A_522 : vector<16xf32>
        %swap3A_524 = arith.index_cast %add3A_470 : i32 to index
        %swap3A_525 = arith.constant 96 : index
        %swap3A_526 = tpu.vector_load %arg11[%swap3A_524, %swap3A_525] {strides = array<i32>} : memref<128x128xf32, #tpu.memory_space<vmem>>, vector<16xf32>,
        tpu.vector_store %arg11[%swap3A_524, %swap3A_525], %mul3A_523 {strides = array<i32>} : memref<128x128xf32, #tpu.memory_space<vmem>>, vector<16xf32>,
        %get3A_527 = arith.index_cast %add3A_470 : i32 to index
        %get3A_528 = arith.constant 112 : index
        %get3A_529 = tpu.vector_load %arg11[%get3A_527, %get3A_528] {strides = array<i32>} : memref<128x128xf32, #tpu.memory_space<vmem>>, vector<16xf32>,
        %mul3A_530 = vector.broadcast %squeeze3A_466 : f32 to vector<16xf32>
        %mul3A_531 = arith.mulf %get3A_529, %mul3A_530 : vector<16xf32>
        %swap3A_532 = arith.index_cast %add3A_470 : i32 to index
        %swap3A_533 = arith.constant 112 : index
        %swap3A_534 = tpu.vector_load %arg11[%swap3A_532, %swap3A_533] {strides = array<i32>} : memref<128x128xf32, #tpu.memory_space<vmem>>, vector<16xf32>,
        tpu.vector_store %arg11[%swap3A_532, %swap3A_533], %mul3A_531 {strides = array<i32>} : memref<128x128xf32, #tpu.memory_space<vmem>>, vector<16xf32>,
        %slice3A_535 = vector.extract_strided_slice %get3A_249 {offsets = [4], sizes = [1], strides = [1]} : vector<16xf32> to vector<1xf32>
        %squeeze3A_536 = vector.extract %slice3A_535[0] : f32 from vector<1xf32>
        %mul3A_537 = arith.constant 16 : i32
        %mul3A_538 = arith.muli %add3A_246, %mul3A_537 : i32
        %add3A_539 = arith.constant 4 : i32
        %add3A_540 = arith.addi %mul3A_538, %add3A_539 : i32
        %get3A_541 = arith.index_cast %add3A_540 : i32 to index
        %get3A_542 = arith.constant 0 : index
        %get3A_543 = tpu.vector_load %arg11[%get3A_541, %get3A_542] {strides = array<i32>} : memref<128x128xf32, #tpu.memory_space<vmem>>, vector<16xf32>,
        %mul3A_544 = vector.broadcast %squeeze3A_536 : f32 to vector<16xf32>
        %mul3A_545 = arith.mulf %get3A_543, %mul3A_544 : vector<16xf32>
        %swap3A_546 = arith.index_cast %add3A_540 : i32 to index
        %swap3A_547 = arith.constant 0 : index
        %swap3A_548 = tpu.vector_load %arg11[%swap3A_546, %swap3A_547] {strides = array<i32>} : memref<128x128xf32, #tpu.memory_space<vmem>>, vector<16xf32>,
        tpu.vector_store %arg11[%swap3A_546, %swap3A_547], %mul3A_545 {strides = array<i32>} : memref<128x128xf32, #tpu.memory_space<vmem>>, vector<16xf32>,
        %get3A_549 = arith.index_cast %add3A_540 : i32 to index
        %get3A_550 = arith.constant 16 : index
        %get3A_551 = tpu.vector_load %arg11[%get3A_549, %get3A_550] {strides = array<i32>} : memref<128x128xf32, #tpu.memory_space<vmem>>, vector<16xf32>,
        %mul3A_552 = vector.broadcast %squeeze3A_536 : f32 to vector<16xf32>
        %mul3A_553 = arith.mulf %get3A_551, %mul3A_552 : vector<16xf32>
        %swap3A_554 = arith.index_cast %add3A_540 : i32 to index
        %swap3A_555 = arith.constant 16 : index
        %swap3A_556 = tpu.vector_load %arg11[%swap3A_554, %swap3A_555] {strides = array<i32>} : memref<128x128xf32, #tpu.memory_space<vmem>>, vector<16xf32>,
        tpu.vector_store %arg11[%swap3A_554, %swap3A_555], %mul3A_553 {strides = array<i32>} : memref<128x128xf32, #tpu.memory_space<vmem>>, vector<16xf32>,
        %get3A_557 = arith.index_cast %add3A_540 : i32 to index
        %get3A_558 = arith.constant 32 : index
        %get3A_559 = tpu.vector_load %arg11[%get3A_557, %get3A_558] {strides = array<i32>} : memref<128x128xf32, #tpu.memory_space<vmem>>, vector<16xf32>,
        %mul3A_560 = vector.broadcast %squeeze3A_536 : f32 to vector<16xf32>
        %mul3A_561 = arith.mulf %get3A_559, %mul3A_560 : vector<16xf32>
        %swap3A_562 = arith.index_cast %add3A_540 : i32 to index
        %swap3A_563 = arith.constant 32 : index
        %swap3A_564 = tpu.vector_load %arg11[%swap3A_562, %swap3A_563] {strides = array<i32>} : memref<128x128xf32, #tpu.memory_space<vmem>>, vector<16xf32>,
        tpu.vector_store %arg11[%swap3A_562, %swap3A_563], %mul3A_561 {strides = array<i32>} : memref<128x128xf32, #tpu.memory_space<vmem>>, vector<16xf32>,
        %get3A_565 = arith.index_cast %add3A_540 : i32 to index
        %get3A_566 = arith.constant 48 : index
        %get3A_567 = tpu.vector_load %arg11[%get3A_565, %get3A_566] {strides = array<i32>} : memref<128x128xf32, #tpu.memory_space<vmem>>, vector<16xf32>,
        %mul3A_568 = vector.broadcast %squeeze3A_536 : f32 to vector<16xf32>
        %mul3A_569 = arith.mulf %get3A_567, %mul3A_568 : vector<16xf32>
        %swap3A_570 = arith.index_cast %add3A_540 : i32 to index
        %swap3A_571 = arith.constant 48 : index
        %swap3A_572 = tpu.vector_load %arg11[%swap3A_570, %swap3A_571] {strides = array<i32>} : memref<128x128xf32, #tpu.memory_space<vmem>>, vector<16xf32>,
        tpu.vector_store %arg11[%swap3A_570, %swap3A_571], %mul3A_569 {strides = array<i32>} : memref<128x128xf32, #tpu.memory_space<vmem>>, vector<16xf32>,
        %get3A_573 = arith.index_cast %add3A_540 : i32 to index
        %get3A_574 = arith.constant 64 : index
        %get3A_575 = tpu.vector_load %arg11[%get3A_573, %get3A_574] {strides = array<i32>} : memref<128x128xf32, #tpu.memory_space<vmem>>, vector<16xf32>,
        %mul3A_576 = vector.broadcast %squeeze3A_536 : f32 to vector<16xf32>
        %mul3A_577 = arith.mulf %get3A_575, %mul3A_576 : vector<16xf32>
        %swap3A_578 = arith.index_cast %add3A_540 : i32 to index
        %swap3A_579 = arith.constant 64 : index
        %swap3A_580 = tpu.vector_load %arg11[%swap3A_578, %swap3A_579] {strides = array<i32>} : memref<128x128xf32, #tpu.memory_space<vmem>>, vector<16xf32>,
        tpu.vector_store %arg11[%swap3A_578, %swap3A_579], %mul3A_577 {strides = array<i32>} : memref<128x128xf32, #tpu.memory_space<vmem>>, vector<16xf32>,
        %get3A_581 = arith.index_cast %add3A_540 : i32 to index
        %get3A_582 = arith.constant 80 : index
        %get3A_583 = tpu.vector_load %arg11[%get3A_581, %get3A_582] {strides = array<i32>} : memref<128x128xf32, #tpu.memory_space<vmem>>, vector<16xf32>,
        %mul3A_584 = vector.broadcast %squeeze3A_536 : f32 to vector<16xf32>
        %mul3A_585 = arith.mulf %get3A_583, %mul3A_584 : vector<16xf32>
        %swap3A_586 = arith.index_cast %add3A_540 : i32 to index
        %swap3A_587 = arith.constant 80 : index
        %swap3A_588 = tpu.vector_load %arg11[%swap3A_586, %swap3A_587] {strides = array<i32>} : memref<128x128xf32, #tpu.memory_space<vmem>>, vector<16xf32>,
        tpu.vector_store %arg11[%swap3A_586, %swap3A_587], %mul3A_585 {strides = array<i32>} : memref<128x128xf32, #tpu.memory_space<vmem>>, vector<16xf32>,
        %get3A_589 = arith.index_cast %add3A_540 : i32 to index
        %get3A_590 = arith.constant 96 : index
        %get3A_591 = tpu.vector_load %arg11[%get3A_589, %get3A_590] {strides = array<i32>} : memref<128x128xf32, #tpu.memory_space<vmem>>, vector<16xf32>,
        %mul3A_592 = vector.broadcast %squeeze3A_536 : f32 to vector<16xf32>
        %mul3A_593 = arith.mulf %get3A_591, %mul3A_592 : vector<16xf32>
        %swap3A_594 = arith.index_cast %add3A_540 : i32 to index
        %swap3A_595 = arith.constant 96 : index
        %swap3A_596 = tpu.vector_load %arg11[%swap3A_594, %swap3A_595] {strides = array<i32>} : memref<128x128xf32, #tpu.memory_space<vmem>>, vector<16xf32>,
        tpu.vector_store %arg11[%swap3A_594, %swap3A_595], %mul3A_593 {strides = array<i32>} : memref<128x128xf32, #tpu.memory_space<vmem>>, vector<16xf32>,
        %get3A_597 = arith.index_cast %add3A_540 : i32 to index
        %get3A_598 = arith.constant 112 : index
        %get3A_599 = tpu.vector_load %arg11[%get3A_597, %get3A_598] {strides = array<i32>} : memref<128x128xf32, #tpu.memory_space<vmem>>, vector<16xf32>,
        %mul3A_600 = vector.broadcast %squeeze3A_536 : f32 to vector<16xf32>
        %mul3A_601 = arith.mulf %get3A_599, %mul3A_600 : vector<16xf32>
        %swap3A_602 = arith.index_cast %add3A_540 : i32 to index
        %swap3A_603 = arith.constant 112 : index
        %swap3A_604 = tpu.vector_load %arg11[%swap3A_602, %swap3A_603] {strides = array<i32>} : memref<128x128xf32, #tpu.memory_space<vmem>>, vector<16xf32>,
        tpu.vector_store %arg11[%swap3A_602, %swap3A_603], %mul3A_601 {strides = array<i32>} : memref<128x128xf32, #tpu.memory_space<vmem>>, vector<16xf32>,
        %slice3A_605 = vector.extract_strided_slice %get3A_249 {offsets = [5], sizes = [1], strides = [1]} : vector<16xf32> to vector<1xf32>
        %squeeze3A_606 = vector.extract %slice3A_605[0] : f32 from vector<1xf32>
        %mul3A_607 = arith.constant 16 : i32
        %mul3A_608 = arith.muli %add3A_246, %mul3A_607 : i32
        %add3A_609 = arith.constant 5 : i32
        %add3A_610 = arith.addi %mul3A_608, %add3A_609 : i32
        %get3A_611 = arith.index_cast %add3A_610 : i32 to index
        %get3A_612 = arith.constant 0 : index
        %get3A_613 = tpu.vector_load %arg11[%get3A_611, %get3A_612] {strides = array<i32>} : memref<128x128xf32, #tpu.memory_space<vmem>>, vector<16xf32>,
        %mul3A_614 = vector.broadcast %squeeze3A_606 : f32 to vector<16xf32>
        %mul3A_615 = arith.mulf %get3A_613, %mul3A_614 : vector<16xf32>
        %swap3A_616 = arith.index_cast %add3A_610 : i32 to index
        %swap3A_617 = arith.constant 0 : index
        %swap3A_618 = tpu.vector_load %arg11[%swap3A_616, %swap3A_617] {strides = array<i32>} : memref<128x128xf32, #tpu.memory_space<vmem>>, vector<16xf32>,
        tpu.vector_store %arg11[%swap3A_616, %swap3A_617], %mul3A_615 {strides = array<i32>} : memref<128x128xf32, #tpu.memory_space<vmem>>, vector<16xf32>,
        %get3A_619 = arith.index_cast %add3A_610 : i32 to index
        %get3A_620 = arith.constant 16 : index
        %get3A_621 = tpu.vector_load %arg11[%get3A_619, %get3A_620] {strides = array<i32>} : memref<128x128xf32, #tpu.memory_space<vmem>>, vector<16xf32>,
        %mul3A_622 = vector.broadcast %squeeze3A_606 : f32 to vector<16xf32>
        %mul3A_623 = arith.mulf %get3A_621, %mul3A_622 : vector<16xf32>
        %swap3A_624 = arith.index_cast %add3A_610 : i32 to index
        %swap3A_625 = arith.constant 16 : index
        %swap3A_626 = tpu.vector_load %arg11[%swap3A_624, %swap3A_625] {strides = array<i32>} : memref<128x128xf32, #tpu.memory_space<vmem>>, vector<16xf32>,
        tpu.vector_store %arg11[%swap3A_624, %swap3A_625], %mul3A_623 {strides = array<i32>} : memref<128x128xf32, #tpu.memory_space<vmem>>, vector<16xf32>,
        %get3A_627 = arith.index_cast %add3A_610 : i32 to index
        %get3A_628 = arith.constant 32 : index
        %get3A_629 = tpu.vector_load %arg11[%get3A_627, %get3A_628] {strides = array<i32>} : memref<128x128xf32, #tpu.memory_space<vmem>>, vector<16xf32>,
        %mul3A_630 = vector.broadcast %squeeze3A_606 : f32 to vector<16xf32>
        %mul3A_631 = arith.mulf %get3A_629, %mul3A_630 : vector<16xf32>
        %swap3A_632 = arith.index_cast %add3A_610 : i32 to index
        %swap3A_633 = arith.constant 32 : index
        %swap3A_634 = tpu.vector_load %arg11[%swap3A_632, %swap3A_633] {strides = array<i32>} : memref<128x128xf32, #tpu.memory_space<vmem>>, vector<16xf32>,
        tpu.vector_store %arg11[%swap3A_632, %swap3A_633], %mul3A_631 {strides = array<i32>} : memref<128x128xf32, #tpu.memory_space<vmem>>, vector<16xf32>,
        %get3A_635 = arith.index_cast %add3A_610 : i32 to index
        %get3A_636 = arith.constant 48 : index
        %get3A_637 = tpu.vector_load %arg11[%get3A_635, %get3A_636] {strides = array<i32>} : memref<128x128xf32, #tpu.memory_space<vmem>>, vector<16xf32>,
        %mul3A_638 = vector.broadcast %squeeze3A_606 : f32 to vector<16xf32>
        %mul3A_639 = arith.mulf %get3A_637, %mul3A_638 : vector<16xf32>
        %swap3A_640 = arith.index_cast %add3A_610 : i32 to index
        %swap3A_641 = arith.constant 48 : index
        %swap3A_642 = tpu.vector_load %arg11[%swap3A_640, %swap3A_641] {strides = array<i32>} : memref<128x128xf32, #tpu.memory_space<vmem>>, vector<16xf32>,
        tpu.vector_store %arg11[%swap3A_640, %swap3A_641], %mul3A_639 {strides = array<i32>} : memref<128x128xf32, #tpu.memory_space<vmem>>, vector<16xf32>,
        %get3A_643 = arith.index_cast %add3A_610 : i32 to index
        %get3A_644 = arith.constant 64 : index
        %get3A_645 = tpu.vector_load %arg11[%get3A_643, %get3A_644] {strides = array<i32>} : memref<128x128xf32, #tpu.memory_space<vmem>>, vector<16xf32>,
        %mul3A_646 = vector.broadcast %squeeze3A_606 : f32 to vector<16xf32>
        %mul3A_647 = arith.mulf %get3A_645, %mul3A_646 : vector<16xf32>
        %swap3A_648 = arith.index_cast %add3A_610 : i32 to index
        %swap3A_649 = arith.constant 64 : index
        %swap3A_650 = tpu.vector_load %arg11[%swap3A_648, %swap3A_649] {strides = array<i32>} : memref<128x128xf32, #tpu.memory_space<vmem>>, vector<16xf32>,
        tpu.vector_store %arg11[%swap3A_648, %swap3A_649], %mul3A_647 {strides = array<i32>} : memref<128x128xf32, #tpu.memory_space<vmem>>, vector<16xf32>,
        %get3A_651 = arith.index_cast %add3A_610 : i32 to index
        %get3A_652 = arith.constant 80 : index
        %get3A_653 = tpu.vector_load %arg11[%get3A_651, %get3A_652] {strides = array<i32>} : memref<128x128xf32, #tpu.memory_space<vmem>>, vector<16xf32>,
        %mul3A_654 = vector.broadcast %squeeze3A_606 : f32 to vector<16xf32>
        %mul3A_655 = arith.mulf %get3A_653, %mul3A_654 : vector<16xf32>
        %swap3A_656 = arith.index_cast %add3A_610 : i32 to index
        %swap3A_657 = arith.constant 80 : index
        %swap3A_658 = tpu.vector_load %arg11[%swap3A_656, %swap3A_657] {strides = array<i32>} : memref<128x128xf32, #tpu.memory_space<vmem>>, vector<16xf32>,
        tpu.vector_store %arg11[%swap3A_656, %swap3A_657], %mul3A_655 {strides = array<i32>} : memref<128x128xf32, #tpu.memory_space<vmem>>, vector<16xf32>,
        %get3A_659 = arith.index_cast %add3A_610 : i32 to index
        %get3A_660 = arith.constant 96 : index
        %get3A_661 = tpu.vector_load %arg11[%get3A_659, %get3A_660] {strides = array<i32>} : memref<128x128xf32, #tpu.memory_space<vmem>>, vector<16xf32>,
        %mul3A_662 = vector.broadcast %squeeze3A_606 : f32 to vector<16xf32>
        %mul3A_663 = arith.mulf %get3A_661, %mul3A_662 : vector<16xf32>
        %swap3A_664 = arith.index_cast %add3A_610 : i32 to index
        %swap3A_665 = arith.constant 96 : index
        %swap3A_666 = tpu.vector_load %arg11[%swap3A_664, %swap3A_665] {strides = array<i32>} : memref<128x128xf32, #tpu.memory_space<vmem>>, vector<16xf32>,
        tpu.vector_store %arg11[%swap3A_664, %swap3A_665], %mul3A_663 {strides = array<i32>} : memref<128x128xf32, #tpu.memory_space<vmem>>, vector<16xf32>,
        %get3A_667 = arith.index_cast %add3A_610 : i32 to index
        %get3A_668 = arith.constant 112 : index
        %get3A_669 = tpu.vector_load %arg11[%get3A_667, %get3A_668] {strides = array<i32>} : memref<128x128xf32, #tpu.memory_space<vmem>>, vector<16xf32>,
        %mul3A_670 = vector.broadcast %squeeze3A_606 : f32 to vector<16xf32>
        %mul3A_671 = arith.mulf %get3A_669, %mul3A_670 : vector<16xf32>
        %swap3A_672 = arith.index_cast %add3A_610 : i32 to index
        %swap3A_673 = arith.constant 112 : index
        %swap3A_674 = tpu.vector_load %arg11[%swap3A_672, %swap3A_673] {strides = array<i32>} : memref<128x128xf32, #tpu.memory_space<vmem>>, vector<16xf32>,
        tpu.vector_store %arg11[%swap3A_672, %swap3A_673], %mul3A_671 {strides = array<i32>} : memref<128x128xf32, #tpu.memory_space<vmem>>, vector<16xf32>,
        %slice3A_675 = vector.extract_strided_slice %get3A_249 {offsets = [6], sizes = [1], strides = [1]} : vector<16xf32> to vector<1xf32>
        %squeeze3A_676 = vector.extract %slice3A_675[0] : f32 from vector<1xf32>
        %mul3A_677 = arith.constant 16 : i32
        %mul3A_678 = arith.muli %add3A_246, %mul3A_677 : i32
        %add3A_679 = arith.constant 6 : i32
        %add3A_680 = arith.addi %mul3A_678, %add3A_679 : i32
        %get3A_681 = arith.index_cast %add3A_680 : i32 to index
        %get3A_682 = arith.constant 0 : index
        %get3A_683 = tpu.vector_load %arg11[%get3A_681, %get3A_682] {strides = array<i32>} : memref<128x128xf32, #tpu.memory_space<vmem>>, vector<16xf32>,
        %mul3A_684 = vector.broadcast %squeeze3A_676 : f32 to vector<16xf32>
        %mul3A_685 = arith.mulf %get3A_683, %mul3A_684 : vector<16xf32>
        %swap3A_686 = arith.index_cast %add3A_680 : i32 to index
        %swap3A_687 = arith.constant 0 : index
        %swap3A_688 = tpu.vector_load %arg11[%swap3A_686, %swap3A_687] {strides = array<i32>} : memref<128x128xf32, #tpu.memory_space<vmem>>, vector<16xf32>,
        tpu.vector_store %arg11[%swap3A_686, %swap3A_687], %mul3A_685 {strides = array<i32>} : memref<128x128xf32, #tpu.memory_space<vmem>>, vector<16xf32>,
        %get3A_689 = arith.index_cast %add3A_680 : i32 to index
        %get3A_690 = arith.constant 16 : index
        %get3A_691 = tpu.vector_load %arg11[%get3A_689, %get3A_690] {strides = array<i32>} : memref<128x128xf32, #tpu.memory_space<vmem>>, vector<16xf32>,
        %mul3A_692 = vector.broadcast %squeeze3A_676 : f32 to vector<16xf32>
        %mul3A_693 = arith.mulf %get3A_691, %mul3A_692 : vector<16xf32>
        %swap3A_694 = arith.index_cast %add3A_680 : i32 to index
        %swap3A_695 = arith.constant 16 : index
        %swap3A_696 = tpu.vector_load %arg11[%swap3A_694, %swap3A_695] {strides = array<i32>} : memref<128x128xf32, #tpu.memory_space<vmem>>, vector<16xf32>,
        tpu.vector_store %arg11[%swap3A_694, %swap3A_695], %mul3A_693 {strides = array<i32>} : memref<128x128xf32, #tpu.memory_space<vmem>>, vector<16xf32>,
        %get3A_697 = arith.index_cast %add3A_680 : i32 to index
        %get3A_698 = arith.constant 32 : index
        %get3A_699 = tpu.vector_load %arg11[%get3A_697, %get3A_698] {strides = array<i32>} : memref<128x128xf32, #tpu.memory_space<vmem>>, vector<16xf32>,
        %mul3A_700 = vector.broadcast %squeeze3A_676 : f32 to vector<16xf32>
        %mul3A_701 = arith.mulf %get3A_699, %mul3A_700 : vector<16xf32>
        %swap3A_702 = arith.index_cast %add3A_680 : i32 to index
        %swap3A_703 = arith.constant 32 : index
        %swap3A_704 = tpu.vector_load %arg11[%swap3A_702, %swap3A_703] {strides = array<i32>} : memref<128x128xf32, #tpu.memory_space<vmem>>, vector<16xf32>,
        tpu.vector_store %arg11[%swap3A_702, %swap3A_703], %mul3A_701 {strides = array<i32>} : memref<128x128xf32, #tpu.memory_space<vmem>>, vector<16xf32>,
        %get3A_705 = arith.index_cast %add3A_680 : i32 to index
        %get3A_706 = arith.constant 48 : index
        %get3A_707 = tpu.vector_load %arg11[%get3A_705, %get3A_706] {strides = array<i32>} : memref<128x128xf32, #tpu.memory_space<vmem>>, vector<16xf32>,
        %mul3A_708 = vector.broadcast %squeeze3A_676 : f32 to vector<16xf32>
        %mul3A_709 = arith.mulf %get3A_707, %mul3A_708 : vector<16xf32>
        %swap3A_710 = arith.index_cast %add3A_680 : i32 to index
        %swap3A_711 = arith.constant 48 : index
        %swap3A_712 = tpu.vector_load %arg11[%swap3A_710, %swap3A_711] {strides = array<i32>} : memref<128x128xf32, #tpu.memory_space<vmem>>, vector<16xf32>,
        tpu.vector_store %arg11[%swap3A_710, %swap3A_711], %mul3A_709 {strides = array<i32>} : memref<128x128xf32, #tpu.memory_space<vmem>>, vector<16xf32>,
        %get3A_713 = arith.index_cast %add3A_680 : i32 to index
        %get3A_714 = arith.constant 64 : index
        %get3A_715 = tpu.vector_load %arg11[%get3A_713, %get3A_714] {strides = array<i32>} : memref<128x128xf32, #tpu.memory_space<vmem>>, vector<16xf32>,
        %mul3A_716 = vector.broadcast %squeeze3A_676 : f32 to vector<16xf32>
        %mul3A_717 = arith.mulf %get3A_715, %mul3A_716 : vector<16xf32>
        %swap3A_718 = arith.index_cast %add3A_680 : i32 to index
        %swap3A_719 = arith.constant 64 : index
        %swap3A_720 = tpu.vector_load %arg11[%swap3A_718, %swap3A_719] {strides = array<i32>} : memref<128x128xf32, #tpu.memory_space<vmem>>, vector<16xf32>,
        tpu.vector_store %arg11[%swap3A_718, %swap3A_719], %mul3A_717 {strides = array<i32>} : memref<128x128xf32, #tpu.memory_space<vmem>>, vector<16xf32>,
        %get3A_721 = arith.index_cast %add3A_680 : i32 to index
        %get3A_722 = arith.constant 80 : index
        %get3A_723 = tpu.vector_load %arg11[%get3A_721, %get3A_722] {strides = array<i32>} : memref<128x128xf32, #tpu.memory_space<vmem>>, vector<16xf32>,
        %mul3A_724 = vector.broadcast %squeeze3A_676 : f32 to vector<16xf32>
        %mul3A_725 = arith.mulf %get3A_723, %mul3A_724 : vector<16xf32>
        %swap3A_726 = arith.index_cast %add3A_680 : i32 to index
        %swap3A_727 = arith.constant 80 : index
        %swap3A_728 = tpu.vector_load %arg11[%swap3A_726, %swap3A_727] {strides = array<i32>} : memref<128x128xf32, #tpu.memory_space<vmem>>, vector<16xf32>,
        tpu.vector_store %arg11[%swap3A_726, %swap3A_727], %mul3A_725 {strides = array<i32>} : memref<128x128xf32, #tpu.memory_space<vmem>>, vector<16xf32>,
        %get3A_729 = arith.index_cast %add3A_680 : i32 to index
        %get3A_730 = arith.constant 96 : index
        %get3A_731 = tpu.vector_load %arg11[%get3A_729, %get3A_730] {strides = array<i32>} : memref<128x128xf32, #tpu.memory_space<vmem>>, vector<16xf32>,
        %mul3A_732 = vector.broadcast %squeeze3A_676 : f32 to vector<16xf32>
        %mul3A_733 = arith.mulf %get3A_731, %mul3A_732 : vector<16xf32>
        %swap3A_734 = arith.index_cast %add3A_680 : i32 to index
        %swap3A_735 = arith.constant 96 : index
        %swap3A_736 = tpu.vector_load %arg11[%swap3A_734, %swap3A_735] {strides = array<i32>} : memref<128x128xf32, #tpu.memory_space<vmem>>, vector<16xf32>,
        tpu.vector_store %arg11[%swap3A_734, %swap3A_735], %mul3A_733 {strides = array<i32>} : memref<128x128xf32, #tpu.memory_space<vmem>>, vector<16xf32>,
        %get3A_737 = arith.index_cast %add3A_680 : i32 to index
        %get3A_738 = arith.constant 112 : index
        %get3A_739 = tpu.vector_load %arg11[%get3A_737, %get3A_738] {strides = array<i32>} : memref<128x128xf32, #tpu.memory_space<vmem>>, vector<16xf32>,
        %mul3A_740 = vector.broadcast %squeeze3A_676 : f32 to vector<16xf32>
        %mul3A_741 = arith.mulf %get3A_739, %mul3A_740 : vector<16xf32>
        %swap3A_742 = arith.index_cast %add3A_680 : i32 to index
        %swap3A_743 = arith.constant 112 : index
        %swap3A_744 = tpu.vector_load %arg11[%swap3A_742, %swap3A_743] {strides = array<i32>} : memref<128x128xf32, #tpu.memory_space<vmem>>, vector<16xf32>,
        tpu.vector_store %arg11[%swap3A_742, %swap3A_743], %mul3A_741 {strides = array<i32>} : memref<128x128xf32, #tpu.memory_space<vmem>>, vector<16xf32>,
        %slice3A_745 = vector.extract_strided_slice %get3A_249 {offsets = [7], sizes = [1], strides = [1]} : vector<16xf32> to vector<1xf32>
        %squeeze3A_746 = vector.extract %slice3A_745[0] : f32 from vector<1xf32>
        %mul3A_747 = arith.constant 16 : i32
        %mul3A_748 = arith.muli %add3A_246, %mul3A_747 : i32
        %add3A_749 = arith.constant 7 : i32
        %add3A_750 = arith.addi %mul3A_748, %add3A_749 : i32
        %get3A_751 = arith.index_cast %add3A_750 : i32 to index
        %get3A_752 = arith.constant 0 : index
        %get3A_753 = tpu.vector_load %arg11[%get3A_751, %get3A_752] {strides = array<i32>} : memref<128x128xf32, #tpu.memory_space<vmem>>, vector<16xf32>,
        %mul3A_754 = vector.broadcast %squeeze3A_746 : f32 to vector<16xf32>
        %mul3A_755 = arith.mulf %get3A_753, %mul3A_754 : vector<16xf32>
        %swap3A_756 = arith.index_cast %add3A_750 : i32 to index
        %swap3A_757 = arith.constant 0 : index
        %swap3A_758 = tpu.vector_load %arg11[%swap3A_756, %swap3A_757] {strides = array<i32>} : memref<128x128xf32, #tpu.memory_space<vmem>>, vector<16xf32>,
        tpu.vector_store %arg11[%swap3A_756, %swap3A_757], %mul3A_755 {strides = array<i32>} : memref<128x128xf32, #tpu.memory_space<vmem>>, vector<16xf32>,
        %get3A_759 = arith.index_cast %add3A_750 : i32 to index
        %get3A_760 = arith.constant 16 : index
        %get3A_761 = tpu.vector_load %arg11[%get3A_759, %get3A_760] {strides = array<i32>} : memref<128x128xf32, #tpu.memory_space<vmem>>, vector<16xf32>,
        %mul3A_762 = vector.broadcast %squeeze3A_746 : f32 to vector<16xf32>
        %mul3A_763 = arith.mulf %get3A_761, %mul3A_762 : vector<16xf32>
        %swap3A_764 = arith.index_cast %add3A_750 : i32 to index
        %swap3A_765 = arith.constant 16 : index
        %swap3A_766 = tpu.vector_load %arg11[%swap3A_764, %swap3A_765] {strides = array<i32>} : memref<128x128xf32, #tpu.memory_space<vmem>>, vector<16xf32>,
        tpu.vector_store %arg11[%swap3A_764, %swap3A_765], %mul3A_763 {strides = array<i32>} : memref<128x128xf32, #tpu.memory_space<vmem>>, vector<16xf32>,
        %get3A_767 = arith.index_cast %add3A_750 : i32 to index
        %get3A_768 = arith.constant 32 : index
        %get3A_769 = tpu.vector_load %arg11[%get3A_767, %get3A_768] {strides = array<i32>} : memref<128x128xf32, #tpu.memory_space<vmem>>, vector<16xf32>,
        %mul3A_770 = vector.broadcast %squeeze3A_746 : f32 to vector<16xf32>
        %mul3A_771 = arith.mulf %get3A_769, %mul3A_770 : vector<16xf32>
        %swap3A_772 = arith.index_cast %add3A_750 : i32 to index
        %swap3A_773 = arith.constant 32 : index
        %swap3A_774 = tpu.vector_load %arg11[%swap3A_772, %swap3A_773] {strides = array<i32>} : memref<128x128xf32, #tpu.memory_space<vmem>>, vector<16xf32>,
        tpu.vector_store %arg11[%swap3A_772, %swap3A_773], %mul3A_771 {strides = array<i32>} : memref<128x128xf32, #tpu.memory_space<vmem>>, vector<16xf32>,
        %get3A_775 = arith.index_cast %add3A_750 : i32 to index
        %get3A_776 = arith.constant 48 : index
        %get3A_777 = tpu.vector_load %arg11[%get3A_775, %get3A_776] {strides = array<i32>} : memref<128x128xf32, #tpu.memory_space<vmem>>, vector<16xf32>,
        %mul3A_778 = vector.broadcast %squeeze3A_746 : f32 to vector<16xf32>
        %mul3A_779 = arith.mulf %get3A_777, %mul3A_778 : vector<16xf32>
        %swap3A_780 = arith.index_cast %add3A_750 : i32 to index
        %swap3A_781 = arith.constant 48 : index
        %swap3A_782 = tpu.vector_load %arg11[%swap3A_780, %swap3A_781] {strides = array<i32>} : memref<128x128xf32, #tpu.memory_space<vmem>>, vector<16xf32>,
        tpu.vector_store %arg11[%swap3A_780, %swap3A_781], %mul3A_779 {strides = array<i32>} : memref<128x128xf32, #tpu.memory_space<vmem>>, vector<16xf32>,
        %get3A_783 = arith.index_cast %add3A_750 : i32 to index
        %get3A_784 = arith.constant 64 : index
        %get3A_785 = tpu.vector_load %arg11[%get3A_783, %get3A_784] {strides = array<i32>} : memref<128x128xf32, #tpu.memory_space<vmem>>, vector<16xf32>,
        %mul3A_786 = vector.broadcast %squeeze3A_746 : f32 to vector<16xf32>
        %mul3A_787 = arith.mulf %get3A_785, %mul3A_786 : vector<16xf32>
        %swap3A_788 = arith.index_cast %add3A_750 : i32 to index
        %swap3A_789 = arith.constant 64 : index
        %swap3A_790 = tpu.vector_load %arg11[%swap3A_788, %swap3A_789] {strides = array<i32>} : memref<128x128xf32, #tpu.memory_space<vmem>>, vector<16xf32>,
        tpu.vector_store %arg11[%swap3A_788, %swap3A_789], %mul3A_787 {strides = array<i32>} : memref<128x128xf32, #tpu.memory_space<vmem>>, vector<16xf32>,
        %get3A_791 = arith.index_cast %add3A_750 : i32 to index
        %get3A_792 = arith.constant 80 : index
        %get3A_793 = tpu.vector_load %arg11[%get3A_791, %get3A_792] {strides = array<i32>} : memref<128x128xf32, #tpu.memory_space<vmem>>, vector<16xf32>,
        %mul3A_794 = vector.broadcast %squeeze3A_746 : f32 to vector<16xf32>
        %mul3A_795 = arith.mulf %get3A_793, %mul3A_794 : vector<16xf32>
        %swap3A_796 = arith.index_cast %add3A_750 : i32 to index
        %swap3A_797 = arith.constant 80 : index
        %swap3A_798 = tpu.vector_load %arg11[%swap3A_796, %swap3A_797] {strides = array<i32>} : memref<128x128xf32, #tpu.memory_space<vmem>>, vector<16xf32>,
        tpu.vector_store %arg11[%swap3A_796, %swap3A_797], %mul3A_795 {strides = array<i32>} : memref<128x128xf32, #tpu.memory_space<vmem>>, vector<16xf32>,
        %get3A_799 = arith.index_cast %add3A_750 : i32 to index
        %get3A_800 = arith.constant 96 : index
        %get3A_801 = tpu.vector_load %arg11[%get3A_799, %get3A_800] {strides = array<i32>} : memref<128x128xf32, #tpu.memory_space<vmem>>, vector<16xf32>,
        %mul3A_802 = vector.broadcast %squeeze3A_746 : f32 to vector<16xf32>
        %mul3A_803 = arith.mulf %get3A_801, %mul3A_802 : vector<16xf32>
        %swap3A_804 = arith.index_cast %add3A_750 : i32 to index
        %swap3A_805 = arith.constant 96 : index
        %swap3A_806 = tpu.vector_load %arg11[%swap3A_804, %swap3A_805] {strides = array<i32>} : memref<128x128xf32, #tpu.memory_space<vmem>>, vector<16xf32>,
        tpu.vector_store %arg11[%swap3A_804, %swap3A_805], %mul3A_803 {strides = array<i32>} : memref<128x128xf32, #tpu.memory_space<vmem>>, vector<16xf32>,
        %get3A_807 = arith.index_cast %add3A_750 : i32 to index
        %get3A_808 = arith.constant 112 : index
        %get3A_809 = tpu.vector_load %arg11[%get3A_807, %get3A_808] {strides = array<i32>} : memref<128x128xf32, #tpu.memory_space<vmem>>, vector<16xf32>,
        %mul3A_810 = vector.broadcast %squeeze3A_746 : f32 to vector<16xf32>
        %mul3A_811 = arith.mulf %get3A_809, %mul3A_810 : vector<16xf32>
        %swap3A_812 = arith.index_cast %add3A_750 : i32 to index
        %swap3A_813 = arith.constant 112 : index
        %swap3A_814 = tpu.vector_load %arg11[%swap3A_812, %swap3A_813] {strides = array<i32>} : memref<128x128xf32, #tpu.memory_space<vmem>>, vector<16xf32>,
        tpu.vector_store %arg11[%swap3A_812, %swap3A_813], %mul3A_811 {strides = array<i32>} : memref<128x128xf32, #tpu.memory_space<vmem>>, vector<16xf32>,
        %slice3A_815 = vector.extract_strided_slice %get3A_249 {offsets = [8], sizes = [1], strides = [1]} : vector<16xf32> to vector<1xf32>
        %squeeze3A_816 = vector.extract %slice3A_815[0] : f32 from vector<1xf32>
        %mul3A_817 = arith.constant 16 : i32
        %mul3A_818 = arith.muli %add3A_246, %mul3A_817 : i32
        %add3A_819 = arith.constant 8 : i32
        %add3A_820 = arith.addi %mul3A_818, %add3A_819 : i32
        %get3A_821 = arith.index_cast %add3A_820 : i32 to index
        %get3A_822 = arith.constant 0 : index
        %get3A_823 = tpu.vector_load %arg11[%get3A_821, %get3A_822] {strides = array<i32>} : memref<128x128xf32, #tpu.memory_space<vmem>>, vector<16xf32>,
        %mul3A_824 = vector.broadcast %squeeze3A_816 : f32 to vector<16xf32>
        %mul3A_825 = arith.mulf %get3A_823, %mul3A_824 : vector<16xf32>
        %swap3A_826 = arith.index_cast %add3A_820 : i32 to index
        %swap3A_827 = arith.constant 0 : index
        %swap3A_828 = tpu.vector_load %arg11[%swap3A_826, %swap3A_827] {strides = array<i32>} : memref<128x128xf32, #tpu.memory_space<vmem>>, vector<16xf32>,
        tpu.vector_store %arg11[%swap3A_826, %swap3A_827], %mul3A_825 {strides = array<i32>} : memref<128x128xf32, #tpu.memory_space<vmem>>, vector<16xf32>,
        %get3A_829 = arith.index_cast %add3A_820 : i32 to index
        %get3A_830 = arith.constant 16 : index
        %get3A_831 = tpu.vector_load %arg11[%get3A_829, %get3A_830] {strides = array<i32>} : memref<128x128xf32, #tpu.memory_space<vmem>>, vector<16xf32>,
        %mul3A_832 = vector.broadcast %squeeze3A_816 : f32 to vector<16xf32>
        %mul3A_833 = arith.mulf %get3A_831, %mul3A_832 : vector<16xf32>
        %swap3A_834 = arith.index_cast %add3A_820 : i32 to index
        %swap3A_835 = arith.constant 16 : index
        %swap3A_836 = tpu.vector_load %arg11[%swap3A_834, %swap3A_835] {strides = array<i32>} : memref<128x128xf32, #tpu.memory_space<vmem>>, vector<16xf32>,
        tpu.vector_store %arg11[%swap3A_834, %swap3A_835], %mul3A_833 {strides = array<i32>} : memref<128x128xf32, #tpu.memory_space<vmem>>, vector<16xf32>,
        %get3A_837 = arith.index_cast %add3A_820 : i32 to index
        %get3A_838 = arith.constant 32 : index
        %get3A_839 = tpu.vector_load %arg11[%get3A_837, %get3A_838] {strides = array<i32>} : memref<128x128xf32, #tpu.memory_space<vmem>>, vector<16xf32>,
        %mul3A_840 = vector.broadcast %squeeze3A_816 : f32 to vector<16xf32>
        %mul3A_841 = arith.mulf %get3A_839, %mul3A_840 : vector<16xf32>
        %swap3A_842 = arith.index_cast %add3A_820 : i32 to index
        %swap3A_843 = arith.constant 32 : index
        %swap3A_844 = tpu.vector_load %arg11[%swap3A_842, %swap3A_843] {strides = array<i32>} : memref<128x128xf32, #tpu.memory_space<vmem>>, vector<16xf32>,
        tpu.vector_store %arg11[%swap3A_842, %swap3A_843], %mul3A_841 {strides = array<i32>} : memref<128x128xf32, #tpu.memory_space<vmem>>, vector<16xf32>,
        %get3A_845 = arith.index_cast %add3A_820 : i32 to index
        %get3A_846 = arith.constant 48 : index
        %get3A_847 = tpu.vector_load %arg11[%get3A_845, %get3A_846] {strides = array<i32>} : memref<128x128xf32, #tpu.memory_space<vmem>>, vector<16xf32>,
        %mul3A_848 = vector.broadcast %squeeze3A_816 : f32 to vector<16xf32>
        %mul3A_849 = arith.mulf %get3A_847, %mul3A_848 : vector<16xf32>
        %swap3A_850 = arith.index_cast %add3A_820 : i32 to index
        %swap3A_851 = arith.constant 48 : index
        %swap3A_852 = tpu.vector_load %arg11[%swap3A_850, %swap3A_851] {strides = array<i32>} : memref<128x128xf32, #tpu.memory_space<vmem>>, vector<16xf32>,
        tpu.vector_store %arg11[%swap3A_850, %swap3A_851], %mul3A_849 {strides = array<i32>} : memref<128x128xf32, #tpu.memory_space<vmem>>, vector<16xf32>,
        %get3A_853 = arith.index_cast %add3A_820 : i32 to index
        %get3A_854 = arith.constant 64 : index
        %get3A_855 = tpu.vector_load %arg11[%get3A_853, %get3A_854] {strides = array<i32>} : memref<128x128xf32, #tpu.memory_space<vmem>>, vector<16xf32>,
        %mul3A_856 = vector.broadcast %squeeze3A_816 : f32 to vector<16xf32>
        %mul3A_857 = arith.mulf %get3A_855, %mul3A_856 : vector<16xf32>
        %swap3A_858 = arith.index_cast %add3A_820 : i32 to index
        %swap3A_859 = arith.constant 64 : index
        %swap3A_860 = tpu.vector_load %arg11[%swap3A_858, %swap3A_859] {strides = array<i32>} : memref<128x128xf32, #tpu.memory_space<vmem>>, vector<16xf32>,
        tpu.vector_store %arg11[%swap3A_858, %swap3A_859], %mul3A_857 {strides = array<i32>} : memref<128x128xf32, #tpu.memory_space<vmem>>, vector<16xf32>,
        %get3A_861 = arith.index_cast %add3A_820 : i32 to index
        %get3A_862 = arith.constant 80 : index
        %get3A_863 = tpu.vector_load %arg11[%get3A_861, %get3A_862] {strides = array<i32>} : memref<128x128xf32, #tpu.memory_space<vmem>>, vector<16xf32>,
        %mul3A_864 = vector.broadcast %squeeze3A_816 : f32 to vector<16xf32>
        %mul3A_865 = arith.mulf %get3A_863, %mul3A_864 : vector<16xf32>
        %swap3A_866 = arith.index_cast %add3A_820 : i32 to index
        %swap3A_867 = arith.constant 80 : index
        %swap3A_868 = tpu.vector_load %arg11[%swap3A_866, %swap3A_867] {strides = array<i32>} : memref<128x128xf32, #tpu.memory_space<vmem>>, vector<16xf32>,
        tpu.vector_store %arg11[%swap3A_866, %swap3A_867], %mul3A_865 {strides = array<i32>} : memref<128x128xf32, #tpu.memory_space<vmem>>, vector<16xf32>,
        %get3A_869 = arith.index_cast %add3A_820 : i32 to index
        %get3A_870 = arith.constant 96 : index
        %get3A_871 = tpu.vector_load %arg11[%get3A_869, %get3A_870] {strides = array<i32>} : memref<128x128xf32, #tpu.memory_space<vmem>>, vector<16xf32>,
        %mul3A_872 = vector.broadcast %squeeze3A_816 : f32 to vector<16xf32>
        %mul3A_873 = arith.mulf %get3A_871, %mul3A_872 : vector<16xf32>
        %swap3A_874 = arith.index_cast %add3A_820 : i32 to index
        %swap3A_875 = arith.constant 96 : index
        %swap3A_876 = tpu.vector_load %arg11[%swap3A_874, %swap3A_875] {strides = array<i32>} : memref<128x128xf32, #tpu.memory_space<vmem>>, vector<16xf32>,
        tpu.vector_store %arg11[%swap3A_874, %swap3A_875], %mul3A_873 {strides = array<i32>} : memref<128x128xf32, #tpu.memory_space<vmem>>, vector<16xf32>,
        %get3A_877 = arith.index_cast %add3A_820 : i32 to index
        %get3A_878 = arith.constant 112 : index
        %get3A_879 = tpu.vector_load %arg11[%get3A_877, %get3A_878] {strides = array<i32>} : memref<128x128xf32, #tpu.memory_space<vmem>>, vector<16xf32>,
        %mul3A_880 = vector.broadcast %squeeze3A_816 : f32 to vector<16xf32>
        %mul3A_881 = arith.mulf %get3A_879, %mul3A_880 : vector<16xf32>
        %swap3A_882 = arith.index_cast %add3A_820 : i32 to index
        %swap3A_883 = arith.constant 112 : index
        %swap3A_884 = tpu.vector_load %arg11[%swap3A_882, %swap3A_883] {strides = array<i32>} : memref<128x128xf32, #tpu.memory_space<vmem>>, vector<16xf32>,
        tpu.vector_store %arg11[%swap3A_882, %swap3A_883], %mul3A_881 {strides = array<i32>} : memref<128x128xf32, #tpu.memory_space<vmem>>, vector<16xf32>,
        %slice3A_885 = vector.extract_strided_slice %get3A_249 {offsets = [9], sizes = [1], strides = [1]} : vector<16xf32> to vector<1xf32>
        %squeeze3A_886 = vector.extract %slice3A_885[0] : f32 from vector<1xf32>
        %mul3A_887 = arith.constant 16 : i32
        %mul3A_888 = arith.muli %add3A_246, %mul3A_887 : i32
        %add3A_889 = arith.constant 9 : i32
        %add3A_890 = arith.addi %mul3A_888, %add3A_889 : i32
        %get3A_891 = arith.index_cast %add3A_890 : i32 to index
        %get3A_892 = arith.constant 0 : index
        %get3A_893 = tpu.vector_load %arg11[%get3A_891, %get3A_892] {strides = array<i32>} : memref<128x128xf32, #tpu.memory_space<vmem>>, vector<16xf32>,
        %mul3A_894 = vector.broadcast %squeeze3A_886 : f32 to vector<16xf32>
        %mul3A_895 = arith.mulf %get3A_893, %mul3A_894 : vector<16xf32>
        %swap3A_896 = arith.index_cast %add3A_890 : i32 to index
        %swap3A_897 = arith.constant 0 : index
        %swap3A_898 = tpu.vector_load %arg11[%swap3A_896, %swap3A_897] {strides = array<i32>} : memref<128x128xf32, #tpu.memory_space<vmem>>, vector<16xf32>,
        tpu.vector_store %arg11[%swap3A_896, %swap3A_897], %mul3A_895 {strides = array<i32>} : memref<128x128xf32, #tpu.memory_space<vmem>>, vector<16xf32>,
        %get3A_899 = arith.index_cast %add3A_890 : i32 to index
        %get3A_900 = arith.constant 16 : index
        %get3A_901 = tpu.vector_load %arg11[%get3A_899, %get3A_900] {strides = array<i32>} : memref<128x128xf32, #tpu.memory_space<vmem>>, vector<16xf32>,
        %mul3A_902 = vector.broadcast %squeeze3A_886 : f32 to vector<16xf32>
        %mul3A_903 = arith.mulf %get3A_901, %mul3A_902 : vector<16xf32>
        %swap3A_904 = arith.index_cast %add3A_890 : i32 to index
        %swap3A_905 = arith.constant 16 : index
        %swap3A_906 = tpu.vector_load %arg11[%swap3A_904, %swap3A_905] {strides = array<i32>} : memref<128x128xf32, #tpu.memory_space<vmem>>, vector<16xf32>,
        tpu.vector_store %arg11[%swap3A_904, %swap3A_905], %mul3A_903 {strides = array<i32>} : memref<128x128xf32, #tpu.memory_space<vmem>>, vector<16xf32>,
        %get3A_907 = arith.index_cast %add3A_890 : i32 to index
        %get3A_908 = arith.constant 32 : index
        %get3A_909 = tpu.vector_load %arg11[%get3A_907, %get3A_908] {strides = array<i32>} : memref<128x128xf32, #tpu.memory_space<vmem>>, vector<16xf32>,
        %mul3A_910 = vector.broadcast %squeeze3A_886 : f32 to vector<16xf32>
        %mul3A_911 = arith.mulf %get3A_909, %mul3A_910 : vector<16xf32>
        %swap3A_912 = arith.index_cast %add3A_890 : i32 to index
        %swap3A_913 = arith.constant 32 : index
        %swap3A_914 = tpu.vector_load %arg11[%swap3A_912, %swap3A_913] {strides = array<i32>} : memref<128x128xf32, #tpu.memory_space<vmem>>, vector<16xf32>,
        tpu.vector_store %arg11[%swap3A_912, %swap3A_913], %mul3A_911 {strides = array<i32>} : memref<128x128xf32, #tpu.memory_space<vmem>>, vector<16xf32>,
        %get3A_915 = arith.index_cast %add3A_890 : i32 to index
        %get3A_916 = arith.constant 48 : index
        %get3A_917 = tpu.vector_load %arg11[%get3A_915, %get3A_916] {strides = array<i32>} : memref<128x128xf32, #tpu.memory_space<vmem>>, vector<16xf32>,
        %mul3A_918 = vector.broadcast %squeeze3A_886 : f32 to vector<16xf32>
        %mul3A_919 = arith.mulf %get3A_917, %mul3A_918 : vector<16xf32>
        %swap3A_920 = arith.index_cast %add3A_890 : i32 to index
        %swap3A_921 = arith.constant 48 : index
        %swap3A_922 = tpu.vector_load %arg11[%swap3A_920, %swap3A_921] {strides = array<i32>} : memref<128x128xf32, #tpu.memory_space<vmem>>, vector<16xf32>,
        tpu.vector_store %arg11[%swap3A_920, %swap3A_921], %mul3A_919 {strides = array<i32>} : memref<128x128xf32, #tpu.memory_space<vmem>>, vector<16xf32>,
        %get3A_923 = arith.index_cast %add3A_890 : i32 to index
        %get3A_924 = arith.constant 64 : index
        %get3A_925 = tpu.vector_load %arg11[%get3A_923, %get3A_924] {strides = array<i32>} : memref<128x128xf32, #tpu.memory_space<vmem>>, vector<16xf32>,
        %mul3A_926 = vector.broadcast %squeeze3A_886 : f32 to vector<16xf32>
        %mul3A_927 = arith.mulf %get3A_925, %mul3A_926 : vector<16xf32>
        %swap3A_928 = arith.index_cast %add3A_890 : i32 to index
        %swap3A_929 = arith.constant 64 : index
        %swap3A_930 = tpu.vector_load %arg11[%swap3A_928, %swap3A_929] {strides = array<i32>} : memref<128x128xf32, #tpu.memory_space<vmem>>, vector<16xf32>,
        tpu.vector_store %arg11[%swap3A_928, %swap3A_929], %mul3A_927 {strides = array<i32>} : memref<128x128xf32, #tpu.memory_space<vmem>>, vector<16xf32>,
        %get3A_931 = arith.index_cast %add3A_890 : i32 to index
        %get3A_932 = arith.constant 80 : index
        %get3A_933 = tpu.vector_load %arg11[%get3A_931, %get3A_932] {strides = array<i32>} : memref<128x128xf32, #tpu.memory_space<vmem>>, vector<16xf32>,
        %mul3A_934 = vector.broadcast %squeeze3A_886 : f32 to vector<16xf32>
        %mul3A_935 = arith.mulf %get3A_933, %mul3A_934 : vector<16xf32>
        %swap3A_936 = arith.index_cast %add3A_890 : i32 to index
        %swap3A_937 = arith.constant 80 : index
        %swap3A_938 = tpu.vector_load %arg11[%swap3A_936, %swap3A_937] {strides = array<i32>} : memref<128x128xf32, #tpu.memory_space<vmem>>, vector<16xf32>,
        tpu.vector_store %arg11[%swap3A_936, %swap3A_937], %mul3A_935 {strides = array<i32>} : memref<128x128xf32, #tpu.memory_space<vmem>>, vector<16xf32>,
        %get3A_939 = arith.index_cast %add3A_890 : i32 to index
        %get3A_940 = arith.constant 96 : index
        %get3A_941 = tpu.vector_load %arg11[%get3A_939, %get3A_940] {strides = array<i32>} : memref<128x128xf32, #tpu.memory_space<vmem>>, vector<16xf32>,
        %mul3A_942 = vector.broadcast %squeeze3A_886 : f32 to vector<16xf32>
        %mul3A_943 = arith.mulf %get3A_941, %mul3A_942 : vector<16xf32>
        %swap3A_944 = arith.index_cast %add3A_890 : i32 to index
        %swap3A_945 = arith.constant 96 : index
        %swap3A_946 = tpu.vector_load %arg11[%swap3A_944, %swap3A_945] {strides = array<i32>} : memref<128x128xf32, #tpu.memory_space<vmem>>, vector<16xf32>,
        tpu.vector_store %arg11[%swap3A_944, %swap3A_945], %mul3A_943 {strides = array<i32>} : memref<128x128xf32, #tpu.memory_space<vmem>>, vector<16xf32>,
        %get3A_947 = arith.index_cast %add3A_890 : i32 to index
        %get3A_948 = arith.constant 112 : index
        %get3A_949 = tpu.vector_load %arg11[%get3A_947, %get3A_948] {strides = array<i32>} : memref<128x128xf32, #tpu.memory_space<vmem>>, vector<16xf32>,
        %mul3A_950 = vector.broadcast %squeeze3A_886 : f32 to vector<16xf32>
        %mul3A_951 = arith.mulf %get3A_949, %mul3A_950 : vector<16xf32>
        %swap3A_952 = arith.index_cast %add3A_890 : i32 to index
        %swap3A_953 = arith.constant 112 : index
        %swap3A_954 = tpu.vector_load %arg11[%swap3A_952, %swap3A_953] {strides = array<i32>} : memref<128x128xf32, #tpu.memory_space<vmem>>, vector<16xf32>,
        tpu.vector_store %arg11[%swap3A_952, %swap3A_953], %mul3A_951 {strides = array<i32>} : memref<128x128xf32, #tpu.memory_space<vmem>>, vector<16xf32>,
        %slice3A_955 = vector.extract_strided_slice %get3A_249 {offsets = [10], sizes = [1], strides = [1]} : vector<16xf32> to vector<1xf32>
        %squeeze3A_956 = vector.extract %slice3A_955[0] : f32 from vector<1xf32>
        %mul3A_957 = arith.constant 16 : i32
        %mul3A_958 = arith.muli %add3A_246, %mul3A_957 : i32
        %add3A_959 = arith.constant 10 : i32
        %add3A_960 = arith.addi %mul3A_958, %add3A_959 : i32
        %get3A_961 = arith.index_cast %add3A_960 : i32 to index
        %get3A_962 = arith.constant 0 : index
        %get3A_963 = tpu.vector_load %arg11[%get3A_961, %get3A_962] {strides = array<i32>} : memref<128x128xf32, #tpu.memory_space<vmem>>, vector<16xf32>,
        %mul3A_964 = vector.broadcast %squeeze3A_956 : f32 to vector<16xf32>
        %mul3A_965 = arith.mulf %get3A_963, %mul3A_964 : vector<16xf32>
        %swap3A_966 = arith.index_cast %add3A_960 : i32 to index
        %swap3A_967 = arith.constant 0 : index
        %swap3A_968 = tpu.vector_load %arg11[%swap3A_966, %swap3A_967] {strides = array<i32>} : memref<128x128xf32, #tpu.memory_space<vmem>>, vector<16xf32>,
        tpu.vector_store %arg11[%swap3A_966, %swap3A_967], %mul3A_965 {strides = array<i32>} : memref<128x128xf32, #tpu.memory_space<vmem>>, vector<16xf32>,
        %get3A_969 = arith.index_cast %add3A_960 : i32 to index
        %get3A_970 = arith.constant 16 : index
        %get3A_971 = tpu.vector_load %arg11[%get3A_969, %get3A_970] {strides = array<i32>} : memref<128x128xf32, #tpu.memory_space<vmem>>, vector<16xf32>,
        %mul3A_972 = vector.broadcast %squeeze3A_956 : f32 to vector<16xf32>
        %mul3A_973 = arith.mulf %get3A_971, %mul3A_972 : vector<16xf32>
        %swap3A_974 = arith.index_cast %add3A_960 : i32 to index
        %swap3A_975 = arith.constant 16 : index
        %swap3A_976 = tpu.vector_load %arg11[%swap3A_974, %swap3A_975] {strides = array<i32>} : memref<128x128xf32, #tpu.memory_space<vmem>>, vector<16xf32>,
        tpu.vector_store %arg11[%swap3A_974, %swap3A_975], %mul3A_973 {strides = array<i32>} : memref<128x128xf32, #tpu.memory_space<vmem>>, vector<16xf32>,
        %get3A_977 = arith.index_cast %add3A_960 : i32 to index
        %get3A_978 = arith.constant 32 : index
        %get3A_979 = tpu.vector_load %arg11[%get3A_977, %get3A_978] {strides = array<i32>} : memref<128x128xf32, #tpu.memory_space<vmem>>, vector<16xf32>,
        %mul3A_980 = vector.broadcast %squeeze3A_956 : f32 to vector<16xf32>
        %mul3A_981 = arith.mulf %get3A_979, %mul3A_980 : vector<16xf32>
        %swap3A_982 = arith.index_cast %add3A_960 : i32 to index
        %swap3A_983 = arith.constant 32 : index
        %swap3A_984 = tpu.vector_load %arg11[%swap3A_982, %swap3A_983] {strides = array<i32>} : memref<128x128xf32, #tpu.memory_space<vmem>>, vector<16xf32>,
        tpu.vector_store %arg11[%swap3A_982, %swap3A_983], %mul3A_981 {strides = array<i32>} : memref<128x128xf32, #tpu.memory_space<vmem>>, vector<16xf32>,
        %get3A_985 = arith.index_cast %add3A_960 : i32 to index
        %get3A_986 = arith.constant 48 : index
        %get3A_987 = tpu.vector_load %arg11[%get3A_985, %get3A_986] {strides = array<i32>} : memref<128x128xf32, #tpu.memory_space<vmem>>, vector<16xf32>,
        %mul3A_988 = vector.broadcast %squeeze3A_956 : f32 to vector<16xf32>
        %mul3A_989 = arith.mulf %get3A_987, %mul3A_988 : vector<16xf32>
        %swap3A_990 = arith.index_cast %add3A_960 : i32 to index
        %swap3A_991 = arith.constant 48 : index
        %swap3A_992 = tpu.vector_load %arg11[%swap3A_990, %swap3A_991] {strides = array<i32>} : memref<128x128xf32, #tpu.memory_space<vmem>>, vector<16xf32>,
        tpu.vector_store %arg11[%swap3A_990, %swap3A_991], %mul3A_989 {strides = array<i32>} : memref<128x128xf32, #tpu.memory_space<vmem>>, vector<16xf32>,
        %get3A_993 = arith.index_cast %add3A_960 : i32 to index
        %get3A_994 = arith.constant 64 : index
        %get3A_995 = tpu.vector_load %arg11[%get3A_993, %get3A_994] {strides = array<i32>} : memref<128x128xf32, #tpu.memory_space<vmem>>, vector<16xf32>,
        %mul3A_996 = vector.broadcast %squeeze3A_956 : f32 to vector<16xf32>
        %mul3A_997 = arith.mulf %get3A_995, %mul3A_996 : vector<16xf32>
        %swap3A_998 = arith.index_cast %add3A_960 : i32 to index
        %swap3A_999 = arith.constant 64 : index
        %swap3A_1000 = tpu.vector_load %arg11[%swap3A_998, %swap3A_999] {strides = array<i32>} : memref<128x128xf32, #tpu.memory_space<vmem>>, vector<16xf32>,
        tpu.vector_store %arg11[%swap3A_998, %swap3A_999], %mul3A_997 {strides = array<i32>} : memref<128x128xf32, #tpu.memory_space<vmem>>, vector<16xf32>,
        %get3A_1001 = arith.index_cast %add3A_960 : i32 to index
        %get3A_1002 = arith.constant 80 : index
        %get3A_1003 = tpu.vector_load %arg11[%get3A_1001, %get3A_1002] {strides = array<i32>} : memref<128x128xf32, #tpu.memory_space<vmem>>, vector<16xf32>,
        %mul3A_1004 = vector.broadcast %squeeze3A_956 : f32 to vector<16xf32>
        %mul3A_1005 = arith.mulf %get3A_1003, %mul3A_1004 : vector<16xf32>
        %swap3A_1006 = arith.index_cast %add3A_960 : i32 to index
        %swap3A_1007 = arith.constant 80 : index
        %swap3A_1008 = tpu.vector_load %arg11[%swap3A_1006, %swap3A_1007] {strides = array<i32>} : memref<128x128xf32, #tpu.memory_space<vmem>>, vector<16xf32>,
        tpu.vector_store %arg11[%swap3A_1006, %swap3A_1007], %mul3A_1005 {strides = array<i32>} : memref<128x128xf32, #tpu.memory_space<vmem>>, vector<16xf32>,
        %get3A_1009 = arith.index_cast %add3A_960 : i32 to index
        %get3A_1010 = arith.constant 96 : index
        %get3A_1011 = tpu.vector_load %arg11[%get3A_1009, %get3A_1010] {strides = array<i32>} : memref<128x128xf32, #tpu.memory_space<vmem>>, vector<16xf32>,
        %mul3A_1012 = vector.broadcast %squeeze3A_956 : f32 to vector<16xf32>
        %mul3A_1013 = arith.mulf %get3A_1011, %mul3A_1012 : vector<16xf32>
        %swap3A_1014 = arith.index_cast %add3A_960 : i32 to index
        %swap3A_1015 = arith.constant 96 : index
        %swap3A_1016 = tpu.vector_load %arg11[%swap3A_1014, %swap3A_1015] {strides = array<i32>} : memref<128x128xf32, #tpu.memory_space<vmem>>, vector<16xf32>,
        tpu.vector_store %arg11[%swap3A_1014, %swap3A_1015], %mul3A_1013 {strides = array<i32>} : memref<128x128xf32, #tpu.memory_space<vmem>>, vector<16xf32>,
        %get3A_1017 = arith.index_cast %add3A_960 : i32 to index
        %get3A_1018 = arith.constant 112 : index
        %get3A_1019 = tpu.vector_load %arg11[%get3A_1017, %get3A_1018] {strides = array<i32>} : memref<128x128xf32, #tpu.memory_space<vmem>>, vector<16xf32>,
        %mul3A_1020 = vector.broadcast %squeeze3A_956 : f32 to vector<16xf32>
        %mul3A_1021 = arith.mulf %get3A_1019, %mul3A_1020 : vector<16xf32>
        %swap3A_1022 = arith.index_cast %add3A_960 : i32 to index
        %swap3A_1023 = arith.constant 112 : index
        %swap3A_1024 = tpu.vector_load %arg11[%swap3A_1022, %swap3A_1023] {strides = array<i32>} : memref<128x128xf32, #tpu.memory_space<vmem>>, vector<16xf32>,
        tpu.vector_store %arg11[%swap3A_1022, %swap3A_1023], %mul3A_1021 {strides = array<i32>} : memref<128x128xf32, #tpu.memory_space<vmem>>, vector<16xf32>,
        %slice3A_1025 = vector.extract_strided_slice %get3A_249 {offsets = [11], sizes = [1], strides = [1]} : vector<16xf32> to vector<1xf32>
        %squeeze3A_1026 = vector.extract %slice3A_1025[0] : f32 from vector<1xf32>
        %mul3A_1027 = arith.constant 16 : i32
        %mul3A_1028 = arith.muli %add3A_246, %mul3A_1027 : i32
        %add3A_1029 = arith.constant 11 : i32
        %add3A_1030 = arith.addi %mul3A_1028, %add3A_1029 : i32
        %get3A_1031 = arith.index_cast %add3A_1030 : i32 to index
        %get3A_1032 = arith.constant 0 : index
        %get3A_1033 = tpu.vector_load %arg11[%get3A_1031, %get3A_1032] {strides = array<i32>} : memref<128x128xf32, #tpu.memory_space<vmem>>, vector<16xf32>,
        %mul3A_1034 = vector.broadcast %squeeze3A_1026 : f32 to vector<16xf32>
        %mul3A_1035 = arith.mulf %get3A_1033, %mul3A_1034 : vector<16xf32>
        %swap3A_1036 = arith.index_cast %add3A_1030 : i32 to index
        %swap3A_1037 = arith.constant 0 : index
        %swap3A_1038 = tpu.vector_load %arg11[%swap3A_1036, %swap3A_1037] {strides = array<i32>} : memref<128x128xf32, #tpu.memory_space<vmem>>, vector<16xf32>,
        tpu.vector_store %arg11[%swap3A_1036, %swap3A_1037], %mul3A_1035 {strides = array<i32>} : memref<128x128xf32, #tpu.memory_space<vmem>>, vector<16xf32>,
        %get3A_1039 = arith.index_cast %add3A_1030 : i32 to index
        %get3A_1040 = arith.constant 16 : index
        %get3A_1041 = tpu.vector_load %arg11[%get3A_1039, %get3A_1040] {strides = array<i32>} : memref<128x128xf32, #tpu.memory_space<vmem>>, vector<16xf32>,
        %mul3A_1042 = vector.broadcast %squeeze3A_1026 : f32 to vector<16xf32>
        %mul3A_1043 = arith.mulf %get3A_1041, %mul3A_1042 : vector<16xf32>
        %swap3A_1044 = arith.index_cast %add3A_1030 : i32 to index
        %swap3A_1045 = arith.constant 16 : index
        %swap3A_1046 = tpu.vector_load %arg11[%swap3A_1044, %swap3A_1045] {strides = array<i32>} : memref<128x128xf32, #tpu.memory_space<vmem>>, vector<16xf32>,
        tpu.vector_store %arg11[%swap3A_1044, %swap3A_1045], %mul3A_1043 {strides = array<i32>} : memref<128x128xf32, #tpu.memory_space<vmem>>, vector<16xf32>,
        %get3A_1047 = arith.index_cast %add3A_1030 : i32 to index
        %get3A_1048 = arith.constant 32 : index
        %get3A_1049 = tpu.vector_load %arg11[%get3A_1047, %get3A_1048] {strides = array<i32>} : memref<128x128xf32, #tpu.memory_space<vmem>>, vector<16xf32>,
        %mul3A_1050 = vector.broadcast %squeeze3A_1026 : f32 to vector<16xf32>
        %mul3A_1051 = arith.mulf %get3A_1049, %mul3A_1050 : vector<16xf32>
        %swap3A_1052 = arith.index_cast %add3A_1030 : i32 to index
        %swap3A_1053 = arith.constant 32 : index
        %swap3A_1054 = tpu.vector_load %arg11[%swap3A_1052, %swap3A_1053] {strides = array<i32>} : memref<128x128xf32, #tpu.memory_space<vmem>>, vector<16xf32>,
        tpu.vector_store %arg11[%swap3A_1052, %swap3A_1053], %mul3A_1051 {strides = array<i32>} : memref<128x128xf32, #tpu.memory_space<vmem>>, vector<16xf32>,
        %get3A_1055 = arith.index_cast %add3A_1030 : i32 to index
        %get3A_1056 = arith.constant 48 : index
        %get3A_1057 = tpu.vector_load %arg11[%get3A_1055, %get3A_1056] {strides = array<i32>} : memref<128x128xf32, #tpu.memory_space<vmem>>, vector<16xf32>,
        %mul3A_1058 = vector.broadcast %squeeze3A_1026 : f32 to vector<16xf32>
        %mul3A_1059 = arith.mulf %get3A_1057, %mul3A_1058 : vector<16xf32>
        %swap3A_1060 = arith.index_cast %add3A_1030 : i32 to index
        %swap3A_1061 = arith.constant 48 : index
        %swap3A_1062 = tpu.vector_load %arg11[%swap3A_1060, %swap3A_1061] {strides = array<i32>} : memref<128x128xf32, #tpu.memory_space<vmem>>, vector<16xf32>,
        tpu.vector_store %arg11[%swap3A_1060, %swap3A_1061], %mul3A_1059 {strides = array<i32>} : memref<128x128xf32, #tpu.memory_space<vmem>>, vector<16xf32>,
        %get3A_1063 = arith.index_cast %add3A_1030 : i32 to index
        %get3A_1064 = arith.constant 64 : index
        %get3A_1065 = tpu.vector_load %arg11[%get3A_1063, %get3A_1064] {strides = array<i32>} : memref<128x128xf32, #tpu.memory_space<vmem>>, vector<16xf32>,
        %mul3A_1066 = vector.broadcast %squeeze3A_1026 : f32 to vector<16xf32>
        %mul3A_1067 = arith.mulf %get3A_1065, %mul3A_1066 : vector<16xf32>
        %swap3A_1068 = arith.index_cast %add3A_1030 : i32 to index
        %swap3A_1069 = arith.constant 64 : index
        %swap3A_1070 = tpu.vector_load %arg11[%swap3A_1068, %swap3A_1069] {strides = array<i32>} : memref<128x128xf32, #tpu.memory_space<vmem>>, vector<16xf32>,
        tpu.vector_store %arg11[%swap3A_1068, %swap3A_1069], %mul3A_1067 {strides = array<i32>} : memref<128x128xf32, #tpu.memory_space<vmem>>, vector<16xf32>,
        %get3A_1071 = arith.index_cast %add3A_1030 : i32 to index
        %get3A_1072 = arith.constant 80 : index
        %get3A_1073 = tpu.vector_load %arg11[%get3A_1071, %get3A_1072] {strides = array<i32>} : memref<128x128xf32, #tpu.memory_space<vmem>>, vector<16xf32>,
        %mul3A_1074 = vector.broadcast %squeeze3A_1026 : f32 to vector<16xf32>
        %mul3A_1075 = arith.mulf %get3A_1073, %mul3A_1074 : vector<16xf32>
        %swap3A_1076 = arith.index_cast %add3A_1030 : i32 to index
        %swap3A_1077 = arith.constant 80 : index
        %swap3A_1078 = tpu.vector_load %arg11[%swap3A_1076, %swap3A_1077] {strides = array<i32>} : memref<128x128xf32, #tpu.memory_space<vmem>>, vector<16xf32>,
        tpu.vector_store %arg11[%swap3A_1076, %swap3A_1077], %mul3A_1075 {strides = array<i32>} : memref<128x128xf32, #tpu.memory_space<vmem>>, vector<16xf32>,
        %get3A_1079 = arith.index_cast %add3A_1030 : i32 to index
        %get3A_1080 = arith.constant 96 : index
        %get3A_1081 = tpu.vector_load %arg11[%get3A_1079, %get3A_1080] {strides = array<i32>} : memref<128x128xf32, #tpu.memory_space<vmem>>, vector<16xf32>,
        %mul3A_1082 = vector.broadcast %squeeze3A_1026 : f32 to vector<16xf32>
        %mul3A_1083 = arith.mulf %get3A_1081, %mul3A_1082 : vector<16xf32>
        %swap3A_1084 = arith.index_cast %add3A_1030 : i32 to index
        %swap3A_1085 = arith.constant 96 : index
        %swap3A_1086 = tpu.vector_load %arg11[%swap3A_1084, %swap3A_1085] {strides = array<i32>} : memref<128x128xf32, #tpu.memory_space<vmem>>, vector<16xf32>,
        tpu.vector_store %arg11[%swap3A_1084, %swap3A_1085], %mul3A_1083 {strides = array<i32>} : memref<128x128xf32, #tpu.memory_space<vmem>>, vector<16xf32>,
        %get3A_1087 = arith.index_cast %add3A_1030 : i32 to index
        %get3A_1088 = arith.constant 112 : index
        %get3A_1089 = tpu.vector_load %arg11[%get3A_1087, %get3A_1088] {strides = array<i32>} : memref<128x128xf32, #tpu.memory_space<vmem>>, vector<16xf32>,
        %mul3A_1090 = vector.broadcast %squeeze3A_1026 : f32 to vector<16xf32>
        %mul3A_1091 = arith.mulf %get3A_1089, %mul3A_1090 : vector<16xf32>
        %swap3A_1092 = arith.index_cast %add3A_1030 : i32 to index
        %swap3A_1093 = arith.constant 112 : index
        %swap3A_1094 = tpu.vector_load %arg11[%swap3A_1092, %swap3A_1093] {strides = array<i32>} : memref<128x128xf32, #tpu.memory_space<vmem>>, vector<16xf32>,
        tpu.vector_store %arg11[%swap3A_1092, %swap3A_1093], %mul3A_1091 {strides = array<i32>} : memref<128x128xf32, #tpu.memory_space<vmem>>, vector<16xf32>,
        %slice3A_1095 = vector.extract_strided_slice %get3A_249 {offsets = [12], sizes = [1], strides = [1]} : vector<16xf32> to vector<1xf32>
        %squeeze3A_1096 = vector.extract %slice3A_1095[0] : f32 from vector<1xf32>
        %mul3A_1097 = arith.constant 16 : i32
        %mul3A_1098 = arith.muli %add3A_246, %mul3A_1097 : i32
        %add3A_1099 = arith.constant 12 : i32
        %add3A_1100 = arith.addi %mul3A_1098, %add3A_1099 : i32
        %get3A_1101 = arith.index_cast %add3A_1100 : i32 to index
        %get3A_1102 = arith.constant 0 : index
        %get3A_1103 = tpu.vector_load %arg11[%get3A_1101, %get3A_1102] {strides = array<i32>} : memref<128x128xf32, #tpu.memory_space<vmem>>, vector<16xf32>,
        %mul3A_1104 = vector.broadcast %squeeze3A_1096 : f32 to vector<16xf32>
        %mul3A_1105 = arith.mulf %get3A_1103, %mul3A_1104 : vector<16xf32>
        %swap3A_1106 = arith.index_cast %add3A_1100 : i32 to index
        %swap3A_1107 = arith.constant 0 : index
        %swap3A_1108 = tpu.vector_load %arg11[%swap3A_1106, %swap3A_1107] {strides = array<i32>} : memref<128x128xf32, #tpu.memory_space<vmem>>, vector<16xf32>,
        tpu.vector_store %arg11[%swap3A_1106, %swap3A_1107], %mul3A_1105 {strides = array<i32>} : memref<128x128xf32, #tpu.memory_space<vmem>>, vector<16xf32>,
        %get3A_1109 = arith.index_cast %add3A_1100 : i32 to index
        %get3A_1110 = arith.constant 16 : index
        %get3A_1111 = tpu.vector_load %arg11[%get3A_1109, %get3A_1110] {strides = array<i32>} : memref<128x128xf32, #tpu.memory_space<vmem>>, vector<16xf32>,
        %mul3A_1112 = vector.broadcast %squeeze3A_1096 : f32 to vector<16xf32>
        %mul3A_1113 = arith.mulf %get3A_1111, %mul3A_1112 : vector<16xf32>
        %swap3A_1114 = arith.index_cast %add3A_1100 : i32 to index
        %swap3A_1115 = arith.constant 16 : index
        %swap3A_1116 = tpu.vector_load %arg11[%swap3A_1114, %swap3A_1115] {strides = array<i32>} : memref<128x128xf32, #tpu.memory_space<vmem>>, vector<16xf32>,
        tpu.vector_store %arg11[%swap3A_1114, %swap3A_1115], %mul3A_1113 {strides = array<i32>} : memref<128x128xf32, #tpu.memory_space<vmem>>, vector<16xf32>,
        %get3A_1117 = arith.index_cast %add3A_1100 : i32 to index
        %get3A_1118 = arith.constant 32 : index
        %get3A_1119 = tpu.vector_load %arg11[%get3A_1117, %get3A_1118] {strides = array<i32>} : memref<128x128xf32, #tpu.memory_space<vmem>>, vector<16xf32>,
        %mul3A_1120 = vector.broadcast %squeeze3A_1096 : f32 to vector<16xf32>
        %mul3A_1121 = arith.mulf %get3A_1119, %mul3A_1120 : vector<16xf32>
        %swap3A_1122 = arith.index_cast %add3A_1100 : i32 to index
        %swap3A_1123 = arith.constant 32 : index
        %swap3A_1124 = tpu.vector_load %arg11[%swap3A_1122, %swap3A_1123] {strides = array<i32>} : memref<128x128xf32, #tpu.memory_space<vmem>>, vector<16xf32>,
        tpu.vector_store %arg11[%swap3A_1122, %swap3A_1123], %mul3A_1121 {strides = array<i32>} : memref<128x128xf32, #tpu.memory_space<vmem>>, vector<16xf32>,
        %get3A_1125 = arith.index_cast %add3A_1100 : i32 to index
        %get3A_1126 = arith.constant 48 : index
        %get3A_1127 = tpu.vector_load %arg11[%get3A_1125, %get3A_1126] {strides = array<i32>} : memref<128x128xf32, #tpu.memory_space<vmem>>, vector<16xf32>,
        %mul3A_1128 = vector.broadcast %squeeze3A_1096 : f32 to vector<16xf32>
        %mul3A_1129 = arith.mulf %get3A_1127, %mul3A_1128 : vector<16xf32>
        %swap3A_1130 = arith.index_cast %add3A_1100 : i32 to index
        %swap3A_1131 = arith.constant 48 : index
        %swap3A_1132 = tpu.vector_load %arg11[%swap3A_1130, %swap3A_1131] {strides = array<i32>} : memref<128x128xf32, #tpu.memory_space<vmem>>, vector<16xf32>,
        tpu.vector_store %arg11[%swap3A_1130, %swap3A_1131], %mul3A_1129 {strides = array<i32>} : memref<128x128xf32, #tpu.memory_space<vmem>>, vector<16xf32>,
        %get3A_1133 = arith.index_cast %add3A_1100 : i32 to index
        %get3A_1134 = arith.constant 64 : index
        %get3A_1135 = tpu.vector_load %arg11[%get3A_1133, %get3A_1134] {strides = array<i32>} : memref<128x128xf32, #tpu.memory_space<vmem>>, vector<16xf32>,
        %mul3A_1136 = vector.broadcast %squeeze3A_1096 : f32 to vector<16xf32>
        %mul3A_1137 = arith.mulf %get3A_1135, %mul3A_1136 : vector<16xf32>
        %swap3A_1138 = arith.index_cast %add3A_1100 : i32 to index
        %swap3A_1139 = arith.constant 64 : index
        %swap3A_1140 = tpu.vector_load %arg11[%swap3A_1138, %swap3A_1139] {strides = array<i32>} : memref<128x128xf32, #tpu.memory_space<vmem>>, vector<16xf32>,
        tpu.vector_store %arg11[%swap3A_1138, %swap3A_1139], %mul3A_1137 {strides = array<i32>} : memref<128x128xf32, #tpu.memory_space<vmem>>, vector<16xf32>,
        %get3A_1141 = arith.index_cast %add3A_1100 : i32 to index
        %get3A_1142 = arith.constant 80 : index
        %get3A_1143 = tpu.vector_load %arg11[%get3A_1141, %get3A_1142] {strides = array<i32>} : memref<128x128xf32, #tpu.memory_space<vmem>>, vector<16xf32>,
        %mul3A_1144 = vector.broadcast %squeeze3A_1096 : f32 to vector<16xf32>
        %mul3A_1145 = arith.mulf %get3A_1143, %mul3A_1144 : vector<16xf32>
        %swap3A_1146 = arith.index_cast %add3A_1100 : i32 to index
        %swap3A_1147 = arith.constant 80 : index
        %swap3A_1148 = tpu.vector_load %arg11[%swap3A_1146, %swap3A_1147] {strides = array<i32>} : memref<128x128xf32, #tpu.memory_space<vmem>>, vector<16xf32>,
        tpu.vector_store %arg11[%swap3A_1146, %swap3A_1147], %mul3A_1145 {strides = array<i32>} : memref<128x128xf32, #tpu.memory_space<vmem>>, vector<16xf32>,
        %get3A_1149 = arith.index_cast %add3A_1100 : i32 to index
        %get3A_1150 = arith.constant 96 : index
        %get3A_1151 = tpu.vector_load %arg11[%get3A_1149, %get3A_1150] {strides = array<i32>} : memref<128x128xf32, #tpu.memory_space<vmem>>, vector<16xf32>,
        %mul3A_1152 = vector.broadcast %squeeze3A_1096 : f32 to vector<16xf32>
        %mul3A_1153 = arith.mulf %get3A_1151, %mul3A_1152 : vector<16xf32>
        %swap3A_1154 = arith.index_cast %add3A_1100 : i32 to index
        %swap3A_1155 = arith.constant 96 : index
        %swap3A_1156 = tpu.vector_load %arg11[%swap3A_1154, %swap3A_1155] {strides = array<i32>} : memref<128x128xf32, #tpu.memory_space<vmem>>, vector<16xf32>,
        tpu.vector_store %arg11[%swap3A_1154, %swap3A_1155], %mul3A_1153 {strides = array<i32>} : memref<128x128xf32, #tpu.memory_space<vmem>>, vector<16xf32>,
        %get3A_1157 = arith.index_cast %add3A_1100 : i32 to index
        %get3A_1158 = arith.constant 112 : index
        %get3A_1159 = tpu.vector_load %arg11[%get3A_1157, %get3A_1158] {strides = array<i32>} : memref<128x128xf32, #tpu.memory_space<vmem>>, vector<16xf32>,
        %mul3A_1160 = vector.broadcast %squeeze3A_1096 : f32 to vector<16xf32>
        %mul3A_1161 = arith.mulf %get3A_1159, %mul3A_1160 : vector<16xf32>
        %swap3A_1162 = arith.index_cast %add3A_1100 : i32 to index
        %swap3A_1163 = arith.constant 112 : index
        %swap3A_1164 = tpu.vector_load %arg11[%swap3A_1162, %swap3A_1163] {strides = array<i32>} : memref<128x128xf32, #tpu.memory_space<vmem>>, vector<16xf32>,
        tpu.vector_store %arg11[%swap3A_1162, %swap3A_1163], %mul3A_1161 {strides = array<i32>} : memref<128x128xf32, #tpu.memory_space<vmem>>, vector<16xf32>,
        %slice3A_1165 = vector.extract_strided_slice %get3A_249 {offsets = [13], sizes = [1], strides = [1]} : vector<16xf32> to vector<1xf32>
        %squeeze3A_1166 = vector.extract %slice3A_1165[0] : f32 from vector<1xf32>
        %mul3A_1167 = arith.constant 16 : i32
        %mul3A_1168 = arith.muli %add3A_246, %mul3A_1167 : i32
        %add3A_1169 = arith.constant 13 : i32
        %add3A_1170 = arith.addi %mul3A_1168, %add3A_1169 : i32
        %get3A_1171 = arith.index_cast %add3A_1170 : i32 to index
        %get3A_1172 = arith.constant 0 : index
        %get3A_1173 = tpu.vector_load %arg11[%get3A_1171, %get3A_1172] {strides = array<i32>} : memref<128x128xf32, #tpu.memory_space<vmem>>, vector<16xf32>,
        %mul3A_1174 = vector.broadcast %squeeze3A_1166 : f32 to vector<16xf32>
        %mul3A_1175 = arith.mulf %get3A_1173, %mul3A_1174 : vector<16xf32>
        %swap3A_1176 = arith.index_cast %add3A_1170 : i32 to index
        %swap3A_1177 = arith.constant 0 : index
        %swap3A_1178 = tpu.vector_load %arg11[%swap3A_1176, %swap3A_1177] {strides = array<i32>} : memref<128x128xf32, #tpu.memory_space<vmem>>, vector<16xf32>,
        tpu.vector_store %arg11[%swap3A_1176, %swap3A_1177], %mul3A_1175 {strides = array<i32>} : memref<128x128xf32, #tpu.memory_space<vmem>>, vector<16xf32>,
        %get3A_1179 = arith.index_cast %add3A_1170 : i32 to index
        %get3A_1180 = arith.constant 16 : index
        %get3A_1181 = tpu.vector_load %arg11[%get3A_1179, %get3A_1180] {strides = array<i32>} : memref<128x128xf32, #tpu.memory_space<vmem>>, vector<16xf32>,
        %mul3A_1182 = vector.broadcast %squeeze3A_1166 : f32 to vector<16xf32>
        %mul3A_1183 = arith.mulf %get3A_1181, %mul3A_1182 : vector<16xf32>
        %swap3A_1184 = arith.index_cast %add3A_1170 : i32 to index
        %swap3A_1185 = arith.constant 16 : index
        %swap3A_1186 = tpu.vector_load %arg11[%swap3A_1184, %swap3A_1185] {strides = array<i32>} : memref<128x128xf32, #tpu.memory_space<vmem>>, vector<16xf32>,
        tpu.vector_store %arg11[%swap3A_1184, %swap3A_1185], %mul3A_1183 {strides = array<i32>} : memref<128x128xf32, #tpu.memory_space<vmem>>, vector<16xf32>,
        %get3A_1187 = arith.index_cast %add3A_1170 : i32 to index
        %get3A_1188 = arith.constant 32 : index
        %get3A_1189 = tpu.vector_load %arg11[%get3A_1187, %get3A_1188] {strides = array<i32>} : memref<128x128xf32, #tpu.memory_space<vmem>>, vector<16xf32>,
        %mul3A_1190 = vector.broadcast %squeeze3A_1166 : f32 to vector<16xf32>
        %mul3A_1191 = arith.mulf %get3A_1189, %mul3A_1190 : vector<16xf32>
        %swap3A_1192 = arith.index_cast %add3A_1170 : i32 to index
        %swap3A_1193 = arith.constant 32 : index
        %swap3A_1194 = tpu.vector_load %arg11[%swap3A_1192, %swap3A_1193] {strides = array<i32>} : memref<128x128xf32, #tpu.memory_space<vmem>>, vector<16xf32>,
        tpu.vector_store %arg11[%swap3A_1192, %swap3A_1193], %mul3A_1191 {strides = array<i32>} : memref<128x128xf32, #tpu.memory_space<vmem>>, vector<16xf32>,
        %get3A_1195 = arith.index_cast %add3A_1170 : i32 to index
        %get3A_1196 = arith.constant 48 : index
        %get3A_1197 = tpu.vector_load %arg11[%get3A_1195, %get3A_1196] {strides = array<i32>} : memref<128x128xf32, #tpu.memory_space<vmem>>, vector<16xf32>,
        %mul3A_1198 = vector.broadcast %squeeze3A_1166 : f32 to vector<16xf32>
        %mul3A_1199 = arith.mulf %get3A_1197, %mul3A_1198 : vector<16xf32>
        %swap3A_1200 = arith.index_cast %add3A_1170 : i32 to index
        %swap3A_1201 = arith.constant 48 : index
        %swap3A_1202 = tpu.vector_load %arg11[%swap3A_1200, %swap3A_1201] {strides = array<i32>} : memref<128x128xf32, #tpu.memory_space<vmem>>, vector<16xf32>,
        tpu.vector_store %arg11[%swap3A_1200, %swap3A_1201], %mul3A_1199 {strides = array<i32>} : memref<128x128xf32, #tpu.memory_space<vmem>>, vector<16xf32>,
        %get3A_1203 = arith.index_cast %add3A_1170 : i32 to index
        %get3A_1204 = arith.constant 64 : index
        %get3A_1205 = tpu.vector_load %arg11[%get3A_1203, %get3A_1204] {strides = array<i32>} : memref<128x128xf32, #tpu.memory_space<vmem>>, vector<16xf32>,
        %mul3A_1206 = vector.broadcast %squeeze3A_1166 : f32 to vector<16xf32>
        %mul3A_1207 = arith.mulf %get3A_1205, %mul3A_1206 : vector<16xf32>
        %swap3A_1208 = arith.index_cast %add3A_1170 : i32 to index
        %swap3A_1209 = arith.constant 64 : index
        %swap3A_1210 = tpu.vector_load %arg11[%swap3A_1208, %swap3A_1209] {strides = array<i32>} : memref<128x128xf32, #tpu.memory_space<vmem>>, vector<16xf32>,
        tpu.vector_store %arg11[%swap3A_1208, %swap3A_1209], %mul3A_1207 {strides = array<i32>} : memref<128x128xf32, #tpu.memory_space<vmem>>, vector<16xf32>,
        %get3A_1211 = arith.index_cast %add3A_1170 : i32 to index
        %get3A_1212 = arith.constant 80 : index
        %get3A_1213 = tpu.vector_load %arg11[%get3A_1211, %get3A_1212] {strides = array<i32>} : memref<128x128xf32, #tpu.memory_space<vmem>>, vector<16xf32>,
        %mul3A_1214 = vector.broadcast %squeeze3A_1166 : f32 to vector<16xf32>
        %mul3A_1215 = arith.mulf %get3A_1213, %mul3A_1214 : vector<16xf32>
        %swap3A_1216 = arith.index_cast %add3A_1170 : i32 to index
        %swap3A_1217 = arith.constant 80 : index
        %swap3A_1218 = tpu.vector_load %arg11[%swap3A_1216, %swap3A_1217] {strides = array<i32>} : memref<128x128xf32, #tpu.memory_space<vmem>>, vector<16xf32>,
        tpu.vector_store %arg11[%swap3A_1216, %swap3A_1217], %mul3A_1215 {strides = array<i32>} : memref<128x128xf32, #tpu.memory_space<vmem>>, vector<16xf32>,
        %get3A_1219 = arith.index_cast %add3A_1170 : i32 to index
        %get3A_1220 = arith.constant 96 : index
        %get3A_1221 = tpu.vector_load %arg11[%get3A_1219, %get3A_1220] {strides = array<i32>} : memref<128x128xf32, #tpu.memory_space<vmem>>, vector<16xf32>,
        %mul3A_1222 = vector.broadcast %squeeze3A_1166 : f32 to vector<16xf32>
        %mul3A_1223 = arith.mulf %get3A_1221, %mul3A_1222 : vector<16xf32>
        %swap3A_1224 = arith.index_cast %add3A_1170 : i32 to index
        %swap3A_1225 = arith.constant 96 : index
        %swap3A_1226 = tpu.vector_load %arg11[%swap3A_1224, %swap3A_1225] {strides = array<i32>} : memref<128x128xf32, #tpu.memory_space<vmem>>, vector<16xf32>,
        tpu.vector_store %arg11[%swap3A_1224, %swap3A_1225], %mul3A_1223 {strides = array<i32>} : memref<128x128xf32, #tpu.memory_space<vmem>>, vector<16xf32>,
        %get3A_1227 = arith.index_cast %add3A_1170 : i32 to index
        %get3A_1228 = arith.constant 112 : index
        %get3A_1229 = tpu.vector_load %arg11[%get3A_1227, %get3A_1228] {strides = array<i32>} : memref<128x128xf32, #tpu.memory_space<vmem>>, vector<16xf32>,
        %mul3A_1230 = vector.broadcast %squeeze3A_1166 : f32 to vector<16xf32>
        %mul3A_1231 = arith.mulf %get3A_1229, %mul3A_1230 : vector<16xf32>
        %swap3A_1232 = arith.index_cast %add3A_1170 : i32 to index
        %swap3A_1233 = arith.constant 112 : index
        %swap3A_1234 = tpu.vector_load %arg11[%swap3A_1232, %swap3A_1233] {strides = array<i32>} : memref<128x128xf32, #tpu.memory_space<vmem>>, vector<16xf32>,
        tpu.vector_store %arg11[%swap3A_1232, %swap3A_1233], %mul3A_1231 {strides = array<i32>} : memref<128x128xf32, #tpu.memory_space<vmem>>, vector<16xf32>,
        %slice3A_1235 = vector.extract_strided_slice %get3A_249 {offsets = [14], sizes = [1], strides = [1]} : vector<16xf32> to vector<1xf32>
        %squeeze3A_1236 = vector.extract %slice3A_1235[0] : f32 from vector<1xf32>
        %mul3A_1237 = arith.constant 16 : i32
        %mul3A_1238 = arith.muli %add3A_246, %mul3A_1237 : i32
        %add3A_1239 = arith.constant 14 : i32
        %add3A_1240 = arith.addi %mul3A_1238, %add3A_1239 : i32
        %get3A_1241 = arith.index_cast %add3A_1240 : i32 to index
        %get3A_1242 = arith.constant 0 : index
        %get3A_1243 = tpu.vector_load %arg11[%get3A_1241, %get3A_1242] {strides = array<i32>} : memref<128x128xf32, #tpu.memory_space<vmem>>, vector<16xf32>,
        %mul3A_1244 = vector.broadcast %squeeze3A_1236 : f32 to vector<16xf32>
        %mul3A_1245 = arith.mulf %get3A_1243, %mul3A_1244 : vector<16xf32>
        %swap3A_1246 = arith.index_cast %add3A_1240 : i32 to index
        %swap3A_1247 = arith.constant 0 : index
        %swap3A_1248 = tpu.vector_load %arg11[%swap3A_1246, %swap3A_1247] {strides = array<i32>} : memref<128x128xf32, #tpu.memory_space<vmem>>, vector<16xf32>,
        tpu.vector_store %arg11[%swap3A_1246, %swap3A_1247], %mul3A_1245 {strides = array<i32>} : memref<128x128xf32, #tpu.memory_space<vmem>>, vector<16xf32>,
        %get3A_1249 = arith.index_cast %add3A_1240 : i32 to index
        %get3A_1250 = arith.constant 16 : index
        %get3A_1251 = tpu.vector_load %arg11[%get3A_1249, %get3A_1250] {strides = array<i32>} : memref<128x128xf32, #tpu.memory_space<vmem>>, vector<16xf32>,
        %mul3A_1252 = vector.broadcast %squeeze3A_1236 : f32 to vector<16xf32>
        %mul3A_1253 = arith.mulf %get3A_1251, %mul3A_1252 : vector<16xf32>
        %swap3A_1254 = arith.index_cast %add3A_1240 : i32 to index
        %swap3A_1255 = arith.constant 16 : index
        %swap3A_1256 = tpu.vector_load %arg11[%swap3A_1254, %swap3A_1255] {strides = array<i32>} : memref<128x128xf32, #tpu.memory_space<vmem>>, vector<16xf32>,
        tpu.vector_store %arg11[%swap3A_1254, %swap3A_1255], %mul3A_1253 {strides = array<i32>} : memref<128x128xf32, #tpu.memory_space<vmem>>, vector<16xf32>,
        %get3A_1257 = arith.index_cast %add3A_1240 : i32 to index
        %get3A_1258 = arith.constant 32 : index
        %get3A_1259 = tpu.vector_load %arg11[%get3A_1257, %get3A_1258] {strides = array<i32>} : memref<128x128xf32, #tpu.memory_space<vmem>>, vector<16xf32>,
        %mul3A_1260 = vector.broadcast %squeeze3A_1236 : f32 to vector<16xf32>
        %mul3A_1261 = arith.mulf %get3A_1259, %mul3A_1260 : vector<16xf32>
        %swap3A_1262 = arith.index_cast %add3A_1240 : i32 to index
        %swap3A_1263 = arith.constant 32 : index
        %swap3A_1264 = tpu.vector_load %arg11[%swap3A_1262, %swap3A_1263] {strides = array<i32>} : memref<128x128xf32, #tpu.memory_space<vmem>>, vector<16xf32>,
        tpu.vector_store %arg11[%swap3A_1262, %swap3A_1263], %mul3A_1261 {strides = array<i32>} : memref<128x128xf32, #tpu.memory_space<vmem>>, vector<16xf32>,
        %get3A_1265 = arith.index_cast %add3A_1240 : i32 to index
        %get3A_1266 = arith.constant 48 : index
        %get3A_1267 = tpu.vector_load %arg11[%get3A_1265, %get3A_1266] {strides = array<i32>} : memref<128x128xf32, #tpu.memory_space<vmem>>, vector<16xf32>,
        %mul3A_1268 = vector.broadcast %squeeze3A_1236 : f32 to vector<16xf32>
        %mul3A_1269 = arith.mulf %get3A_1267, %mul3A_1268 : vector<16xf32>
        %swap3A_1270 = arith.index_cast %add3A_1240 : i32 to index
        %swap3A_1271 = arith.constant 48 : index
        %swap3A_1272 = tpu.vector_load %arg11[%swap3A_1270, %swap3A_1271] {strides = array<i32>} : memref<128x128xf32, #tpu.memory_space<vmem>>, vector<16xf32>,
        tpu.vector_store %arg11[%swap3A_1270, %swap3A_1271], %mul3A_1269 {strides = array<i32>} : memref<128x128xf32, #tpu.memory_space<vmem>>, vector<16xf32>,
        %get3A_1273 = arith.index_cast %add3A_1240 : i32 to index
        %get3A_1274 = arith.constant 64 : index
        %get3A_1275 = tpu.vector_load %arg11[%get3A_1273, %get3A_1274] {strides = array<i32>} : memref<128x128xf32, #tpu.memory_space<vmem>>, vector<16xf32>,
        %mul3A_1276 = vector.broadcast %squeeze3A_1236 : f32 to vector<16xf32>
        %mul3A_1277 = arith.mulf %get3A_1275, %mul3A_1276 : vector<16xf32>
        %swap3A_1278 = arith.index_cast %add3A_1240 : i32 to index
        %swap3A_1279 = arith.constant 64 : index
        %swap3A_1280 = tpu.vector_load %arg11[%swap3A_1278, %swap3A_1279] {strides = array<i32>} : memref<128x128xf32, #tpu.memory_space<vmem>>, vector<16xf32>,
        tpu.vector_store %arg11[%swap3A_1278, %swap3A_1279], %mul3A_1277 {strides = array<i32>} : memref<128x128xf32, #tpu.memory_space<vmem>>, vector<16xf32>,
        %get3A_1281 = arith.index_cast %add3A_1240 : i32 to index
        %get3A_1282 = arith.constant 80 : index
        %get3A_1283 = tpu.vector_load %arg11[%get3A_1281, %get3A_1282] {strides = array<i32>} : memref<128x128xf32, #tpu.memory_space<vmem>>, vector<16xf32>,
        %mul3A_1284 = vector.broadcast %squeeze3A_1236 : f32 to vector<16xf32>
        %mul3A_1285 = arith.mulf %get3A_1283, %mul3A_1284 : vector<16xf32>
        %swap3A_1286 = arith.index_cast %add3A_1240 : i32 to index
        %swap3A_1287 = arith.constant 80 : index
        %swap3A_1288 = tpu.vector_load %arg11[%swap3A_1286, %swap3A_1287] {strides = array<i32>} : memref<128x128xf32, #tpu.memory_space<vmem>>, vector<16xf32>,
        tpu.vector_store %arg11[%swap3A_1286, %swap3A_1287], %mul3A_1285 {strides = array<i32>} : memref<128x128xf32, #tpu.memory_space<vmem>>, vector<16xf32>,
        %get3A_1289 = arith.index_cast %add3A_1240 : i32 to index
        %get3A_1290 = arith.constant 96 : index
        %get3A_1291 = tpu.vector_load %arg11[%get3A_1289, %get3A_1290] {strides = array<i32>} : memref<128x128xf32, #tpu.memory_space<vmem>>, vector<16xf32>,
        %mul3A_1292 = vector.broadcast %squeeze3A_1236 : f32 to vector<16xf32>
        %mul3A_1293 = arith.mulf %get3A_1291, %mul3A_1292 : vector<16xf32>
        %swap3A_1294 = arith.index_cast %add3A_1240 : i32 to index
        %swap3A_1295 = arith.constant 96 : index
        %swap3A_1296 = tpu.vector_load %arg11[%swap3A_1294, %swap3A_1295] {strides = array<i32>} : memref<128x128xf32, #tpu.memory_space<vmem>>, vector<16xf32>,
        tpu.vector_store %arg11[%swap3A_1294, %swap3A_1295], %mul3A_1293 {strides = array<i32>} : memref<128x128xf32, #tpu.memory_space<vmem>>, vector<16xf32>,
        %get3A_1297 = arith.index_cast %add3A_1240 : i32 to index
        %get3A_1298 = arith.constant 112 : index
        %get3A_1299 = tpu.vector_load %arg11[%get3A_1297, %get3A_1298] {strides = array<i32>} : memref<128x128xf32, #tpu.memory_space<vmem>>, vector<16xf32>,
        %mul3A_1300 = vector.broadcast %squeeze3A_1236 : f32 to vector<16xf32>
        %mul3A_1301 = arith.mulf %get3A_1299, %mul3A_1300 : vector<16xf32>
        %swap3A_1302 = arith.index_cast %add3A_1240 : i32 to index
        %swap3A_1303 = arith.constant 112 : index
        %swap3A_1304 = tpu.vector_load %arg11[%swap3A_1302, %swap3A_1303] {strides = array<i32>} : memref<128x128xf32, #tpu.memory_space<vmem>>, vector<16xf32>,
        tpu.vector_store %arg11[%swap3A_1302, %swap3A_1303], %mul3A_1301 {strides = array<i32>} : memref<128x128xf32, #tpu.memory_space<vmem>>, vector<16xf32>,
        %slice3A_1305 = vector.extract_strided_slice %get3A_249 {offsets = [15], sizes = [1], strides = [1]} : vector<16xf32> to vector<1xf32>
        %squeeze3A_1306 = vector.extract %slice3A_1305[0] : f32 from vector<1xf32>
        %mul3A_1307 = arith.constant 16 : i32
        %mul3A_1308 = arith.muli %add3A_246, %mul3A_1307 : i32
        %add3A_1309 = arith.constant 15 : i32
        %add3A_1310 = arith.addi %mul3A_1308, %add3A_1309 : i32
        %get3A_1311 = arith.index_cast %add3A_1310 : i32 to index
        %get3A_1312 = arith.constant 0 : index
        %get3A_1313 = tpu.vector_load %arg11[%get3A_1311, %get3A_1312] {strides = array<i32>} : memref<128x128xf32, #tpu.memory_space<vmem>>, vector<16xf32>,
        %mul3A_1314 = vector.broadcast %squeeze3A_1306 : f32 to vector<16xf32>
        %mul3A_1315 = arith.mulf %get3A_1313, %mul3A_1314 : vector<16xf32>
        %swap3A_1316 = arith.index_cast %add3A_1310 : i32 to index
        %swap3A_1317 = arith.constant 0 : index
        %swap3A_1318 = tpu.vector_load %arg11[%swap3A_1316, %swap3A_1317] {strides = array<i32>} : memref<128x128xf32, #tpu.memory_space<vmem>>, vector<16xf32>,
        tpu.vector_store %arg11[%swap3A_1316, %swap3A_1317], %mul3A_1315 {strides = array<i32>} : memref<128x128xf32, #tpu.memory_space<vmem>>, vector<16xf32>,
        %get3A_1319 = arith.index_cast %add3A_1310 : i32 to index
        %get3A_1320 = arith.constant 16 : index
        %get3A_1321 = tpu.vector_load %arg11[%get3A_1319, %get3A_1320] {strides = array<i32>} : memref<128x128xf32, #tpu.memory_space<vmem>>, vector<16xf32>,
        %mul3A_1322 = vector.broadcast %squeeze3A_1306 : f32 to vector<16xf32>
        %mul3A_1323 = arith.mulf %get3A_1321, %mul3A_1322 : vector<16xf32>
        %swap3A_1324 = arith.index_cast %add3A_1310 : i32 to index
        %swap3A_1325 = arith.constant 16 : index
        %swap3A_1326 = tpu.vector_load %arg11[%swap3A_1324, %swap3A_1325] {strides = array<i32>} : memref<128x128xf32, #tpu.memory_space<vmem>>, vector<16xf32>,
        tpu.vector_store %arg11[%swap3A_1324, %swap3A_1325], %mul3A_1323 {strides = array<i32>} : memref<128x128xf32, #tpu.memory_space<vmem>>, vector<16xf32>,
        %get3A_1327 = arith.index_cast %add3A_1310 : i32 to index
        %get3A_1328 = arith.constant 32 : index
        %get3A_1329 = tpu.vector_load %arg11[%get3A_1327, %get3A_1328] {strides = array<i32>} : memref<128x128xf32, #tpu.memory_space<vmem>>, vector<16xf32>,
        %mul3A_1330 = vector.broadcast %squeeze3A_1306 : f32 to vector<16xf32>
        %mul3A_1331 = arith.mulf %get3A_1329, %mul3A_1330 : vector<16xf32>
        %swap3A_1332 = arith.index_cast %add3A_1310 : i32 to index
        %swap3A_1333 = arith.constant 32 : index
        %swap3A_1334 = tpu.vector_load %arg11[%swap3A_1332, %swap3A_1333] {strides = array<i32>} : memref<128x128xf32, #tpu.memory_space<vmem>>, vector<16xf32>,
        tpu.vector_store %arg11[%swap3A_1332, %swap3A_1333], %mul3A_1331 {strides = array<i32>} : memref<128x128xf32, #tpu.memory_space<vmem>>, vector<16xf32>,
        %get3A_1335 = arith.index_cast %add3A_1310 : i32 to index
        %get3A_1336 = arith.constant 48 : index
        %get3A_1337 = tpu.vector_load %arg11[%get3A_1335, %get3A_1336] {strides = array<i32>} : memref<128x128xf32, #tpu.memory_space<vmem>>, vector<16xf32>,
        %mul3A_1338 = vector.broadcast %squeeze3A_1306 : f32 to vector<16xf32>
        %mul3A_1339 = arith.mulf %get3A_1337, %mul3A_1338 : vector<16xf32>
        %swap3A_1340 = arith.index_cast %add3A_1310 : i32 to index
        %swap3A_1341 = arith.constant 48 : index
        %swap3A_1342 = tpu.vector_load %arg11[%swap3A_1340, %swap3A_1341] {strides = array<i32>} : memref<128x128xf32, #tpu.memory_space<vmem>>, vector<16xf32>,
        tpu.vector_store %arg11[%swap3A_1340, %swap3A_1341], %mul3A_1339 {strides = array<i32>} : memref<128x128xf32, #tpu.memory_space<vmem>>, vector<16xf32>,
        %get3A_1343 = arith.index_cast %add3A_1310 : i32 to index
        %get3A_1344 = arith.constant 64 : index
        %get3A_1345 = tpu.vector_load %arg11[%get3A_1343, %get3A_1344] {strides = array<i32>} : memref<128x128xf32, #tpu.memory_space<vmem>>, vector<16xf32>,
        %mul3A_1346 = vector.broadcast %squeeze3A_1306 : f32 to vector<16xf32>
        %mul3A_1347 = arith.mulf %get3A_1345, %mul3A_1346 : vector<16xf32>
        %swap3A_1348 = arith.index_cast %add3A_1310 : i32 to index
        %swap3A_1349 = arith.constant 64 : index
        %swap3A_1350 = tpu.vector_load %arg11[%swap3A_1348, %swap3A_1349] {strides = array<i32>} : memref<128x128xf32, #tpu.memory_space<vmem>>, vector<16xf32>,
        tpu.vector_store %arg11[%swap3A_1348, %swap3A_1349], %mul3A_1347 {strides = array<i32>} : memref<128x128xf32, #tpu.memory_space<vmem>>, vector<16xf32>,
        %get3A_1351 = arith.index_cast %add3A_1310 : i32 to index
        %get3A_1352 = arith.constant 80 : index
        %get3A_1353 = tpu.vector_load %arg11[%get3A_1351, %get3A_1352] {strides = array<i32>} : memref<128x128xf32, #tpu.memory_space<vmem>>, vector<16xf32>,
        %mul3A_1354 = vector.broadcast %squeeze3A_1306 : f32 to vector<16xf32>
        %mul3A_1355 = arith.mulf %get3A_1353, %mul3A_1354 : vector<16xf32>
        %swap3A_1356 = arith.index_cast %add3A_1310 : i32 to index
        %swap3A_1357 = arith.constant 80 : index
        %swap3A_1358 = tpu.vector_load %arg11[%swap3A_1356, %swap3A_1357] {strides = array<i32>} : memref<128x128xf32, #tpu.memory_space<vmem>>, vector<16xf32>,
        tpu.vector_store %arg11[%swap3A_1356, %swap3A_1357], %mul3A_1355 {strides = array<i32>} : memref<128x128xf32, #tpu.memory_space<vmem>>, vector<16xf32>,
        %get3A_1359 = arith.index_cast %add3A_1310 : i32 to index
        %get3A_1360 = arith.constant 96 : index
        %get3A_1361 = tpu.vector_load %arg11[%get3A_1359, %get3A_1360] {strides = array<i32>} : memref<128x128xf32, #tpu.memory_space<vmem>>, vector<16xf32>,
        %mul3A_1362 = vector.broadcast %squeeze3A_1306 : f32 to vector<16xf32>
        %mul3A_1363 = arith.mulf %get3A_1361, %mul3A_1362 : vector<16xf32>
        %swap3A_1364 = arith.index_cast %add3A_1310 : i32 to index
        %swap3A_1365 = arith.constant 96 : index
        %swap3A_1366 = tpu.vector_load %arg11[%swap3A_1364, %swap3A_1365] {strides = array<i32>} : memref<128x128xf32, #tpu.memory_space<vmem>>, vector<16xf32>,
        tpu.vector_store %arg11[%swap3A_1364, %swap3A_1365], %mul3A_1363 {strides = array<i32>} : memref<128x128xf32, #tpu.memory_space<vmem>>, vector<16xf32>,
        %get3A_1367 = arith.index_cast %add3A_1310 : i32 to index
        %get3A_1368 = arith.constant 112 : index
        %get3A_1369 = tpu.vector_load %arg11[%get3A_1367, %get3A_1368] {strides = array<i32>} : memref<128x128xf32, #tpu.memory_space<vmem>>, vector<16xf32>,
        %mul3A_1370 = vector.broadcast %squeeze3A_1306 : f32 to vector<16xf32>
        %mul3A_1371 = arith.mulf %get3A_1369, %mul3A_1370 : vector<16xf32>
        %swap3A_1372 = arith.index_cast %add3A_1310 : i32 to index
        %swap3A_1373 = arith.constant 112 : index
        %swap3A_1374 = tpu.vector_load %arg11[%swap3A_1372, %swap3A_1373] {strides = array<i32>} : memref<128x128xf32, #tpu.memory_space<vmem>>, vector<16xf32>,
        tpu.vector_store %arg11[%swap3A_1372, %swap3A_1373], %mul3A_1371 {strides = array<i32>} : memref<128x128xf32, #tpu.memory_space<vmem>>, vector<16xf32>,
      }
      %scan3A_227 = arith.constant 8 : i32
      %dma_start3A_228 = arith.constant 0 : i32
      %dma_start3A_229 = arith.constant 0 : i32
      %dma_start3A_230 = tpu.memref_slice %arg13[%dma_start3A_228, %dma_start3A_229] : memref<1x128xi32, #tpu.memory_space<vmem>> -> memref<1x128xi32, #tpu.memory_space<vmem>>
      %dma_start3A_231 = tpu.memref_squeeze %dma_start3A_230 : memref<1x128xi32, #tpu.memory_space<vmem>> -> memref<128xi32, #tpu.memory_space<vmem>>
      %dma_start3A_232 = arith.constant 0 : i32
      %dma_start3A_233 = arith.constant 0 : i32
      %dma_start3A_234 = tpu.memref_slice %arg14[%dma_start3A_232, %dma_start3A_233] : memref<10240x128xf32, #tpu.memory_space<vmem_shared>> -> memref<10240x128xf32, #tpu.memory_space<vmem_shared>>
      tpu.enqueue_indirect_dma source(%arg11 : memref<128x128xf32, #tpu.memory_space<vmem>>) target(%dma_start3A_234 : memref<10240x128xf32, #tpu.memory_space<vmem_shared>>) offsets(%dma_start3A_231 : memref<128xi32, #tpu.memory_space<vmem>>) semaphore(%arg22 : memref<!tpu.dma_semaphore, #tpu.memory_space<semaphore_mem>>) {add = true}
      %add3A_235 = arith.constant 2 : i32
      %add3A_236 = arith.addi %add3A_194, %add3A_235 : i32
      %lt3A_237 = arith.constant 80 : i32
      %lt3A_238 = arith.cmpi slt, %add3A_236, %lt3A_237 : i32
      %convert_element_type3A_239 = arith.extui %lt3A_238 : i1 to i32
      %cond3A_240 = arith.constant 0 : i32
      %cond3A_241 = arith.cmpi ne, %convert_element_type3A_239, %cond3A_240 : i32
      scf.if %cond3A_241 {
        %add3A_242 = arith.constant 2 : i32
        %add3A_243 = arith.addi %add3A_194, %add3A_242 : i32
        %dma_start3A_244 = arith.constant 0 : i32
        %dma_start3A_245 = arith.constant 0 : i32
        %dma_start3A_246 = arith.constant 0 : i32
        %dma_start3A_247 = tpu.memref_slice %arg3[%add3A, %dma_start3A_244, %dma_start3A_245, %dma_start3A_246] : memref<32x80x2x128xi32, #tpu.memory_space<hbm>> -> memref<1x80x2x128xi32, #tpu.memory_space<hbm>>
        %dma_start3A_248 = tpu.memref_squeeze %dma_start3A_247 : memref<1x80x2x128xi32, #tpu.memory_space<hbm>> -> memref<80x2x128xi32, #tpu.memory_space<hbm>>
        %dma_start3A_249 = arith.constant 0 : i32
        %dma_start3A_250 = arith.constant 0 : i32
        %dma_start3A_251 = tpu.memref_slice %dma_start3A_248[%add3A_243, %dma_start3A_249, %dma_start3A_250] : memref<80x2x128xi32, #tpu.memory_space<hbm>> -> memref<1x2x128xi32, #tpu.memory_space<hbm>>
        %dma_start3A_252 = tpu.memref_squeeze %dma_start3A_251 : memref<1x2x128xi32, #tpu.memory_space<hbm>> -> memref<2x128xi32, #tpu.memory_space<hbm>>
        %dma_start3A_253 = arith.constant 0 : i32
        %dma_start3A_254 = arith.constant 0 : i32
        %dma_start3A_255 = arith.constant 0 : i32
        %dma_start3A_256 = tpu.memref_slice %arg3[%add3A, %dma_start3A_253, %dma_start3A_254, %dma_start3A_255] : memref<32x80x2x128xi32, #tpu.memory_space<hbm>> -> memref<1x80x2x128xi32, #tpu.memory_space<hbm>>
        %dma_start3A_257 = tpu.memref_squeeze %dma_start3A_256 : memref<1x80x2x128xi32, #tpu.memory_space<hbm>> -> memref<80x2x128xi32, #tpu.memory_space<hbm>>
        %dma_start3A_258 = arith.constant 0 : i32
        %dma_start3A_259 = arith.constant 0 : i32
        %dma_start3A_260 = tpu.memref_slice %dma_start3A_257[%add3A_243, %dma_start3A_258, %dma_start3A_259] : memref<80x2x128xi32, #tpu.memory_space<hbm>> -> memref<1x2x128xi32, #tpu.memory_space<hbm>>
        %dma_start3A_261 = tpu.memref_squeeze %dma_start3A_260 : memref<1x2x128xi32, #tpu.memory_space<hbm>> -> memref<2x128xi32, #tpu.memory_space<hbm>>
        tpu.enqueue_dma source(%dma_start3A_261 : memref<2x128xi32, #tpu.memory_space<hbm>>) target(%arg7 : memref<2x128xi32, #tpu.memory_space<vmem>>) target_semaphore(%arg16 : memref<!tpu.dma_semaphore, #tpu.memory_space<semaphore_mem>>)
        %dma_start3A_262 = arith.constant 0 : i32
        %dma_start3A_263 = arith.constant 0 : i32
        %dma_start3A_264 = tpu.memref_slice %arg4[%add3A, %dma_start3A_262, %dma_start3A_263] : memref<32x80x128xf32, #tpu.memory_space<hbm>> -> memref<1x80x128xf32, #tpu.memory_space<hbm>>
        %dma_start3A_265 = tpu.memref_squeeze %dma_start3A_264 : memref<1x80x128xf32, #tpu.memory_space<hbm>> -> memref<80x128xf32, #tpu.memory_space<hbm>>
        %dma_start3A_266 = arith.constant 0 : i32
        %dma_start3A_267 = tpu.memref_slice %dma_start3A_265[%add3A_243, %dma_start3A_266] : memref<80x128xf32, #tpu.memory_space<hbm>> -> memref<1x128xf32, #tpu.memory_space<hbm>>
        %dma_start3A_268 = tpu.memref_squeeze %dma_start3A_267 : memref<1x128xf32, #tpu.memory_space<hbm>> -> memref<128xf32, #tpu.memory_space<hbm>>
        %dma_start3A_269 = arith.constant 0 : i32
        %dma_start3A_270 = arith.constant 0 : i32
        %dma_start3A_271 = tpu.memref_slice %arg4[%add3A, %dma_start3A_269, %dma_start3A_270] : memref<32x80x128xf32, #tpu.memory_space<hbm>> -> memref<1x80x128xf32, #tpu.memory_space<hbm>>
        %dma_start3A_272 = tpu.memref_squeeze %dma_start3A_271 : memref<1x80x128xf32, #tpu.memory_space<hbm>> -> memref<80x128xf32, #tpu.memory_space<hbm>>
        %dma_start3A_273 = arith.constant 0 : i32
        %dma_start3A_274 = tpu.memref_slice %dma_start3A_272[%add3A_243, %dma_start3A_273] : memref<80x128xf32, #tpu.memory_space<hbm>> -> memref<1x128xf32, #tpu.memory_space<hbm>>
        %dma_start3A_275 = tpu.memref_squeeze %dma_start3A_274 : memref<1x128xf32, #tpu.memory_space<hbm>> -> memref<128xf32, #tpu.memory_space<hbm>>
        tpu.enqueue_dma source(%dma_start3A_275 : memref<128xf32, #tpu.memory_space<hbm>>) target(%arg9 : memref<128xf32, #tpu.memory_space<vmem>>) target_semaphore(%arg18 : memref<!tpu.dma_semaphore, #tpu.memory_space<semaphore_mem>>)
      } else {
      }
    }
    %scan3A_122 = arith.constant 40 : i32
    %dma_wait3A_123 = arith.constant 0 : i32
    %dma_wait3A_124 = arith.constant 0 : i32
    %dma_wait3A_125 = tpu.memref_slice %arg12[%dma_wait3A_123, %dma_wait3A_124] : memref<1x128xi32, #tpu.memory_space<vmem>> -> memref<1x128xi32, #tpu.memory_space<vmem>>
    %dma_wait3A_126 = tpu.memref_squeeze %dma_wait3A_125 : memref<1x128xi32, #tpu.memory_space<vmem>> -> memref<128xi32, #tpu.memory_space<vmem>>
    %dma_wait3A_127 = arith.constant 0 : i32
    %dma_wait3A_128 = arith.constant 0 : i32
    %dma_wait3A_129 = tpu.memref_slice %arg14[%dma_wait3A_127, %dma_wait3A_128] : memref<10240x128xf32, #tpu.memory_space<vmem_shared>> -> memref<10240x128xf32, #tpu.memory_space<vmem_shared>>
    tpu.wait_indirect_dma semaphore(%arg21 : memref<!tpu.dma_semaphore, #tpu.memory_space<semaphore_mem>>) src(%arg10 : memref<128x128xf32, #tpu.memory_space<vmem>>) dst(%dma_wait3A_129 : memref<10240x128xf32, #tpu.memory_space<vmem_shared>>)
    %dma_wait3A_130 = arith.constant 0 : i32
    %dma_wait3A_131 = arith.constant 0 : i32
    %dma_wait3A_132 = tpu.memref_slice %arg13[%dma_wait3A_130, %dma_wait3A_131] : memref<1x128xi32, #tpu.memory_space<vmem>> -> memref<1x128xi32, #tpu.memory_space<vmem>>
    %dma_wait3A_133 = tpu.memref_squeeze %dma_wait3A_132 : memref<1x128xi32, #tpu.memory_space<vmem>> -> memref<128xi32, #tpu.memory_space<vmem>>
    %dma_wait3A_134 = arith.constant 0 : i32
    %dma_wait3A_135 = arith.constant 0 : i32
    %dma_wait3A_136 = tpu.memref_slice %arg14[%dma_wait3A_134, %dma_wait3A_135] : memref<10240x128xf32, #tpu.memory_space<vmem_shared>> -> memref<10240x128xf32, #tpu.memory_space<vmem_shared>>
    tpu.wait_indirect_dma semaphore(%arg22 : memref<!tpu.dma_semaphore, #tpu.memory_space<semaphore_mem>>) src(%arg11 : memref<128x128xf32, #tpu.memory_space<vmem>>) dst(%dma_wait3A_136 : memref<10240x128xf32, #tpu.memory_space<vmem_shared>>)
    %barrier3A_137 = arith.constant 0 : index
    tpu.barrier barrier_id(%barrier3A_137)
    %mul3A_138 = arith.constant 640 : i32
    %mul3A_139 = arith.muli %arg1, %mul3A_138 : i32
    %mul3A_140 = arith.constant 640 : i32
    %mul3A_141 = arith.muli %arg1, %mul3A_140 : i32
    "tpu.region"() ({
      %run_scoped3A = tpu.sem_alloc : memref<!tpu.dma_semaphore, #tpu.memory_space<semaphore_mem>>
      %dma_start3A_142 = arith.constant 0 : i32
      %dma_start3A_143 = arith.constant 0 : i32
      %dma_start3A_144 = tpu.memref_slice %arg5[%arg0, %dma_start3A_142, %dma_start3A_143] : memref<2x10240x128xf32, #tpu.memory_space<hbm>> -> memref<1x10240x128xf32, #tpu.memory_space<hbm>>
      %dma_start3A_145 = tpu.memref_squeeze %dma_start3A_144 : memref<1x10240x128xf32, #tpu.memory_space<hbm>> -> memref<10240x128xf32, #tpu.memory_space<hbm>>
      %dma_start3A_146 = arith.constant 0 : i32
      %dma_start3A_147 = tpu.memref_slice %dma_start3A_145[%mul3A_141, %dma_start3A_146] : memref<10240x128xf32, #tpu.memory_space<hbm>> -> memref<640x128xf32, #tpu.memory_space<hbm>>
      %dma_start3A_148 = arith.constant 0 : i32
      %dma_start3A_149 = tpu.memref_slice %arg14[%mul3A_139, %dma_start3A_148] : memref<10240x128xf32, #tpu.memory_space<vmem_shared>> -> memref<640x128xf32, #tpu.memory_space<vmem_shared>>
      tpu.enqueue_dma source(%dma_start3A_149 : memref<640x128xf32, #tpu.memory_space<vmem_shared>>) target(%dma_start3A_147 : memref<640x128xf32, #tpu.memory_space<hbm>>) target_semaphore(%run_scoped3A : memref<!tpu.dma_semaphore, #tpu.memory_space<semaphore_mem>>)
      %dma_wait3A_150 = arith.constant 0 : i32
      %dma_wait3A_151 = arith.constant 0 : i32
      %dma_wait3A_152 = tpu.memref_slice %arg5[%arg0, %dma_wait3A_150, %dma_wait3A_151] : memref<2x10240x128xf32, #tpu.memory_space<hbm>> -> memref<1x10240x128xf32, #tpu.memory_space<hbm>>
      %dma_wait3A_153 = tpu.memref_squeeze %dma_wait3A_152 : memref<1x10240x128xf32, #tpu.memory_space<hbm>> -> memref<10240x128xf32, #tpu.memory_space<hbm>>
      %dma_wait3A_154 = arith.constant 0 : i32
      %dma_wait3A_155 = tpu.memref_slice %dma_wait3A_153[%mul3A_141, %dma_wait3A_154] : memref<10240x128xf32, #tpu.memory_space<hbm>> -> memref<640x128xf32, #tpu.memory_space<hbm>>
      %dma_wait3A_156 = arith.constant 0 : i32
      %dma_wait3A_157 = tpu.memref_slice %arg14[%mul3A_139, %dma_wait3A_156] : memref<10240x128xf32, #tpu.memory_space<vmem_shared>> -> memref<640x128xf32, #tpu.memory_space<vmem_shared>>
      tpu.wait_dma2 semaphore(%run_scoped3A : memref<!tpu.dma_semaphore, #tpu.memory_space<semaphore_mem>>) src(%dma_wait3A_157 : memref<640x128xf32, #tpu.memory_space<vmem_shared>>) dst(%dma_wait3A_155 : memref<640x128xf32, #tpu.memory_space<hbm>>)
      tpu.yield
    }) : () -> ()
    return
  }
}

module attributes {stable_mosaic.version = 14 : i64} {
  func.func @_mm_body(%arg0: i32, %arg1: memref<1000x128xf32, #tpu.memory_space<vmem>>, %arg2: memref<128x128xf32, #tpu.memory_space<vmem>>, %arg3: memref<128x2xf32, #tpu.memory_space<vmem>>, %arg4: memref<1000x128xf32, #tpu.memory_space<vmem>>, %arg5: memref<1000x2xf32, #tpu.memory_space<vmem>>) attributes {dimension_semantics = [#tpu.dimension_semantics<arbitrary>], iteration_bounds = array<i64: 10>, scalar_prefetch = 0 : i64, scratch_operands = 0 : i64, tpu.core_type = #tpu.core_type<tc>, window_params = [{transform_indices = @transform_0, window_bounds = array<i64: 1000, 128>}, {pipeline_mode = #tpu.pipeline_mode<synchronous>, transform_indices = @transform_1, window_bounds = array<i64: 128, 128>}, {pipeline_mode = #tpu.pipeline_mode<synchronous>, transform_indices = @transform_2, window_bounds = array<i64: 128, 2>}, {transform_indices = @transform_3, window_bounds = array<i64: 1000, 128>}, {transform_indices = @transform_4, window_bounds = array<i64: 1000, 2>}]} {
    %get3A = arith.constant 0 : index
    %get3A_0 = arith.constant 0 : index
    %get3A_1 = vector.load %arg1[%get3A, %get3A_0] : memref<1000x128xf32, #tpu.memory_space<vmem>>, vector<1000x128xf32>
    %get3A_2 = arith.constant 0 : index
    %get3A_3 = arith.constant 0 : index
    %get3A_4 = vector.load %arg2[%get3A_2, %get3A_3] : memref<128x128xf32, #tpu.memory_space<vmem>>, vector<128x128xf32>
    %dot_general3A = arith.constant dense<0.000000e+00> : vector<1000x128xf32>
    %dot_general3A_5 = tpu.matmul %get3A_1, %get3A_4, %dot_general3A {dimension_numbers = #tpu.dot_dimension_numbers<[1], [0], [0], [1], [0, 0, 1, 1], [], []>, precision = #tpu.contract_precision<fp32>, transpose_lhs_hint = false} : vector<1000x128xf32>, vector<128x128xf32>, vector<1000x128xf32> -> vector<1000x128xf32>
    %swap3A = arith.constant 0 : index
    %swap3A_6 = arith.constant 0 : index
    %swap3A_7 = vector.load %arg4[%swap3A, %swap3A_6] : memref<1000x128xf32, #tpu.memory_space<vmem>>, vector<1000x128xf32>
    tpu.vector_store %arg4[%swap3A, %swap3A_6], %dot_general3A_5 {strides = array<i32>} : memref<1000x128xf32, #tpu.memory_space<vmem>>, vector<1000x128xf32>,
    %get3A_8 = arith.constant 0 : index
    %get3A_9 = arith.constant 0 : index
    %get3A_10 = vector.load %arg3[%get3A_8, %get3A_9] : memref<128x2xf32, #tpu.memory_space<vmem>>, vector<128x2xf32>
    %dot_general3A_11 = arith.constant dense<0.000000e+00> : vector<1000x2xf32>
    %dot_general3A_12 = tpu.matmul %dot_general3A_5, %get3A_10, %dot_general3A_11 {dimension_numbers = #tpu.dot_dimension_numbers<[1], [0], [0], [1], [0, 0, 1, 1], [], []>, precision = #tpu.contract_precision<fp32>, transpose_lhs_hint = false} : vector<1000x128xf32>, vector<128x2xf32>, vector<1000x2xf32> -> vector<1000x2xf32>
    %swap3A_13 = arith.constant 0 : index
    %swap3A_14 = arith.constant 0 : index
    %swap3A_15 = vector.load %arg5[%swap3A_13, %swap3A_14] : memref<1000x2xf32, #tpu.memory_space<vmem>>, vector<1000x2xf32>
    tpu.vector_store %arg5[%swap3A_13, %swap3A_14], %dot_general3A_12 {strides = array<i32>} : memref<1000x2xf32, #tpu.memory_space<vmem>>, vector<1000x2xf32>,
    return
  }
  func.func @transform_0(%arg0: i32) -> (i32, i32) {
    %c0_i32 = arith.constant 0 : i32
    %c0_i32_0 = arith.constant 0 : i32
    return %arg0, %c0_i32 : i32, i32
  }
  func.func @transform_1(%arg0: i32) -> (i32, i32) {
    %c0_i32 = arith.constant 0 : i32
    %c0_i32_0 = arith.constant 0 : i32
    %c0_i32_1 = arith.constant 0 : i32
    return %c0_i32, %c0_i32_0 : i32, i32
  }
  func.func @transform_2(%arg0: i32) -> (i32, i32) {
    %c0_i32 = arith.constant 0 : i32
    %c0_i32_0 = arith.constant 0 : i32
    %c0_i32_1 = arith.constant 0 : i32
    return %c0_i32, %c0_i32_0 : i32, i32
  }
  func.func @transform_3(%arg0: i32) -> (i32, i32) {
    %c0_i32 = arith.constant 0 : i32
    %c0_i32_0 = arith.constant 0 : i32
    return %arg0, %c0_i32 : i32, i32
  }
  func.func @transform_4(%arg0: i32) -> (i32, i32) {
    %c0_i32 = arith.constant 0 : i32
    %c0_i32_0 = arith.constant 0 : i32
    return %arg0, %c0_i32 : i32, i32
  }
}

module attributes {stable_mosaic.version = 14 : i64} {
  func.func @_combine_body(%arg0: i32, %arg1: memref<2x1000x128xf32, #tpu.memory_space<vmem>>, %arg2: memref<1000x32xf32, #tpu.memory_space<vmem>>, %arg3: memref<1000x128xf32, #tpu.memory_space<vmem>>) attributes {dimension_semantics = [#tpu.dimension_semantics<arbitrary>], iteration_bounds = array<i64: 10>, scalar_prefetch = 0 : i64, scratch_operands = 0 : i64, tpu.core_type = #tpu.core_type<tc>, window_params = [{transform_indices = @transform_0, window_bounds = array<i64: 2, 1000, 128>}, {transform_indices = @transform_1, window_bounds = array<i64: 1000, 32>}, {transform_indices = @transform_2, window_bounds = array<i64: 1000, 128>}]} {
    %get3A = arith.constant 0 : index
    %get3A_0 = arith.constant 0 : index
    %get3A_1 = arith.constant 0 : index
    %get3A_2 = vector.load %arg1[%get3A, %get3A_0, %get3A_1] : memref<2x1000x128xf32, #tpu.memory_space<vmem>>, vector<1x1000x128xf32>
    %get3A_3 = vector.shape_cast %get3A_2 : vector<1x1000x128xf32> to vector<1000x128xf32>
    %get3A_4 = arith.constant 1 : index
    %get3A_5 = arith.constant 0 : index
    %get3A_6 = arith.constant 0 : index
    %get3A_7 = vector.load %arg1[%get3A_4, %get3A_5, %get3A_6] : memref<2x1000x128xf32, #tpu.memory_space<vmem>>, vector<1x1000x128xf32>
    %get3A_8 = vector.shape_cast %get3A_7 : vector<1x1000x128xf32> to vector<1000x128xf32>
    %add3A = arith.addf %get3A_3, %get3A_8 : vector<1000x128xf32>
    %get3A_9 = arith.constant 0 : index
    %get3A_10 = arith.constant 0 : index
    %get3A_11 = vector.load %arg2[%get3A_9, %get3A_10] : memref<1000x32xf32, #tpu.memory_space<vmem>>, vector<1000x32xf32>
    %reduce_sum3A = arith.constant dense<0.000000e+00> : vector<1000xf32>
    %reduce_sum3A_12 = vector.multi_reduction <add>, %get3A_11, %reduce_sum3A [1] : vector<1000x32xf32> to vector<1000xf32>
    %broadcast_in_dim3A = vector.shape_cast %reduce_sum3A_12 : vector<1000xf32> to vector<1000x1xf32>
    %eq3A = arith.constant 0.000000e+00 : f32
    %eq3A_13 = vector.broadcast %eq3A : f32 to vector<1000x1xf32>
    %eq3A_14 = arith.cmpf oeq, %broadcast_in_dim3A, %eq3A_13 : vector<1000x1xf32>
    %jit3A = arith.constant 1.000000e+00 : f32
    %broadcast_in_dim3A_15 = vector.broadcast %jit3A : f32 to vector<1000x1xf32>
    %select_n3A = arith.select %eq3A_14, %broadcast_in_dim3A_15, %broadcast_in_dim3A : vector<1000x1xi1>, vector<1000x1xf32>
    %div3A = vector.broadcast %select_n3A : vector<1000x1xf32> to vector<1000x128xf32>
    %div3A_16 = arith.divf %add3A, %div3A : vector<1000x128xf32>
    %gt3A = arith.constant 0.000000e+00 : f32
    %gt3A_17 = vector.broadcast %gt3A : f32 to vector<1000x128xf32>
    %gt3A_18 = arith.cmpf ogt, %div3A_16, %gt3A_17 : vector<1000x128xf32>
    %min3A = arith.constant 0.000000e+00 : f32
    %min3A_19 = vector.broadcast %min3A : f32 to vector<1000x128xf32>
    %min3A_20 = arith.minimumf %div3A_16, %min3A_19 : vector<1000x128xf32>
    %exp3A = math.exp %min3A_20 : vector<1000x128xf32>
    %sub3A = arith.constant 1.000000e+00 : f32
    %sub3A_21 = vector.broadcast %sub3A : f32 to vector<1000x128xf32>
    %sub3A_22 = arith.subf %exp3A, %sub3A_21 : vector<1000x128xf32>
    %select_n3A_23 = arith.select %gt3A_18, %div3A_16, %sub3A_22 : vector<1000x128xi1>, vector<1000x128xf32>
    %swap3A = arith.constant 0 : index
    %swap3A_24 = arith.constant 0 : index
    %swap3A_25 = vector.load %arg3[%swap3A, %swap3A_24] : memref<1000x128xf32, #tpu.memory_space<vmem>>, vector<1000x128xf32>
    tpu.vector_store %arg3[%swap3A, %swap3A_24], %select_n3A_23 {strides = array<i32>} : memref<1000x128xf32, #tpu.memory_space<vmem>>, vector<1000x128xf32>,
    return
  }
  func.func @transform_0(%arg0: i32) -> (i32, i32, i32) {
    %c0_i32 = arith.constant 0 : i32
    %c0_i32_0 = arith.constant 0 : i32
    %c0_i32_1 = arith.constant 0 : i32
    return %c0_i32, %arg0, %c0_i32_0 : i32, i32, i32
  }
  func.func @transform_1(%arg0: i32) -> (i32, i32) {
    %c0_i32 = arith.constant 0 : i32
    %c0_i32_0 = arith.constant 0 : i32
    return %arg0, %c0_i32 : i32, i32
  }
  func.func @transform_2(%arg0: i32) -> (i32, i32) {
    %c0_i32 = arith.constant 0 : i32
    %c0_i32_0 = arith.constant 0 : i32
    return %arg0, %c0_i32 : i32, i32
  }
}

</mosaic_0001>

<sc_bundles>
// kernel: kernel.6.cloned.1.call-start
scs
__scs_entry_jumppad:
0x0: {  	(pc) =	sbr.rel $0x88, $3  }
0x1: {  	(tag) =	ssettag $0x0;
	lr =	simm.s32 $0x1  }
0x2: {  	[smem:$0x3F9D] =	sst lr;
	_ =	strace $0xD0000000  }
0x3: {  	_ = 	snop  }
0x4: {  	_ = 	snop  }
0x5: {  	_ = 	snop  }
0x6: {  	_ = 	snop  }
0x7: {  	_ = 	snop  }
__scs_overlays_trampoline_lowered:
0x8: {  	[smem:$0x3FAC] =	sst s0  }
0x9: {  	[smem:$0x3FAD] =	sst s1  }
0xa: {  	[smem:$0x3FAE] =	sst s2  }
0xb: {  	[smem:$0x3FAF] =	sst s3  }
0xc: {  	[smem:$0x3FB0] =	sst s4  }
0xd: {  	[smem:$0x3FB1] =	sst s5  }
0xe: {  	[smem:$0x3FB2] =	sst s6  }
0xf: {  	[smem:$0x3FB3] =	sst s7  }
0x10: {  	[smem:$0x3FB4] =	sst s8  }
0x11: {  	[smem:$0x3FB5] =	sst s9;
	s0 =	simm.s32 @!p0 $0x0  }
0x12: {  	s1 =	sld [smem:$0x3F9B];
	s0 =	simm.s32 @p0 $0x1  }
0x13: {  	[smem:$0x3FB6] =	sst s0;
	s0 =	simm.s32 @!p1 $0x0  }
0x14: {  	s2 =	sld [smem:$0x3F9A];
	s0 =	simm.s32 @p1 $0x1  }
0x15: {  	[smem:$0x3FB7] =	sst s0;
	s0 =	simm.s32 @!p2 $0x0  }
0x16: {  	s3 =	sld [smem:$0x3FDB];
	s0 =	simm.s32 @p2 $0x1  }
0x17: {  	s4 =	simm.s32 $0x1BF5;
	[smem:$0x3FB9] =	sst s0  }
0x18: {  	s0 =	sld [smem:$0x3F9C];
	_ =	swait.ge [sflag:s4], $0x0  }
0x19: {  	s7 =	sld [smem:$0x3F9D]  }
0x1a: {  	s8 =	sadd.s32 $0xFFFFE003, lr  }
0x1b: {  	s9 =	sadd.s32 $0xFFFFFEF7, lr;
	s5 =	simm.s32 $0xFFFFFFFF;
	p2 =	slt.u32 s8, $0xFFFFF086  }
0x1c: {  	p1 =	slt.u32 s9, $0xF7A;
	s5 =	simm.s32 @!p2 $0x0  }
0x1d: {  	s5 =	simm.s32 @p1 $0x1;
	p0 =	seq.s32 s7, s2  }
0x1e: {  	s7 =	smul.u32 @!p0 $0xF7A, s2;
	p2 =	seq.s32 @!p0 s5, $0x0  }
0x1f: {  	s9 =	smul.u32 $0xF7A, s1;
	s8 =	simm.s32 @!p0 $0x1BF5;
	p2 =	por !p2, p0  }
0x20: {  	[sflag:s8] =	ssyncset.s32 @!p0 $0xFFFFF086;
	s6 =	sadd.s32 @!p0 s3, s7;
	s7 =	simm.s32 @!p0 $0x108  }
0x21: {  	s3 =	sadd.s32 s3, s9;
	s6 =	sadd.s32 @!p0 $0x88, s6;
	s7 =	simm.s32 @p2 $0x1082  }
0x22: {  	[simem:s7], [sflag:s8] =	dma.local @!p0 [hbm:s6], $0xF7A  }
0x23: {  	s9 =	sor.u32 $0xD0000000, s2;
	s6 =	simm.s32 $0x108;
	_ =	swait.ge @!p0 [sflag:s8], $0x0  }
0x24: {  	s3 =	sadd.s32 $0x88, s3;
	s6 =	simm.s32 @!p1 $0x1082;
	[sflag:s4] =	ssyncset.s32 $0xFFFFF086  }
0x25: {  	[simem:s6], [sflag:s4] =	dma.local [hbm:s3], $0xF7A  }
0x26: {  	[smem:$0x3F9D] =	sst s1;
	(tag) =	ssettag s2;
	_ =	strace s9  }
0x27: {  	s1 =	sld [smem:$0x3FAD]  }
0x28: {  	s2 =	sld [smem:$0x3FAE]  }
0x29: {  	s4 =	sld [smem:$0x3FB0]  }
0x2a: {  	p0 =	seq.s32 s5, $0x0;
	s5 =	sld [smem:$0x3FB1]  }
0x2b: {  	s6 =	sld [smem:$0x3FB2]  }
0x2c: {  	s7 =	sld [smem:$0x3FB3]  }
0x2d: {  	s3 =	simm.s32 $0x108;
	s8 =	sld [smem:$0x3FB4]  }
0x2e: {  	s3 =	simm.s32 @!p0 $0x1082;
	s9 =	sld [smem:$0x3FB5]  }
0x2f: {  	lr =	sadd.s32 s0, s3;
	s0 =	sld [smem:$0x3FAC]  }
0x30: {  	s3 =	sld [smem:$0x3FAF]  }
0x31: {  	[smem:$0x3FB8] =	sst s10  }
0x32: {  	s10 =	sld [smem:$0x3FB6];
	_ =	sdelay $0x3  }
0x33: {  	p0 =	seq.s32 s10, $0x1;
	s10 =	sld [smem:$0x3FB8];
	_ =	sdelay $0x3  }
0x34: {  	[smem:$0x3FB8] =	sst s10  }
0x35: {  	s10 =	sld [smem:$0x3FB7];
	_ =	sdelay $0x3  }
0x36: {  	p1 =	seq.s32 s10, $0x1;
	s10 =	sld [smem:$0x3FB8];
	_ =	sdelay $0x3  }
0x37: {  	[smem:$0x3FB8] =	sst s10  }
0x38: {  	s10 =	sld [smem:$0x3FB9]  }
0x39: {  	_ = 	snop;
	(pc) =	sbr.ind lr, $3  }
0x3a: {  	_ = 	snop  }
0x3b: {  	_ = 	snop  }
0x3c: {  	p2 =	seq.s32 s10, $0x1;
	s10 =	sld [smem:$0x3FB8]  }
0x3d: {  	_ =	shalt  }
0x3e: {  	_ =	shalt  }
0x3f: {  	_ =	shalt  }
0x40: {  	_ =	shalt  }
0x41: {  	_ =	shalt  }
0x42: {  	_ =	shalt  }
0x43: {  	_ =	shalt  }
0x44: {  	_ =	shalt  }
0x45: {  	_ =	shalt  }
0x46: {  	_ =	shalt  }
0x47: {  	_ =	shalt  }
0x48: {  	_ =	shalt  }
0x49: {  	_ =	shalt  }
0x4a: {  	_ =	shalt  }
0x4b: {  	_ =	shalt  }
0x4c: {  	_ =	shalt  }
0x4d: {  	_ =	shalt  }
0x4e: {  	_ =	shalt  }
0x4f: {  	_ =	shalt  }
0x50: {  	_ =	shalt  }
0x51: {  	_ =	shalt  }
0x52: {  	_ =	shalt  }
0x53: {  	_ =	shalt  }
0x54: {  	_ =	shalt  }
0x55: {  	_ =	shalt  }
0x56: {  	_ =	shalt  }
0x57: {  	_ =	shalt  }
0x58: {  	_ =	shalt  }
0x59: {  	_ =	shalt  }
0x5a: {  	_ =	shalt  }
0x5b: {  	_ =	shalt  }
0x5c: {  	_ =	shalt  }
0x5d: {  	_ =	shalt  }
0x5e: {  	_ =	shalt  }
0x5f: {  	_ =	shalt  }
0x60: {  	_ =	shalt  }
0x61: {  	_ =	shalt  }
0x62: {  	_ =	shalt  }
0x63: {  	_ =	shalt  }
0x64: {  	_ =	shalt  }
0x65: {  	_ =	shalt  }
0x66: {  	_ =	shalt  }
0x67: {  	_ =	shalt  }
0x68: {  	_ =	shalt  }
0x69: {  	_ =	shalt  }
0x6a: {  	_ =	shalt  }
0x6b: {  	_ =	shalt  }
0x6c: {  	_ =	shalt  }
0x6d: {  	_ =	shalt  }
0x6e: {  	_ =	shalt  }
0x6f: {  	_ =	shalt  }
0x70: {  	_ =	shalt  }
0x71: {  	_ =	shalt  }
0x72: {  	_ =	shalt  }
0x73: {  	_ =	shalt  }
0x74: {  	_ =	shalt  }
0x75: {  	_ =	shalt  }
0x76: {  	_ =	shalt  }
0x77: {  	_ =	shalt  }
0x78: {  	_ =	shalt  }
0x79: {  	_ =	shalt  }
0x7a: {  	_ =	shalt  }
0x7b: {  	_ =	shalt  }
0x7c: {  	_ =	shalt  }
0x7d: {  	_ =	shalt  }
0x7e: {  	_ =	shalt  }
0x7f: {  	_ =	shalt  }
0x80: {  	_ =	shalt  }
0x81: {  	_ =	shalt  }
0x82: {  	_ =	shalt  }
0x83: {  	_ =	shalt  }
0x84: {  	_ =	shalt  }
0x85: {  	_ =	shalt  }
0x86: {  	_ =	shalt  }
0x87: {  	_ =	shalt  }
.Lfunc_end0:
.L_simem_size_0:
called_computation_lowered:
.L_overlay_start_0:
0x88: {  	s2 =	sld [smem:$0x3FD9]  }
0x89: {  	s3 =	sld [smem:$0x3FFE];
	_ =	sdelay $0x1  }
0x8a: {  	s1 =	srdreg.scid  }
0x8b: {  	s0 =	sand.u32 $0x1, s1  }
0x8c: {  	s16 =	sshll.u32 s0, $0xA;
	s2 =	sadd.s32 s3, s2  }
0x8d: {  	s2 =	sadd.s32 s2, s16  }
0x8e: {  	[smem:$0x3FC4] =	sst s2  }
0x8f: {  	_ = 	snop  }
0x90: {  	(tm) =	ssettm $0x1  }
0x91: {  	s17 =	sld [smem:$0x3FFB];
	_ =	sdelay $0x3  }
0x92: {  	_ =	strace s17  }
0x93: {  	s2 =	sld [smem:$0x3FFC];
	_ =	sdelay $0x3  }
0x94: {  	_ =	strace s2  }
0x95: {  	s2 =	sld [smem:$0x3FFD];
	_ =	sdelay $0x3  }
0x96: {  	_ =	strace s2  }
0x97: {  	_ =	strace $0x8FFFFFFF  }
0x98: {  	s18 =	sld [smem:$0x3FDB];
	_ =	sdelay $0x1  }
0x99: {  	s19 =	simm.s32 $_scs_section_size  }
0x9a: {  	s4 =	simm.s32 $_size__tile_overlayer_lowered;
	s5 =	simm.s32 $_tile_overlayer_lowered  }
0x9b: {  	s22 =	simm.s32 $0x1BFF;
	s21 =	sshll.u32 s5, $0x1;
	s2 =	sadd.s32 s19, s18  }
0x9c: {  	s6 =	simm.s32 $0x0;
	s20 =	sshll.u32 s4, $0x1;
	s4 =	sadd.s32 s21, s2  }
0x9d: {  	[timem:s6], [sflag:s22] =	dma.local [hbm:s4], s20  }
0x9e: {  	_ =	swait.ge [sflag:s22], s20  }
0x9f: {  	s3 =	ssub.s32 $0x0, s20;
	[sflag:s22] =	ssyncset.done $0x0  }
0xa0: {  	[sflag:s22] =	ssyncadd.s32 s3;
	_ =	sdelay $0x1  }
0xa1: {  	s23 =	simm.s32 $0x1B8B  }
0xa2: {  	_ =	swait.ge [sflag:s23], $0x1  }
0xa3: {  	[sflag:s23] =	ssyncset.done $0x0  }
0xa4: {  	s25 =	simm.s32 $0x1B8E;
	s24 =	sld [smem:$0x3FFE];
	[sflag:s23] =	ssyncadd.s32 $0xFFFFFFFF  }
0xa5: {  	s26 =	simm.s32 $execute0_lowered;
	[smem:$0x3FD2] =	sst s25  }
0xa6: {  	s4 =	sshll.u32 s26, $0x1;
	_ =	strace $0x80000046;
	[dreg:$0x1] =	wrdreg $0xFFFFFFFF  }
0xa7: {  	s28 =	simm.s32 $_size_execute0_lowered;
	s2 =	sadd.s32 s2, s4;
	[dreg:$0x0] =	wrdreg $0x0  }
0xa8: {  	s4 =	sshll.u32 s28, $0x1;
	[dreg:$0x2] =	wrdreg s2  }
0xa9: {  	[dreg:$0x3] =	wrdreg s4  }
0xaa: {  	[dreg:$0x4] =	wrdreg $0xC0  }
0xab: {  	_ =	task [dreg:s6], $0x5FFFF  }
0xac: {  	[dreg:$0x1] =	wrdreg $0xFFFFFFFF  }
0xad: {  	[dreg:$0x0] =	wrdreg $0x60  }
0xae: {  	[dreg:$0x2] =	wrdreg s24  }
0xaf: {  	[dreg:$0x3] =	wrdreg $0x9  }
0xb0: {  	_ =	task.clear_ibuf [dreg:s6], $0x4FFFF;
	_ =	strace $0x90000046  }
0xb1: {  	s29 =	simm.s32 $0x9;
	_ =	strace $0x80000048  }
0xb2: {  	_ =	swait.ge [sflag:s29], $0x1  }
0xb3: {  	[sflag:s29] =	ssyncadd.s32 $0xFFFFFFFF  }
0xb4: {  	_ =	strace $0x90000048  }
0xb5: {  	_ =	sfence  }
0xb6: {  	s30 =	sld [smem:$0x0];
	_ =	sdelay $0x2  }
0xb7: {  	s31 =	sshll.u32 s1, $0xD;
	s1 =	sshrl.u32 s1, $0x2  }
0xb8: {  	s3 =	sand.u32 $0x4000, s31;
	s1 =	sadd.s32 s1, s30  }
0xb9: {  	s0 =	sor.u32 s3, s0;
	s1 =	sshll.u32 s1, $0x11  }
0xba: {  	s0 =	sor.u32 s1, s0  }
0xbb: {  	s0 =	sadd.s32 $0x8F2B, s0  }
0xbc: {  	[sflag:s0] =	ssyncadd.remote.s32 $0x1  }
0xbd: {  	_ =	sfence.sel $0xFFFF  }
0xbe: {  	[dreg:$0x0] =	wrdreg $0xFFFFFFFF;
	(pc) =	sbr.abs _section_cstart, $3  }
0xbf: {  	[dreg:$0x1] =	wrdreg $0xFFFFFFFF  }
0xc0: {  	_ =	task.clear_ibuf [dreg:s6], $0x2FFFF;
	_ =	strace $0x9FFFFFFF  }
0xc1: {  	(tm) =	ssettm $0x7FFFFFFF  }
tec
execute0_lowered:
.L_overlay_start_1:
0x0: {  	(tag) =	ssettag $0x1  }
0x1: {  	s5 =	rddreg [dreg:$0x0];
	s1 =	srdreg.scid  }
0x2: {  	s0 =	rddreg [dreg:$0x1];
	s2 =	simm.s32 $0x0;
	s11 =	simm.s32 $0x5000  }
0x3: {  	s12 =	simm.s32 $0xC800;
	s13 =	simm.s32 $0xA000;
	s6 =	sand.u32 $0x1, s1  }
0x4: {  	s14 =	simm.s32 $0x80;
	s1 =	stileid.u32;
	s3 =	sshll.u32 s6, $0x4  }
0x5: {  	s15 =	simm.s32 $0x400;
	[smem:$0x7FF] =	sst s2;
	s7 =	sor.u32 s1, s3  }
0x6: {  	s16 =	simm.s32 $0x0;
	_ =	strace $0x80000047;
	s10 =	smul.u32 $0xA00, s7  }
0x7: {  	s9 =	sshll.u32 s1, $0x7;
	s4 =	sshrl.u32 s7, $0x3;
	s7 =	smul.u32 $0x500, s7  }
0x8: {  	s6 =	ssub.s32 $0x2, s6;
	s3 =	sadd.s32 $0xA00, s5;
	s8 =	smul.u32 $0x14000, s4  }
0x9: {  	s9 =	sand.u32 $0x380, s9;
	s31 =	sshrl.u32 s6, $0x1;
	s4 =	sadd.s32 $0x1000, s5  }
0xa: {  	s30 =	sadd.s32 s10, s5;
	s7 =	sadd.s32 s7, s5;
	s8 =	sor.u32 s9, s8  }
0xb: {  	s10 =	ssub.s32 s6, s31;
	s6 =	sadd.s32 $0x1F600, s7;
	s8 =	sshrl.u32 s8, $0x3  }
0xc: {  	s9 =	simm.s32 $0x1;
	s8 =	sadd.s32 s8, s5;
	s5 =	sadd.s32 $0x1600, s30  }
0xd: {  	v0 =	vimm.f32 $0.0e+00;
	s7 =	sadd.s32 $0x15600, s8;
	s8 =	smax.u32 s10, $0x1;
	s10 =	simm.s32 $0x2800  }
.LBB2_1:
0xe: {  	s17 =	simm.s32 $0x40;
	s18 =	simm.s32 $0x0  }
.LBB2_2:
0xf: {  	p0 =	sne.s32 s17, $0x9FC0;
	[tilespmem:s18+$0xC800] =	vst v0;
	s18 =	smov.u32 s17;
	s17 =	sadd.s32 $0x40, s17  }
.Ltmp0:
0x10: {  	(pc) =	sbr.rel @p0 .LBB2_2-.Ltmp0, $2  }
0x11: {  	_ =	sdelay $0x2  }
0x12: {  	s18 =	sshra.s32 s18, $0x2  }
0x13: {  	[tilespmem:s18+$0xC800] =	vst v0;
	s17 =	simm.s32 $0x0  }
0x14: {  	[tilespmem:s17], [sflag:$0x1] =	stream.linear.gather [hbm4b:s3+s17], $0x2800, $0x38;
	[tilespmem:$0xF000] =	vst v63  }
0x15: {  	_ =	swait.ge [sflag:s9], $0x2800  }
0x16: {  	[sflag:s9] =	ssyncset.done $0x0  }
0x17: {  	[sflag:s9] =	ssyncadd.s32 $0xFFFFD800  }
0x18: {  	[tilespmem:s10], [sflag:$0x1] =	stream.linear.gather [hbm4b:s4+s17], $0x2800, $0x38;
	[tilespmem:$0xF000] =	vst v63  }
0x19: {  	_ =	swait.ge [sflag:s9], $0x2800  }
0x1a: {  	[sflag:s9] =	ssyncset.done $0x0  }
0x1b: {  	[sflag:s9] =	ssyncadd.s32 $0xFFFFD800  }
0x1c: {  	[tilespmem:s11], [sflag:$0x1] =	stream.linear.gather [hbm4b:s5+s17], $0x5000, $0x38;
	[tilespmem:$0xF000] =	vst v63  }
0x1d: {  	_ =	swait.ge [sflag:s9], $0x5000  }
0x1e: {  	[sflag:s9] =	ssyncset.done $0x0  }
0x1f: {  	s18 =	simm.s32 $0x5080;
	[sflag:s9] =	ssyncadd.s32 $0xFFFFB000  }
.LBB2_4:
0x20: {  	v1 =	vld [tilespmem:s18+$0x0]  }
0x21: {  	v2 =	vld [tilespmem:s18+$0xFFFFFF80];
	_ =	sdelay $0x6  }
0x22: {  	v3 =	vld.idx.msk [tilespmem:v1+s2+$0x0], $0xffff  }
0x23: {  	v2 =	vld.idx.msk [tilespmem:v2+s10+$0x0], $0xffff;
	_ =	sdelay $0x4  }
0x24: {  	v2 =	vadd.f32 v2, v3;
	_ =	sdelay $0x1  }
0x25: {  	v3 =	vmul.f32 $2.000000030e-01, v2;
	_ =	sdelay $0x1  }
0x26: {  	v2 =	vmax.f32 v2, v3  }
0x27: {  	v2 =	vmul.f32 $1.442695020e+00, v2;
	_ =	sdelay $0x1  }
0x28: {  	(erf) = vpow2.f32 v2;
	_ =	sdelay $0x8  }
0x29: {  	s19 =	sshra.s32 s17, $0x2;
	v2 =	vpop (erf)  }
0x2a: {  	[tilespmem:s19+$0xA000] =	vst v2  }
0x2b: {  	[tilespmem:v1+s12+$0x0] =	vst.idx.add.f32.msk $0xffff, v2  }
0x2c: {  	v1 =	vld [tilespmem:s18+$0x10]  }
0x2d: {  	v2 =	vld [tilespmem:s18+$0xFFFFFF90];
	_ =	sdelay $0x6  }
0x2e: {  	v3 =	vld.idx.msk [tilespmem:v1+s2+$0x0], $0xffff  }
0x2f: {  	v2 =	vld.idx.msk [tilespmem:v2+s10+$0x0], $0xffff;
	_ =	sdelay $0x4  }
0x30: {  	v2 =	vadd.f32 v2, v3;
	_ =	sdelay $0x1  }
0x31: {  	v3 =	vmul.f32 $2.000000030e-01, v2;
	_ =	sdelay $0x1  }
0x32: {  	v2 =	vmax.f32 v2, v3  }
0x33: {  	v2 =	vmul.f32 $1.442695020e+00, v2;
	_ =	sdelay $0x1  }
0x34: {  	(erf) = vpow2.f32 v2;
	_ =	sdelay $0x8  }
0x35: {  	v2 =	vpop (erf)  }
0x36: {  	[tilespmem:s19+$0xA010] =	vst v2  }
0x37: {  	[tilespmem:v1+s12+$0x0] =	vst.idx.add.f32.msk $0xffff, v2  }
0x38: {  	v1 =	vld [tilespmem:s18+$0x20]  }
0x39: {  	v2 =	vld [tilespmem:s18+$0xFFFFFFA0];
	_ =	sdelay $0x6  }
0x3a: {  	v3 =	vld.idx.msk [tilespmem:v1+s2+$0x0], $0xffff  }
0x3b: {  	v2 =	vld.idx.msk [tilespmem:v2+s10+$0x0], $0xffff;
	_ =	sdelay $0x4  }
0x3c: {  	v2 =	vadd.f32 v2, v3;
	_ =	sdelay $0x1  }
0x3d: {  	v3 =	vmul.f32 $2.000000030e-01, v2;
	_ =	sdelay $0x1  }
0x3e: {  	v2 =	vmax.f32 v2, v3  }
0x3f: {  	v2 =	vmul.f32 $1.442695020e+00, v2;
	_ =	sdelay $0x1  }
0x40: {  	(erf) = vpow2.f32 v2;
	_ =	sdelay $0x8  }
0x41: {  	v2 =	vpop (erf)  }
0x42: {  	[tilespmem:s19+$0xA020] =	vst v2  }
0x43: {  	[tilespmem:v1+s12+$0x0] =	vst.idx.add.f32.msk $0xffff, v2  }
0x44: {  	v1 =	vld [tilespmem:s18+$0x30]  }
0x45: {  	v2 =	vld [tilespmem:s18+$0xFFFFFFB0];
	_ =	sdelay $0x6  }
0x46: {  	v3 =	vld.idx.msk [tilespmem:v1+s2+$0x0], $0xffff  }
0x47: {  	v2 =	vld.idx.msk [tilespmem:v2+s10+$0x0], $0xffff;
	_ =	sdelay $0x4  }
0x48: {  	v2 =	vadd.f32 v2, v3;
	_ =	sdelay $0x1  }
0x49: {  	v3 =	vmul.f32 $2.000000030e-01, v2;
	_ =	sdelay $0x1  }
0x4a: {  	v2 =	vmax.f32 v2, v3  }
0x4b: {  	v2 =	vmul.f32 $1.442695020e+00, v2;
	_ =	sdelay $0x1  }
0x4c: {  	(erf) = vpow2.f32 v2;
	_ =	sdelay $0x8  }
0x4d: {  	v2 =	vpop (erf)  }
0x4e: {  	[tilespmem:s19+$0xA030] =	vst v2  }
0x4f: {  	[tilespmem:v1+s12+$0x0] =	vst.idx.add.f32.msk $0xffff, v2  }
0x50: {  	v1 =	vld [tilespmem:s18+$0x40]  }
0x51: {  	v2 =	vld [tilespmem:s18+$0xFFFFFFC0];
	_ =	sdelay $0x6  }
0x52: {  	v3 =	vld.idx.msk [tilespmem:v1+s2+$0x0], $0xffff  }
0x53: {  	v2 =	vld.idx.msk [tilespmem:v2+s10+$0x0], $0xffff;
	_ =	sdelay $0x4  }
0x54: {  	v2 =	vadd.f32 v2, v3;
	_ =	sdelay $0x1  }
0x55: {  	v3 =	vmul.f32 $2.000000030e-01, v2;
	_ =	sdelay $0x1  }
0x56: {  	v2 =	vmax.f32 v2, v3  }
0x57: {  	v2 =	vmul.f32 $1.442695020e+00, v2;
	_ =	sdelay $0x1  }
0x58: {  	(erf) = vpow2.f32 v2;
	_ =	sdelay $0x8  }
0x59: {  	v2 =	vpop (erf)  }
0x5a: {  	[tilespmem:s19+$0xA040] =	vst v2  }
0x5b: {  	[tilespmem:v1+s12+$0x0] =	vst.idx.add.f32.msk $0xffff, v2  }
0x5c: {  	v1 =	vld [tilespmem:s18+$0x50]  }
0x5d: {  	v2 =	vld [tilespmem:s18+$0xFFFFFFD0];
	_ =	sdelay $0x6  }
0x5e: {  	v3 =	vld.idx.msk [tilespmem:v1+s2+$0x0], $0xffff  }
0x5f: {  	v2 =	vld.idx.msk [tilespmem:v2+s10+$0x0], $0xffff;
	_ =	sdelay $0x4  }
0x60: {  	v2 =	vadd.f32 v2, v3;
	_ =	sdelay $0x1  }
0x61: {  	v3 =	vmul.f32 $2.000000030e-01, v2;
	_ =	sdelay $0x1  }
0x62: {  	v2 =	vmax.f32 v2, v3  }
0x63: {  	v2 =	vmul.f32 $1.442695020e+00, v2;
	_ =	sdelay $0x1  }
0x64: {  	(erf) = vpow2.f32 v2;
	_ =	sdelay $0x8  }
0x65: {  	v2 =	vpop (erf)  }
0x66: {  	[tilespmem:s19+$0xA050] =	vst v2  }
0x67: {  	[tilespmem:v1+s12+$0x0] =	vst.idx.add.f32.msk $0xffff, v2  }
0x68: {  	v1 =	vld [tilespmem:s18+$0x60]  }
0x69: {  	v2 =	vld [tilespmem:s18+$0xFFFFFFE0];
	_ =	sdelay $0x6  }
0x6a: {  	v3 =	vld.idx.msk [tilespmem:v1+s2+$0x0], $0xffff  }
0x6b: {  	v2 =	vld.idx.msk [tilespmem:v2+s10+$0x0], $0xffff;
	_ =	sdelay $0x4  }
0x6c: {  	v2 =	vadd.f32 v2, v3;
	_ =	sdelay $0x1  }
0x6d: {  	v3 =	vmul.f32 $2.000000030e-01, v2;
	_ =	sdelay $0x1  }
0x6e: {  	v2 =	vmax.f32 v2, v3  }
0x6f: {  	v2 =	vmul.f32 $1.442695020e+00, v2;
	_ =	sdelay $0x1  }
0x70: {  	(erf) = vpow2.f32 v2;
	_ =	sdelay $0x8  }
0x71: {  	v2 =	vpop (erf)  }
0x72: {  	[tilespmem:s19+$0xA060] =	vst v2  }
0x73: {  	[tilespmem:v1+s12+$0x0] =	vst.idx.add.f32.msk $0xffff, v2  }
0x74: {  	v1 =	vld [tilespmem:s18+$0x70]  }
0x75: {  	v2 =	vld [tilespmem:s18+$0xFFFFFFF0];
	_ =	sdelay $0x6  }
0x76: {  	v3 =	vld.idx.msk [tilespmem:v1+s2+$0x0], $0xffff  }
0x77: {  	v2 =	vld.idx.msk [tilespmem:v2+s10+$0x0], $0xffff;
	_ =	sdelay $0x4  }
0x78: {  	v2 =	vadd.f32 v2, v3;
	_ =	sdelay $0x1  }
0x79: {  	v3 =	vmul.f32 $2.000000030e-01, v2;
	_ =	sdelay $0x1  }
0x7a: {  	v2 =	vmax.f32 v2, v3  }
0x7b: {  	v2 =	vmul.f32 $1.442695020e+00, v2;
	_ =	sdelay $0x1  }
0x7c: {  	(erf) = vpow2.f32 v2;
	_ =	sdelay $0x5  }
0x7d: {  	p0 =	sne.s32 s17, $0x9E00  }
.Ltmp1:
0x7e: {  	_ = 	snop;
	(pc) =	sbr.rel @p0 .LBB2_4-.Ltmp1, $4  }
0x7f: {  	_ = 	snop  }
0x80: {  	v2 =	vpop (erf)  }
0x81: {  	[tilespmem:s19+$0xA070] =	vst v2  }
0x82: {  	s17 =	sadd.s32 $0x200, s17;
	s18 =	sadd.s32 $0x100, s18;
	[tilespmem:v1+s12+$0x0] =	vst.idx.add.f32.msk $0xffff, v2  }
0x83: {  	[hbm4b:s6+s2] =	stream.linear.scatter [tilespmem:s13], [sflag:$0x1], $0x2800, $0x38;
	[tilespmem:$0xF000] =	vst v63  }
0x84: {  	s16 =	sadd.s32 $0x1, s16;
	_ =	swait.ge [sflag:s9], $0x2800  }
0x85: {  	p0 =	sne.s32 s16, s8;
	[sflag:s9] =	ssyncset.done $0x0  }
.Ltmp2:
0x86: {  	[sflag:s9] =	ssyncadd.s32 $0xFFFFD800;
	(pc) =	sbr.rel @p0 .LBB2_1-.Ltmp2, $4  }
0x87: {  	[hbm4b:s7+s14] =	stream.strided.scatter [tilespmem:s12], [sflag:$0x1], $0x2800, s15, s14, $0x38;
	[tilespmem:$0xF000] =	vst v63  }
0x88: {  	_ =	swait.ge [sflag:s9], $0x2800  }
0x89: {  	[sflag:s9] =	ssyncset.done $0x0  }
0x8a: {  	[sflag:s9] =	ssyncadd.s32 $0xFFFFD800  }
0x8b: {  	_ =	sfence.sel $0x180000  }
0x8c: {  	[bflag:$0x0] =	sbarrier.arrive $0xFFFF  }
0x8d: {  	p0 =	sne.s32 s1, $0x0;
	_ =	strace $0x90000047  }
0x8e: {  	s0 =	sadd.s32 @!p0 $0x100000, s0;
	[bflag:$0x2] =	sbarrier.arrive $0xFFFF  }
0x8f: {  	[sflag:s0] =	ssyncadd.tile.s32 @!p0 $0x1;
	_ =	shalt  }
.Lfunc_end2:
_tile_overlayer_lowered:
.L_overlay_start_2:
0x90: {  	(tag) =	ssettag $0x2  }
0x91: {  	s0 =	rddreg [dreg:$0x0];
	s2 =	stileid.u32  }
0x92: {  	s1 =	rddreg [dreg:$0x1];
	p0 =	sne.s32 s2, $0x0  }
0x93: {  	s3 =	rddreg [dreg:$0x2];
	[bflag:$0x3] =	sbarrier.arrive $0xFFFF;
	s2 =	simm.s32 @!p0 $0x1C01  }
0x94: {  	[timem:s3], [sflag:s2] =	dma.local @!p0 [hbm:s0], s1  }
0x95: {  	s0 =	simm.s32 @!p0 $0x1  }
0x96: {  	_ =	swait.ge @!p0 [sflag:s0], s1  }
0x97: {  	s1 =	ssub.s32 @!p0 $0x0, s1;
	[sflag:s0] =	ssyncset.done @!p0 $0x0  }
0x98: {  	[sflag:s0] =	ssyncadd.s32 @!p0 s1  }
0x99: {  	[bflag:$0x3] =	sbarrier.arrive $0xFFFF  }
0x9a: {  	_ =	shalt  }

// kernel: kernel.9.cloned.1.call-start
scs
__scs_entry_jumppad:
0x0: {  	(pc) =	sbr.rel $0x88, $3  }
0x1: {  	(tag) =	ssettag $0x0;
	lr =	simm.s32 $0x1  }
0x2: {  	[smem:$0x3F9D] =	sst lr;
	_ =	strace $0xD0000000  }
0x3: {  	_ = 	snop  }
0x4: {  	_ = 	snop  }
0x5: {  	_ = 	snop  }
0x6: {  	_ = 	snop  }
0x7: {  	_ = 	snop  }
__scs_overlays_trampoline_lowered:
0x8: {  	[smem:$0x3FAC] =	sst s0  }
0x9: {  	[smem:$0x3FAD] =	sst s1  }
0xa: {  	[smem:$0x3FAE] =	sst s2  }
0xb: {  	[smem:$0x3FAF] =	sst s3  }
0xc: {  	[smem:$0x3FB0] =	sst s4  }
0xd: {  	[smem:$0x3FB1] =	sst s5  }
0xe: {  	[smem:$0x3FB2] =	sst s6  }
0xf: {  	[smem:$0x3FB3] =	sst s7  }
0x10: {  	[smem:$0x3FB4] =	sst s8  }
0x11: {  	[smem:$0x3FB5] =	sst s9;
	s0 =	simm.s32 @!p0 $0x0  }
0x12: {  	s1 =	sld [smem:$0x3F9B];
	s0 =	simm.s32 @p0 $0x1  }
0x13: {  	[smem:$0x3FB6] =	sst s0;
	s0 =	simm.s32 @!p1 $0x0  }
0x14: {  	s2 =	sld [smem:$0x3F9A];
	s0 =	simm.s32 @p1 $0x1  }
0x15: {  	[smem:$0x3FB7] =	sst s0;
	s0 =	simm.s32 @!p2 $0x0  }
0x16: {  	s3 =	sld [smem:$0x3FDB];
	s0 =	simm.s32 @p2 $0x1  }
0x17: {  	s4 =	simm.s32 $0x1BF5;
	[smem:$0x3FB9] =	sst s0  }
0x18: {  	s0 =	sld [smem:$0x3F9C];
	_ =	swait.ge [sflag:s4], $0x0  }
0x19: {  	s7 =	sld [smem:$0x3F9D]  }
0x1a: {  	s8 =	sadd.s32 $0xFFFFE003, lr  }
0x1b: {  	s9 =	sadd.s32 $0xFFFFFEF7, lr;
	s5 =	simm.s32 $0xFFFFFFFF;
	p2 =	slt.u32 s8, $0xFFFFF086  }
0x1c: {  	p1 =	slt.u32 s9, $0xF7A;
	s5 =	simm.s32 @!p2 $0x0  }
0x1d: {  	s5 =	simm.s32 @p1 $0x1;
	p0 =	seq.s32 s7, s2  }
0x1e: {  	s7 =	smul.u32 @!p0 $0xF7A, s2;
	p2 =	seq.s32 @!p0 s5, $0x0  }
0x1f: {  	s9 =	smul.u32 $0xF7A, s1;
	s8 =	simm.s32 @!p0 $0x1BF5;
	p2 =	por !p2, p0  }
0x20: {  	[sflag:s8] =	ssyncset.s32 @!p0 $0xFFFFF086;
	s6 =	sadd.s32 @!p0 s3, s7;
	s7 =	simm.s32 @!p0 $0x108  }
0x21: {  	s3 =	sadd.s32 s3, s9;
	s6 =	sadd.s32 @!p0 $0x88, s6;
	s7 =	simm.s32 @p2 $0x1082  }
0x22: {  	[simem:s7], [sflag:s8] =	dma.local @!p0 [hbm:s6], $0xF7A  }
0x23: {  	s9 =	sor.u32 $0xD0000000, s2;
	s6 =	simm.s32 $0x108;
	_ =	swait.ge @!p0 [sflag:s8], $0x0  }
0x24: {  	s3 =	sadd.s32 $0x88, s3;
	s6 =	simm.s32 @!p1 $0x1082;
	[sflag:s4] =	ssyncset.s32 $0xFFFFF086  }
0x25: {  	[simem:s6], [sflag:s4] =	dma.local [hbm:s3], $0xF7A  }
0x26: {  	[smem:$0x3F9D] =	sst s1;
	(tag) =	ssettag s2;
	_ =	strace s9  }
0x27: {  	s1 =	sld [smem:$0x3FAD]  }
0x28: {  	s2 =	sld [smem:$0x3FAE]  }
0x29: {  	s4 =	sld [smem:$0x3FB0]  }
0x2a: {  	p0 =	seq.s32 s5, $0x0;
	s5 =	sld [smem:$0x3FB1]  }
0x2b: {  	s6 =	sld [smem:$0x3FB2]  }
0x2c: {  	s7 =	sld [smem:$0x3FB3]  }
0x2d: {  	s3 =	simm.s32 $0x108;
	s8 =	sld [smem:$0x3FB4]  }
0x2e: {  	s3 =	simm.s32 @!p0 $0x1082;
	s9 =	sld [smem:$0x3FB5]  }
0x2f: {  	lr =	sadd.s32 s0, s3;
	s0 =	sld [smem:$0x3FAC]  }
0x30: {  	s3 =	sld [smem:$0x3FAF]  }
0x31: {  	[smem:$0x3FB8] =	sst s10  }
0x32: {  	s10 =	sld [smem:$0x3FB6];
	_ =	sdelay $0x3  }
0x33: {  	p0 =	seq.s32 s10, $0x1;
	s10 =	sld [smem:$0x3FB8];
	_ =	sdelay $0x3  }
0x34: {  	[smem:$0x3FB8] =	sst s10  }
0x35: {  	s10 =	sld [smem:$0x3FB7];
	_ =	sdelay $0x3  }
0x36: {  	p1 =	seq.s32 s10, $0x1;
	s10 =	sld [smem:$0x3FB8];
	_ =	sdelay $0x3  }
0x37: {  	[smem:$0x3FB8] =	sst s10  }
0x38: {  	s10 =	sld [smem:$0x3FB9]  }
0x39: {  	_ = 	snop;
	(pc) =	sbr.ind lr, $3  }
0x3a: {  	_ = 	snop  }
0x3b: {  	_ = 	snop  }
0x3c: {  	p2 =	seq.s32 s10, $0x1;
	s10 =	sld [smem:$0x3FB8]  }
0x3d: {  	_ =	shalt  }
0x3e: {  	_ =	shalt  }
0x3f: {  	_ =	shalt  }
0x40: {  	_ =	shalt  }
0x41: {  	_ =	shalt  }
0x42: {  	_ =	shalt  }
0x43: {  	_ =	shalt  }
0x44: {  	_ =	shalt  }
0x45: {  	_ =	shalt  }
0x46: {  	_ =	shalt  }
0x47: {  	_ =	shalt  }
0x48: {  	_ =	shalt  }
0x49: {  	_ =	shalt  }
0x4a: {  	_ =	shalt  }
0x4b: {  	_ =	shalt  }
0x4c: {  	_ =	shalt  }
0x4d: {  	_ =	shalt  }
0x4e: {  	_ =	shalt  }
0x4f: {  	_ =	shalt  }
0x50: {  	_ =	shalt  }
0x51: {  	_ =	shalt  }
0x52: {  	_ =	shalt  }
0x53: {  	_ =	shalt  }
0x54: {  	_ =	shalt  }
0x55: {  	_ =	shalt  }
0x56: {  	_ =	shalt  }
0x57: {  	_ =	shalt  }
0x58: {  	_ =	shalt  }
0x59: {  	_ =	shalt  }
0x5a: {  	_ =	shalt  }
0x5b: {  	_ =	shalt  }
0x5c: {  	_ =	shalt  }
0x5d: {  	_ =	shalt  }
0x5e: {  	_ =	shalt  }
0x5f: {  	_ =	shalt  }
0x60: {  	_ =	shalt  }
0x61: {  	_ =	shalt  }
0x62: {  	_ =	shalt  }
0x63: {  	_ =	shalt  }
0x64: {  	_ =	shalt  }
0x65: {  	_ =	shalt  }
0x66: {  	_ =	shalt  }
0x67: {  	_ =	shalt  }
0x68: {  	_ =	shalt  }
0x69: {  	_ =	shalt  }
0x6a: {  	_ =	shalt  }
0x6b: {  	_ =	shalt  }
0x6c: {  	_ =	shalt  }
0x6d: {  	_ =	shalt  }
0x6e: {  	_ =	shalt  }
0x6f: {  	_ =	shalt  }
0x70: {  	_ =	shalt  }
0x71: {  	_ =	shalt  }
0x72: {  	_ =	shalt  }
0x73: {  	_ =	shalt  }
0x74: {  	_ =	shalt  }
0x75: {  	_ =	shalt  }
0x76: {  	_ =	shalt  }
0x77: {  	_ =	shalt  }
0x78: {  	_ =	shalt  }
0x79: {  	_ =	shalt  }
0x7a: {  	_ =	shalt  }
0x7b: {  	_ =	shalt  }
0x7c: {  	_ =	shalt  }
0x7d: {  	_ =	shalt  }
0x7e: {  	_ =	shalt  }
0x7f: {  	_ =	shalt  }
0x80: {  	_ =	shalt  }
0x81: {  	_ =	shalt  }
0x82: {  	_ =	shalt  }
0x83: {  	_ =	shalt  }
0x84: {  	_ =	shalt  }
0x85: {  	_ =	shalt  }
0x86: {  	_ =	shalt  }
0x87: {  	_ =	shalt  }
.Lfunc_end0:
.L_simem_size_0:
called_computation.1_lowered:
.L_overlay_start_0:
0x88: {  	s2 =	sld [smem:$0x3FD9]  }
0x89: {  	s3 =	sld [smem:$0x3FFE];
	_ =	sdelay $0x1  }
0x8a: {  	s1 =	srdreg.scid  }
0x8b: {  	s0 =	sand.u32 $0x1, s1  }
0x8c: {  	s17 =	sshll.u32 s0, $0xA;
	s2 =	sadd.s32 s3, s2  }
0x8d: {  	s2 =	sadd.s32 s2, s17  }
0x8e: {  	[smem:$0x3FC4] =	sst s2  }
0x8f: {  	_ = 	snop  }
0x90: {  	s2 =	sld [smem:$0x3FD0];
	(tm) =	ssettm $0x1  }
0x91: {  	s18 =	sld [smem:$0x3FFB];
	_ =	sdelay $0x3  }
0x92: {  	_ =	strace s18  }
0x93: {  	s3 =	sld [smem:$0x3FFC];
	_ =	sdelay $0x3  }
0x94: {  	_ =	strace s3  }
0x95: {  	s3 =	sld [smem:$0x3FFD];
	_ =	sdelay $0x3  }
0x96: {  	_ =	strace s3  }
0x97: {  	_ =	strace $0x8FFFFFFF  }
0x98: {  	s19 =	sld [smem:$0x3FDB];
	_ =	sdelay $0x1  }
0x99: {  	s4 =	simm.s32 $_scs_section_size  }
0x9a: {  	s5 =	simm.s32 $_size__tile_overlayer_lowered;
	s6 =	simm.s32 $_tile_overlayer_lowered  }
0x9b: {  	s22 =	simm.s32 $0x1BFF;
	s21 =	sshll.u32 s6, $0x1;
	s3 =	sadd.s32 s4, s19  }
0x9c: {  	s7 =	simm.s32 $0x0;
	s20 =	sshll.u32 s5, $0x1;
	s5 =	sadd.s32 s21, s3  }
0x9d: {  	[timem:s7], [sflag:s22] =	dma.local [hbm:s5], s20  }
0x9e: {  	_ =	swait.ge [sflag:s22], s20  }
0x9f: {  	s4 =	ssub.s32 $0x0, s20;
	[sflag:s22] =	ssyncset.done $0x0  }
0xa0: {  	[sflag:s22] =	ssyncadd.s32 s4;
	_ =	sdelay $0x1  }
0xa1: {  	s23 =	simm.s32 $0x1B8B  }
0xa2: {  	_ =	swait.ge [sflag:s23], $0x1  }
0xa3: {  	[sflag:s23] =	ssyncset.done $0x0  }
0xa4: {  	s25 =	simm.s32 $0x1B8E;
	s24 =	sld [smem:$0x3FFE];
	[sflag:s23] =	ssyncadd.s32 $0xFFFFFFFF  }
0xa5: {  	s26 =	simm.s32 $execute0_lowered;
	[smem:$0x3FD2] =	sst s25  }
0xa6: {  	s5 =	sshll.u32 s26, $0x1;
	_ =	strace $0x80000049;
	[dreg:$0x1] =	wrdreg $0xFFFFFFFF  }
0xa7: {  	s28 =	simm.s32 $_size_execute0_lowered;
	s3 =	sadd.s32 s3, s5;
	[dreg:$0x0] =	wrdreg $0x0  }
0xa8: {  	s5 =	sshll.u32 s28, $0x1;
	[dreg:$0x2] =	wrdreg s3  }
0xa9: {  	[dreg:$0x3] =	wrdreg s5  }
0xaa: {  	[dreg:$0x4] =	wrdreg $0xC0  }
0xab: {  	_ =	task [dreg:s7], $0x5FFFF  }
0xac: {  	[dreg:$0x1] =	wrdreg $0xFFFFFFFF  }
0xad: {  	[dreg:$0x0] =	wrdreg $0x60  }
0xae: {  	[dreg:$0x2] =	wrdreg s2  }
0xaf: {  	[dreg:$0x3] =	wrdreg s24  }
0xb0: {  	[dreg:$0x4] =	wrdreg $0x84000  }
0xb1: {  	[dreg:$0x5] =	wrdreg $0x9  }
0xb2: {  	_ =	task.clear_ibuf [dreg:s7], $0x6FFFF;
	_ =	strace $0x90000049  }
0xb3: {  	s29 =	simm.s32 $0x9;
	_ =	strace $0x8000004B  }
0xb4: {  	_ =	swait.ge [sflag:s29], $0x1  }
0xb5: {  	[sflag:s29] =	ssyncadd.s32 $0xFFFFFFFF  }
0xb6: {  	_ =	strace $0x9000004B  }
0xb7: {  	_ =	sfence  }
0xb8: {  	s30 =	sld [smem:$0x0];
	_ =	sdelay $0x2  }
0xb9: {  	s31 =	sshll.u32 s1, $0xD;
	s1 =	sshrl.u32 s1, $0x2  }
0xba: {  	s3 =	sand.u32 $0x4000, s31;
	s1 =	sadd.s32 s1, s30  }
0xbb: {  	s0 =	sor.u32 s3, s0;
	s1 =	sshll.u32 s1, $0x11  }
0xbc: {  	s0 =	sor.u32 s1, s0  }
0xbd: {  	s0 =	sadd.s32 $0x8F2B, s0  }
0xbe: {  	[sflag:s0] =	ssyncadd.remote.s32 $0x1  }
0xbf: {  	_ =	sfence.sel $0xFFFF  }
0xc0: {  	[dreg:$0x0] =	wrdreg $0xFFFFFFFF;
	(pc) =	sbr.abs _section_cstart, $3  }
0xc1: {  	[dreg:$0x1] =	wrdreg $0xFFFFFFFF  }
0xc2: {  	_ =	task.clear_ibuf [dreg:s7], $0x2FFFF;
	_ =	strace $0x9FFFFFFF  }
0xc3: {  	(tm) =	ssettm $0x7FFFFFFF  }
tec
execute0_lowered:
.L_overlay_start_1:
0x0: {  	(tag) =	ssettag $0x1  }
0x1: {  	s0 =	srdreg.scid;
	s1 =	rddreg [dreg:$0x0]  }
0x2: {  	s2 =	rddreg [dreg:$0x1];
	s12 =	stileid.u32  }
0x3: {  	s3 =	rddreg [dreg:$0x2];
	s13 =	simm.s32 $0x300;
	s14 =	simm.s32 $0x9  }
0x4: {  	s17 =	simm.s32 $0x100;
	s19 =	simm.s32 $0x280;
	s20 =	simm.s32 $0x1  }
0x5: {  	s21 =	simm.s32 $0x80;
	s28 =	simm.s32 $0x8300;
	s29 =	simm.s32 $0x6  }
0x6: {  	s30 =	simm.s32 $0x4;
	s31 =	simm.s32 $0x8380;
	s7 =	smul.u32 $0x50000, s12  }
0x7: {  	s15 =	simm.s32 $0x8;
	s0 =	sand.u32 $0x1, s0;
	s26 =	smul.u32 $0x2800, s12  }
0x8: {  	s4 =	sshll.u32 s0, $0x4;
	s8 =	smul.u32 $0x28000, s0;
	s0 =	ssub.s32 $0x2, s0  }
0x9: {  	s5 =	sor.u32 s12, s4;
	s4 =	simm.s32 $0x0;
	s22 =	sshrl.u32 s0, $0x1  }
0xa: {  	s7 =	sshrl.u32 s7, $0x2;
	s6 =	smul.u32 $0xA00, s5;
	[smem:$0x7FF] =	sst s4  }
0xb: {  	s5 =	smul.u32 $0x500, s5;
	s0 =	ssub.s32 s0, s22;
	s22 =	simm.s32 $0x2  }
0xc: {  	_ =	strace $0x8000004A;
	s0 =	smax.u32 s0, $0x1;
	s6 =	sadd.s32 s6, s2  }
0xd: {  	s9 =	sadd.s32 s5, s2;
	s2 =	sadd.s32 s8, s2;
	s5 =	sadd.s32 s7, s3  }
0xe: {  	[dreg:$0x8] =	wrdreg s0;
	s0 =	simm.s32 $0x0;
	s7 =	sadd.s32 $0x4000, s5  }
0xf: {  	s23 =	sadd.s32 $0x8000, s5;
	s24 =	sadd.s32 $0xC000, s5;
	[dreg:$0x4] =	wrdreg s7  }
.Ltmp0:
0x10: {  	s25 =	sadd.s32 $0x10000, s5;
	[dreg:$0x5] =	wrdreg s23;
	(pc) =	sbr.rel .LBB2_1-.Ltmp0, $4  }
0x11: {  	s10 =	sadd.s32 $0x1600, s6;
	s11 =	sadd.s32 $0x1F600, s9;
	[dreg:$0x6] =	wrdreg s24  }
0x12: {  	s2 =	sadd.s32 $0x29600, s2;
	[dreg:$0x7] =	wrdreg s25;
	s16 =	sadd.s32 $0x20, s10  }
0x13: {  	s18 =	sadd.s32 $0x10, s11;
	s23 =	simm.s32 $0x4300;
	s24 =	sadd.s32 s26, s2  }
0x14: {  	v0 =	vimm.f32 $0.0e+00;
	s25 =	simm.s32 $0x5;
	s26 =	simm.s32 $0x3;
	s2 =	simm.s32 $0x7  }
.LBB2_10:
0x15: {  	_ =	swait.ge [sflag:s2], $0x4000  }
0x16: {  	[sflag:s2] =	ssyncset.done $0x0  }
0x17: {  	[sflag:s2] =	ssyncadd.s32 $0xFFFFC000  }
0x18: {  	_ =	swait.ge [sflag:s15], $0x4000  }
0x19: {  	s6 =	stileid.u32;
	[sflag:s15] =	ssyncset.done $0x0  }
0x1a: {  	s6 =	sshll.u32 s6, $0x6;
	[sflag:s15] =	ssyncadd.s32 $0xFFFFC000  }
0x1b: {  	s7 =	sshrl.u32 s5, $0x3;
	s6 =	sor.u32 $0x1C09, s6;
	[bflag:$0x0] =	sbarrier.arrive $0xFFFF  }
0x1c: {  	[hbm:s24], [sflag:s6] =	dma.local [spmem:s7], $0x2800  }
0x1d: {  	_ =	swait.ge [sflag:s14], $0x2800  }
0x1e: {  	s0 =	sadd.s32 $0x1, s0;
	s12 =	rddreg [dreg:$0x8]  }
0x1f: {  	p0 =	sne.s32 s0, s12  }
.Ltmp1:
0x20: {  	_ = 	snop;
	(pc) =	sbr.rel @!p0 .LBB2_11-.Ltmp1, $3  }
0x21: {  	_ =	sdelay $0x1  }
0x22: {  	[sflag:s14] =	ssyncset.done $0x0  }
0x23: {  	[sflag:s14] =	ssyncadd.s32 $0xFFFFD800  }
.LBB2_1:
0x24: {  	s6 =	simm.s32 $0x0;
	s7 =	simm.s32 $0x200  }
.LBB2_2:
0x25: {  	p0 =	sne.s32 s7, $0xFE00;
	[tilespmem:s6+$0x370] =	vst v0  }
0x26: {  	[tilespmem:s6+$0x300] =	vst v0  }
0x27: {  	[tilespmem:s6+$0x310] =	vst v0  }
.Ltmp2:
0x28: {  	[tilespmem:s6+$0x320] =	vst v0;
	(pc) =	sbr.rel @p0 .LBB2_2-.Ltmp2, $4  }
0x29: {  	[tilespmem:s6+$0x330] =	vst v0  }
0x2a: {  	[tilespmem:s6+$0x340] =	vst v0  }
0x2b: {  	[tilespmem:s6+$0x350] =	vst v0  }
0x2c: {  	[tilespmem:s6+$0x360] =	vst v0;
	s6 =	sshra.s32 s7, $0x2;
	s7 =	sadd.s32 $0x200, s7  }
0x2d: {  	[tilespmem:s6+$0x370] =	vst v0  }
0x2e: {  	[tilespmem:s6+$0x300] =	vst v0  }
0x2f: {  	[tilespmem:s6+$0x310] =	vst v0  }
0x30: {  	[tilespmem:s6+$0x320] =	vst v0  }
0x31: {  	[tilespmem:s6+$0x330] =	vst v0  }
0x32: {  	[tilespmem:s6+$0x340] =	vst v0  }
0x33: {  	[tilespmem:s6+$0x350] =	vst v0  }
0x34: {  	[tilespmem:s6+$0x360] =	vst v0  }
0x35: {  	[spmem:s5] =	stream.linear.scatter [tilespmem:s13], [sflag:$0x9], $0x4000, $0x38;
	[tilespmem:$0x1C400] =	vst v63  }
0x36: {  	_ =	swait.ge [sflag:s14], $0x4000  }
0x37: {  	[sflag:s14] =	ssyncset.done $0x0  }
0x38: {  	s7 =	rddreg [dreg:$0x4];
	[sflag:s14] =	ssyncadd.s32 $0xFFFFC000  }
0x39: {  	[spmem:s7] =	stream.linear.scatter [tilespmem:s13], [sflag:$0x9], $0x4000, $0x38;
	[tilespmem:$0x1C400] =	vst v63  }
0x3a: {  	_ =	swait.ge [sflag:s14], $0x4000  }
0x3b: {  	[sflag:s14] =	ssyncset.done $0x0  }
0x3c: {  	s8 =	rddreg [dreg:$0x5];
	[sflag:s14] =	ssyncadd.s32 $0xFFFFC000  }
0x3d: {  	[spmem:s8] =	stream.linear.scatter [tilespmem:s13], [sflag:$0x9], $0x4000, $0x38;
	[tilespmem:$0x1C400] =	vst v63  }
0x3e: {  	_ =	swait.ge [sflag:s14], $0x4000  }
0x3f: {  	[sflag:s14] =	ssyncset.done $0x0  }
0x40: {  	s9 =	rddreg [dreg:$0x6];
	[sflag:s14] =	ssyncadd.s32 $0xFFFFC000  }
0x41: {  	[spmem:s9] =	stream.linear.scatter [tilespmem:s13], [sflag:$0x9], $0x4000, $0x38;
	[tilespmem:$0x1C400] =	vst v63  }
0x42: {  	_ =	swait.ge [sflag:s14], $0x4000  }
0x43: {  	[sflag:s14] =	ssyncset.done $0x0  }
0x44: {  	s12 =	rddreg [dreg:$0x7];
	[sflag:s14] =	ssyncadd.s32 $0xFFFFC000  }
0x45: {  	[spmem:s12] =	stream.linear.scatter [tilespmem:s13], [sflag:$0x9], $0x4000, $0x38;
	[tilespmem:$0x1C400] =	vst v63  }
0x46: {  	_ =	swait.ge [sflag:s14], $0x4000  }
0x47: {  	[sflag:s14] =	ssyncset.done $0x0  }
0x48: {  	[sflag:s14] =	ssyncadd.s32 $0xFFFFC000  }
0x49: {  	s6 =	simm.s32 $0x0;
	[bflag:$0x0] =	sbarrier.arrive $0xFFFF  }
0x4a: {  	[tilespmem:s6], [sflag:$0x1] =	stream.linear.gather [hbm4b:s10+s6], $0x100, $0x38;
	[tilespmem:$0x1C400] =	vst v63  }
0x4b: {  	s7 =	simm.s32 $0x200  }
0x4c: {  	[tilespmem:s7], [sflag:$0x3] =	stream.linear.gather [hbm4b:s11+s6], $0x80, $0x38;
	[tilespmem:$0x1C400] =	vst v63  }
0x4d: {  	_ = 	snop  }
0x4e: {  	[tilespmem:s17], [sflag:$0x2] =	stream.linear.gather [hbm4b:s16+s6], $0x100, $0x38;
	[tilespmem:$0x1C400] =	vst v63  }
0x4f: {  	_ = 	snop  }
0x50: {  	[tilespmem:s19], [sflag:$0x4] =	stream.linear.gather [hbm4b:s18+s6], $0x80, $0x38;
	[tilespmem:$0x1C400] =	vst v63  }
0x51: {  	_ =	swait.ge [sflag:s20], $0x100  }
0x52: {  	[sflag:s20] =	ssyncset.done $0x0  }
0x53: {  	[sflag:s20] =	ssyncadd.s32 $0xFFFFFF00  }
0x54: {  	[tilespmem:s13], [sflag:$0x5] =	stream.indirect.gather [hbm4b:s1+s21], $0x80, s6, s21, $0xb8;
	[tilespmem:$0x1C400] =	vst v63  }
.LBB2_4:
0x55: {  	p0 =	seq.s32 s6, $0x0  }
0x56: {  	s7 =	simm.s32 @!p0 $0x8  }
0x57: {  	_ =	swait.ge @!p0 [sflag:s7], $0x4000  }
0x58: {  	[sflag:s7] =	ssyncset.done @!p0 $0x0  }
0x59: {  	[sflag:s7] =	ssyncadd.s32 @!p0 $0xFFFFC000  }
0x5a: {  	_ =	swait.ge [sflag:s22], $0x100  }
0x5b: {  	[sflag:s22] =	ssyncset.done $0x0  }
0x5c: {  	[sflag:s22] =	ssyncadd.s32 $0xFFFFFF00  }
0x5d: {  	[tilespmem:s23], [sflag:$0x6] =	stream.indirect.gather [hbm4b:s1+s21], $0x80, s17, s21, $0xb8;
	[tilespmem:$0x1C400] =	vst v63  }
0x5e: {  	_ =	swait.ge [sflag:s25], $0x4000  }
0x5f: {  	[sflag:s25] =	ssyncset.done $0x0  }
0x60: {  	[sflag:s25] =	ssyncadd.s32 $0xFFFFC000  }
0x61: {  	_ =	swait.ge [sflag:s26], $0x80  }
0x62: {  	[sflag:s26] =	ssyncset.done $0x0  }
0x63: {  	s12 =	simm.s32 $0x0;
	[sflag:s26] =	ssyncadd.s32 $0xFFFFFF80  }
0x64: {  	v2 =	vld [tilespmem:s12+$0x80];
	_ =	sdelay $0x3  }
0x65: {  	s8 =	simm.s32 $0x0;
	v1 =	vld [tilespmem:s12+$0x200]  }
0x66: {  	s8 =	sand.u32 $0x3FFFF800, s8;
	[tilespmem:s12+$0x8300] =	vst v2  }
0x67: {  	v4 =	vld [tilespmem:s8+$0x320]  }
0x68: {  	v5 =	vld [tilespmem:s8+$0x330]  }
0x69: {  	v6 =	vld [tilespmem:s8+$0x340]  }
0x6a: {  	v7 =	vbroadcast v1, $0x0;
	v8 =	vld [tilespmem:s8+$0x350]  }
0x6b: {  	v9 =	vld [tilespmem:s8+$0x360]  }
0x6c: {  	v10 =	vld [tilespmem:s8+$0x370];
	v4 =	vmul.f32 v4, v7  }
0x6d: {  	v11 =	vld [tilespmem:s8+$0x380];
	v5 =	vmul.f32 v5, v7  }
0x6e: {  	v2 =	vld [tilespmem:s8+$0x300];
	v6 =	vmul.f32 v6, v7;
	[tilespmem:s8+$0x320] =	vst v4  }
0x6f: {  	v3 =	vld [tilespmem:s8+$0x310];
	v8 =	vmul.f32 v8, v7;
	[tilespmem:s8+$0x330] =	vst v5  }
0x70: {  	v12 =	vbroadcast v1, $0x1;
	v24 =	vld [tilespmem:s8+$0x640];
	v9 =	vmul.f32 v9, v7;
	[tilespmem:s8+$0x340] =	vst v6  }
0x71: {  	v51 =	vld [tilespmem:s8+$0x4C0];
	v10 =	vmul.f32 v10, v7;
	[tilespmem:s8+$0x350] =	vst v8  }
0x72: {  	v32 =	vld [tilespmem:s8+$0x390];
	v11 =	vmul.f32 v11, v12;
	[tilespmem:s8+$0x360] =	vst v9  }
0x73: {  	v26 =	vbroadcast v1, $0x6;
	v33 =	vld [tilespmem:s8+$0x3A0];
	v2 =	vmul.f32 v2, v7;
	[tilespmem:s8+$0x370] =	vst v10  }
0x74: {  	v54 =	vbroadcast v1, $0x3;
	v34 =	vld [tilespmem:s8+$0x3B0];
	v3 =	vmul.f32 v3, v7;
	[tilespmem:s8+$0x380] =	vst v11  }
0x75: {  	v35 =	vld [tilespmem:s8+$0x3C0];
	v31 =	vmul.f32 v24, v26;
	[tilespmem:s8+$0x300] =	vst v2  }
0x76: {  	v36 =	vld [tilespmem:s8+$0x3D0];
	v7 =	vmul.f32 v51, v54;
	[tilespmem:s8+$0x310] =	vst v3  }
0x77: {  	v37 =	vld [tilespmem:s8+$0x3E0];
	v4 =	vmul.f32 v32, v12;
	[tilespmem:s8+$0x640] =	vst v31  }
0x78: {  	v38 =	vld [tilespmem:s8+$0x3F0];
	v5 =	vmul.f32 v33, v12;
	[tilespmem:s8+$0x4C0] =	vst v7  }
0x79: {  	v25 =	vld [tilespmem:s8+$0x650];
	v6 =	vmul.f32 v34, v12;
	[tilespmem:s8+$0x390] =	vst v4  }
0x7a: {  	v39 =	vld [tilespmem:s8+$0x400];
	v8 =	vmul.f32 v35, v12;
	[tilespmem:s8+$0x3A0] =	vst v5  }
0x7b: {  	v40 =	vld [tilespmem:s8+$0x410];
	v9 =	vmul.f32 v36, v12;
	[tilespmem:s8+$0x3B0] =	vst v6  }
0x7c: {  	v41 =	vld [tilespmem:s8+$0x420];
	v10 =	vmul.f32 v37, v12;
	[tilespmem:s8+$0x3C0] =	vst v8  }
0x7d: {  	v13 =	vbroadcast v1, $0x2;
	v42 =	vld [tilespmem:s8+$0x430];
	v11 =	vmul.f32 v38, v12;
	[tilespmem:s8+$0x3D0] =	vst v9  }
0x7e: {  	v43 =	vld [tilespmem:s8+$0x440];
	v32 =	vmul.f32 v25, v26;
	[tilespmem:s8+$0x3E0] =	vst v10  }
0x7f: {  	v44 =	vld [tilespmem:s8+$0x450];
	v4 =	vmul.f32 v39, v13;
	[tilespmem:s8+$0x3F0] =	vst v11  }
0x80: {  	v45 =	vld [tilespmem:s8+$0x460];
	v5 =	vmul.f32 v40, v13;
	[tilespmem:s8+$0x650] =	vst v32  }
0x81: {  	v46 =	vld [tilespmem:s8+$0x470];
	v6 =	vmul.f32 v41, v13;
	[tilespmem:s8+$0x400] =	vst v4  }
0x82: {  	v49 =	vld [tilespmem:s8+$0x4A0];
	v8 =	vmul.f32 v42, v13;
	[tilespmem:s8+$0x410] =	vst v5  }
0x83: {  	v50 =	vld [tilespmem:s8+$0x4B0];
	v9 =	vmul.f32 v43, v13;
	[tilespmem:s8+$0x420] =	vst v6  }
0x84: {  	v47 =	vld [tilespmem:s8+$0x480];
	v10 =	vmul.f32 v44, v13;
	[tilespmem:s8+$0x430] =	vst v8  }
0x85: {  	v52 =	vld [tilespmem:s8+$0x4D0];
	v11 =	vmul.f32 v45, v13;
	[tilespmem:s8+$0x440] =	vst v9  }
0x86: {  	v48 =	vld [tilespmem:s8+$0x490];
	[tilespmem:s8+$0x450] =	vst v10;
	v4 =	vmul.f32 v46, v13  }
0x87: {  	v2 =	vld [tilespmem:s8+$0x4F0];
	[tilespmem:s8+$0x460] =	vst v11;
	v8 =	vmul.f32 v49, v54  }
0x88: {  	v3 =	vld [tilespmem:s8+$0x500];
	v9 =	vmul.f32 v50, v54;
	[tilespmem:s8+$0x470] =	vst v4  }
0x89: {  	v53 =	vld [tilespmem:s8+$0x4E0];
	v5 =	vmul.f32 v47, v54;
	[tilespmem:s8+$0x4A0] =	vst v8  }
0x8a: {  	v55 =	vld [tilespmem:s8+$0x510];
	v11 =	vmul.f32 v52, v54;
	[tilespmem:s8+$0x4B0] =	vst v9  }
0x8b: {  	v59 =	vbroadcast v1, $0x4;
	v56 =	vld [tilespmem:s8+$0x520];
	v6 =	vmul.f32 v48, v54;
	[tilespmem:s8+$0x480] =	vst v5  }
0x8c: {  	v57 =	vld [tilespmem:s8+$0x530];
	v2 =	vmul.f32 v2, v54;
	[tilespmem:s8+$0x4D0] =	vst v11  }
0x8d: {  	v58 =	vld [tilespmem:s8+$0x540];
	v3 =	vmul.f32 v3, v59;
	[tilespmem:s8+$0x490] =	vst v6  }
0x8e: {  	v27 =	vld [tilespmem:s8+$0x670];
	v4 =	vmul.f32 v53, v54;
	[tilespmem:s8+$0x4F0] =	vst v2  }
0x8f: {  	v45 =	vld [tilespmem:s8+$0x760];
	v8 =	vmul.f32 v55, v59;
	[tilespmem:s8+$0x500] =	vst v3  }
0x90: {  	v60 =	vld [tilespmem:s8+$0x550];
	v9 =	vmul.f32 v56, v59;
	[tilespmem:s8+$0x4E0] =	vst v4  }
0x91: {  	v62 =	vld [tilespmem:s8+$0x590];
	v5 =	vmul.f32 v57, v59;
	[tilespmem:s8+$0x510] =	vst v8  }
0x92: {  	v61 =	vld [tilespmem:s8+$0x580];
	v43 =	vbroadcast v1, $0x8;
	v11 =	vmul.f32 v58, v59;
	[tilespmem:s8+$0x520] =	vst v9  }
0x93: {  	v63 =	vld [tilespmem:s8+$0x5A0];
	v6 =	vmul.f32 v27, v26;
	[tilespmem:s8+$0x530] =	vst v5  }
0x94: {  	v18 =	vbroadcast v1, $0x5;
	v16 =	vld [tilespmem:s8+$0x5B0];
	v7 =	vmul.f32 v45, v43;
	[tilespmem:s8+$0x540] =	vst v11  }
0x95: {  	v37 =	vld [tilespmem:s8+$0x700];
	v4 =	vmul.f32 v60, v59;
	[tilespmem:s8+$0x670] =	vst v6  }
0x96: {  	v50 =	vld [tilespmem:s8+$0x7B0];
	v9 =	vmul.f32 v62, v18;
	[tilespmem:s8+$0x760] =	vst v7  }
0x97: {  	v17 =	vld [tilespmem:s8+$0x5C0];
	v8 =	vmul.f32 v61, v18;
	[tilespmem:s8+$0x550] =	vst v4  }
0x98: {  	v20 =	vld [tilespmem:s8+$0x600];
	v5 =	vmul.f32 v63, v18;
	[tilespmem:s8+$0x590] =	vst v9  }
0x99: {  	v22 =	vld [tilespmem:s8+$0x620];
	v52 =	vbroadcast v1, $0x9;
	v11 =	vmul.f32 v16, v18;
	[tilespmem:s8+$0x580] =	vst v8  }
0x9a: {  	v2 =	vld [tilespmem:s8+$0x560];
	v6 =	vmul.f32 v37, v43;
	[tilespmem:s8+$0x5A0] =	vst v5  }
0x9b: {  	v3 =	vld [tilespmem:s8+$0x570];
	v57 =	vmul.f32 v50, v52;
	[tilespmem:s8+$0x5B0] =	vst v11  }
0x9c: {  	v46 =	vld [tilespmem:s8+$0x770];
	v4 =	vmul.f32 v17, v18;
	[tilespmem:s8+$0x700] =	vst v6  }
0x9d: {  	v53 =	vld [tilespmem:s8+$0x7D0];
	v9 =	vmul.f32 v20, v26;
	[tilespmem:s8+$0x7B0] =	vst v57  }
0x9e: {  	v51 =	vld [tilespmem:s8+$0x7C0];
	v5 =	vmul.f32 v22, v26;
	[tilespmem:s8+$0x5C0] =	vst v4  }
0x9f: {  	v54 =	vld [tilespmem:s8+$0x7E0];
	v2 =	vmul.f32 v2, v59;
	[tilespmem:s8+$0x600] =	vst v9  }
0xa0: {  	v60 =	vld [tilespmem:s8+$0x820];
	v3 =	vmul.f32 v3, v59;
	[tilespmem:s8+$0x620] =	vst v5  }
0xa1: {  	v6 =	vmul.f32 v46, v43;
	[tilespmem:s8+$0x560] =	vst v2;
	v2 =	vld [tilespmem:s8+$0x5D0]  }
0xa2: {  	v7 =	vmul.f32 v53, v52;
	[tilespmem:s8+$0x570] =	vst v3;
	v3 =	vld [tilespmem:s8+$0x5E0]  }
0xa3: {  	v62 =	vld [tilespmem:s8+$0x840];
	v63 =	vbroadcast v1, $0xA;
	[tilespmem:s8+$0x770] =	vst v6;
	v59 =	vmul.f32 v51, v52  }
0xa4: {  	v19 =	vld [tilespmem:s8+$0x5F0];
	v6 =	vmul.f32 v54, v52;
	[tilespmem:s8+$0x7D0] =	vst v7  }
0xa5: {  	v14 =	vld [tilespmem:s8+$0x850];
	v10 =	vmul.f32 v60, v63;
	[tilespmem:s8+$0x7C0] =	vst v59  }
0xa6: {  	v21 =	vld [tilespmem:s8+$0x610];
	[tilespmem:s8+$0x7E0] =	vst v6;
	v2 =	vmul.f32 v2, v18  }
0xa7: {  	v20 =	vld [tilespmem:s8+$0x8B0];
	[tilespmem:s8+$0x820] =	vst v10;
	v3 =	vmul.f32 v3, v18  }
0xa8: {  	v23 =	vld [tilespmem:s8+$0x630];
	v7 =	vmul.f32 v62, v63;
	[tilespmem:s8+$0x5D0] =	vst v2  }
0xa9: {  	v2 =	vmul.f32 v19, v18;
	[tilespmem:s8+$0x5E0] =	vst v3;
	v3 =	vld [tilespmem:s8+$0x660]  }
0xaa: {  	v22 =	vbroadcast v1, $0xB;
	v6 =	vmul.f32 v14, v63;
	[tilespmem:s8+$0x840] =	vst v7;
	v18 =	vld [tilespmem:s8+$0x890]  }
0xab: {  	v29 =	vld [tilespmem:s8+$0x690];
	[tilespmem:s8+$0x5F0] =	vst v2;
	v2 =	vmul.f32 v21, v26  }
0xac: {  	v30 =	vld [tilespmem:s8+$0x6A0];
	v7 =	vmul.f32 v20, v22;
	[tilespmem:s8+$0x850] =	vst v6  }
0xad: {  	v28 =	vld [tilespmem:s8+$0x680];
	[tilespmem:s8+$0x610] =	vst v2;
	v2 =	vmul.f32 v23, v26  }
0xae: {  	v33 =	vld [tilespmem:s8+$0x6C0];
	[tilespmem:s8+$0x8B0] =	vst v7;
	v34 =	vmul.f32 v3, v26;
	v3 =	vbroadcast v1, $0x7  }
0xaf: {  	v35 =	vld [tilespmem:s8+$0x6D0];
	v10 =	vmul.f32 v18, v22;
	[tilespmem:s8+$0x630] =	vst v2  }
0xb0: {  	v36 =	vld [tilespmem:s8+$0x6E0];
	[tilespmem:s8+$0x660] =	vst v34;
	v9 =	vmul.f32 v29, v3  }
0xb1: {  	v21 =	vld [tilespmem:s8+$0x8C0];
	v5 =	vmul.f32 v30, v3;
	[tilespmem:s8+$0x890] =	vst v10  }
0xb2: {  	v4 =	vld [tilespmem:s8+$0x6F0];
	v8 =	vmul.f32 v28, v3;
	[tilespmem:s8+$0x690] =	vst v9  }
0xb3: {  	v38 =	vld [tilespmem:s8+$0x710];
	v39 =	vmul.f32 v33, v3;
	[tilespmem:s8+$0x6A0] =	vst v5  }
0xb4: {  	v40 =	vld [tilespmem:s8+$0x720];
	v11 =	vmul.f32 v35, v3;
	[tilespmem:s8+$0x680] =	vst v8  }
0xb5: {  	v41 =	vld [tilespmem:s8+$0x730];
	v12 =	vmul.f32 v36, v3;
	[tilespmem:s8+$0x6C0] =	vst v39  }
0xb6: {  	v42 =	vld [tilespmem:s8+$0x740];
	v6 =	vmul.f32 v21, v22;
	[tilespmem:s8+$0x6D0] =	vst v11  }
0xb7: {  	v44 =	vld [tilespmem:s8+$0x750];
	v4 =	vmul.f32 v4, v3;
	[tilespmem:s8+$0x6E0] =	vst v12  }
0xb8: {  	v26 =	vld [tilespmem:s8+$0x900];
	v5 =	vmul.f32 v38, v43;
	[tilespmem:s8+$0x8C0] =	vst v6  }
0xb9: {  	v47 =	vld [tilespmem:s8+$0x780];
	v8 =	vmul.f32 v40, v43;
	[tilespmem:s8+$0x6F0] =	vst v4  }
0xba: {  	v48 =	vld [tilespmem:s8+$0x790];
	v9 =	vmul.f32 v41, v43;
	[tilespmem:s8+$0x710] =	vst v5  }
0xbb: {  	v31 =	vbroadcast v1, $0xC;
	v49 =	vld [tilespmem:s8+$0x7A0];
	v11 =	vmul.f32 v42, v43;
	[tilespmem:s8+$0x720] =	vst v8  }
0xbc: {  	v61 =	vld [tilespmem:s8+$0x830];
	v12 =	vmul.f32 v44, v43;
	[tilespmem:s8+$0x730] =	vst v9  }
0xbd: {  	v2 =	vld [tilespmem:s8+$0x6B0];
	v10 =	vmul.f32 v26, v31;
	[tilespmem:s8+$0x740] =	vst v11  }
0xbe: {  	v28 =	vld [tilespmem:s8+$0x920];
	[tilespmem:s8+$0x750] =	vst v12;
	v5 =	vmul.f32 v47, v52  }
0xbf: {  	v29 =	vld [tilespmem:s8+$0x930];
	v8 =	vmul.f32 v48, v52;
	[tilespmem:s8+$0x900] =	vst v10  }
0xc0: {  	v34 =	vld [tilespmem:s8+$0x970];
	v9 =	vmul.f32 v49, v52;
	[tilespmem:s8+$0x780] =	vst v5  }
0xc1: {  	v55 =	vld [tilespmem:s8+$0x7F0];
	v11 =	vmul.f32 v61, v63;
	[tilespmem:s8+$0x790] =	vst v8  }
0xc2: {  	v56 =	vld [tilespmem:s8+$0x800];
	v2 =	vmul.f32 v2, v3;
	[tilespmem:s8+$0x7A0] =	vst v9  }
0xc3: {  	v58 =	vld [tilespmem:s8+$0x810];
	v7 =	vmul.f32 v28, v31;
	[tilespmem:s8+$0x830] =	vst v11  }
0xc4: {  	v19 =	vld [tilespmem:s8+$0x8A0];
	v6 =	vmul.f32 v29, v31;
	[tilespmem:s8+$0x6B0] =	vst v2  }
0xc5: {  	v36 =	vld [tilespmem:s8+$0x990];
	v10 =	vmul.f32 v34, v31;
	[tilespmem:s8+$0x920] =	vst v7  }
0xc6: {  	v37 =	vld [tilespmem:s8+$0x9A0];
	v5 =	vmul.f32 v55, v52;
	[tilespmem:s8+$0x930] =	vst v6  }
0xc7: {  	v42 =	vld [tilespmem:s8+$0x9E0];
	v8 =	vmul.f32 v56, v63;
	[tilespmem:s8+$0x970] =	vst v10  }
0xc8: {  	v15 =	vld [tilespmem:s8+$0x860];
	v40 =	vbroadcast v1, $0xD;
	v9 =	vmul.f32 v58, v63;
	[tilespmem:s8+$0x7F0] =	vst v5  }
0xc9: {  	v16 =	vld [tilespmem:s8+$0x870];
	v11 =	vmul.f32 v19, v22;
	[tilespmem:s8+$0x800] =	vst v8  }
0xca: {  	v17 =	vld [tilespmem:s8+$0x880];
	v7 =	vmul.f32 v36, v40;
	[tilespmem:s8+$0x810] =	vst v9  }
0xcb: {  	v27 =	vld [tilespmem:s8+$0x910];
	v6 =	vmul.f32 v37, v40;
	[tilespmem:s8+$0x8A0] =	vst v11  }
0xcc: {  	v57 =	vld [tilespmem:s8+$0xAC0];
	v10 =	vmul.f32 v42, v40;
	[tilespmem:s8+$0x990] =	vst v7  }
0xcd: {  	v44 =	vld [tilespmem:s8+$0xA00];
	v5 =	vmul.f32 v15, v63;
	[tilespmem:s8+$0x9A0] =	vst v6  }
0xce: {  	v45 =	vld [tilespmem:s8+$0xA10];
	v49 =	vbroadcast v1, $0xE;
	v8 =	vmul.f32 v16, v63;
	[tilespmem:s8+$0x9E0] =	vst v10  }
0xcf: {  	v50 =	vld [tilespmem:s8+$0xA50];
	v1 =	vbroadcast v1, $0xF;
	v9 =	vmul.f32 v17, v22;
	[tilespmem:s8+$0x860] =	vst v5  }
0xd0: {  	v23 =	vld [tilespmem:s8+$0x8D0];
	v11 =	vmul.f32 v27, v31;
	[tilespmem:s8+$0x870] =	vst v8  }
0xd1: {  	v24 =	vld [tilespmem:s8+$0x8E0];
	v63 =	vmul.f32 v57, v1;
	[tilespmem:s8+$0x880] =	vst v9  }
0xd2: {  	v25 =	vld [tilespmem:s8+$0x8F0];
	v7 =	vmul.f32 v44, v49;
	[tilespmem:s8+$0x910] =	vst v11  }
0xd3: {  	v35 =	vld [tilespmem:s8+$0x980];
	v6 =	vmul.f32 v45, v49;
	[tilespmem:s8+$0xAC0] =	vst v63  }
0xd4: {  	v53 =	vld [tilespmem:s8+$0xA80];
	v10 =	vmul.f32 v50, v49;
	[tilespmem:s8+$0xA00] =	vst v7  }
0xd5: {  	v55 =	vld [tilespmem:s8+$0xAA0];
	v5 =	vmul.f32 v23, v22;
	[tilespmem:s8+$0xA10] =	vst v6  }
0xd6: {  	v56 =	vld [tilespmem:s8+$0xAB0];
	v8 =	vmul.f32 v24, v22;
	[tilespmem:s8+$0xA50] =	vst v10  }
0xd7: {  	v52 =	vld [tilespmem:s8+$0xA70];
	v9 =	vmul.f32 v25, v22;
	[tilespmem:s8+$0x8D0] =	vst v5  }
0xd8: {  	v58 =	vld [tilespmem:s8+$0xAD0];
	v11 =	vmul.f32 v35, v40;
	[tilespmem:s8+$0x8E0] =	vst v8  }
0xd9: {  	v30 =	vld [tilespmem:s8+$0x940];
	v6 =	vmul.f32 v53, v1;
	[tilespmem:s8+$0x8F0] =	vst v9  }
0xda: {  	v32 =	vld [tilespmem:s8+$0x950];
	v60 =	vmul.f32 v55, v1;
	[tilespmem:s8+$0x980] =	vst v11  }
0xdb: {  	v33 =	vld [tilespmem:s8+$0x960];
	v2 =	vmul.f32 v56, v1;
	[tilespmem:s8+$0xA80] =	vst v6  }
0xdc: {  	v43 =	vld [tilespmem:s8+$0x9F0];
	v61 =	vmul.f32 v52, v49;
	[tilespmem:s8+$0xAA0] =	vst v60  }
0xdd: {  	v59 =	vld [tilespmem:s8+$0xAE0];
	v62 =	vmul.f32 v58, v1;
	[tilespmem:s8+$0xAB0] =	vst v2  }
0xde: {  	v38 =	vld [tilespmem:s8+$0x9B0];
	v5 =	vmul.f32 v30, v31;
	[tilespmem:s8+$0xA70] =	vst v61  }
0xdf: {  	v39 =	vld [tilespmem:s8+$0x9C0];
	v8 =	vmul.f32 v32, v31;
	[tilespmem:s8+$0xAD0] =	vst v62  }
0xe0: {  	v41 =	vld [tilespmem:s8+$0x9D0];
	v9 =	vmul.f32 v33, v31;
	[tilespmem:s8+$0x940] =	vst v5  }
0xe1: {  	v51 =	vld [tilespmem:s8+$0xA60];
	v11 =	vmul.f32 v43, v40;
	[tilespmem:s8+$0x950] =	vst v8  }
0xe2: {  	v46 =	vld [tilespmem:s8+$0xA20];
	v2 =	vmul.f32 v59, v1;
	[tilespmem:s8+$0x960] =	vst v9  }
0xe3: {  	v47 =	vld [tilespmem:s8+$0xA30];
	v5 =	vmul.f32 v38, v40;
	[tilespmem:s8+$0x9F0] =	vst v11  }
0xe4: {  	v48 =	vld [tilespmem:s8+$0xA40];
	v8 =	vmul.f32 v39, v40;
	[tilespmem:s8+$0xAE0] =	vst v2  }
0xe5: {  	v54 =	vld [tilespmem:s8+$0xA90];
	v9 =	vmul.f32 v41, v40;
	[tilespmem:s8+$0x9B0] =	vst v5  }
0xe6: {  	v11 =	vmul.f32 v51, v49;
	[tilespmem:s8+$0x9C0] =	vst v8  }
0xe7: {  	v3 =	vld [tilespmem:s8+$0xAF0];
	[tilespmem:s8+$0x9D0] =	vst v9;
	v5 =	vmul.f32 v46, v49  }
0xe8: {  	v8 =	vmul.f32 v47, v49;
	[tilespmem:s8+$0xA60] =	vst v11  }
0xe9: {  	v9 =	vmul.f32 v48, v49;
	[tilespmem:s8+$0xA20] =	vst v5  }
0xea: {  	[tilespmem:s8+$0xA30] =	vst v8;
	v5 =	vmul.f32 v54, v1  }
0xeb: {  	[tilespmem:s8+$0xA40] =	vst v9  }
0xec: {  	s9 =	simm.s32 $0x1;
	s7 =	sshll.u32 s6, $0x1;
	v1 =	vmul.f32 v3, v1;
	[tilespmem:s8+$0xA90] =	vst v5  }
.LBB2_5:
0xed: {  	s12 =	sshll.u32 s9, $0x4  }
0xee: {  	p0 =	sne.s32 s9, $0x7;
	[tilespmem:s8+$0xAF0] =	vst v1;
	s8 =	smov.u32 s9;
	s9 =	sadd.s32 $0x1, s9  }
0xef: {  	v2 =	vld [tilespmem:s12+$0x80];
	_ =	sdelay $0x3  }
0xf0: {  	s8 =	sshll.u32 s8, $0xB  }
0xf1: {  	s8 =	sand.u32 $0x3FFFF800, s8;
	v1 =	vld [tilespmem:s12+$0x200];
	[tilespmem:s12+$0x8300] =	vst v2  }
0xf2: {  	v2 =	vld [tilespmem:s8+$0x300]  }
0xf3: {  	v4 =	vld [tilespmem:s8+$0x310]  }
0xf4: {  	v5 =	vld [tilespmem:s8+$0x320]  }
0xf5: {  	v6 =	vld [tilespmem:s8+$0x330]  }
0xf6: {  	v7 =	vld [tilespmem:s8+$0x340];
	v3 =	vbroadcast v1, $0x7  }
0xf7: {  	v8 =	vbroadcast v1, $0x0;
	v9 =	vld [tilespmem:s8+$0x350]  }
0xf8: {  	v10 =	vld [tilespmem:s8+$0x360]  }
0xf9: {  	v2 =	vmul.f32 v2, v8;
	v5 =	vmul.f32 v5, v8;
	v11 =	vld [tilespmem:s8+$0x370]  }
0xfa: {  	v4 =	vmul.f32 v4, v8;
	v6 =	vmul.f32 v6, v8;
	v12 =	vld [tilespmem:s8+$0x380]  }
0xfb: {  	[tilespmem:s8+$0x320] =	vst v5;
	v5 =	vmul.f32 v7, v8;
	v7 =	vld [tilespmem:s8+$0x390]  }
0xfc: {  	[tilespmem:s8+$0x330] =	vst v6;
	v6 =	vmul.f32 v9, v8;
	v9 =	vld [tilespmem:s8+$0x3A0]  }
0xfd: {  	[tilespmem:s8+$0x340] =	vst v5;
	v5 =	vmul.f32 v10, v8;
	v10 =	vbroadcast v1, $0x1;
	v13 =	vld [tilespmem:s8+$0x3B0]  }
0xfe: {  	[tilespmem:s8+$0x350] =	vst v6;
	v6 =	vmul.f32 v11, v8;
	v8 =	vld [tilespmem:s8+$0x3C0]  }
0xff: {  	[tilespmem:s8+$0x360] =	vst v5;
	v5 =	vmul.f32 v12, v10;
	v11 =	vld [tilespmem:s8+$0x3D0]  }
0x100: {  	[tilespmem:s8+$0x370] =	vst v6;
	v6 =	vmul.f32 v7, v10;
	v7 =	vld [tilespmem:s8+$0x3E0]  }
0x101: {  	[tilespmem:s8+$0x380] =	vst v5;
	v5 =	vmul.f32 v9, v10;
	v9 =	vld [tilespmem:s8+$0x3F0]  }
0x102: {  	[tilespmem:s8+$0x390] =	vst v6;
	v6 =	vmul.f32 v13, v10;
	v12 =	vld [tilespmem:s8+$0x400]  }
0x103: {  	[tilespmem:s8+$0x3A0] =	vst v5;
	v5 =	vmul.f32 v8, v10;
	v8 =	vld [tilespmem:s8+$0x410]  }
0x104: {  	[tilespmem:s8+$0x3B0] =	vst v6;
	v6 =	vmul.f32 v11, v10;
	v11 =	vld [tilespmem:s8+$0x420]  }
0x105: {  	[tilespmem:s8+$0x3C0] =	vst v5;
	v5 =	vmul.f32 v7, v10;
	v7 =	vbroadcast v1, $0x2;
	v13 =	vld [tilespmem:s8+$0x430]  }
0x106: {  	[tilespmem:s8+$0x3D0] =	vst v6;
	v6 =	vmul.f32 v9, v10;
	v9 =	vld [tilespmem:s8+$0x440]  }
0x107: {  	[tilespmem:s8+$0x3E0] =	vst v5;
	v5 =	vmul.f32 v12, v7;
	v10 =	vld [tilespmem:s8+$0x450]  }
0x108: {  	[tilespmem:s8+$0x3F0] =	vst v6;
	v6 =	vmul.f32 v8, v7;
	v8 =	vld [tilespmem:s8+$0x460]  }
0x109: {  	[tilespmem:s8+$0x400] =	vst v5;
	v5 =	vmul.f32 v11, v7;
	v11 =	vld [tilespmem:s8+$0x470]  }
0x10a: {  	[tilespmem:s8+$0x410] =	vst v6;
	v6 =	vmul.f32 v13, v7;
	v12 =	vld [tilespmem:s8+$0x480]  }
0x10b: {  	[tilespmem:s8+$0x420] =	vst v5;
	v5 =	vmul.f32 v9, v7;
	v9 =	vld [tilespmem:s8+$0x490]  }
0x10c: {  	[tilespmem:s8+$0x430] =	vst v6;
	v6 =	vmul.f32 v10, v7;
	v10 =	vld [tilespmem:s8+$0x4A0]  }
0x10d: {  	[tilespmem:s8+$0x440] =	vst v5;
	v5 =	vmul.f32 v8, v7;
	v8 =	vld [tilespmem:s8+$0x4B0]  }
0x10e: {  	[tilespmem:s8+$0x450] =	vst v6;
	v6 =	vmul.f32 v11, v7;
	v7 =	vld [tilespmem:s8+$0x4C0]  }
0x10f: {  	[tilespmem:s8+$0x460] =	vst v5;
	v5 =	vbroadcast v1, $0x3;
	v11 =	vld [tilespmem:s8+$0x4D0]  }
0x110: {  	[tilespmem:s8+$0x470] =	vst v6;
	v6 =	vld [tilespmem:s8+$0x4E0]  }
0x111: {  	[tilespmem:s8+$0x300] =	vst v2;
	v2 =	vmul.f32 v12, v5;
	v10 =	vmul.f32 v10, v5;
	v12 =	vld [tilespmem:s8+$0x4F0]  }
0x112: {  	v9 =	vmul.f32 v9, v5;
	[tilespmem:s8+$0x310] =	vst v4;
	v8 =	vmul.f32 v8, v5;
	v13 =	vld [tilespmem:s8+$0x500]  }
0x113: {  	[tilespmem:s8+$0x4A0] =	vst v10;
	v4 =	vmul.f32 v7, v5;
	v7 =	vld [tilespmem:s8+$0x510]  }
0x114: {  	[tilespmem:s8+$0x4B0] =	vst v8;
	v8 =	vmul.f32 v11, v5;
	v10 =	vld [tilespmem:s8+$0x520]  }
0x115: {  	[tilespmem:s8+$0x480] =	vst v2;
	v2 =	vmul.f32 v6, v5;
	v6 =	vbroadcast v1, $0x4;
	v11 =	vld [tilespmem:s8+$0x530]  }
0x116: {  	[tilespmem:s8+$0x4D0] =	vst v8;
	v5 =	vmul.f32 v12, v5;
	v8 =	vld [tilespmem:s8+$0x540]  }
0x117: {  	[tilespmem:s8+$0x4E0] =	vst v2;
	v2 =	vmul.f32 v13, v6;
	v12 =	vld [tilespmem:s8+$0x550]  }
0x118: {  	[tilespmem:s8+$0x4F0] =	vst v5;
	v5 =	vmul.f32 v7, v6;
	v7 =	vld [tilespmem:s8+$0x560]  }
0x119: {  	[tilespmem:s8+$0x500] =	vst v2;
	v2 =	vmul.f32 v10, v6;
	v10 =	vld [tilespmem:s8+$0x570]  }
0x11a: {  	[tilespmem:s8+$0x510] =	vst v5;
	v5 =	vmul.f32 v11, v6;
	v11 =	vld [tilespmem:s8+$0x580]  }
0x11b: {  	[tilespmem:s8+$0x520] =	vst v2;
	v2 =	vmul.f32 v8, v6;
	v8 =	vld [tilespmem:s8+$0x590]  }
0x11c: {  	[tilespmem:s8+$0x530] =	vst v5;
	v5 =	vmul.f32 v12, v6;
	v12 =	vld [tilespmem:s8+$0x5A0]  }
0x11d: {  	[tilespmem:s8+$0x540] =	vst v2;
	v2 =	vmul.f32 v7, v6;
	v7 =	vld [tilespmem:s8+$0x5B0]  }
0x11e: {  	[tilespmem:s8+$0x550] =	vst v5;
	v5 =	vmul.f32 v10, v6;
	v6 =	vbroadcast v1, $0x5;
	v10 =	vld [tilespmem:s8+$0x5C0]  }
0x11f: {  	[tilespmem:s8+$0x560] =	vst v2;
	v2 =	vld [tilespmem:s8+$0x5D0]  }
0x120: {  	[tilespmem:s8+$0x570] =	vst v5;
	v5 =	vmul.f32 v11, v6;
	v8 =	vmul.f32 v8, v6;
	v11 =	vld [tilespmem:s8+$0x5E0]  }
0x121: {  	[tilespmem:s8+$0x490] =	vst v9;
	v9 =	vmul.f32 v12, v6;
	v12 =	vld [tilespmem:s8+$0x5F0]  }
0x122: {  	[tilespmem:s8+$0x590] =	vst v8;
	v7 =	vmul.f32 v7, v6;
	v8 =	vld [tilespmem:s8+$0x600]  }
0x123: {  	[tilespmem:s8+$0x580] =	vst v5;
	v5 =	vmul.f32 v10, v6;
	v10 =	vld [tilespmem:s8+$0x610]  }
0x124: {  	[tilespmem:s8+$0x5A0] =	vst v9;
	v2 =	vmul.f32 v2, v6;
	v9 =	vld [tilespmem:s8+$0x620]  }
0x125: {  	[tilespmem:s8+$0x5C0] =	vst v5;
	v5 =	vmul.f32 v11, v6;
	v11 =	vld [tilespmem:s8+$0x630]  }
0x126: {  	[tilespmem:s8+$0x5B0] =	vst v7;
	v6 =	vmul.f32 v12, v6;
	v7 =	vbroadcast v1, $0x6;
	v12 =	vld [tilespmem:s8+$0x640]  }
0x127: {  	[tilespmem:s8+$0x5D0] =	vst v2;
	v2 =	vld [tilespmem:s8+$0x650]  }
0x128: {  	[tilespmem:s8+$0x5E0] =	vst v5;
	v5 =	vmul.f32 v8, v7;
	v8 =	vld [tilespmem:s8+$0x660]  }
0x129: {  	[tilespmem:s8+$0x5F0] =	vst v6;
	v6 =	vmul.f32 v10, v7;
	v10 =	vld [tilespmem:s8+$0x670]  }
0x12a: {  	[tilespmem:s8+$0x600] =	vst v5;
	v5 =	vmul.f32 v9, v7;
	v9 =	vld [tilespmem:s8+$0x680]  }
0x12b: {  	[tilespmem:s8+$0x610] =	vst v6;
	v6 =	vmul.f32 v11, v7;
	v11 =	vld [tilespmem:s8+$0x690]  }
0x12c: {  	[tilespmem:s8+$0x620] =	vst v5;
	v5 =	vmul.f32 v12, v7;
	v12 =	vld [tilespmem:s8+$0x6A0]  }
0x12d: {  	v2 =	vmul.f32 v2, v7;
	[tilespmem:s8+$0x630] =	vst v6;
	v6 =	vld [tilespmem:s8+$0x6B0]  }
0x12e: {  	[tilespmem:s8+$0x640] =	vst v5;
	v5 =	vmul.f32 v8, v7;
	v8 =	vld [tilespmem:s8+$0x6C0]  }
0x12f: {  	[tilespmem:s8+$0x650] =	vst v2;
	v2 =	vmul.f32 v10, v7;
	v7 =	vmul.f32 v9, v3;
	v9 =	vld [tilespmem:s8+$0x6D0]  }
0x130: {  	[tilespmem:s8+$0x660] =	vst v5;
	v5 =	vmul.f32 v11, v3;
	v10 =	vld [tilespmem:s8+$0x6E0]  }
0x131: {  	[tilespmem:s8+$0x670] =	vst v2;
	v11 =	vmul.f32 v12, v3;
	v12 =	vld [tilespmem:s8+$0x6F0]  }
0x132: {  	[tilespmem:s8+$0x690] =	vst v5;
	v2 =	vmul.f32 v6, v3;
	v5 =	vld [tilespmem:s8+$0x700]  }
0x133: {  	[tilespmem:s8+$0x6A0] =	vst v11;
	v6 =	vmul.f32 v8, v3;
	v8 =	vld [tilespmem:s8+$0x710]  }
0x134: {  	[tilespmem:s8+$0x680] =	vst v7;
	v7 =	vmul.f32 v9, v3;
	v9 =	vld [tilespmem:s8+$0x720]  }
0x135: {  	[tilespmem:s8+$0x6C0] =	vst v6;
	v6 =	vmul.f32 v10, v3;
	v10 =	vbroadcast v1, $0x8;
	v11 =	vld [tilespmem:s8+$0x730]  }
0x136: {  	[tilespmem:s8+$0x6D0] =	vst v7;
	v3 =	vmul.f32 v12, v3;
	v7 =	vld [tilespmem:s8+$0x740]  }
0x137: {  	[tilespmem:s8+$0x6E0] =	vst v6;
	v5 =	vmul.f32 v5, v10;
	v6 =	vld [tilespmem:s8+$0x750]  }
0x138: {  	[tilespmem:s8+$0x4C0] =	vst v4;
	v4 =	vmul.f32 v8, v10;
	v8 =	vld [tilespmem:s8+$0x760]  }
0x139: {  	[tilespmem:s8+$0x700] =	vst v5;
	v5 =	vmul.f32 v9, v10;
	v9 =	vld [tilespmem:s8+$0x770]  }
0x13a: {  	[tilespmem:s8+$0x710] =	vst v4;
	v4 =	vmul.f32 v11, v10;
	v11 =	vld [tilespmem:s8+$0x780]  }
0x13b: {  	[tilespmem:s8+$0x720] =	vst v5;
	v5 =	vmul.f32 v7, v10;
	v7 =	vld [tilespmem:s8+$0x790]  }
0x13c: {  	[tilespmem:s8+$0x730] =	vst v4;
	v4 =	vmul.f32 v6, v10;
	v6 =	vld [tilespmem:s8+$0x7A0]  }
0x13d: {  	[tilespmem:s8+$0x740] =	vst v5;
	v5 =	vmul.f32 v8, v10;
	v8 =	vbroadcast v1, $0x9;
	v12 =	vld [tilespmem:s8+$0x7B0]  }
0x13e: {  	[tilespmem:s8+$0x750] =	vst v4;
	v4 =	vmul.f32 v9, v10;
	v9 =	vld [tilespmem:s8+$0x7C0]  }
0x13f: {  	[tilespmem:s8+$0x760] =	vst v5;
	v5 =	vmul.f32 v11, v8;
	v10 =	vld [tilespmem:s8+$0x7D0]  }
0x140: {  	[tilespmem:s8+$0x770] =	vst v4;
	v4 =	vmul.f32 v7, v8;
	v7 =	vld [tilespmem:s8+$0x7E0]  }
0x141: {  	[tilespmem:s8+$0x780] =	vst v5;
	v5 =	vmul.f32 v6, v8;
	v6 =	vld [tilespmem:s8+$0x7F0]  }
0x142: {  	[tilespmem:s8+$0x790] =	vst v4;
	v4 =	vmul.f32 v12, v8;
	v11 =	vld [tilespmem:s8+$0x800]  }
0x143: {  	[tilespmem:s8+$0x7A0] =	vst v5;
	v5 =	vmul.f32 v9, v8;
	v9 =	vld [tilespmem:s8+$0x810]  }
0x144: {  	[tilespmem:s8+$0x7B0] =	vst v4;
	v4 =	vmul.f32 v10, v8;
	v10 =	vld [tilespmem:s8+$0x820]  }
0x145: {  	[tilespmem:s8+$0x7C0] =	vst v5;
	v5 =	vmul.f32 v7, v8;
	v7 =	vbroadcast v1, $0xA;
	v12 =	vld [tilespmem:s8+$0x830]  }
0x146: {  	[tilespmem:s8+$0x7D0] =	vst v4;
	v4 =	vmul.f32 v6, v8;
	v6 =	vld [tilespmem:s8+$0x840]  }
0x147: {  	[tilespmem:s8+$0x7E0] =	vst v5;
	v5 =	vmul.f32 v11, v7;
	v8 =	vld [tilespmem:s8+$0x850]  }
0x148: {  	[tilespmem:s8+$0x7F0] =	vst v4;
	v4 =	vmul.f32 v9, v7;
	v9 =	vld [tilespmem:s8+$0x860]  }
0x149: {  	[tilespmem:s8+$0x800] =	vst v5;
	v5 =	vmul.f32 v10, v7;
	v10 =	vld [tilespmem:s8+$0x870]  }
0x14a: {  	[tilespmem:s8+$0x810] =	vst v4;
	v4 =	vmul.f32 v12, v7;
	v11 =	vld [tilespmem:s8+$0x880]  }
0x14b: {  	[tilespmem:s8+$0x820] =	vst v5;
	v5 =	vmul.f32 v6, v7;
	v6 =	vld [tilespmem:s8+$0x890]  }
0x14c: {  	[tilespmem:s8+$0x830] =	vst v4;
	v4 =	vmul.f32 v8, v7;
	v8 =	vld [tilespmem:s8+$0x8A0]  }
0x14d: {  	[tilespmem:s8+$0x840] =	vst v5;
	v5 =	vmul.f32 v9, v7;
	v9 =	vbroadcast v1, $0xB;
	v12 =	vld [tilespmem:s8+$0x8B0]  }
0x14e: {  	[tilespmem:s8+$0x850] =	vst v4;
	v4 =	vmul.f32 v10, v7;
	v7 =	vld [tilespmem:s8+$0x8C0]  }
0x14f: {  	[tilespmem:s8+$0x860] =	vst v5;
	v5 =	vmul.f32 v11, v9;
	v10 =	vld [tilespmem:s8+$0x8D0]  }
0x150: {  	[tilespmem:s8+$0x870] =	vst v4;
	v4 =	vmul.f32 v6, v9;
	v6 =	vld [tilespmem:s8+$0x8E0]  }
0x151: {  	[tilespmem:s8+$0x880] =	vst v5;
	v5 =	vmul.f32 v8, v9;
	v8 =	vld [tilespmem:s8+$0x8F0]  }
0x152: {  	[tilespmem:s8+$0x890] =	vst v4;
	v4 =	vmul.f32 v12, v9;
	v11 =	vld [tilespmem:s8+$0x900]  }
0x153: {  	[tilespmem:s8+$0x8A0] =	vst v5;
	v5 =	vmul.f32 v7, v9;
	v7 =	vld [tilespmem:s8+$0x910]  }
0x154: {  	[tilespmem:s8+$0x8B0] =	vst v4;
	v4 =	vmul.f32 v10, v9;
	v10 =	vld [tilespmem:s8+$0x920]  }
0x155: {  	[tilespmem:s8+$0x8C0] =	vst v5;
	v5 =	vmul.f32 v6, v9;
	v6 =	vbroadcast v1, $0xC;
	v12 =	vld [tilespmem:s8+$0x930]  }
0x156: {  	[tilespmem:s8+$0x8D0] =	vst v4;
	v4 =	vmul.f32 v8, v9;
	v8 =	vld [tilespmem:s8+$0x940]  }
0x157: {  	[tilespmem:s8+$0x8E0] =	vst v5;
	v5 =	vmul.f32 v11, v6;
	v9 =	vld [tilespmem:s8+$0x950]  }
0x158: {  	[tilespmem:s8+$0x8F0] =	vst v4;
	v4 =	vmul.f32 v7, v6;
	v7 =	vld [tilespmem:s8+$0x960]  }
0x159: {  	[tilespmem:s8+$0x900] =	vst v5;
	v5 =	vmul.f32 v10, v6;
	v10 =	vld [tilespmem:s8+$0x970]  }
0x15a: {  	[tilespmem:s8+$0x910] =	vst v4;
	v4 =	vmul.f32 v12, v6;
	v11 =	vld [tilespmem:s8+$0x980]  }
0x15b: {  	[tilespmem:s8+$0x920] =	vst v5;
	v5 =	vmul.f32 v8, v6;
	v8 =	vld [tilespmem:s8+$0x990]  }
0x15c: {  	[tilespmem:s8+$0x930] =	vst v4;
	v4 =	vmul.f32 v9, v6;
	v9 =	vld [tilespmem:s8+$0x9A0]  }
0x15d: {  	[tilespmem:s8+$0x940] =	vst v5;
	v5 =	vmul.f32 v7, v6;
	v7 =	vbroadcast v1, $0xD;
	v12 =	vld [tilespmem:s8+$0x9B0]  }
0x15e: {  	[tilespmem:s8+$0x950] =	vst v4;
	v4 =	vmul.f32 v10, v6;
	v6 =	vld [tilespmem:s8+$0x9C0]  }
0x15f: {  	[tilespmem:s8+$0x960] =	vst v5;
	v5 =	vmul.f32 v11, v7;
	v10 =	vld [tilespmem:s8+$0x9D0]  }
0x160: {  	[tilespmem:s8+$0x970] =	vst v4;
	v4 =	vmul.f32 v8, v7;
	v8 =	vld [tilespmem:s8+$0x9E0]  }
0x161: {  	[tilespmem:s8+$0x980] =	vst v5;
	v5 =	vmul.f32 v9, v7;
	v9 =	vld [tilespmem:s8+$0x9F0]  }
0x162: {  	[tilespmem:s8+$0x990] =	vst v4;
	v4 =	vmul.f32 v12, v7;
	v11 =	vld [tilespmem:s8+$0xA00]  }
0x163: {  	[tilespmem:s8+$0x9A0] =	vst v5;
	v5 =	vmul.f32 v6, v7;
	v6 =	vld [tilespmem:s8+$0xA10]  }
0x164: {  	[tilespmem:s8+$0x9B0] =	vst v4;
	v4 =	vmul.f32 v10, v7;
	v10 =	vld [tilespmem:s8+$0xA20]  }
0x165: {  	[tilespmem:s8+$0x9C0] =	vst v5;
	v5 =	vmul.f32 v8, v7;
	v8 =	vbroadcast v1, $0xE;
	v12 =	vld [tilespmem:s8+$0xA30]  }
0x166: {  	[tilespmem:s8+$0x9D0] =	vst v4;
	v4 =	vmul.f32 v9, v7;
	v7 =	vld [tilespmem:s8+$0xA40]  }
0x167: {  	[tilespmem:s8+$0x9E0] =	vst v5;
	v5 =	vmul.f32 v11, v8;
	v9 =	vld [tilespmem:s8+$0xA50]  }
0x168: {  	[tilespmem:s8+$0x9F0] =	vst v4;
	v4 =	vmul.f32 v6, v8;
	v6 =	vld [tilespmem:s8+$0xA60]  }
0x169: {  	[tilespmem:s8+$0xA00] =	vst v5;
	v5 =	vmul.f32 v10, v8;
	v10 =	vld [tilespmem:s8+$0xA70]  }
0x16a: {  	[tilespmem:s8+$0xA10] =	vst v4;
	v4 =	vmul.f32 v12, v8;
	v11 =	vld [tilespmem:s8+$0xA80]  }
0x16b: {  	[tilespmem:s8+$0xA20] =	vst v5;
	v5 =	vmul.f32 v7, v8;
	v7 =	vld [tilespmem:s8+$0xA90]  }
0x16c: {  	[tilespmem:s8+$0xA30] =	vst v4;
	v4 =	vmul.f32 v9, v8;
	v9 =	vld [tilespmem:s8+$0xAA0]  }
0x16d: {  	v1 =	vbroadcast v1, $0xF;
	[tilespmem:s8+$0xA40] =	vst v5;
	v5 =	vmul.f32 v6, v8;
	v6 =	vld [tilespmem:s8+$0xAB0]  }
0x16e: {  	[tilespmem:s8+$0xA50] =	vst v4;
	v4 =	vld [tilespmem:s8+$0xAC0]  }
0x16f: {  	[tilespmem:s8+$0xA60] =	vst v5;
	v5 =	vmul.f32 v11, v1;
	v11 =	vld [tilespmem:s8+$0xAD0]  }
0x170: {  	[tilespmem:s8+$0x6F0] =	vst v3;
	v3 =	vmul.f32 v7, v1;
	v7 =	vld [tilespmem:s8+$0xAE0]  }
0x171: {  	[tilespmem:s8+$0xA80] =	vst v5;
	v5 =	vld [tilespmem:s8+$0xAF0]  }
0x172: {  	[tilespmem:s8+$0xA90] =	vst v3;
	v3 =	vmul.f32 v9, v1  }
0x173: {  	[tilespmem:s8+$0x6B0] =	vst v2;
	v2 =	vmul.f32 v6, v1  }
0x174: {  	v6 =	vmul.f32 v10, v8;
	[tilespmem:s8+$0xAA0] =	vst v3  }
.Ltmp3:
0x175: {  	[tilespmem:s8+$0xAB0] =	vst v2;
	v2 =	vmul.f32 v7, v1;
	(pc) =	sbr.rel @p0 .LBB2_5-.Ltmp3, $4  }
0x176: {  	v3 =	vmul.f32 v11, v1;
	[tilespmem:s8+$0xA70] =	vst v6  }
0x177: {  	v4 =	vmul.f32 v4, v1;
	[tilespmem:s8+$0xAE0] =	vst v2  }
0x178: {  	v1 =	vmul.f32 v5, v1;
	[tilespmem:s8+$0xAD0] =	vst v3  }
0x179: {  	[tilespmem:s8+$0xAC0] =	vst v4  }
0x17a: {  	[tilespmem:s8+$0xAF0] =	vst v1;
	p0 =	seq.s32 s6, $0x27  }
0x17b: {  	[spmem:s3] =	stream.indirect.scatter.add.f32 [tilespmem:s13], [sflag:$0x7], $0x80, s28, s21, $0xb8;
	[tilespmem:$0x1C400] =	vst v63  }
0x17c: {  	s8 =	sadd.s32 @!p0 $0x2, s7  }
0x17d: {  	s9 =	sshll.u32 @!p0 s8, $0x5  }
0x17e: {  	s12 =	simm.s32 @!p0 $0x0;
	s8 =	sshll.u32 @!p0 s8, $0x4;
	s9 =	sadd.s32 @!p0 s10, s9  }
0x17f: {  	[tilespmem:s12], [sflag:$0x1] =	stream.linear.gather @!p0 [hbm4b:s9+s12], $0x100, $0x38;
	[tilespmem:$0x1C400] =	vst v63  }
0x180: {  	s8 =	sadd.s32 @!p0 s11, s8;
	s9 =	simm.s32 @!p0 $0x200  }
0x181: {  	[tilespmem:s9], [sflag:$0x3] =	stream.linear.gather @!p0 [hbm4b:s8+s12], $0x80, $0x38;
	[tilespmem:$0x1C400] =	vst v63  }
0x182: {  	s8 =	simm.s32 @!p0 $0x7  }
0x183: {  	_ =	swait.ge @!p0 [sflag:s8], $0x4000  }
0x184: {  	[sflag:s8] =	ssyncset.done @!p0 $0x0  }
0x185: {  	[sflag:s8] =	ssyncadd.s32 @!p0 $0xFFFFC000;
	s8 =	simm.s32 @!p0 $0x1  }
0x186: {  	_ =	swait.ge @!p0 [sflag:s8], $0x100  }
0x187: {  	[sflag:s8] =	ssyncset.done @!p0 $0x0  }
0x188: {  	s9 =	simm.s32 @!p0 $0x300;
	[sflag:s8] =	ssyncadd.s32 @!p0 $0xFFFFFF00;
	s8 =	simm.s32 @!p0 $0x80  }
0x189: {  	[tilespmem:s9], [sflag:$0x5] =	stream.indirect.gather @!p0 [hbm4b:s1+s8], $0x80, s12, s8, $0xb8;
	[tilespmem:$0x1C400] =	vst v63  }
0x18a: {  	_ =	swait.ge [sflag:s29], $0x4000  }
0x18b: {  	[sflag:s29] =	ssyncset.done $0x0  }
0x18c: {  	[sflag:s29] =	ssyncadd.s32 $0xFFFFC000  }
0x18d: {  	_ =	swait.ge [sflag:s30], $0x80  }
0x18e: {  	[sflag:s30] =	ssyncset.done $0x0  }
0x18f: {  	s9 =	simm.s32 $0x0;
	[sflag:s30] =	ssyncadd.s32 $0xFFFFFF80  }
0x190: {  	v2 =	vld [tilespmem:s9+$0x180];
	_ =	sdelay $0x3  }
0x191: {  	s12 =	simm.s32 $0x0;
	v1 =	vld [tilespmem:s9+$0x280]  }
0x192: {  	s8 =	sand.u32 $0x3FFFF800, s12;
	[tilespmem:s9+$0x8380] =	vst v2  }
0x193: {  	v4 =	vld [tilespmem:s8+$0x4320]  }
0x194: {  	v5 =	vld [tilespmem:s8+$0x4330]  }
0x195: {  	v6 =	vld [tilespmem:s8+$0x4340]  }
0x196: {  	v7 =	vbroadcast v1, $0x0;
	v8 =	vld [tilespmem:s8+$0x4350]  }
0x197: {  	v9 =	vld [tilespmem:s8+$0x4360]  }
0x198: {  	v10 =	vld [tilespmem:s8+$0x4370];
	v4 =	vmul.f32 v4, v7  }
0x199: {  	v11 =	vld [tilespmem:s8+$0x4380];
	v5 =	vmul.f32 v5, v7  }
0x19a: {  	v2 =	vld [tilespmem:s8+$0x4300];
	v6 =	vmul.f32 v6, v7;
	[tilespmem:s8+$0x4320] =	vst v4  }
0x19b: {  	v3 =	vld [tilespmem:s8+$0x4310];
	v8 =	vmul.f32 v8, v7;
	[tilespmem:s8+$0x4330] =	vst v5  }
0x19c: {  	v12 =	vbroadcast v1, $0x1;
	v24 =	vld [tilespmem:s8+$0x4640];
	v9 =	vmul.f32 v9, v7;
	[tilespmem:s8+$0x4340] =	vst v6  }
0x19d: {  	v51 =	vld [tilespmem:s8+$0x44C0];
	v10 =	vmul.f32 v10, v7;
	[tilespmem:s8+$0x4350] =	vst v8  }
0x19e: {  	v32 =	vld [tilespmem:s8+$0x4390];
	v11 =	vmul.f32 v11, v12;
	[tilespmem:s8+$0x4360] =	vst v9  }
0x19f: {  	v26 =	vbroadcast v1, $0x6;
	v33 =	vld [tilespmem:s8+$0x43A0];
	v2 =	vmul.f32 v2, v7;
	[tilespmem:s8+$0x4370] =	vst v10  }
0x1a0: {  	v54 =	vbroadcast v1, $0x3;
	v34 =	vld [tilespmem:s8+$0x43B0];
	v3 =	vmul.f32 v3, v7;
	[tilespmem:s8+$0x4380] =	vst v11  }
0x1a1: {  	v35 =	vld [tilespmem:s8+$0x43C0];
	v31 =	vmul.f32 v24, v26;
	[tilespmem:s8+$0x4300] =	vst v2  }
0x1a2: {  	v36 =	vld [tilespmem:s8+$0x43D0];
	v7 =	vmul.f32 v51, v54;
	[tilespmem:s8+$0x4310] =	vst v3  }
0x1a3: {  	v37 =	vld [tilespmem:s8+$0x43E0];
	v4 =	vmul.f32 v32, v12;
	[tilespmem:s8+$0x4640] =	vst v31  }
0x1a4: {  	v38 =	vld [tilespmem:s8+$0x43F0];
	v5 =	vmul.f32 v33, v12;
	[tilespmem:s8+$0x44C0] =	vst v7  }
0x1a5: {  	v25 =	vld [tilespmem:s8+$0x4650];
	v6 =	vmul.f32 v34, v12;
	[tilespmem:s8+$0x4390] =	vst v4  }
0x1a6: {  	v39 =	vld [tilespmem:s8+$0x4400];
	v8 =	vmul.f32 v35, v12;
	[tilespmem:s8+$0x43A0] =	vst v5  }
0x1a7: {  	v40 =	vld [tilespmem:s8+$0x4410];
	v9 =	vmul.f32 v36, v12;
	[tilespmem:s8+$0x43B0] =	vst v6  }
0x1a8: {  	v41 =	vld [tilespmem:s8+$0x4420];
	v10 =	vmul.f32 v37, v12;
	[tilespmem:s8+$0x43C0] =	vst v8  }
0x1a9: {  	v13 =	vbroadcast v1, $0x2;
	v42 =	vld [tilespmem:s8+$0x4430];
	v11 =	vmul.f32 v38, v12;
	[tilespmem:s8+$0x43D0] =	vst v9  }
0x1aa: {  	v43 =	vld [tilespmem:s8+$0x4440];
	v32 =	vmul.f32 v25, v26;
	[tilespmem:s8+$0x43E0] =	vst v10  }
0x1ab: {  	v44 =	vld [tilespmem:s8+$0x4450];
	v4 =	vmul.f32 v39, v13;
	[tilespmem:s8+$0x43F0] =	vst v11  }
0x1ac: {  	v45 =	vld [tilespmem:s8+$0x4460];
	v5 =	vmul.f32 v40, v13;
	[tilespmem:s8+$0x4650] =	vst v32  }
0x1ad: {  	v46 =	vld [tilespmem:s8+$0x4470];
	v6 =	vmul.f32 v41, v13;
	[tilespmem:s8+$0x4400] =	vst v4  }
0x1ae: {  	v49 =	vld [tilespmem:s8+$0x44A0];
	v8 =	vmul.f32 v42, v13;
	[tilespmem:s8+$0x4410] =	vst v5  }
0x1af: {  	v50 =	vld [tilespmem:s8+$0x44B0];
	v9 =	vmul.f32 v43, v13;
	[tilespmem:s8+$0x4420] =	vst v6  }
0x1b0: {  	v47 =	vld [tilespmem:s8+$0x4480];
	v10 =	vmul.f32 v44, v13;
	[tilespmem:s8+$0x4430] =	vst v8  }
0x1b1: {  	v52 =	vld [tilespmem:s8+$0x44D0];
	v11 =	vmul.f32 v45, v13;
	[tilespmem:s8+$0x4440] =	vst v9  }
0x1b2: {  	v48 =	vld [tilespmem:s8+$0x4490];
	[tilespmem:s8+$0x4450] =	vst v10;
	v4 =	vmul.f32 v46, v13  }
0x1b3: {  	v2 =	vld [tilespmem:s8+$0x44F0];
	[tilespmem:s8+$0x4460] =	vst v11;
	v8 =	vmul.f32 v49, v54  }
0x1b4: {  	v3 =	vld [tilespmem:s8+$0x4500];
	v9 =	vmul.f32 v50, v54;
	[tilespmem:s8+$0x4470] =	vst v4  }
0x1b5: {  	v53 =	vld [tilespmem:s8+$0x44E0];
	v5 =	vmul.f32 v47, v54;
	[tilespmem:s8+$0x44A0] =	vst v8  }
0x1b6: {  	v55 =	vld [tilespmem:s8+$0x4510];
	v11 =	vmul.f32 v52, v54;
	[tilespmem:s8+$0x44B0] =	vst v9  }
0x1b7: {  	v59 =	vbroadcast v1, $0x4;
	v56 =	vld [tilespmem:s8+$0x4520];
	v6 =	vmul.f32 v48, v54;
	[tilespmem:s8+$0x4480] =	vst v5  }
0x1b8: {  	v57 =	vld [tilespmem:s8+$0x4530];
	v2 =	vmul.f32 v2, v54;
	[tilespmem:s8+$0x44D0] =	vst v11  }
0x1b9: {  	v58 =	vld [tilespmem:s8+$0x4540];
	v3 =	vmul.f32 v3, v59;
	[tilespmem:s8+$0x4490] =	vst v6  }
0x1ba: {  	v27 =	vld [tilespmem:s8+$0x4670];
	v4 =	vmul.f32 v53, v54;
	[tilespmem:s8+$0x44F0] =	vst v2  }
0x1bb: {  	v45 =	vld [tilespmem:s8+$0x4760];
	v8 =	vmul.f32 v55, v59;
	[tilespmem:s8+$0x4500] =	vst v3  }
0x1bc: {  	v60 =	vld [tilespmem:s8+$0x4550];
	v9 =	vmul.f32 v56, v59;
	[tilespmem:s8+$0x44E0] =	vst v4  }
0x1bd: {  	v62 =	vld [tilespmem:s8+$0x4590];
	v5 =	vmul.f32 v57, v59;
	[tilespmem:s8+$0x4510] =	vst v8  }
0x1be: {  	v61 =	vld [tilespmem:s8+$0x4580];
	v43 =	vbroadcast v1, $0x8;
	v11 =	vmul.f32 v58, v59;
	[tilespmem:s8+$0x4520] =	vst v9  }
0x1bf: {  	v63 =	vld [tilespmem:s8+$0x45A0];
	v6 =	vmul.f32 v27, v26;
	[tilespmem:s8+$0x4530] =	vst v5  }
0x1c0: {  	v18 =	vbroadcast v1, $0x5;
	v16 =	vld [tilespmem:s8+$0x45B0];
	v7 =	vmul.f32 v45, v43;
	[tilespmem:s8+$0x4540] =	vst v11  }
0x1c1: {  	v37 =	vld [tilespmem:s8+$0x4700];
	v4 =	vmul.f32 v60, v59;
	[tilespmem:s8+$0x4670] =	vst v6  }
0x1c2: {  	v50 =	vld [tilespmem:s8+$0x47B0];
	v9 =	vmul.f32 v62, v18;
	[tilespmem:s8+$0x4760] =	vst v7  }
0x1c3: {  	v17 =	vld [tilespmem:s8+$0x45C0];
	v8 =	vmul.f32 v61, v18;
	[tilespmem:s8+$0x4550] =	vst v4  }
0x1c4: {  	v20 =	vld [tilespmem:s8+$0x4600];
	v5 =	vmul.f32 v63, v18;
	[tilespmem:s8+$0x4590] =	vst v9  }
0x1c5: {  	v22 =	vld [tilespmem:s8+$0x4620];
	v52 =	vbroadcast v1, $0x9;
	v11 =	vmul.f32 v16, v18;
	[tilespmem:s8+$0x4580] =	vst v8  }
0x1c6: {  	v2 =	vld [tilespmem:s8+$0x4560];
	v6 =	vmul.f32 v37, v43;
	[tilespmem:s8+$0x45A0] =	vst v5  }
0x1c7: {  	v3 =	vld [tilespmem:s8+$0x4570];
	v57 =	vmul.f32 v50, v52;
	[tilespmem:s8+$0x45B0] =	vst v11  }
0x1c8: {  	v46 =	vld [tilespmem:s8+$0x4770];
	v4 =	vmul.f32 v17, v18;
	[tilespmem:s8+$0x4700] =	vst v6  }
0x1c9: {  	v53 =	vld [tilespmem:s8+$0x47D0];
	v9 =	vmul.f32 v20, v26;
	[tilespmem:s8+$0x47B0] =	vst v57  }
0x1ca: {  	v51 =	vld [tilespmem:s8+$0x47C0];
	v5 =	vmul.f32 v22, v26;
	[tilespmem:s8+$0x45C0] =	vst v4  }
0x1cb: {  	v54 =	vld [tilespmem:s8+$0x47E0];
	v2 =	vmul.f32 v2, v59;
	[tilespmem:s8+$0x4600] =	vst v9  }
0x1cc: {  	v60 =	vld [tilespmem:s8+$0x4820];
	v3 =	vmul.f32 v3, v59;
	[tilespmem:s8+$0x4620] =	vst v5  }
0x1cd: {  	v6 =	vmul.f32 v46, v43;
	[tilespmem:s8+$0x4560] =	vst v2;
	v2 =	vld [tilespmem:s8+$0x45D0]  }
0x1ce: {  	v7 =	vmul.f32 v53, v52;
	[tilespmem:s8+$0x4570] =	vst v3;
	v3 =	vld [tilespmem:s8+$0x45E0]  }
0x1cf: {  	v62 =	vld [tilespmem:s8+$0x4840];
	v63 =	vbroadcast v1, $0xA;
	[tilespmem:s8+$0x4770] =	vst v6;
	v59 =	vmul.f32 v51, v52  }
0x1d0: {  	v19 =	vld [tilespmem:s8+$0x45F0];
	v6 =	vmul.f32 v54, v52;
	[tilespmem:s8+$0x47D0] =	vst v7  }
0x1d1: {  	v14 =	vld [tilespmem:s8+$0x4850];
	v10 =	vmul.f32 v60, v63;
	[tilespmem:s8+$0x47C0] =	vst v59  }
0x1d2: {  	v21 =	vld [tilespmem:s8+$0x4610];
	[tilespmem:s8+$0x47E0] =	vst v6;
	v2 =	vmul.f32 v2, v18  }
0x1d3: {  	v20 =	vld [tilespmem:s8+$0x48B0];
	[tilespmem:s8+$0x4820] =	vst v10;
	v3 =	vmul.f32 v3, v18  }
0x1d4: {  	v23 =	vld [tilespmem:s8+$0x4630];
	v7 =	vmul.f32 v62, v63;
	[tilespmem:s8+$0x45D0] =	vst v2  }
0x1d5: {  	v2 =	vmul.f32 v19, v18;
	[tilespmem:s8+$0x45E0] =	vst v3;
	v3 =	vld [tilespmem:s8+$0x4660]  }
0x1d6: {  	v22 =	vbroadcast v1, $0xB;
	v6 =	vmul.f32 v14, v63;
	[tilespmem:s8+$0x4840] =	vst v7;
	v18 =	vld [tilespmem:s8+$0x4890]  }
0x1d7: {  	v29 =	vld [tilespmem:s8+$0x4690];
	[tilespmem:s8+$0x45F0] =	vst v2;
	v2 =	vmul.f32 v21, v26  }
0x1d8: {  	v30 =	vld [tilespmem:s8+$0x46A0];
	v7 =	vmul.f32 v20, v22;
	[tilespmem:s8+$0x4850] =	vst v6  }
0x1d9: {  	v28 =	vld [tilespmem:s8+$0x4680];
	[tilespmem:s8+$0x4610] =	vst v2;
	v2 =	vmul.f32 v23, v26  }
0x1da: {  	v33 =	vld [tilespmem:s8+$0x46C0];
	[tilespmem:s8+$0x48B0] =	vst v7;
	v34 =	vmul.f32 v3, v26;
	v3 =	vbroadcast v1, $0x7  }
0x1db: {  	v35 =	vld [tilespmem:s8+$0x46D0];
	v10 =	vmul.f32 v18, v22;
	[tilespmem:s8+$0x4630] =	vst v2  }
0x1dc: {  	v36 =	vld [tilespmem:s8+$0x46E0];
	[tilespmem:s8+$0x4660] =	vst v34;
	v9 =	vmul.f32 v29, v3  }
0x1dd: {  	v21 =	vld [tilespmem:s8+$0x48C0];
	v5 =	vmul.f32 v30, v3;
	[tilespmem:s8+$0x4890] =	vst v10  }
0x1de: {  	v4 =	vld [tilespmem:s8+$0x46F0];
	v8 =	vmul.f32 v28, v3;
	[tilespmem:s8+$0x4690] =	vst v9  }
0x1df: {  	v38 =	vld [tilespmem:s8+$0x4710];
	v39 =	vmul.f32 v33, v3;
	[tilespmem:s8+$0x46A0] =	vst v5  }
0x1e0: {  	v40 =	vld [tilespmem:s8+$0x4720];
	v11 =	vmul.f32 v35, v3;
	[tilespmem:s8+$0x4680] =	vst v8  }
0x1e1: {  	v41 =	vld [tilespmem:s8+$0x4730];
	v12 =	vmul.f32 v36, v3;
	[tilespmem:s8+$0x46C0] =	vst v39  }
0x1e2: {  	v42 =	vld [tilespmem:s8+$0x4740];
	v6 =	vmul.f32 v21, v22;
	[tilespmem:s8+$0x46D0] =	vst v11  }
0x1e3: {  	v44 =	vld [tilespmem:s8+$0x4750];
	v4 =	vmul.f32 v4, v3;
	[tilespmem:s8+$0x46E0] =	vst v12  }
0x1e4: {  	v26 =	vld [tilespmem:s8+$0x4900];
	v5 =	vmul.f32 v38, v43;
	[tilespmem:s8+$0x48C0] =	vst v6  }
0x1e5: {  	v47 =	vld [tilespmem:s8+$0x4780];
	v8 =	vmul.f32 v40, v43;
	[tilespmem:s8+$0x46F0] =	vst v4  }
0x1e6: {  	v48 =	vld [tilespmem:s8+$0x4790];
	v9 =	vmul.f32 v41, v43;
	[tilespmem:s8+$0x4710] =	vst v5  }
0x1e7: {  	v31 =	vbroadcast v1, $0xC;
	v49 =	vld [tilespmem:s8+$0x47A0];
	v11 =	vmul.f32 v42, v43;
	[tilespmem:s8+$0x4720] =	vst v8  }
0x1e8: {  	v61 =	vld [tilespmem:s8+$0x4830];
	v12 =	vmul.f32 v44, v43;
	[tilespmem:s8+$0x4730] =	vst v9  }
0x1e9: {  	v2 =	vld [tilespmem:s8+$0x46B0];
	v10 =	vmul.f32 v26, v31;
	[tilespmem:s8+$0x4740] =	vst v11  }
0x1ea: {  	v28 =	vld [tilespmem:s8+$0x4920];
	[tilespmem:s8+$0x4750] =	vst v12;
	v5 =	vmul.f32 v47, v52  }
0x1eb: {  	v29 =	vld [tilespmem:s8+$0x4930];
	v8 =	vmul.f32 v48, v52;
	[tilespmem:s8+$0x4900] =	vst v10  }
0x1ec: {  	v34 =	vld [tilespmem:s8+$0x4970];
	v9 =	vmul.f32 v49, v52;
	[tilespmem:s8+$0x4780] =	vst v5  }
0x1ed: {  	v55 =	vld [tilespmem:s8+$0x47F0];
	v11 =	vmul.f32 v61, v63;
	[tilespmem:s8+$0x4790] =	vst v8  }
0x1ee: {  	v56 =	vld [tilespmem:s8+$0x4800];
	v2 =	vmul.f32 v2, v3;
	[tilespmem:s8+$0x47A0] =	vst v9  }
0x1ef: {  	v58 =	vld [tilespmem:s8+$0x4810];
	v7 =	vmul.f32 v28, v31;
	[tilespmem:s8+$0x4830] =	vst v11  }
0x1f0: {  	v19 =	vld [tilespmem:s8+$0x48A0];
	v6 =	vmul.f32 v29, v31;
	[tilespmem:s8+$0x46B0] =	vst v2  }
0x1f1: {  	v36 =	vld [tilespmem:s8+$0x4990];
	v10 =	vmul.f32 v34, v31;
	[tilespmem:s8+$0x4920] =	vst v7  }
0x1f2: {  	v37 =	vld [tilespmem:s8+$0x49A0];
	v5 =	vmul.f32 v55, v52;
	[tilespmem:s8+$0x4930] =	vst v6  }
0x1f3: {  	v42 =	vld [tilespmem:s8+$0x49E0];
	v8 =	vmul.f32 v56, v63;
	[tilespmem:s8+$0x4970] =	vst v10  }
0x1f4: {  	v15 =	vld [tilespmem:s8+$0x4860];
	v40 =	vbroadcast v1, $0xD;
	v9 =	vmul.f32 v58, v63;
	[tilespmem:s8+$0x47F0] =	vst v5  }
0x1f5: {  	v16 =	vld [tilespmem:s8+$0x4870];
	v11 =	vmul.f32 v19, v22;
	[tilespmem:s8+$0x4800] =	vst v8  }
0x1f6: {  	v17 =	vld [tilespmem:s8+$0x4880];
	v7 =	vmul.f32 v36, v40;
	[tilespmem:s8+$0x4810] =	vst v9  }
0x1f7: {  	v27 =	vld [tilespmem:s8+$0x4910];
	v6 =	vmul.f32 v37, v40;
	[tilespmem:s8+$0x48A0] =	vst v11  }
0x1f8: {  	v57 =	vld [tilespmem:s8+$0x4AC0];
	v10 =	vmul.f32 v42, v40;
	[tilespmem:s8+$0x4990] =	vst v7  }
0x1f9: {  	v44 =	vld [tilespmem:s8+$0x4A00];
	v5 =	vmul.f32 v15, v63;
	[tilespmem:s8+$0x49A0] =	vst v6  }
0x1fa: {  	v45 =	vld [tilespmem:s8+$0x4A10];
	v49 =	vbroadcast v1, $0xE;
	v8 =	vmul.f32 v16, v63;
	[tilespmem:s8+$0x49E0] =	vst v10  }
0x1fb: {  	v50 =	vld [tilespmem:s8+$0x4A50];
	v1 =	vbroadcast v1, $0xF;
	v9 =	vmul.f32 v17, v22;
	[tilespmem:s8+$0x4860] =	vst v5  }
0x1fc: {  	v23 =	vld [tilespmem:s8+$0x48D0];
	v11 =	vmul.f32 v27, v31;
	[tilespmem:s8+$0x4870] =	vst v8  }
0x1fd: {  	v24 =	vld [tilespmem:s8+$0x48E0];
	v63 =	vmul.f32 v57, v1;
	[tilespmem:s8+$0x4880] =	vst v9  }
0x1fe: {  	v25 =	vld [tilespmem:s8+$0x48F0];
	v7 =	vmul.f32 v44, v49;
	[tilespmem:s8+$0x4910] =	vst v11  }
0x1ff: {  	v35 =	vld [tilespmem:s8+$0x4980];
	v6 =	vmul.f32 v45, v49;
	[tilespmem:s8+$0x4AC0] =	vst v63  }
0x200: {  	v53 =	vld [tilespmem:s8+$0x4A80];
	v10 =	vmul.f32 v50, v49;
	[tilespmem:s8+$0x4A00] =	vst v7  }
0x201: {  	v55 =	vld [tilespmem:s8+$0x4AA0];
	v5 =	vmul.f32 v23, v22;
	[tilespmem:s8+$0x4A10] =	vst v6  }
0x202: {  	v56 =	vld [tilespmem:s8+$0x4AB0];
	v8 =	vmul.f32 v24, v22;
	[tilespmem:s8+$0x4A50] =	vst v10  }
0x203: {  	v52 =	vld [tilespmem:s8+$0x4A70];
	v9 =	vmul.f32 v25, v22;
	[tilespmem:s8+$0x48D0] =	vst v5  }
0x204: {  	v58 =	vld [tilespmem:s8+$0x4AD0];
	v11 =	vmul.f32 v35, v40;
	[tilespmem:s8+$0x48E0] =	vst v8  }
0x205: {  	v30 =	vld [tilespmem:s8+$0x4940];
	v6 =	vmul.f32 v53, v1;
	[tilespmem:s8+$0x48F0] =	vst v9  }
0x206: {  	v32 =	vld [tilespmem:s8+$0x4950];
	v60 =	vmul.f32 v55, v1;
	[tilespmem:s8+$0x4980] =	vst v11  }
0x207: {  	v33 =	vld [tilespmem:s8+$0x4960];
	v2 =	vmul.f32 v56, v1;
	[tilespmem:s8+$0x4A80] =	vst v6  }
0x208: {  	v43 =	vld [tilespmem:s8+$0x49F0];
	v61 =	vmul.f32 v52, v49;
	[tilespmem:s8+$0x4AA0] =	vst v60  }
0x209: {  	v59 =	vld [tilespmem:s8+$0x4AE0];
	v62 =	vmul.f32 v58, v1;
	[tilespmem:s8+$0x4AB0] =	vst v2  }
0x20a: {  	v38 =	vld [tilespmem:s8+$0x49B0];
	v5 =	vmul.f32 v30, v31;
	[tilespmem:s8+$0x4A70] =	vst v61  }
0x20b: {  	v39 =	vld [tilespmem:s8+$0x49C0];
	v8 =	vmul.f32 v32, v31;
	[tilespmem:s8+$0x4AD0] =	vst v62  }
0x20c: {  	v41 =	vld [tilespmem:s8+$0x49D0];
	v9 =	vmul.f32 v33, v31;
	[tilespmem:s8+$0x4940] =	vst v5  }
0x20d: {  	v51 =	vld [tilespmem:s8+$0x4A60];
	v11 =	vmul.f32 v43, v40;
	[tilespmem:s8+$0x4950] =	vst v8  }
0x20e: {  	v46 =	vld [tilespmem:s8+$0x4A20];
	v2 =	vmul.f32 v59, v1;
	[tilespmem:s8+$0x4960] =	vst v9  }
0x20f: {  	v47 =	vld [tilespmem:s8+$0x4A30];
	v5 =	vmul.f32 v38, v40;
	[tilespmem:s8+$0x49F0] =	vst v11  }
0x210: {  	v48 =	vld [tilespmem:s8+$0x4A40];
	v8 =	vmul.f32 v39, v40;
	[tilespmem:s8+$0x4AE0] =	vst v2  }
0x211: {  	v54 =	vld [tilespmem:s8+$0x4A90];
	v9 =	vmul.f32 v41, v40;
	[tilespmem:s8+$0x49B0] =	vst v5  }
0x212: {  	v11 =	vmul.f32 v51, v49;
	[tilespmem:s8+$0x49C0] =	vst v8  }
0x213: {  	v3 =	vld [tilespmem:s8+$0x4AF0];
	[tilespmem:s8+$0x49D0] =	vst v9;
	v5 =	vmul.f32 v46, v49  }
0x214: {  	v8 =	vmul.f32 v47, v49;
	[tilespmem:s8+$0x4A60] =	vst v11  }
0x215: {  	v9 =	vmul.f32 v48, v49;
	[tilespmem:s8+$0x4A20] =	vst v5  }
0x216: {  	[tilespmem:s8+$0x4A30] =	vst v8;
	v5 =	vmul.f32 v54, v1  }
0x217: {  	[tilespmem:s8+$0x4A40] =	vst v9  }
0x218: {  	s9 =	simm.s32 $0x1;
	v1 =	vmul.f32 v3, v1;
	[tilespmem:s8+$0x4A90] =	vst v5  }
.LBB2_7:
0x219: {  	s12 =	sshll.u32 s9, $0x4  }
0x21a: {  	p1 =	sne.s32 s9, $0x7;
	[tilespmem:s8+$0x4AF0] =	vst v1;
	s8 =	smov.u32 s9;
	s9 =	sadd.s32 $0x1, s9  }
0x21b: {  	v2 =	vld [tilespmem:s12+$0x180];
	_ =	sdelay $0x3  }
0x21c: {  	s8 =	sshll.u32 s8, $0xB  }
0x21d: {  	s8 =	sand.u32 $0x3FFFF800, s8;
	v1 =	vld [tilespmem:s12+$0x280];
	[tilespmem:s12+$0x8380] =	vst v2  }
0x21e: {  	v2 =	vld [tilespmem:s8+$0x4300]  }
0x21f: {  	v4 =	vld [tilespmem:s8+$0x4310]  }
0x220: {  	v5 =	vld [tilespmem:s8+$0x4320]  }
0x221: {  	v6 =	vld [tilespmem:s8+$0x4330]  }
0x222: {  	v7 =	vld [tilespmem:s8+$0x4340];
	v3 =	vbroadcast v1, $0x7  }
0x223: {  	v8 =	vbroadcast v1, $0x0;
	v9 =	vld [tilespmem:s8+$0x4350]  }
0x224: {  	v10 =	vld [tilespmem:s8+$0x4360]  }
0x225: {  	v2 =	vmul.f32 v2, v8;
	v5 =	vmul.f32 v5, v8;
	v11 =	vld [tilespmem:s8+$0x4370]  }
0x226: {  	v4 =	vmul.f32 v4, v8;
	v6 =	vmul.f32 v6, v8;
	v12 =	vld [tilespmem:s8+$0x4380]  }
0x227: {  	[tilespmem:s8+$0x4320] =	vst v5;
	v5 =	vmul.f32 v7, v8;
	v7 =	vld [tilespmem:s8+$0x4390]  }
0x228: {  	[tilespmem:s8+$0x4330] =	vst v6;
	v6 =	vmul.f32 v9, v8;
	v9 =	vld [tilespmem:s8+$0x43A0]  }
0x229: {  	[tilespmem:s8+$0x4340] =	vst v5;
	v5 =	vmul.f32 v10, v8;
	v10 =	vbroadcast v1, $0x1;
	v13 =	vld [tilespmem:s8+$0x43B0]  }
0x22a: {  	[tilespmem:s8+$0x4350] =	vst v6;
	v6 =	vmul.f32 v11, v8;
	v8 =	vld [tilespmem:s8+$0x43C0]  }
0x22b: {  	[tilespmem:s8+$0x4360] =	vst v5;
	v5 =	vmul.f32 v12, v10;
	v11 =	vld [tilespmem:s8+$0x43D0]  }
0x22c: {  	[tilespmem:s8+$0x4370] =	vst v6;
	v6 =	vmul.f32 v7, v10;
	v7 =	vld [tilespmem:s8+$0x43E0]  }
0x22d: {  	[tilespmem:s8+$0x4380] =	vst v5;
	v5 =	vmul.f32 v9, v10;
	v9 =	vld [tilespmem:s8+$0x43F0]  }
0x22e: {  	[tilespmem:s8+$0x4390] =	vst v6;
	v6 =	vmul.f32 v13, v10;
	v12 =	vld [tilespmem:s8+$0x4400]  }
0x22f: {  	[tilespmem:s8+$0x43A0] =	vst v5;
	v5 =	vmul.f32 v8, v10;
	v8 =	vld [tilespmem:s8+$0x4410]  }
0x230: {  	[tilespmem:s8+$0x43B0] =	vst v6;
	v6 =	vmul.f32 v11, v10;
	v11 =	vld [tilespmem:s8+$0x4420]  }
0x231: {  	[tilespmem:s8+$0x43C0] =	vst v5;
	v5 =	vmul.f32 v7, v10;
	v7 =	vbroadcast v1, $0x2;
	v13 =	vld [tilespmem:s8+$0x4430]  }
0x232: {  	[tilespmem:s8+$0x43D0] =	vst v6;
	v6 =	vmul.f32 v9, v10;
	v9 =	vld [tilespmem:s8+$0x4440]  }
0x233: {  	[tilespmem:s8+$0x43E0] =	vst v5;
	v5 =	vmul.f32 v12, v7;
	v10 =	vld [tilespmem:s8+$0x4450]  }
0x234: {  	[tilespmem:s8+$0x43F0] =	vst v6;
	v6 =	vmul.f32 v8, v7;
	v8 =	vld [tilespmem:s8+$0x4460]  }
0x235: {  	[tilespmem:s8+$0x4400] =	vst v5;
	v5 =	vmul.f32 v11, v7;
	v11 =	vld [tilespmem:s8+$0x4470]  }
0x236: {  	[tilespmem:s8+$0x4410] =	vst v6;
	v6 =	vmul.f32 v13, v7;
	v12 =	vld [tilespmem:s8+$0x4480]  }
0x237: {  	[tilespmem:s8+$0x4420] =	vst v5;
	v5 =	vmul.f32 v9, v7;
	v9 =	vld [tilespmem:s8+$0x4490]  }
0x238: {  	[tilespmem:s8+$0x4430] =	vst v6;
	v6 =	vmul.f32 v10, v7;
	v10 =	vld [tilespmem:s8+$0x44A0]  }
0x239: {  	[tilespmem:s8+$0x4440] =	vst v5;
	v5 =	vmul.f32 v8, v7;
	v8 =	vld [tilespmem:s8+$0x44B0]  }
0x23a: {  	[tilespmem:s8+$0x4450] =	vst v6;
	v6 =	vmul.f32 v11, v7;
	v7 =	vld [tilespmem:s8+$0x44C0]  }
0x23b: {  	[tilespmem:s8+$0x4460] =	vst v5;
	v5 =	vbroadcast v1, $0x3;
	v11 =	vld [tilespmem:s8+$0x44D0]  }
0x23c: {  	[tilespmem:s8+$0x4470] =	vst v6;
	v6 =	vld [tilespmem:s8+$0x44E0]  }
0x23d: {  	[tilespmem:s8+$0x4300] =	vst v2;
	v2 =	vmul.f32 v12, v5;
	v10 =	vmul.f32 v10, v5;
	v12 =	vld [tilespmem:s8+$0x44F0]  }
0x23e: {  	v9 =	vmul.f32 v9, v5;
	[tilespmem:s8+$0x4310] =	vst v4;
	v8 =	vmul.f32 v8, v5;
	v13 =	vld [tilespmem:s8+$0x4500]  }
0x23f: {  	[tilespmem:s8+$0x44A0] =	vst v10;
	v4 =	vmul.f32 v7, v5;
	v7 =	vld [tilespmem:s8+$0x4510]  }
0x240: {  	[tilespmem:s8+$0x44B0] =	vst v8;
	v8 =	vmul.f32 v11, v5;
	v10 =	vld [tilespmem:s8+$0x4520]  }
0x241: {  	[tilespmem:s8+$0x4480] =	vst v2;
	v2 =	vmul.f32 v6, v5;
	v6 =	vbroadcast v1, $0x4;
	v11 =	vld [tilespmem:s8+$0x4530]  }
0x242: {  	[tilespmem:s8+$0x44D0] =	vst v8;
	v5 =	vmul.f32 v12, v5;
	v8 =	vld [tilespmem:s8+$0x4540]  }
0x243: {  	[tilespmem:s8+$0x44E0] =	vst v2;
	v2 =	vmul.f32 v13, v6;
	v12 =	vld [tilespmem:s8+$0x4550]  }
0x244: {  	[tilespmem:s8+$0x44F0] =	vst v5;
	v5 =	vmul.f32 v7, v6;
	v7 =	vld [tilespmem:s8+$0x4560]  }
0x245: {  	[tilespmem:s8+$0x4500] =	vst v2;
	v2 =	vmul.f32 v10, v6;
	v10 =	vld [tilespmem:s8+$0x4570]  }
0x246: {  	[tilespmem:s8+$0x4510] =	vst v5;
	v5 =	vmul.f32 v11, v6;
	v11 =	vld [tilespmem:s8+$0x4580]  }
0x247: {  	[tilespmem:s8+$0x4520] =	vst v2;
	v2 =	vmul.f32 v8, v6;
	v8 =	vld [tilespmem:s8+$0x4590]  }
0x248: {  	[tilespmem:s8+$0x4530] =	vst v5;
	v5 =	vmul.f32 v12, v6;
	v12 =	vld [tilespmem:s8+$0x45A0]  }
0x249: {  	[tilespmem:s8+$0x4540] =	vst v2;
	v2 =	vmul.f32 v7, v6;
	v7 =	vld [tilespmem:s8+$0x45B0]  }
0x24a: {  	[tilespmem:s8+$0x4550] =	vst v5;
	v5 =	vmul.f32 v10, v6;
	v6 =	vbroadcast v1, $0x5;
	v10 =	vld [tilespmem:s8+$0x45C0]  }
0x24b: {  	[tilespmem:s8+$0x4560] =	vst v2;
	v2 =	vld [tilespmem:s8+$0x45D0]  }
0x24c: {  	[tilespmem:s8+$0x4570] =	vst v5;
	v5 =	vmul.f32 v11, v6;
	v8 =	vmul.f32 v8, v6;
	v11 =	vld [tilespmem:s8+$0x45E0]  }
0x24d: {  	[tilespmem:s8+$0x4490] =	vst v9;
	v9 =	vmul.f32 v12, v6;
	v12 =	vld [tilespmem:s8+$0x45F0]  }
0x24e: {  	[tilespmem:s8+$0x4590] =	vst v8;
	v7 =	vmul.f32 v7, v6;
	v8 =	vld [tilespmem:s8+$0x4600]  }
0x24f: {  	[tilespmem:s8+$0x4580] =	vst v5;
	v5 =	vmul.f32 v10, v6;
	v10 =	vld [tilespmem:s8+$0x4610]  }
0x250: {  	[tilespmem:s8+$0x45A0] =	vst v9;
	v2 =	vmul.f32 v2, v6;
	v9 =	vld [tilespmem:s8+$0x4620]  }
0x251: {  	[tilespmem:s8+$0x45C0] =	vst v5;
	v5 =	vmul.f32 v11, v6;
	v11 =	vld [tilespmem:s8+$0x4630]  }
0x252: {  	[tilespmem:s8+$0x45B0] =	vst v7;
	v6 =	vmul.f32 v12, v6;
	v7 =	vbroadcast v1, $0x6;
	v12 =	vld [tilespmem:s8+$0x4640]  }
0x253: {  	[tilespmem:s8+$0x45D0] =	vst v2;
	v2 =	vld [tilespmem:s8+$0x4650]  }
0x254: {  	[tilespmem:s8+$0x45E0] =	vst v5;
	v5 =	vmul.f32 v8, v7;
	v8 =	vld [tilespmem:s8+$0x4660]  }
0x255: {  	[tilespmem:s8+$0x45F0] =	vst v6;
	v6 =	vmul.f32 v10, v7;
	v10 =	vld [tilespmem:s8+$0x4670]  }
0x256: {  	[tilespmem:s8+$0x4600] =	vst v5;
	v5 =	vmul.f32 v9, v7;
	v9 =	vld [tilespmem:s8+$0x4680]  }
0x257: {  	[tilespmem:s8+$0x4610] =	vst v6;
	v6 =	vmul.f32 v11, v7;
	v11 =	vld [tilespmem:s8+$0x4690]  }
0x258: {  	[tilespmem:s8+$0x4620] =	vst v5;
	v5 =	vmul.f32 v12, v7;
	v12 =	vld [tilespmem:s8+$0x46A0]  }
0x259: {  	v2 =	vmul.f32 v2, v7;
	[tilespmem:s8+$0x4630] =	vst v6;
	v6 =	vld [tilespmem:s8+$0x46B0]  }
0x25a: {  	[tilespmem:s8+$0x4640] =	vst v5;
	v5 =	vmul.f32 v8, v7;
	v8 =	vld [tilespmem:s8+$0x46C0]  }
0x25b: {  	[tilespmem:s8+$0x4650] =	vst v2;
	v2 =	vmul.f32 v10, v7;
	v7 =	vmul.f32 v9, v3;
	v9 =	vld [tilespmem:s8+$0x46D0]  }
0x25c: {  	[tilespmem:s8+$0x4660] =	vst v5;
	v5 =	vmul.f32 v11, v3;
	v10 =	vld [tilespmem:s8+$0x46E0]  }
0x25d: {  	[tilespmem:s8+$0x4670] =	vst v2;
	v11 =	vmul.f32 v12, v3;
	v12 =	vld [tilespmem:s8+$0x46F0]  }
0x25e: {  	[tilespmem:s8+$0x4690] =	vst v5;
	v2 =	vmul.f32 v6, v3;
	v5 =	vld [tilespmem:s8+$0x4700]  }
0x25f: {  	[tilespmem:s8+$0x46A0] =	vst v11;
	v6 =	vmul.f32 v8, v3;
	v8 =	vld [tilespmem:s8+$0x4710]  }
0x260: {  	[tilespmem:s8+$0x4680] =	vst v7;
	v7 =	vmul.f32 v9, v3;
	v9 =	vld [tilespmem:s8+$0x4720]  }
0x261: {  	[tilespmem:s8+$0x46C0] =	vst v6;
	v6 =	vmul.f32 v10, v3;
	v10 =	vbroadcast v1, $0x8;
	v11 =	vld [tilespmem:s8+$0x4730]  }
0x262: {  	[tilespmem:s8+$0x46D0] =	vst v7;
	v3 =	vmul.f32 v12, v3;
	v7 =	vld [tilespmem:s8+$0x4740]  }
0x263: {  	[tilespmem:s8+$0x46E0] =	vst v6;
	v5 =	vmul.f32 v5, v10;
	v6 =	vld [tilespmem:s8+$0x4750]  }
0x264: {  	[tilespmem:s8+$0x44C0] =	vst v4;
	v4 =	vmul.f32 v8, v10;
	v8 =	vld [tilespmem:s8+$0x4760]  }
0x265: {  	[tilespmem:s8+$0x4700] =	vst v5;
	v5 =	vmul.f32 v9, v10;
	v9 =	vld [tilespmem:s8+$0x4770]  }
0x266: {  	[tilespmem:s8+$0x4710] =	vst v4;
	v4 =	vmul.f32 v11, v10;
	v11 =	vld [tilespmem:s8+$0x4780]  }
0x267: {  	[tilespmem:s8+$0x4720] =	vst v5;
	v5 =	vmul.f32 v7, v10;
	v7 =	vld [tilespmem:s8+$0x4790]  }
0x268: {  	[tilespmem:s8+$0x4730] =	vst v4;
	v4 =	vmul.f32 v6, v10;
	v6 =	vld [tilespmem:s8+$0x47A0]  }
0x269: {  	[tilespmem:s8+$0x4740] =	vst v5;
	v5 =	vmul.f32 v8, v10;
	v8 =	vbroadcast v1, $0x9;
	v12 =	vld [tilespmem:s8+$0x47B0]  }
0x26a: {  	[tilespmem:s8+$0x4750] =	vst v4;
	v4 =	vmul.f32 v9, v10;
	v9 =	vld [tilespmem:s8+$0x47C0]  }
0x26b: {  	[tilespmem:s8+$0x4760] =	vst v5;
	v5 =	vmul.f32 v11, v8;
	v10 =	vld [tilespmem:s8+$0x47D0]  }
0x26c: {  	[tilespmem:s8+$0x4770] =	vst v4;
	v4 =	vmul.f32 v7, v8;
	v7 =	vld [tilespmem:s8+$0x47E0]  }
0x26d: {  	[tilespmem:s8+$0x4780] =	vst v5;
	v5 =	vmul.f32 v6, v8;
	v6 =	vld [tilespmem:s8+$0x47F0]  }
0x26e: {  	[tilespmem:s8+$0x4790] =	vst v4;
	v4 =	vmul.f32 v12, v8;
	v11 =	vld [tilespmem:s8+$0x4800]  }
0x26f: {  	[tilespmem:s8+$0x47A0] =	vst v5;
	v5 =	vmul.f32 v9, v8;
	v9 =	vld [tilespmem:s8+$0x4810]  }
0x270: {  	[tilespmem:s8+$0x47B0] =	vst v4;
	v4 =	vmul.f32 v10, v8;
	v10 =	vld [tilespmem:s8+$0x4820]  }
0x271: {  	[tilespmem:s8+$0x47C0] =	vst v5;
	v5 =	vmul.f32 v7, v8;
	v7 =	vbroadcast v1, $0xA;
	v12 =	vld [tilespmem:s8+$0x4830]  }
0x272: {  	[tilespmem:s8+$0x47D0] =	vst v4;
	v4 =	vmul.f32 v6, v8;
	v6 =	vld [tilespmem:s8+$0x4840]  }
0x273: {  	[tilespmem:s8+$0x47E0] =	vst v5;
	v5 =	vmul.f32 v11, v7;
	v8 =	vld [tilespmem:s8+$0x4850]  }
0x274: {  	[tilespmem:s8+$0x47F0] =	vst v4;
	v4 =	vmul.f32 v9, v7;
	v9 =	vld [tilespmem:s8+$0x4860]  }
0x275: {  	[tilespmem:s8+$0x4800] =	vst v5;
	v5 =	vmul.f32 v10, v7;
	v10 =	vld [tilespmem:s8+$0x4870]  }
0x276: {  	[tilespmem:s8+$0x4810] =	vst v4;
	v4 =	vmul.f32 v12, v7;
	v11 =	vld [tilespmem:s8+$0x4880]  }
0x277: {  	[tilespmem:s8+$0x4820] =	vst v5;
	v5 =	vmul.f32 v6, v7;
	v6 =	vld [tilespmem:s8+$0x4890]  }
0x278: {  	[tilespmem:s8+$0x4830] =	vst v4;
	v4 =	vmul.f32 v8, v7;
	v8 =	vld [tilespmem:s8+$0x48A0]  }
0x279: {  	[tilespmem:s8+$0x4840] =	vst v5;
	v5 =	vmul.f32 v9, v7;
	v9 =	vbroadcast v1, $0xB;
	v12 =	vld [tilespmem:s8+$0x48B0]  }
0x27a: {  	[tilespmem:s8+$0x4850] =	vst v4;
	v4 =	vmul.f32 v10, v7;
	v7 =	vld [tilespmem:s8+$0x48C0]  }
0x27b: {  	[tilespmem:s8+$0x4860] =	vst v5;
	v5 =	vmul.f32 v11, v9;
	v10 =	vld [tilespmem:s8+$0x48D0]  }
0x27c: {  	[tilespmem:s8+$0x4870] =	vst v4;
	v4 =	vmul.f32 v6, v9;
	v6 =	vld [tilespmem:s8+$0x48E0]  }
0x27d: {  	[tilespmem:s8+$0x4880] =	vst v5;
	v5 =	vmul.f32 v8, v9;
	v8 =	vld [tilespmem:s8+$0x48F0]  }
0x27e: {  	[tilespmem:s8+$0x4890] =	vst v4;
	v4 =	vmul.f32 v12, v9;
	v11 =	vld [tilespmem:s8+$0x4900]  }
0x27f: {  	[tilespmem:s8+$0x48A0] =	vst v5;
	v5 =	vmul.f32 v7, v9;
	v7 =	vld [tilespmem:s8+$0x4910]  }
0x280: {  	[tilespmem:s8+$0x48B0] =	vst v4;
	v4 =	vmul.f32 v10, v9;
	v10 =	vld [tilespmem:s8+$0x4920]  }
0x281: {  	[tilespmem:s8+$0x48C0] =	vst v5;
	v5 =	vmul.f32 v6, v9;
	v6 =	vbroadcast v1, $0xC;
	v12 =	vld [tilespmem:s8+$0x4930]  }
0x282: {  	[tilespmem:s8+$0x48D0] =	vst v4;
	v4 =	vmul.f32 v8, v9;
	v8 =	vld [tilespmem:s8+$0x4940]  }
0x283: {  	[tilespmem:s8+$0x48E0] =	vst v5;
	v5 =	vmul.f32 v11, v6;
	v9 =	vld [tilespmem:s8+$0x4950]  }
0x284: {  	[tilespmem:s8+$0x48F0] =	vst v4;
	v4 =	vmul.f32 v7, v6;
	v7 =	vld [tilespmem:s8+$0x4960]  }
0x285: {  	[tilespmem:s8+$0x4900] =	vst v5;
	v5 =	vmul.f32 v10, v6;
	v10 =	vld [tilespmem:s8+$0x4970]  }
0x286: {  	[tilespmem:s8+$0x4910] =	vst v4;
	v4 =	vmul.f32 v12, v6;
	v11 =	vld [tilespmem:s8+$0x4980]  }
0x287: {  	[tilespmem:s8+$0x4920] =	vst v5;
	v5 =	vmul.f32 v8, v6;
	v8 =	vld [tilespmem:s8+$0x4990]  }
0x288: {  	[tilespmem:s8+$0x4930] =	vst v4;
	v4 =	vmul.f32 v9, v6;
	v9 =	vld [tilespmem:s8+$0x49A0]  }
0x289: {  	[tilespmem:s8+$0x4940] =	vst v5;
	v5 =	vmul.f32 v7, v6;
	v7 =	vbroadcast v1, $0xD;
	v12 =	vld [tilespmem:s8+$0x49B0]  }
0x28a: {  	[tilespmem:s8+$0x4950] =	vst v4;
	v4 =	vmul.f32 v10, v6;
	v6 =	vld [tilespmem:s8+$0x49C0]  }
0x28b: {  	[tilespmem:s8+$0x4960] =	vst v5;
	v5 =	vmul.f32 v11, v7;
	v10 =	vld [tilespmem:s8+$0x49D0]  }
0x28c: {  	[tilespmem:s8+$0x4970] =	vst v4;
	v4 =	vmul.f32 v8, v7;
	v8 =	vld [tilespmem:s8+$0x49E0]  }
0x28d: {  	[tilespmem:s8+$0x4980] =	vst v5;
	v5 =	vmul.f32 v9, v7;
	v9 =	vld [tilespmem:s8+$0x49F0]  }
0x28e: {  	[tilespmem:s8+$0x4990] =	vst v4;
	v4 =	vmul.f32 v12, v7;
	v11 =	vld [tilespmem:s8+$0x4A00]  }
0x28f: {  	[tilespmem:s8+$0x49A0] =	vst v5;
	v5 =	vmul.f32 v6, v7;
	v6 =	vld [tilespmem:s8+$0x4A10]  }
0x290: {  	[tilespmem:s8+$0x49B0] =	vst v4;
	v4 =	vmul.f32 v10, v7;
	v10 =	vld [tilespmem:s8+$0x4A20]  }
0x291: {  	[tilespmem:s8+$0x49C0] =	vst v5;
	v5 =	vmul.f32 v8, v7;
	v8 =	vbroadcast v1, $0xE;
	v12 =	vld [tilespmem:s8+$0x4A30]  }
0x292: {  	[tilespmem:s8+$0x49D0] =	vst v4;
	v4 =	vmul.f32 v9, v7;
	v7 =	vld [tilespmem:s8+$0x4A40]  }
0x293: {  	[tilespmem:s8+$0x49E0] =	vst v5;
	v5 =	vmul.f32 v11, v8;
	v9 =	vld [tilespmem:s8+$0x4A50]  }
0x294: {  	[tilespmem:s8+$0x49F0] =	vst v4;
	v4 =	vmul.f32 v6, v8;
	v6 =	vld [tilespmem:s8+$0x4A60]  }
0x295: {  	[tilespmem:s8+$0x4A00] =	vst v5;
	v5 =	vmul.f32 v10, v8;
	v10 =	vld [tilespmem:s8+$0x4A70]  }
0x296: {  	[tilespmem:s8+$0x4A10] =	vst v4;
	v4 =	vmul.f32 v12, v8;
	v11 =	vld [tilespmem:s8+$0x4A80]  }
0x297: {  	[tilespmem:s8+$0x4A20] =	vst v5;
	v5 =	vmul.f32 v7, v8;
	v7 =	vld [tilespmem:s8+$0x4A90]  }
0x298: {  	[tilespmem:s8+$0x4A30] =	vst v4;
	v4 =	vmul.f32 v9, v8;
	v9 =	vld [tilespmem:s8+$0x4AA0]  }
0x299: {  	v1 =	vbroadcast v1, $0xF;
	[tilespmem:s8+$0x4A40] =	vst v5;
	v5 =	vmul.f32 v6, v8;
	v6 =	vld [tilespmem:s8+$0x4AB0]  }
0x29a: {  	[tilespmem:s8+$0x4A50] =	vst v4;
	v4 =	vld [tilespmem:s8+$0x4AC0]  }
0x29b: {  	[tilespmem:s8+$0x4A60] =	vst v5;
	v5 =	vmul.f32 v11, v1;
	v11 =	vld [tilespmem:s8+$0x4AD0]  }
0x29c: {  	[tilespmem:s8+$0x46F0] =	vst v3;
	v3 =	vmul.f32 v7, v1;
	v7 =	vld [tilespmem:s8+$0x4AE0]  }
0x29d: {  	[tilespmem:s8+$0x4A80] =	vst v5;
	v5 =	vld [tilespmem:s8+$0x4AF0]  }
0x29e: {  	[tilespmem:s8+$0x4A90] =	vst v3;
	v3 =	vmul.f32 v9, v1  }
0x29f: {  	[tilespmem:s8+$0x46B0] =	vst v2;
	v2 =	vmul.f32 v6, v1  }
0x2a0: {  	v6 =	vmul.f32 v10, v8;
	[tilespmem:s8+$0x4AA0] =	vst v3  }
.Ltmp4:
0x2a1: {  	[tilespmem:s8+$0x4AB0] =	vst v2;
	v2 =	vmul.f32 v7, v1;
	(pc) =	sbr.rel @p1 .LBB2_7-.Ltmp4, $4  }
0x2a2: {  	v3 =	vmul.f32 v11, v1;
	[tilespmem:s8+$0x4A70] =	vst v6  }
0x2a3: {  	v4 =	vmul.f32 v4, v1;
	[tilespmem:s8+$0x4AE0] =	vst v2  }
0x2a4: {  	v1 =	vmul.f32 v5, v1;
	[tilespmem:s8+$0x4AD0] =	vst v3  }
0x2a5: {  	[tilespmem:s8+$0x4AC0] =	vst v4  }
.Ltmp5:
0x2a6: {  	(pc) =	sbr.rel @p0 .LBB2_10-.Ltmp5, $3  }
0x2a7: {  	_ =	sdelay $0x1  }
0x2a8: {  	[tilespmem:s8+$0x4AF0] =	vst v1  }
0x2a9: {  	[spmem:s3] =	stream.indirect.scatter.add.f32 [tilespmem:s23], [sflag:$0x8], $0x80, s31, s21, $0xb8;
	[tilespmem:$0x1C400] =	vst v63  }
0x2aa: {  	s7 =	sadd.s32 $0x3, s7  }
.Ltmp6:
0x2ab: {  	s8 =	sshll.u32 s7, $0x5;
	(pc) =	sbr.rel .LBB2_4-.Ltmp6, $4  }
0x2ac: {  	s7 =	sshll.u32 s7, $0x4;
	s8 =	sadd.s32 s10, s8  }
0x2ad: {  	[tilespmem:s17], [sflag:$0x2] =	stream.linear.gather [hbm4b:s8+s4], $0x100, $0x38;
	[tilespmem:$0x1C400] =	vst v63  }
0x2ae: {  	s6 =	sadd.s32 $0x1, s6;
	s7 =	sadd.s32 s11, s7  }
0x2af: {  	[tilespmem:s19], [sflag:$0x4] =	stream.linear.gather [hbm4b:s7+s4], $0x80, $0x38;
	[tilespmem:$0x1C400] =	vst v63  }
.LBB2_11:
0x2b0: {  	_ =	sfence.sel $0x180000  }
0x2b1: {  	[bflag:$0x0] =	sbarrier.arrive $0xFFFF  }
0x2b2: {  	_ =	strace $0x9000004A  }
0x2b3: {  	s0 =	stileid.u32;
	[bflag:$0x2] =	sbarrier.arrive $0xFFFF  }
0x2b4: {  	p0 =	sne.s32 s0, $0x0;
	s0 =	rddreg [dreg:$0x3]  }
0x2b5: {  	s0 =	sadd.s32 @!p0 $0x100000, s0  }
0x2b6: {  	[sflag:s0] =	ssyncadd.tile.s32 @!p0 $0x1;
	_ =	shalt  }
.Lfunc_end2:
_tile_overlayer_lowered:
.L_overlay_start_2:
0x2b7: {  	(tag) =	ssettag $0x2  }
0x2b8: {  	s0 =	rddreg [dreg:$0x0];
	s2 =	stileid.u32  }
0x2b9: {  	s1 =	rddreg [dreg:$0x1];
	p0 =	sne.s32 s2, $0x0  }
0x2ba: {  	s3 =	rddreg [dreg:$0x2];
	[bflag:$0x3] =	sbarrier.arrive $0xFFFF;
	s2 =	simm.s32 @!p0 $0x1C09  }
0x2bb: {  	[timem:s3], [sflag:s2] =	dma.local @!p0 [hbm:s0], s1  }
0x2bc: {  	s0 =	simm.s32 @!p0 $0x9  }
0x2bd: {  	_ =	swait.ge @!p0 [sflag:s0], s1  }
0x2be: {  	s1 =	ssub.s32 @!p0 $0x0, s1;
	[sflag:s0] =	ssyncset.done @!p0 $0x0  }
0x2bf: {  	[sflag:s0] =	ssyncadd.s32 @!p0 s1  }
0x2c0: {  	[bflag:$0x3] =	sbarrier.arrive $0xFFFF  }
0x2c1: {  	_ =	shalt  }

</sc_bundles>
